<compile_context>
chip_gen: v7x
topology: tpu7x:2x2x1
jax: 0.10.2.dev20260603
libtpu: 0.0.44.dev20260713+nightly
codegen_flags: <defaults>
</compile_context>

<pallas_src>
import functools
import jax
import jax.numpy as jnp
from jax import lax
from jax.experimental import pallas as pl
from jax.experimental.pallas import tpu as pltpu
from jax.experimental.pallas import tpu_sc as plsc

B = 4096
D = 1024
E = 8
SYM = 128
HOPS = 4
TB = 256
NTB = B // TB
NG = 24
G = NG * TB
NGX = NG + NTB
BIGN = HOPS * G + B

NW = 32


def _stage_a_body(x_ref, wp_ref, bp_ref, ws_ref, wrz_ref, wrs_ref,
                  z_ref, sym_ref, prog_ref, eff_ref, cnt_ref, acc):
    i = pl.program_id(0)
    x = x_ref[...]
    z = jnp.dot(x, wp_ref[...], preferred_element_type=jnp.float32) + bp_ref[...]
    z_ref[...] = z
    sym = jnp.tanh(jnp.stack(
        [jnp.dot(z, ws_ref[e], preferred_element_type=jnp.float32)
         for e in range(E)], axis=1))
    sym_ref[...] = sym
    msym = jnp.mean(sym, axis=1)
    logits = (jnp.dot(z, wrz_ref[...], preferred_element_type=jnp.float32)
              + jnp.dot(msym, wrs_ref[...], preferred_element_type=jnp.float32))
    lg = logits.reshape(TB, HOPS, E + 1)
    mx = jnp.max(lg, axis=-1, keepdims=True)
    k_iota = jax.lax.broadcasted_iota(jnp.int32, (TB, HOPS, E + 1), 2)
    idx = jnp.min(jnp.where(lg >= mx, k_iota, E + 1), axis=-1).astype(jnp.int32)
    prog_ref[...] = idx
    active = jnp.ones((TB, 1), dtype=jnp.bool_)
    effs = []
    for h in range(HOPS):
        ph = idx[:, h:h + 1]
        ok = active & (ph != E)
        effs.append(jnp.where(ok, ph, E).astype(jnp.int32))
        active = ok
    eff = jnp.concatenate(effs, axis=1)
    eff_ref[...] = eff
    e_iota = jax.lax.broadcasted_iota(jnp.int32, (TB, HOPS, E), 2)
    oh = (eff[:, :, None] == e_iota).astype(jnp.float32)
    c = jnp.sum(oh, axis=0)

    @pl.when(i == 0)
    def _():
        acc[...] = jnp.zeros_like(acc)

    acc[...] += c

    @pl.when(i == NTB - 1)
    def _():
        cnt_ref[...] = acc[...].astype(jnp.int32)


def _stage_a(x, Wp, bp2, Ws2, Wrz, Wrs):
    return pl.pallas_call(
        _stage_a_body,
        grid=(NTB,),
        in_specs=[
            pl.BlockSpec((TB, D), lambda i: (i, 0)),
            pl.BlockSpec((D, D), lambda i: (0, 0)),
            pl.BlockSpec((1, D), lambda i: (0, 0)),
            pl.BlockSpec((E, D, SYM), lambda i: (0, 0, 0)),
            pl.BlockSpec((D, HOPS * (E + 1)), lambda i: (0, 0)),
            pl.BlockSpec((SYM, HOPS * (E + 1)), lambda i: (0, 0)),
        ],
        out_specs=[
            pl.BlockSpec((TB, D), lambda i: (i, 0)),
            pl.BlockSpec((TB, E, SYM), lambda i: (i, 0, 0)),
            pl.BlockSpec((TB, HOPS), lambda i: (i, 0)),
            pl.BlockSpec((TB, HOPS), lambda i: (i, 0)),
            pl.BlockSpec((HOPS, E), lambda i: (0, 0)),
        ],
        out_shape=[
            jax.ShapeDtypeStruct((B, D), jnp.float32),
            jax.ShapeDtypeStruct((B, E, SYM), jnp.float32),
            jax.ShapeDtypeStruct((B, HOPS), jnp.int32),
            jax.ShapeDtypeStruct((B, HOPS), jnp.int32),
            jax.ShapeDtypeStruct((HOPS, E), jnp.int32),
        ],
        scratch_shapes=[pltpu.VMEM((HOPS, E), jnp.float32)],
    )(x, Wp, bp2, Ws2, Wrz, Wrs)


def _sched_body(cnt_ref, base_ref, be_ref, totb_ref):
    c = cnt_ref[...].astype(jnp.float32)
    nb = jnp.ceil(c / TB)
    e1 = jax.lax.broadcasted_iota(jnp.int32, (E, E), 0)
    e2 = jax.lax.broadcasted_iota(jnp.int32, (E, E), 1)
    mexc = (e1 < e2).astype(jnp.float32)
    minc = (e1 <= e2).astype(jnp.float32)
    excl = jnp.dot(nb, mexc, preferred_element_type=jnp.float32)
    incl = jnp.dot(nb, minc, preferred_element_type=jnp.float32)
    base_ref[...] = (TB * excl).astype(jnp.int32)
    g_iota = jax.lax.broadcasted_iota(jnp.int32, (HOPS, NG, E), 1)
    be = jnp.sum((incl.astype(jnp.int32)[:, None, :] <= g_iota).astype(jnp.int32),
                 axis=2)
    tot = incl.astype(jnp.int32)[:, E - 1:E]
    g2 = jax.lax.broadcasted_iota(jnp.int32, (HOPS, NG), 1)
    be_ref[...] = jnp.where(g2 < tot, jnp.minimum(be, E - 1), -1)
    totb_ref[...] = tot


def _sched(cnt):
    return pl.pallas_call(
        _sched_body,
        out_shape=[
            jax.ShapeDtypeStruct((HOPS, E), jnp.int32),
            jax.ShapeDtypeStruct((HOPS, NG), jnp.int32),
            jax.ShapeDtypeStruct((HOPS, 1), jnp.int32),
        ],
    )(cnt)


def _pos_body(eff_ref, base_ref, pos_ref, fin_ref, carry):
    i = pl.program_id(0)

    @pl.when(i == 0)
    def _():
        carry[...] = jnp.zeros_like(carry)

    eff = eff_ref[...]
    base = base_ref[...].astype(jnp.float32)
    run = carry[...]
    r1 = jax.lax.broadcasted_iota(jnp.int32, (TB, TB), 0)
    c1 = jax.lax.broadcasted_iota(jnp.int32, (TB, TB), 1)
    ltri = (c1 < r1).astype(jnp.float32)
    gtok = (i * TB + jax.lax.broadcasted_iota(jnp.int32, (TB, 1), 0)
            ).astype(jnp.float32)
    fin = HOPS * G + gtok
    pcols, newrun = [], []
    for h in range(HOPS):
        e_iota = jax.lax.broadcasted_iota(jnp.int32, (TB, E), 1)
        oh = (eff[:, h:h + 1] == e_iota).astype(jnp.float32)
        rank = jnp.dot(ltri, oh, preferred_element_type=jnp.float32)
        offs = base[h:h + 1, :] + run[h:h + 1, :]
        p = jnp.sum(oh * (rank + offs), axis=1, keepdims=True)
        is_act = jnp.sum(oh, axis=1, keepdims=True) > 0.0
        pcols.append(jnp.where(is_act, p, -1.0))
        fin = jnp.where(is_act, h * G + p, fin)
        newrun.append(run[h:h + 1, :] + jnp.sum(oh, axis=0, keepdims=True))
    pos_ref[...] = jnp.concatenate(pcols, axis=1).astype(jnp.int32)
    fin_ref[...] = fin.astype(jnp.int32)
    carry[...] = jnp.concatenate(newrun, axis=0)


def _pos(eff, base):
    return pl.pallas_call(
        _pos_body,
        grid=(NTB,),
        in_specs=[
            pl.BlockSpec((TB, HOPS), lambda i: (i, 0)),
            pl.BlockSpec((HOPS, E), lambda i: (0, 0)),
        ],
        out_specs=[
            pl.BlockSpec((TB, HOPS), lambda i: (i, 0)),
            pl.BlockSpec((TB, 1), lambda i: (i, 0)),
        ],
        out_shape=[
            jax.ShapeDtypeStruct((B, HOPS), jnp.int32),
            jax.ShapeDtypeStruct((B, 1), jnp.int32),
        ],
        scratch_shapes=[pltpu.VMEM((HOPS, E), jnp.float32)],
    )(eff, base)


def _cids_body(totb_ref, pos_ref, out_ref):
    g = pl.program_id(0)
    tok = jax.lax.broadcasted_iota(jnp.int32, (B, TB), 0)
    slot = g * TB + jax.lax.broadcasted_iota(jnp.int32, (B, TB), 1)
    big = jnp.int32(1 << 30)
    for h in range(HOPS):
        if h == 0:
            dummy = slot[0:1, :] & (B - 1)
        else:
            dummy = HOPS * G + (slot[0:1, :] & (B - 1))

        @pl.when(g < totb_ref[h])
        def _(h=h, dummy=dummy):
            p = pos_ref[:, h:h + 1]
            if h == 0:
                src = tok
            else:
                src = (h - 1) * G + pos_ref[:, h - 1:h] + jnp.zeros_like(tok)
            cand = jnp.where(p == slot, src, big)
            row = jnp.min(cand, axis=0, keepdims=True)
            out_ref[h:h + 1, :] = jnp.where(row == big, dummy, row)

        @pl.when(g >= totb_ref[h])
        def _(h=h, dummy=dummy):
            out_ref[h:h + 1, :] = dummy + jnp.zeros((1, TB), jnp.int32)


def _cids(pos, totb):
    grid_spec = pltpu.PrefetchScalarGridSpec(
        num_scalar_prefetch=1,
        grid=(NG,),
        in_specs=[pl.BlockSpec((B, HOPS), lambda g, t: (0, 0))],
        out_specs=pl.BlockSpec((HOPS, TB), lambda g, t: (0, g)),
    )
    return pl.pallas_call(
        _cids_body,
        grid_spec=grid_spec,
        out_shape=jax.ShapeDtypeStruct((HOPS, G), jnp.int32),
    )(totb.reshape(HOPS), pos)


def _expert0_body(be_ref, g_ref, z_ref, wo_ref, bo_ref, o_ref):
    g = pl.program_id(0)

    @pl.when((g < NG) & (be_ref[jnp.minimum(g, NG - 1)] >= 0))
    def _():
        o_ref[...] = jnp.tanh(
            jnp.dot(g_ref[...], wo_ref[0], preferred_element_type=jnp.float32)
            + bo_ref[0])

    @pl.when(g >= NG)
    def _():
        o_ref[...] = z_ref[...]


def _expert0(be, gathered, z, Wo, bo3):
    grid_spec = pltpu.PrefetchScalarGridSpec(
        num_scalar_prefetch=1,
        grid=(NGX,),
        in_specs=[
            pl.BlockSpec((TB, D), lambda g, be: (jnp.minimum(g, NG - 1), 0)),
            pl.BlockSpec((TB, D), lambda g, be: (jnp.maximum(g - NG, 0), 0)),
            pl.BlockSpec((1, D, D),
                         lambda g, be: (jnp.maximum(be[jnp.minimum(g, NG - 1)], 0),
                                        0, 0)),
            pl.BlockSpec((1, 1, D),
                         lambda g, be: (jnp.maximum(be[jnp.minimum(g, NG - 1)], 0),
                                        0, 0)),
        ],
        out_specs=pl.BlockSpec(
            (TB, D),
            lambda g, be: (jnp.where(g < NG, g, HOPS * NG + g - NG), 0)),
    )
    return pl.pallas_call(
        _expert0_body,
        grid_spec=grid_spec,
        out_shape=jax.ShapeDtypeStruct((BIGN, D), jnp.float32),
    )(be, gathered, z, Wo, bo3)


def _expert_acc_body(be_ref, g_ref, wo_ref, bo_ref, acc_ref, o_ref):
    g = pl.program_id(0)

    @pl.when(be_ref[g] >= 0)
    def _():
        o_ref[...] = jnp.tanh(
            jnp.dot(g_ref[...], wo_ref[0], preferred_element_type=jnp.float32)
            + bo_ref[0])


def _expert_acc(h, be, gathered, Wo, bo3, bigacc):
    grid_spec = pltpu.PrefetchScalarGridSpec(
        num_scalar_prefetch=1,
        grid=(NG,),
        in_specs=[
            pl.BlockSpec((TB, D), lambda g, be: (g, 0)),
            pl.BlockSpec((1, D, D),
                         lambda g, be: (jnp.maximum(be[g], 0), 0, 0)),
            pl.BlockSpec((1, 1, D),
                         lambda g, be: (jnp.maximum(be[g], 0), 0, 0)),
            pl.BlockSpec(memory_space=pltpu.MemorySpace.HBM),
        ],
        out_specs=pl.BlockSpec((TB, D), lambda g, be, _h=h: (_h * NG + g, 0)),
    )
    return pl.pallas_call(
        _expert_acc_body,
        grid_spec=grid_spec,
        out_shape=jax.ShapeDtypeStruct((BIGN, D), jnp.float32),
        input_output_aliases={4: 0},
    )(be, gathered, Wo, bo3, bigacc)


def _sc_mesh():
    return plsc.VectorSubcoreMesh(core_axis_name="c", subcore_axis_name="s")


def _gather_sc(src, idx3, nch, ch):
    n_out = NW * nch * ch

    @functools.partial(
        pl.kernel,
        mesh=_sc_mesh(),
        out_type=jax.ShapeDtypeStruct((n_out, D), jnp.float32),
        scratch_types=[
            pltpu.VMEM((nch, ch), jnp.int32),
            pltpu.VMEM((ch, D), jnp.float32),
            pltpu.VMEM((ch, D), jnp.float32),
            pltpu.SemaphoreType.DMA,
            pltpu.SemaphoreType.DMA,
            pltpu.SemaphoreType.DMA,
        ],
    )
    def k(src_hbm, idx_hbm, out_hbm, idx_v, buf0, buf1, sg0, sg1, sw):
        wid = lax.axis_index("s") * 2 + lax.axis_index("c")
        base = wid * nch * ch
        pltpu.sync_copy(idx_hbm.at[wid], idx_v)
        bufs = (buf0, buf1)
        sgs = (sg0, sg1)
        pltpu.make_async_copy(src_hbm.at[idx_v.at[0]], buf0, sg0).start()
        for j in range(nch):
            cur, sc = bufs[j % 2], sgs[j % 2]
            pltpu.make_async_copy(src_hbm.at[idx_v.at[j]], cur, sc).wait()
            if j + 1 < nch:
                nxt, sn = bufs[(j + 1) % 2], sgs[(j + 1) % 2]
                if j >= 1:
                    pltpu.make_async_copy(nxt, out_hbm.at[pl.ds(0, ch)], sw).wait()
                pltpu.make_async_copy(src_hbm.at[idx_v.at[j + 1]], nxt, sn).start()
            pltpu.make_async_copy(cur, out_hbm.at[pl.ds(base + j * ch, ch)],
                                  sw).start()
        for _ in range(2 if nch >= 2 else 1):
            pltpu.make_async_copy(buf0, out_hbm.at[pl.ds(0, ch)], sw).wait()

    return k(src, idx3)


def kernel(x, Wp, bp, Wo, bo, Ws, Wr, max_ops):
    Wrz = jnp.transpose(Wr[:, :D, :], (1, 0, 2)).reshape(D, HOPS * (E + 1))
    Wrs = jnp.transpose(Wr[:, D:, :], (1, 0, 2)).reshape(SYM, HOPS * (E + 1))
    bp2 = bp.reshape(1, D)
    bo3 = bo.reshape(E, 1, D)

    z, sym3, prog, eff, cnt = _stage_a(x, Wp, bp2, Ws, Wrz, Wrs)
    basearr, be, totb = _sched(cnt)
    pos, fin = _pos(eff, basearr)
    cids = _cids(pos, totb)

    gathered = _gather_sc(z, cids[0].reshape(NW, 4, 48), 4, 48)
    bigacc = _expert0(be[0], gathered, z, Wo, bo3)
    for h in range(1, HOPS):
        gathered = _gather_sc(bigacc, cids[h].reshape(NW, 4, 48), 4, 48)
        bigacc = _expert_acc(h, be[h], gathered, Wo, bo3, bigacc)
    out = _gather_sc(bigacc, fin.reshape(NW, 4, 32), 4, 32)

    return out, prog, sym3

# --- scband reference (transcript-rebuilt; emitter-appended) ---
"""Pipeline reference for scband-synthesizer-27479200760484 (READ-ONLY COPY).

The authoritative reference and input builder live on the scoring server;
editing this copy changes nothing except your own understanding.
"""

import jax, jax.numpy as jnp
import numpy as np

B = 4096        # tokens (batch=2 x seq=2048 flattened)
D_IN = 1024     # input_dim
D_LAT = 1024    # latent_dim
E = 8           # num expert nodes
SYM = 128       # symbolic embed dim
MAX_OPS = 4


def setup_inputs(seed: int = 0) -> dict:
    key = jax.random.key(seed)
    ks = jax.random.split(key, 8)
    x = jax.random.normal(ks[0], (B, D_IN), dtype=jnp.float32)
    Wp = jax.random.normal(ks[1], (D_IN, D_LAT), dtype=jnp.float32) * 0.02
    bp = jnp.zeros((D_LAT,), dtype=jnp.float32)
    Wo = jax.random.normal(ks[2], (E, D_LAT, D_LAT), dtype=jnp.float32) * 0.02
    bo = jnp.zeros((E, D_LAT), dtype=jnp.float32)
    Ws = jax.random.normal(ks[3], (E, D_LAT, SYM), dtype=jnp.float32) * 0.02
    Wr = jax.random.normal(ks[4], (MAX_OPS, D_LAT + SYM, E + 1), dtype=jnp.float32) * 0.02
    return {"x": x, "Wp": Wp, "bp": bp, "Wo": Wo, "bo": bo, "Ws": Ws, "Wr": Wr, "max_ops": MAX_OPS}


def reference(x, Wp, bp, Wo, bo, Ws, Wr, max_ops):
    # input_proj
    z = x @ Wp + bp                                        # [B, D_LAT]
    # each node emits a symbolic embedding of z (node.emit_operator)
    symbolic_embeds = jnp.tanh(jnp.einsum('bl,elk->bek', z, Ws))  # [B, E, SYM]
    # gem.symbolic_embeds is empty at init -> no retrieval branch
    # router(z, symbolic_embeds, gem_embeds=None, max_ops): per-hop argmax over E+1
    feats = jnp.concatenate([z, symbolic_embeds.mean(axis=1)], axis=-1)   # [B, D_LAT+SYM]
    logits = jnp.einsum('bf,hfk->bhk', feats, Wr)          # [B, max_ops, E+1]
    program_indices = jnp.argmax(logits, axis=-1).astype(jnp.int32)       # [B, max_ops]; value E == stop
    # hop-wise expert application with active masking (dense equivalent of
    # torch's boolean-mask gather/scatter grouping by unique op)
    out = z
    active = jnp.ones((B,), dtype=bool)

    def hop_body(hop, carry):
        out, active = carry
        hop_idx = jax.lax.dynamic_index_in_dim(program_indices, hop, axis=1, keepdims=False)
        still_active = active & (hop_idx != E)
        new_out = out
        for e in range(E):
            op_out = jnp.tanh(out @ Wo[e] + bo[e])
            mask = still_active & (hop_idx == e)
            new_out = jnp.where(mask[:, None], op_out, new_out)
        return (new_out, still_active)

    out, active = jax.lax.fori_loop(0, max_ops, hop_body, (out, active))
    return (out, program_indices, symbolic_embeds)

if __name__ == "__main__":
    import jax
    _d = setup_inputs()
    print(jax.jit(kernel)(*tuple(_d.values())))

</pallas_src>

<mosaic_0001>
#map = affine_map<(d0, d1) -> (0, 0)>
#map1 = affine_map<(d0, d1) -> (0, 0, 0)>
module attributes {stable_mosaic.version = 14 : i64} {
  func.func @k(%arg0: i32, %arg1: i32, %arg2: memref<28672x1024xf32, #tpu.memory_space<hbm>>, %arg3: memref<32x4x48xi32, #tpu.memory_space<hbm>>, %arg4: memref<6144x1024xf32, #tpu.memory_space<hbm>>, %arg5: memref<4x48xi32, #tpu.memory_space<vmem>>, %arg6: memref<48x1024xf32, #tpu.memory_space<vmem>>, %arg7: memref<48x1024xf32, #tpu.memory_space<vmem>>, %arg8: memref<!tpu.dma_semaphore, #tpu.memory_space<semaphore_mem>>, %arg9: memref<!tpu.dma_semaphore, #tpu.memory_space<semaphore_mem>>, %arg10: memref<!tpu.dma_semaphore, #tpu.memory_space<semaphore_mem>>) attributes {dimension_semantics = [#tpu.dimension_semantics<core_parallel>, #tpu.dimension_semantics<subcore_parallel>], iteration_bounds = array<i64: 2, 16>, scalar_prefetch = 0 : i64, scratch_operands = 6 : i64, tpu.core_type = #tpu.core_type<sc_vector_subcore>, window_params = [{transform_indices = #map}, {transform_indices = #map1}, {transform_indices = #map}]} {
    %mul3A = arith.constant 2 : i32
    %mul3A_0 = arith.muli %arg1, %mul3A : i32
    %add3A = arith.addi %mul3A_0, %arg0 : i32
    %mul3A_1 = arith.constant 4 : i32
    %mul3A_2 = arith.muli %add3A, %mul3A_1 : i32
    %mul3A_3 = arith.constant 48 : i32
    %mul3A_4 = arith.muli %mul3A_2, %mul3A_3 : i32
    "tpu.region"() ({
      %run_scoped3A = tpu.sem_alloc : memref<!tpu.dma_semaphore, #tpu.memory_space<semaphore_mem>>
      %dma_start3A_107 = arith.constant 0 : i32
      %dma_start3A_108 = arith.constant 0 : i32
      %dma_start3A_109 = tpu.memref_slice %arg3[%add3A, %dma_start3A_107, %dma_start3A_108] : memref<32x4x48xi32, #tpu.memory_space<hbm>> -> memref<1x4x48xi32, #tpu.memory_space<hbm>>
      %dma_start3A_110 = tpu.memref_squeeze %dma_start3A_109 : memref<1x4x48xi32, #tpu.memory_space<hbm>> -> memref<4x48xi32, #tpu.memory_space<hbm>>
      %dma_start3A_111 = arith.constant 0 : i32
      %dma_start3A_112 = arith.constant 0 : i32
      %dma_start3A_113 = tpu.memref_slice %arg3[%add3A, %dma_start3A_111, %dma_start3A_112] : memref<32x4x48xi32, #tpu.memory_space<hbm>> -> memref<1x4x48xi32, #tpu.memory_space<hbm>>
      %dma_start3A_114 = tpu.memref_squeeze %dma_start3A_113 : memref<1x4x48xi32, #tpu.memory_space<hbm>> -> memref<4x48xi32, #tpu.memory_space<hbm>>
      tpu.enqueue_dma source(%dma_start3A_114 : memref<4x48xi32, #tpu.memory_space<hbm>>) target(%arg5 : memref<4x48xi32, #tpu.memory_space<vmem>>) target_semaphore(%run_scoped3A : memref<!tpu.dma_semaphore, #tpu.memory_space<semaphore_mem>>)
      %dma_wait3A_115 = arith.constant 0 : i32
      %dma_wait3A_116 = arith.constant 0 : i32
      %dma_wait3A_117 = tpu.memref_slice %arg3[%add3A, %dma_wait3A_115, %dma_wait3A_116] : memref<32x4x48xi32, #tpu.memory_space<hbm>> -> memref<1x4x48xi32, #tpu.memory_space<hbm>>
      %dma_wait3A_118 = tpu.memref_squeeze %dma_wait3A_117 : memref<1x4x48xi32, #tpu.memory_space<hbm>> -> memref<4x48xi32, #tpu.memory_space<hbm>>
      %dma_wait3A_119 = arith.constant 0 : i32
      %dma_wait3A_120 = arith.constant 0 : i32
      %dma_wait3A_121 = tpu.memref_slice %arg3[%add3A, %dma_wait3A_119, %dma_wait3A_120] : memref<32x4x48xi32, #tpu.memory_space<hbm>> -> memref<1x4x48xi32, #tpu.memory_space<hbm>>
      %dma_wait3A_122 = tpu.memref_squeeze %dma_wait3A_121 : memref<1x4x48xi32, #tpu.memory_space<hbm>> -> memref<4x48xi32, #tpu.memory_space<hbm>>
      tpu.wait_dma2 semaphore(%run_scoped3A : memref<!tpu.dma_semaphore, #tpu.memory_space<semaphore_mem>>) src(%dma_wait3A_122 : memref<4x48xi32, #tpu.memory_space<hbm>>) dst(%arg5 : memref<4x48xi32, #tpu.memory_space<vmem>>)
      tpu.yield
    }) : () -> ()
    %dma_start3A = arith.constant 0 : i32
    %dma_start3A_5 = arith.constant 0 : i32
    %dma_start3A_6 = tpu.memref_slice %arg5[%dma_start3A, %dma_start3A_5] : memref<4x48xi32, #tpu.memory_space<vmem>> -> memref<1x48xi32, #tpu.memory_space<vmem>>
    %dma_start3A_7 = tpu.memref_squeeze %dma_start3A_6 : memref<1x48xi32, #tpu.memory_space<vmem>> -> memref<48xi32, #tpu.memory_space<vmem>>
    %dma_start3A_8 = arith.constant 0 : i32
    %dma_start3A_9 = arith.constant 0 : i32
    %dma_start3A_10 = tpu.memref_slice %arg2[%dma_start3A_8, %dma_start3A_9] : memref<28672x1024xf32, #tpu.memory_space<hbm>> -> memref<28672x1024xf32, #tpu.memory_space<hbm>>
    tpu.enqueue_indirect_dma source(%dma_start3A_10 : memref<28672x1024xf32, #tpu.memory_space<hbm>>) target(%arg6 : memref<48x1024xf32, #tpu.memory_space<vmem>>) offsets(%dma_start3A_7 : memref<48xi32, #tpu.memory_space<vmem>>) semaphore(%arg8 : memref<!tpu.dma_semaphore, #tpu.memory_space<semaphore_mem>>)
    %dma_wait3A = arith.constant 0 : i32
    %dma_wait3A_11 = arith.constant 0 : i32
    %dma_wait3A_12 = tpu.memref_slice %arg5[%dma_wait3A, %dma_wait3A_11] : memref<4x48xi32, #tpu.memory_space<vmem>> -> memref<1x48xi32, #tpu.memory_space<vmem>>
    %dma_wait3A_13 = tpu.memref_squeeze %dma_wait3A_12 : memref<1x48xi32, #tpu.memory_space<vmem>> -> memref<48xi32, #tpu.memory_space<vmem>>
    %dma_wait3A_14 = arith.constant 0 : i32
    %dma_wait3A_15 = arith.constant 0 : i32
    %dma_wait3A_16 = tpu.memref_slice %arg2[%dma_wait3A_14, %dma_wait3A_15] : memref<28672x1024xf32, #tpu.memory_space<hbm>> -> memref<28672x1024xf32, #tpu.memory_space<hbm>>
    tpu.wait_indirect_dma semaphore(%arg8 : memref<!tpu.dma_semaphore, #tpu.memory_space<semaphore_mem>>) src(%dma_wait3A_16 : memref<28672x1024xf32, #tpu.memory_space<hbm>>) dst(%arg6 : memref<48x1024xf32, #tpu.memory_space<vmem>>)
    %dma_start3A_17 = arith.constant 1 : i32
    %dma_start3A_18 = arith.constant 0 : i32
    %dma_start3A_19 = tpu.memref_slice %arg5[%dma_start3A_17, %dma_start3A_18] : memref<4x48xi32, #tpu.memory_space<vmem>> -> memref<1x48xi32, #tpu.memory_space<vmem>>
    %dma_start3A_20 = tpu.memref_squeeze %dma_start3A_19 : memref<1x48xi32, #tpu.memory_space<vmem>> -> memref<48xi32, #tpu.memory_space<vmem>>
    %dma_start3A_21 = arith.constant 0 : i32
    %dma_start3A_22 = arith.constant 0 : i32
    %dma_start3A_23 = tpu.memref_slice %arg2[%dma_start3A_21, %dma_start3A_22] : memref<28672x1024xf32, #tpu.memory_space<hbm>> -> memref<28672x1024xf32, #tpu.memory_space<hbm>>
    tpu.enqueue_indirect_dma source(%dma_start3A_23 : memref<28672x1024xf32, #tpu.memory_space<hbm>>) target(%arg7 : memref<48x1024xf32, #tpu.memory_space<vmem>>) offsets(%dma_start3A_20 : memref<48xi32, #tpu.memory_space<vmem>>) semaphore(%arg9 : memref<!tpu.dma_semaphore, #tpu.memory_space<semaphore_mem>>)
    %add3A_24 = arith.constant 0 : i32
    %add3A_25 = arith.addi %mul3A_4, %add3A_24 : i32
    %dma_start3A_26 = arith.constant 0 : i32
    %dma_start3A_27 = tpu.memref_slice %arg4[%add3A_25, %dma_start3A_26] : memref<6144x1024xf32, #tpu.memory_space<hbm>> -> memref<48x1024xf32, #tpu.memory_space<hbm>>
    %dma_start3A_28 = arith.constant 0 : i32
    %dma_start3A_29 = tpu.memref_slice %arg4[%add3A_25, %dma_start3A_28] : memref<6144x1024xf32, #tpu.memory_space<hbm>> -> memref<48x1024xf32, #tpu.memory_space<hbm>>
    tpu.enqueue_dma source(%arg6 : memref<48x1024xf32, #tpu.memory_space<vmem>>) target(%dma_start3A_29 : memref<48x1024xf32, #tpu.memory_space<hbm>>) target_semaphore(%arg10 : memref<!tpu.dma_semaphore, #tpu.memory_space<semaphore_mem>>)
    %dma_wait3A_30 = arith.constant 1 : i32
    %dma_wait3A_31 = arith.constant 0 : i32
    %dma_wait3A_32 = tpu.memref_slice %arg5[%dma_wait3A_30, %dma_wait3A_31] : memref<4x48xi32, #tpu.memory_space<vmem>> -> memref<1x48xi32, #tpu.memory_space<vmem>>
    %dma_wait3A_33 = tpu.memref_squeeze %dma_wait3A_32 : memref<1x48xi32, #tpu.memory_space<vmem>> -> memref<48xi32, #tpu.memory_space<vmem>>
    %dma_wait3A_34 = arith.constant 0 : i32
    %dma_wait3A_35 = arith.constant 0 : i32
    %dma_wait3A_36 = tpu.memref_slice %arg2[%dma_wait3A_34, %dma_wait3A_35] : memref<28672x1024xf32, #tpu.memory_space<hbm>> -> memref<28672x1024xf32, #tpu.memory_space<hbm>>
    tpu.wait_indirect_dma semaphore(%arg9 : memref<!tpu.dma_semaphore, #tpu.memory_space<semaphore_mem>>) src(%dma_wait3A_36 : memref<28672x1024xf32, #tpu.memory_space<hbm>>) dst(%arg7 : memref<48x1024xf32, #tpu.memory_space<vmem>>)
    %dma_wait3A_37 = arith.constant 0 : i32
    %dma_wait3A_38 = arith.constant 0 : i32
    %dma_wait3A_39 = tpu.memref_slice %arg4[%dma_wait3A_37, %dma_wait3A_38] : memref<6144x1024xf32, #tpu.memory_space<hbm>> -> memref<48x1024xf32, #tpu.memory_space<hbm>>
    %dma_wait3A_40 = arith.constant 0 : i32
    %dma_wait3A_41 = arith.constant 0 : i32
    %dma_wait3A_42 = tpu.memref_slice %arg4[%dma_wait3A_40, %dma_wait3A_41] : memref<6144x1024xf32, #tpu.memory_space<hbm>> -> memref<48x1024xf32, #tpu.memory_space<hbm>>
    tpu.wait_dma2 semaphore(%arg10 : memref<!tpu.dma_semaphore, #tpu.memory_space<semaphore_mem>>) src(%arg6 : memref<48x1024xf32, #tpu.memory_space<vmem>>) dst(%dma_wait3A_42 : memref<48x1024xf32, #tpu.memory_space<hbm>>)
    %dma_start3A_43 = arith.constant 2 : i32
    %dma_start3A_44 = arith.constant 0 : i32
    %dma_start3A_45 = tpu.memref_slice %arg5[%dma_start3A_43, %dma_start3A_44] : memref<4x48xi32, #tpu.memory_space<vmem>> -> memref<1x48xi32, #tpu.memory_space<vmem>>
    %dma_start3A_46 = tpu.memref_squeeze %dma_start3A_45 : memref<1x48xi32, #tpu.memory_space<vmem>> -> memref<48xi32, #tpu.memory_space<vmem>>
    %dma_start3A_47 = arith.constant 0 : i32
    %dma_start3A_48 = arith.constant 0 : i32
    %dma_start3A_49 = tpu.memref_slice %arg2[%dma_start3A_47, %dma_start3A_48] : memref<28672x1024xf32, #tpu.memory_space<hbm>> -> memref<28672x1024xf32, #tpu.memory_space<hbm>>
    tpu.enqueue_indirect_dma source(%dma_start3A_49 : memref<28672x1024xf32, #tpu.memory_space<hbm>>) target(%arg6 : memref<48x1024xf32, #tpu.memory_space<vmem>>) offsets(%dma_start3A_46 : memref<48xi32, #tpu.memory_space<vmem>>) semaphore(%arg8 : memref<!tpu.dma_semaphore, #tpu.memory_space<semaphore_mem>>)
    %add3A_50 = arith.constant 48 : i32
    %add3A_51 = arith.addi %mul3A_4, %add3A_50 : i32
    %dma_start3A_52 = arith.constant 0 : i32
    %dma_start3A_53 = tpu.memref_slice %arg4[%add3A_51, %dma_start3A_52] : memref<6144x1024xf32, #tpu.memory_space<hbm>> -> memref<48x1024xf32, #tpu.memory_space<hbm>>
    %dma_start3A_54 = arith.constant 0 : i32
    %dma_start3A_55 = tpu.memref_slice %arg4[%add3A_51, %dma_start3A_54] : memref<6144x1024xf32, #tpu.memory_space<hbm>> -> memref<48x1024xf32, #tpu.memory_space<hbm>>
    tpu.enqueue_dma source(%arg7 : memref<48x1024xf32, #tpu.memory_space<vmem>>) target(%dma_start3A_55 : memref<48x1024xf32, #tpu.memory_space<hbm>>) target_semaphore(%arg10 : memref<!tpu.dma_semaphore, #tpu.memory_space<semaphore_mem>>)
    %dma_wait3A_56 = arith.constant 2 : i32
    %dma_wait3A_57 = arith.constant 0 : i32
    %dma_wait3A_58 = tpu.memref_slice %arg5[%dma_wait3A_56, %dma_wait3A_57] : memref<4x48xi32, #tpu.memory_space<vmem>> -> memref<1x48xi32, #tpu.memory_space<vmem>>
    %dma_wait3A_59 = tpu.memref_squeeze %dma_wait3A_58 : memref<1x48xi32, #tpu.memory_space<vmem>> -> memref<48xi32, #tpu.memory_space<vmem>>
    %dma_wait3A_60 = arith.constant 0 : i32
    %dma_wait3A_61 = arith.constant 0 : i32
    %dma_wait3A_62 = tpu.memref_slice %arg2[%dma_wait3A_60, %dma_wait3A_61] : memref<28672x1024xf32, #tpu.memory_space<hbm>> -> memref<28672x1024xf32, #tpu.memory_space<hbm>>
    tpu.wait_indirect_dma semaphore(%arg8 : memref<!tpu.dma_semaphore, #tpu.memory_space<semaphore_mem>>) src(%dma_wait3A_62 : memref<28672x1024xf32, #tpu.memory_space<hbm>>) dst(%arg6 : memref<48x1024xf32, #tpu.memory_space<vmem>>)
    %dma_wait3A_63 = arith.constant 0 : i32
    %dma_wait3A_64 = arith.constant 0 : i32
    %dma_wait3A_65 = tpu.memref_slice %arg4[%dma_wait3A_63, %dma_wait3A_64] : memref<6144x1024xf32, #tpu.memory_space<hbm>> -> memref<48x1024xf32, #tpu.memory_space<hbm>>
    %dma_wait3A_66 = arith.constant 0 : i32
    %dma_wait3A_67 = arith.constant 0 : i32
    %dma_wait3A_68 = tpu.memref_slice %arg4[%dma_wait3A_66, %dma_wait3A_67] : memref<6144x1024xf32, #tpu.memory_space<hbm>> -> memref<48x1024xf32, #tpu.memory_space<hbm>>
    tpu.wait_dma2 semaphore(%arg10 : memref<!tpu.dma_semaphore, #tpu.memory_space<semaphore_mem>>) src(%arg7 : memref<48x1024xf32, #tpu.memory_space<vmem>>) dst(%dma_wait3A_68 : memref<48x1024xf32, #tpu.memory_space<hbm>>)
    %dma_start3A_69 = arith.constant 3 : i32
    %dma_start3A_70 = arith.constant 0 : i32
    %dma_start3A_71 = tpu.memref_slice %arg5[%dma_start3A_69, %dma_start3A_70] : memref<4x48xi32, #tpu.memory_space<vmem>> -> memref<1x48xi32, #tpu.memory_space<vmem>>
    %dma_start3A_72 = tpu.memref_squeeze %dma_start3A_71 : memref<1x48xi32, #tpu.memory_space<vmem>> -> memref<48xi32, #tpu.memory_space<vmem>>
    %dma_start3A_73 = arith.constant 0 : i32
    %dma_start3A_74 = arith.constant 0 : i32
    %dma_start3A_75 = tpu.memref_slice %arg2[%dma_start3A_73, %dma_start3A_74] : memref<28672x1024xf32, #tpu.memory_space<hbm>> -> memref<28672x1024xf32, #tpu.memory_space<hbm>>
    tpu.enqueue_indirect_dma source(%dma_start3A_75 : memref<28672x1024xf32, #tpu.memory_space<hbm>>) target(%arg7 : memref<48x1024xf32, #tpu.memory_space<vmem>>) offsets(%dma_start3A_72 : memref<48xi32, #tpu.memory_space<vmem>>) semaphore(%arg9 : memref<!tpu.dma_semaphore, #tpu.memory_space<semaphore_mem>>)
    %add3A_76 = arith.constant 96 : i32
    %add3A_77 = arith.addi %mul3A_4, %add3A_76 : i32
    %dma_start3A_78 = arith.constant 0 : i32
    %dma_start3A_79 = tpu.memref_slice %arg4[%add3A_77, %dma_start3A_78] : memref<6144x1024xf32, #tpu.memory_space<hbm>> -> memref<48x1024xf32, #tpu.memory_space<hbm>>
    %dma_start3A_80 = arith.constant 0 : i32
    %dma_start3A_81 = tpu.memref_slice %arg4[%add3A_77, %dma_start3A_80] : memref<6144x1024xf32, #tpu.memory_space<hbm>> -> memref<48x1024xf32, #tpu.memory_space<hbm>>
    tpu.enqueue_dma source(%arg6 : memref<48x1024xf32, #tpu.memory_space<vmem>>) target(%dma_start3A_81 : memref<48x1024xf32, #tpu.memory_space<hbm>>) target_semaphore(%arg10 : memref<!tpu.dma_semaphore, #tpu.memory_space<semaphore_mem>>)
    %dma_wait3A_82 = arith.constant 3 : i32
    %dma_wait3A_83 = arith.constant 0 : i32
    %dma_wait3A_84 = tpu.memref_slice %arg5[%dma_wait3A_82, %dma_wait3A_83] : memref<4x48xi32, #tpu.memory_space<vmem>> -> memref<1x48xi32, #tpu.memory_space<vmem>>
    %dma_wait3A_85 = tpu.memref_squeeze %dma_wait3A_84 : memref<1x48xi32, #tpu.memory_space<vmem>> -> memref<48xi32, #tpu.memory_space<vmem>>
    %dma_wait3A_86 = arith.constant 0 : i32
    %dma_wait3A_87 = arith.constant 0 : i32
    %dma_wait3A_88 = tpu.memref_slice %arg2[%dma_wait3A_86, %dma_wait3A_87] : memref<28672x1024xf32, #tpu.memory_space<hbm>> -> memref<28672x1024xf32, #tpu.memory_space<hbm>>
    tpu.wait_indirect_dma semaphore(%arg9 : memref<!tpu.dma_semaphore, #tpu.memory_space<semaphore_mem>>) src(%dma_wait3A_88 : memref<28672x1024xf32, #tpu.memory_space<hbm>>) dst(%arg7 : memref<48x1024xf32, #tpu.memory_space<vmem>>)
    %add3A_89 = arith.constant 144 : i32
    %add3A_90 = arith.addi %mul3A_4, %add3A_89 : i32
    %dma_start3A_91 = arith.constant 0 : i32
    %dma_start3A_92 = tpu.memref_slice %arg4[%add3A_90, %dma_start3A_91] : memref<6144x1024xf32, #tpu.memory_space<hbm>> -> memref<48x1024xf32, #tpu.memory_space<hbm>>
    %dma_start3A_93 = arith.constant 0 : i32
    %dma_start3A_94 = tpu.memref_slice %arg4[%add3A_90, %dma_start3A_93] : memref<6144x1024xf32, #tpu.memory_space<hbm>> -> memref<48x1024xf32, #tpu.memory_space<hbm>>
    tpu.enqueue_dma source(%arg7 : memref<48x1024xf32, #tpu.memory_space<vmem>>) target(%dma_start3A_94 : memref<48x1024xf32, #tpu.memory_space<hbm>>) target_semaphore(%arg10 : memref<!tpu.dma_semaphore, #tpu.memory_space<semaphore_mem>>)
    %dma_wait3A_95 = arith.constant 0 : i32
    %dma_wait3A_96 = arith.constant 0 : i32
    %dma_wait3A_97 = tpu.memref_slice %arg4[%dma_wait3A_95, %dma_wait3A_96] : memref<6144x1024xf32, #tpu.memory_space<hbm>> -> memref<48x1024xf32, #tpu.memory_space<hbm>>
    %dma_wait3A_98 = arith.constant 0 : i32
    %dma_wait3A_99 = arith.constant 0 : i32
    %dma_wait3A_100 = tpu.memref_slice %arg4[%dma_wait3A_98, %dma_wait3A_99] : memref<6144x1024xf32, #tpu.memory_space<hbm>> -> memref<48x1024xf32, #tpu.memory_space<hbm>>
    tpu.wait_dma2 semaphore(%arg10 : memref<!tpu.dma_semaphore, #tpu.memory_space<semaphore_mem>>) src(%arg6 : memref<48x1024xf32, #tpu.memory_space<vmem>>) dst(%dma_wait3A_100 : memref<48x1024xf32, #tpu.memory_space<hbm>>)
    %dma_wait3A_101 = arith.constant 0 : i32
    %dma_wait3A_102 = arith.constant 0 : i32
    %dma_wait3A_103 = tpu.memref_slice %arg4[%dma_wait3A_101, %dma_wait3A_102] : memref<6144x1024xf32, #tpu.memory_space<hbm>> -> memref<48x1024xf32, #tpu.memory_space<hbm>>
    %dma_wait3A_104 = arith.constant 0 : i32
    %dma_wait3A_105 = arith.constant 0 : i32
    %dma_wait3A_106 = tpu.memref_slice %arg4[%dma_wait3A_104, %dma_wait3A_105] : memref<6144x1024xf32, #tpu.memory_space<hbm>> -> memref<48x1024xf32, #tpu.memory_space<hbm>>
    tpu.wait_dma2 semaphore(%arg10 : memref<!tpu.dma_semaphore, #tpu.memory_space<semaphore_mem>>) src(%arg6 : memref<48x1024xf32, #tpu.memory_space<vmem>>) dst(%dma_wait3A_106 : memref<48x1024xf32, #tpu.memory_space<hbm>>)
    return
  }
}

#map = affine_map<(d0, d1) -> (0, 0)>
#map1 = affine_map<(d0, d1) -> (0, 0, 0)>
module attributes {stable_mosaic.version = 14 : i64} {
  func.func @k(%arg0: i32, %arg1: i32, %arg2: memref<28672x1024xf32, #tpu.memory_space<hbm>>, %arg3: memref<32x4x48xi32, #tpu.memory_space<hbm>>, %arg4: memref<6144x1024xf32, #tpu.memory_space<hbm>>, %arg5: memref<4x48xi32, #tpu.memory_space<vmem>>, %arg6: memref<48x1024xf32, #tpu.memory_space<vmem>>, %arg7: memref<48x1024xf32, #tpu.memory_space<vmem>>, %arg8: memref<!tpu.dma_semaphore, #tpu.memory_space<semaphore_mem>>, %arg9: memref<!tpu.dma_semaphore, #tpu.memory_space<semaphore_mem>>, %arg10: memref<!tpu.dma_semaphore, #tpu.memory_space<semaphore_mem>>) attributes {dimension_semantics = [#tpu.dimension_semantics<core_parallel>, #tpu.dimension_semantics<subcore_parallel>], iteration_bounds = array<i64: 2, 16>, scalar_prefetch = 0 : i64, scratch_operands = 6 : i64, tpu.core_type = #tpu.core_type<sc_vector_subcore>, window_params = [{transform_indices = #map}, {transform_indices = #map1}, {transform_indices = #map}]} {
    %mul3A = arith.constant 2 : i32
    %mul3A_0 = arith.muli %arg1, %mul3A : i32
    %add3A = arith.addi %mul3A_0, %arg0 : i32
    %mul3A_1 = arith.constant 4 : i32
    %mul3A_2 = arith.muli %add3A, %mul3A_1 : i32
    %mul3A_3 = arith.constant 48 : i32
    %mul3A_4 = arith.muli %mul3A_2, %mul3A_3 : i32
    "tpu.region"() ({
      %run_scoped3A = tpu.sem_alloc : memref<!tpu.dma_semaphore, #tpu.memory_space<semaphore_mem>>
      %dma_start3A_107 = arith.constant 0 : i32
      %dma_start3A_108 = arith.constant 0 : i32
      %dma_start3A_109 = tpu.memref_slice %arg3[%add3A, %dma_start3A_107, %dma_start3A_108] : memref<32x4x48xi32, #tpu.memory_space<hbm>> -> memref<1x4x48xi32, #tpu.memory_space<hbm>>
      %dma_start3A_110 = tpu.memref_squeeze %dma_start3A_109 : memref<1x4x48xi32, #tpu.memory_space<hbm>> -> memref<4x48xi32, #tpu.memory_space<hbm>>
      %dma_start3A_111 = arith.constant 0 : i32
      %dma_start3A_112 = arith.constant 0 : i32
      %dma_start3A_113 = tpu.memref_slice %arg3[%add3A, %dma_start3A_111, %dma_start3A_112] : memref<32x4x48xi32, #tpu.memory_space<hbm>> -> memref<1x4x48xi32, #tpu.memory_space<hbm>>
      %dma_start3A_114 = tpu.memref_squeeze %dma_start3A_113 : memref<1x4x48xi32, #tpu.memory_space<hbm>> -> memref<4x48xi32, #tpu.memory_space<hbm>>
      tpu.enqueue_dma source(%dma_start3A_114 : memref<4x48xi32, #tpu.memory_space<hbm>>) target(%arg5 : memref<4x48xi32, #tpu.memory_space<vmem>>) target_semaphore(%run_scoped3A : memref<!tpu.dma_semaphore, #tpu.memory_space<semaphore_mem>>)
      %dma_wait3A_115 = arith.constant 0 : i32
      %dma_wait3A_116 = arith.constant 0 : i32
      %dma_wait3A_117 = tpu.memref_slice %arg3[%add3A, %dma_wait3A_115, %dma_wait3A_116] : memref<32x4x48xi32, #tpu.memory_space<hbm>> -> memref<1x4x48xi32, #tpu.memory_space<hbm>>
      %dma_wait3A_118 = tpu.memref_squeeze %dma_wait3A_117 : memref<1x4x48xi32, #tpu.memory_space<hbm>> -> memref<4x48xi32, #tpu.memory_space<hbm>>
      %dma_wait3A_119 = arith.constant 0 : i32
      %dma_wait3A_120 = arith.constant 0 : i32
      %dma_wait3A_121 = tpu.memref_slice %arg3[%add3A, %dma_wait3A_119, %dma_wait3A_120] : memref<32x4x48xi32, #tpu.memory_space<hbm>> -> memref<1x4x48xi32, #tpu.memory_space<hbm>>
      %dma_wait3A_122 = tpu.memref_squeeze %dma_wait3A_121 : memref<1x4x48xi32, #tpu.memory_space<hbm>> -> memref<4x48xi32, #tpu.memory_space<hbm>>
      tpu.wait_dma2 semaphore(%run_scoped3A : memref<!tpu.dma_semaphore, #tpu.memory_space<semaphore_mem>>) src(%dma_wait3A_122 : memref<4x48xi32, #tpu.memory_space<hbm>>) dst(%arg5 : memref<4x48xi32, #tpu.memory_space<vmem>>)
      tpu.yield
    }) : () -> ()
    %dma_start3A = arith.constant 0 : i32
    %dma_start3A_5 = arith.constant 0 : i32
    %dma_start3A_6 = tpu.memref_slice %arg5[%dma_start3A, %dma_start3A_5] : memref<4x48xi32, #tpu.memory_space<vmem>> -> memref<1x48xi32, #tpu.memory_space<vmem>>
    %dma_start3A_7 = tpu.memref_squeeze %dma_start3A_6 : memref<1x48xi32, #tpu.memory_space<vmem>> -> memref<48xi32, #tpu.memory_space<vmem>>
    %dma_start3A_8 = arith.constant 0 : i32
    %dma_start3A_9 = arith.constant 0 : i32
    %dma_start3A_10 = tpu.memref_slice %arg2[%dma_start3A_8, %dma_start3A_9] : memref<28672x1024xf32, #tpu.memory_space<hbm>> -> memref<28672x1024xf32, #tpu.memory_space<hbm>>
    tpu.enqueue_indirect_dma source(%dma_start3A_10 : memref<28672x1024xf32, #tpu.memory_space<hbm>>) target(%arg6 : memref<48x1024xf32, #tpu.memory_space<vmem>>) offsets(%dma_start3A_7 : memref<48xi32, #tpu.memory_space<vmem>>) semaphore(%arg8 : memref<!tpu.dma_semaphore, #tpu.memory_space<semaphore_mem>>)
    %dma_wait3A = arith.constant 0 : i32
    %dma_wait3A_11 = arith.constant 0 : i32
    %dma_wait3A_12 = tpu.memref_slice %arg5[%dma_wait3A, %dma_wait3A_11] : memref<4x48xi32, #tpu.memory_space<vmem>> -> memref<1x48xi32, #tpu.memory_space<vmem>>
    %dma_wait3A_13 = tpu.memref_squeeze %dma_wait3A_12 : memref<1x48xi32, #tpu.memory_space<vmem>> -> memref<48xi32, #tpu.memory_space<vmem>>
    %dma_wait3A_14 = arith.constant 0 : i32
    %dma_wait3A_15 = arith.constant 0 : i32
    %dma_wait3A_16 = tpu.memref_slice %arg2[%dma_wait3A_14, %dma_wait3A_15] : memref<28672x1024xf32, #tpu.memory_space<hbm>> -> memref<28672x1024xf32, #tpu.memory_space<hbm>>
    tpu.wait_indirect_dma semaphore(%arg8 : memref<!tpu.dma_semaphore, #tpu.memory_space<semaphore_mem>>) src(%dma_wait3A_16 : memref<28672x1024xf32, #tpu.memory_space<hbm>>) dst(%arg6 : memref<48x1024xf32, #tpu.memory_space<vmem>>)
    %dma_start3A_17 = arith.constant 1 : i32
    %dma_start3A_18 = arith.constant 0 : i32
    %dma_start3A_19 = tpu.memref_slice %arg5[%dma_start3A_17, %dma_start3A_18] : memref<4x48xi32, #tpu.memory_space<vmem>> -> memref<1x48xi32, #tpu.memory_space<vmem>>
    %dma_start3A_20 = tpu.memref_squeeze %dma_start3A_19 : memref<1x48xi32, #tpu.memory_space<vmem>> -> memref<48xi32, #tpu.memory_space<vmem>>
    %dma_start3A_21 = arith.constant 0 : i32
    %dma_start3A_22 = arith.constant 0 : i32
    %dma_start3A_23 = tpu.memref_slice %arg2[%dma_start3A_21, %dma_start3A_22] : memref<28672x1024xf32, #tpu.memory_space<hbm>> -> memref<28672x1024xf32, #tpu.memory_space<hbm>>
    tpu.enqueue_indirect_dma source(%dma_start3A_23 : memref<28672x1024xf32, #tpu.memory_space<hbm>>) target(%arg7 : memref<48x1024xf32, #tpu.memory_space<vmem>>) offsets(%dma_start3A_20 : memref<48xi32, #tpu.memory_space<vmem>>) semaphore(%arg9 : memref<!tpu.dma_semaphore, #tpu.memory_space<semaphore_mem>>)
    %add3A_24 = arith.constant 0 : i32
    %add3A_25 = arith.addi %mul3A_4, %add3A_24 : i32
    %dma_start3A_26 = arith.constant 0 : i32
    %dma_start3A_27 = tpu.memref_slice %arg4[%add3A_25, %dma_start3A_26] : memref<6144x1024xf32, #tpu.memory_space<hbm>> -> memref<48x1024xf32, #tpu.memory_space<hbm>>
    %dma_start3A_28 = arith.constant 0 : i32
    %dma_start3A_29 = tpu.memref_slice %arg4[%add3A_25, %dma_start3A_28] : memref<6144x1024xf32, #tpu.memory_space<hbm>> -> memref<48x1024xf32, #tpu.memory_space<hbm>>
    tpu.enqueue_dma source(%arg6 : memref<48x1024xf32, #tpu.memory_space<vmem>>) target(%dma_start3A_29 : memref<48x1024xf32, #tpu.memory_space<hbm>>) target_semaphore(%arg10 : memref<!tpu.dma_semaphore, #tpu.memory_space<semaphore_mem>>)
    %dma_wait3A_30 = arith.constant 1 : i32
    %dma_wait3A_31 = arith.constant 0 : i32
    %dma_wait3A_32 = tpu.memref_slice %arg5[%dma_wait3A_30, %dma_wait3A_31] : memref<4x48xi32, #tpu.memory_space<vmem>> -> memref<1x48xi32, #tpu.memory_space<vmem>>
    %dma_wait3A_33 = tpu.memref_squeeze %dma_wait3A_32 : memref<1x48xi32, #tpu.memory_space<vmem>> -> memref<48xi32, #tpu.memory_space<vmem>>
    %dma_wait3A_34 = arith.constant 0 : i32
    %dma_wait3A_35 = arith.constant 0 : i32
    %dma_wait3A_36 = tpu.memref_slice %arg2[%dma_wait3A_34, %dma_wait3A_35] : memref<28672x1024xf32, #tpu.memory_space<hbm>> -> memref<28672x1024xf32, #tpu.memory_space<hbm>>
    tpu.wait_indirect_dma semaphore(%arg9 : memref<!tpu.dma_semaphore, #tpu.memory_space<semaphore_mem>>) src(%dma_wait3A_36 : memref<28672x1024xf32, #tpu.memory_space<hbm>>) dst(%arg7 : memref<48x1024xf32, #tpu.memory_space<vmem>>)
    %dma_wait3A_37 = arith.constant 0 : i32
    %dma_wait3A_38 = arith.constant 0 : i32
    %dma_wait3A_39 = tpu.memref_slice %arg4[%dma_wait3A_37, %dma_wait3A_38] : memref<6144x1024xf32, #tpu.memory_space<hbm>> -> memref<48x1024xf32, #tpu.memory_space<hbm>>
    %dma_wait3A_40 = arith.constant 0 : i32
    %dma_wait3A_41 = arith.constant 0 : i32
    %dma_wait3A_42 = tpu.memref_slice %arg4[%dma_wait3A_40, %dma_wait3A_41] : memref<6144x1024xf32, #tpu.memory_space<hbm>> -> memref<48x1024xf32, #tpu.memory_space<hbm>>
    tpu.wait_dma2 semaphore(%arg10 : memref<!tpu.dma_semaphore, #tpu.memory_space<semaphore_mem>>) src(%arg6 : memref<48x1024xf32, #tpu.memory_space<vmem>>) dst(%dma_wait3A_42 : memref<48x1024xf32, #tpu.memory_space<hbm>>)
    %dma_start3A_43 = arith.constant 2 : i32
    %dma_start3A_44 = arith.constant 0 : i32
    %dma_start3A_45 = tpu.memref_slice %arg5[%dma_start3A_43, %dma_start3A_44] : memref<4x48xi32, #tpu.memory_space<vmem>> -> memref<1x48xi32, #tpu.memory_space<vmem>>
    %dma_start3A_46 = tpu.memref_squeeze %dma_start3A_45 : memref<1x48xi32, #tpu.memory_space<vmem>> -> memref<48xi32, #tpu.memory_space<vmem>>
    %dma_start3A_47 = arith.constant 0 : i32
    %dma_start3A_48 = arith.constant 0 : i32
    %dma_start3A_49 = tpu.memref_slice %arg2[%dma_start3A_47, %dma_start3A_48] : memref<28672x1024xf32, #tpu.memory_space<hbm>> -> memref<28672x1024xf32, #tpu.memory_space<hbm>>
    tpu.enqueue_indirect_dma source(%dma_start3A_49 : memref<28672x1024xf32, #tpu.memory_space<hbm>>) target(%arg6 : memref<48x1024xf32, #tpu.memory_space<vmem>>) offsets(%dma_start3A_46 : memref<48xi32, #tpu.memory_space<vmem>>) semaphore(%arg8 : memref<!tpu.dma_semaphore, #tpu.memory_space<semaphore_mem>>)
    %add3A_50 = arith.constant 48 : i32
    %add3A_51 = arith.addi %mul3A_4, %add3A_50 : i32
    %dma_start3A_52 = arith.constant 0 : i32
    %dma_start3A_53 = tpu.memref_slice %arg4[%add3A_51, %dma_start3A_52] : memref<6144x1024xf32, #tpu.memory_space<hbm>> -> memref<48x1024xf32, #tpu.memory_space<hbm>>
    %dma_start3A_54 = arith.constant 0 : i32
    %dma_start3A_55 = tpu.memref_slice %arg4[%add3A_51, %dma_start3A_54] : memref<6144x1024xf32, #tpu.memory_space<hbm>> -> memref<48x1024xf32, #tpu.memory_space<hbm>>
    tpu.enqueue_dma source(%arg7 : memref<48x1024xf32, #tpu.memory_space<vmem>>) target(%dma_start3A_55 : memref<48x1024xf32, #tpu.memory_space<hbm>>) target_semaphore(%arg10 : memref<!tpu.dma_semaphore, #tpu.memory_space<semaphore_mem>>)
    %dma_wait3A_56 = arith.constant 2 : i32
    %dma_wait3A_57 = arith.constant 0 : i32
    %dma_wait3A_58 = tpu.memref_slice %arg5[%dma_wait3A_56, %dma_wait3A_57] : memref<4x48xi32, #tpu.memory_space<vmem>> -> memref<1x48xi32, #tpu.memory_space<vmem>>
    %dma_wait3A_59 = tpu.memref_squeeze %dma_wait3A_58 : memref<1x48xi32, #tpu.memory_space<vmem>> -> memref<48xi32, #tpu.memory_space<vmem>>
    %dma_wait3A_60 = arith.constant 0 : i32
    %dma_wait3A_61 = arith.constant 0 : i32
    %dma_wait3A_62 = tpu.memref_slice %arg2[%dma_wait3A_60, %dma_wait3A_61] : memref<28672x1024xf32, #tpu.memory_space<hbm>> -> memref<28672x1024xf32, #tpu.memory_space<hbm>>
    tpu.wait_indirect_dma semaphore(%arg8 : memref<!tpu.dma_semaphore, #tpu.memory_space<semaphore_mem>>) src(%dma_wait3A_62 : memref<28672x1024xf32, #tpu.memory_space<hbm>>) dst(%arg6 : memref<48x1024xf32, #tpu.memory_space<vmem>>)
    %dma_wait3A_63 = arith.constant 0 : i32
    %dma_wait3A_64 = arith.constant 0 : i32
    %dma_wait3A_65 = tpu.memref_slice %arg4[%dma_wait3A_63, %dma_wait3A_64] : memref<6144x1024xf32, #tpu.memory_space<hbm>> -> memref<48x1024xf32, #tpu.memory_space<hbm>>
    %dma_wait3A_66 = arith.constant 0 : i32
    %dma_wait3A_67 = arith.constant 0 : i32
    %dma_wait3A_68 = tpu.memref_slice %arg4[%dma_wait3A_66, %dma_wait3A_67] : memref<6144x1024xf32, #tpu.memory_space<hbm>> -> memref<48x1024xf32, #tpu.memory_space<hbm>>
    tpu.wait_dma2 semaphore(%arg10 : memref<!tpu.dma_semaphore, #tpu.memory_space<semaphore_mem>>) src(%arg7 : memref<48x1024xf32, #tpu.memory_space<vmem>>) dst(%dma_wait3A_68 : memref<48x1024xf32, #tpu.memory_space<hbm>>)
    %dma_start3A_69 = arith.constant 3 : i32
    %dma_start3A_70 = arith.constant 0 : i32
    %dma_start3A_71 = tpu.memref_slice %arg5[%dma_start3A_69, %dma_start3A_70] : memref<4x48xi32, #tpu.memory_space<vmem>> -> memref<1x48xi32, #tpu.memory_space<vmem>>
    %dma_start3A_72 = tpu.memref_squeeze %dma_start3A_71 : memref<1x48xi32, #tpu.memory_space<vmem>> -> memref<48xi32, #tpu.memory_space<vmem>>
    %dma_start3A_73 = arith.constant 0 : i32
    %dma_start3A_74 = arith.constant 0 : i32
    %dma_start3A_75 = tpu.memref_slice %arg2[%dma_start3A_73, %dma_start3A_74] : memref<28672x1024xf32, #tpu.memory_space<hbm>> -> memref<28672x1024xf32, #tpu.memory_space<hbm>>
    tpu.enqueue_indirect_dma source(%dma_start3A_75 : memref<28672x1024xf32, #tpu.memory_space<hbm>>) target(%arg7 : memref<48x1024xf32, #tpu.memory_space<vmem>>) offsets(%dma_start3A_72 : memref<48xi32, #tpu.memory_space<vmem>>) semaphore(%arg9 : memref<!tpu.dma_semaphore, #tpu.memory_space<semaphore_mem>>)
    %add3A_76 = arith.constant 96 : i32
    %add3A_77 = arith.addi %mul3A_4, %add3A_76 : i32
    %dma_start3A_78 = arith.constant 0 : i32
    %dma_start3A_79 = tpu.memref_slice %arg4[%add3A_77, %dma_start3A_78] : memref<6144x1024xf32, #tpu.memory_space<hbm>> -> memref<48x1024xf32, #tpu.memory_space<hbm>>
    %dma_start3A_80 = arith.constant 0 : i32
    %dma_start3A_81 = tpu.memref_slice %arg4[%add3A_77, %dma_start3A_80] : memref<6144x1024xf32, #tpu.memory_space<hbm>> -> memref<48x1024xf32, #tpu.memory_space<hbm>>
    tpu.enqueue_dma source(%arg6 : memref<48x1024xf32, #tpu.memory_space<vmem>>) target(%dma_start3A_81 : memref<48x1024xf32, #tpu.memory_space<hbm>>) target_semaphore(%arg10 : memref<!tpu.dma_semaphore, #tpu.memory_space<semaphore_mem>>)
    %dma_wait3A_82 = arith.constant 3 : i32
    %dma_wait3A_83 = arith.constant 0 : i32
    %dma_wait3A_84 = tpu.memref_slice %arg5[%dma_wait3A_82, %dma_wait3A_83] : memref<4x48xi32, #tpu.memory_space<vmem>> -> memref<1x48xi32, #tpu.memory_space<vmem>>
    %dma_wait3A_85 = tpu.memref_squeeze %dma_wait3A_84 : memref<1x48xi32, #tpu.memory_space<vmem>> -> memref<48xi32, #tpu.memory_space<vmem>>
    %dma_wait3A_86 = arith.constant 0 : i32
    %dma_wait3A_87 = arith.constant 0 : i32
    %dma_wait3A_88 = tpu.memref_slice %arg2[%dma_wait3A_86, %dma_wait3A_87] : memref<28672x1024xf32, #tpu.memory_space<hbm>> -> memref<28672x1024xf32, #tpu.memory_space<hbm>>
    tpu.wait_indirect_dma semaphore(%arg9 : memref<!tpu.dma_semaphore, #tpu.memory_space<semaphore_mem>>) src(%dma_wait3A_88 : memref<28672x1024xf32, #tpu.memory_space<hbm>>) dst(%arg7 : memref<48x1024xf32, #tpu.memory_space<vmem>>)
    %add3A_89 = arith.constant 144 : i32
    %add3A_90 = arith.addi %mul3A_4, %add3A_89 : i32
    %dma_start3A_91 = arith.constant 0 : i32
    %dma_start3A_92 = tpu.memref_slice %arg4[%add3A_90, %dma_start3A_91] : memref<6144x1024xf32, #tpu.memory_space<hbm>> -> memref<48x1024xf32, #tpu.memory_space<hbm>>
    %dma_start3A_93 = arith.constant 0 : i32
    %dma_start3A_94 = tpu.memref_slice %arg4[%add3A_90, %dma_start3A_93] : memref<6144x1024xf32, #tpu.memory_space<hbm>> -> memref<48x1024xf32, #tpu.memory_space<hbm>>
    tpu.enqueue_dma source(%arg7 : memref<48x1024xf32, #tpu.memory_space<vmem>>) target(%dma_start3A_94 : memref<48x1024xf32, #tpu.memory_space<hbm>>) target_semaphore(%arg10 : memref<!tpu.dma_semaphore, #tpu.memory_space<semaphore_mem>>)
    %dma_wait3A_95 = arith.constant 0 : i32
    %dma_wait3A_96 = arith.constant 0 : i32
    %dma_wait3A_97 = tpu.memref_slice %arg4[%dma_wait3A_95, %dma_wait3A_96] : memref<6144x1024xf32, #tpu.memory_space<hbm>> -> memref<48x1024xf32, #tpu.memory_space<hbm>>
    %dma_wait3A_98 = arith.constant 0 : i32
    %dma_wait3A_99 = arith.constant 0 : i32
    %dma_wait3A_100 = tpu.memref_slice %arg4[%dma_wait3A_98, %dma_wait3A_99] : memref<6144x1024xf32, #tpu.memory_space<hbm>> -> memref<48x1024xf32, #tpu.memory_space<hbm>>
    tpu.wait_dma2 semaphore(%arg10 : memref<!tpu.dma_semaphore, #tpu.memory_space<semaphore_mem>>) src(%arg6 : memref<48x1024xf32, #tpu.memory_space<vmem>>) dst(%dma_wait3A_100 : memref<48x1024xf32, #tpu.memory_space<hbm>>)
    %dma_wait3A_101 = arith.constant 0 : i32
    %dma_wait3A_102 = arith.constant 0 : i32
    %dma_wait3A_103 = tpu.memref_slice %arg4[%dma_wait3A_101, %dma_wait3A_102] : memref<6144x1024xf32, #tpu.memory_space<hbm>> -> memref<48x1024xf32, #tpu.memory_space<hbm>>
    %dma_wait3A_104 = arith.constant 0 : i32
    %dma_wait3A_105 = arith.constant 0 : i32
    %dma_wait3A_106 = tpu.memref_slice %arg4[%dma_wait3A_104, %dma_wait3A_105] : memref<6144x1024xf32, #tpu.memory_space<hbm>> -> memref<48x1024xf32, #tpu.memory_space<hbm>>
    tpu.wait_dma2 semaphore(%arg10 : memref<!tpu.dma_semaphore, #tpu.memory_space<semaphore_mem>>) src(%arg6 : memref<48x1024xf32, #tpu.memory_space<vmem>>) dst(%dma_wait3A_106 : memref<48x1024xf32, #tpu.memory_space<hbm>>)
    return
  }
}

#map = affine_map<(d0, d1) -> (0, 0)>
#map1 = affine_map<(d0, d1) -> (0, 0, 0)>
module attributes {stable_mosaic.version = 14 : i64} {
  func.func @k(%arg0: i32, %arg1: i32, %arg2: memref<4096x1024xf32, #tpu.memory_space<hbm>>, %arg3: memref<32x4x48xi32, #tpu.memory_space<hbm>>, %arg4: memref<6144x1024xf32, #tpu.memory_space<hbm>>, %arg5: memref<4x48xi32, #tpu.memory_space<vmem>>, %arg6: memref<48x1024xf32, #tpu.memory_space<vmem>>, %arg7: memref<48x1024xf32, #tpu.memory_space<vmem>>, %arg8: memref<!tpu.dma_semaphore, #tpu.memory_space<semaphore_mem>>, %arg9: memref<!tpu.dma_semaphore, #tpu.memory_space<semaphore_mem>>, %arg10: memref<!tpu.dma_semaphore, #tpu.memory_space<semaphore_mem>>) attributes {dimension_semantics = [#tpu.dimension_semantics<core_parallel>, #tpu.dimension_semantics<subcore_parallel>], iteration_bounds = array<i64: 2, 16>, scalar_prefetch = 0 : i64, scratch_operands = 6 : i64, tpu.core_type = #tpu.core_type<sc_vector_subcore>, window_params = [{transform_indices = #map}, {transform_indices = #map1}, {transform_indices = #map}]} {
    %mul3A = arith.constant 2 : i32
    %mul3A_0 = arith.muli %arg1, %mul3A : i32
    %add3A = arith.addi %mul3A_0, %arg0 : i32
    %mul3A_1 = arith.constant 4 : i32
    %mul3A_2 = arith.muli %add3A, %mul3A_1 : i32
    %mul3A_3 = arith.constant 48 : i32
    %mul3A_4 = arith.muli %mul3A_2, %mul3A_3 : i32
    "tpu.region"() ({
      %run_scoped3A = tpu.sem_alloc : memref<!tpu.dma_semaphore, #tpu.memory_space<semaphore_mem>>
      %dma_start3A_107 = arith.constant 0 : i32
      %dma_start3A_108 = arith.constant 0 : i32
      %dma_start3A_109 = tpu.memref_slice %arg3[%add3A, %dma_start3A_107, %dma_start3A_108] : memref<32x4x48xi32, #tpu.memory_space<hbm>> -> memref<1x4x48xi32, #tpu.memory_space<hbm>>
      %dma_start3A_110 = tpu.memref_squeeze %dma_start3A_109 : memref<1x4x48xi32, #tpu.memory_space<hbm>> -> memref<4x48xi32, #tpu.memory_space<hbm>>
      %dma_start3A_111 = arith.constant 0 : i32
      %dma_start3A_112 = arith.constant 0 : i32
      %dma_start3A_113 = tpu.memref_slice %arg3[%add3A, %dma_start3A_111, %dma_start3A_112] : memref<32x4x48xi32, #tpu.memory_space<hbm>> -> memref<1x4x48xi32, #tpu.memory_space<hbm>>
      %dma_start3A_114 = tpu.memref_squeeze %dma_start3A_113 : memref<1x4x48xi32, #tpu.memory_space<hbm>> -> memref<4x48xi32, #tpu.memory_space<hbm>>
      tpu.enqueue_dma source(%dma_start3A_114 : memref<4x48xi32, #tpu.memory_space<hbm>>) target(%arg5 : memref<4x48xi32, #tpu.memory_space<vmem>>) target_semaphore(%run_scoped3A : memref<!tpu.dma_semaphore, #tpu.memory_space<semaphore_mem>>)
      %dma_wait3A_115 = arith.constant 0 : i32
      %dma_wait3A_116 = arith.constant 0 : i32
      %dma_wait3A_117 = tpu.memref_slice %arg3[%add3A, %dma_wait3A_115, %dma_wait3A_116] : memref<32x4x48xi32, #tpu.memory_space<hbm>> -> memref<1x4x48xi32, #tpu.memory_space<hbm>>
      %dma_wait3A_118 = tpu.memref_squeeze %dma_wait3A_117 : memref<1x4x48xi32, #tpu.memory_space<hbm>> -> memref<4x48xi32, #tpu.memory_space<hbm>>
      %dma_wait3A_119 = arith.constant 0 : i32
      %dma_wait3A_120 = arith.constant 0 : i32
      %dma_wait3A_121 = tpu.memref_slice %arg3[%add3A, %dma_wait3A_119, %dma_wait3A_120] : memref<32x4x48xi32, #tpu.memory_space<hbm>> -> memref<1x4x48xi32, #tpu.memory_space<hbm>>
      %dma_wait3A_122 = tpu.memref_squeeze %dma_wait3A_121 : memref<1x4x48xi32, #tpu.memory_space<hbm>> -> memref<4x48xi32, #tpu.memory_space<hbm>>
      tpu.wait_dma2 semaphore(%run_scoped3A : memref<!tpu.dma_semaphore, #tpu.memory_space<semaphore_mem>>) src(%dma_wait3A_122 : memref<4x48xi32, #tpu.memory_space<hbm>>) dst(%arg5 : memref<4x48xi32, #tpu.memory_space<vmem>>)
      tpu.yield
    }) : () -> ()
    %dma_start3A = arith.constant 0 : i32
    %dma_start3A_5 = arith.constant 0 : i32
    %dma_start3A_6 = tpu.memref_slice %arg5[%dma_start3A, %dma_start3A_5] : memref<4x48xi32, #tpu.memory_space<vmem>> -> memref<1x48xi32, #tpu.memory_space<vmem>>
    %dma_start3A_7 = tpu.memref_squeeze %dma_start3A_6 : memref<1x48xi32, #tpu.memory_space<vmem>> -> memref<48xi32, #tpu.memory_space<vmem>>
    %dma_start3A_8 = arith.constant 0 : i32
    %dma_start3A_9 = arith.constant 0 : i32
    %dma_start3A_10 = tpu.memref_slice %arg2[%dma_start3A_8, %dma_start3A_9] : memref<4096x1024xf32, #tpu.memory_space<hbm>> -> memref<4096x1024xf32, #tpu.memory_space<hbm>>
    tpu.enqueue_indirect_dma source(%dma_start3A_10 : memref<4096x1024xf32, #tpu.memory_space<hbm>>) target(%arg6 : memref<48x1024xf32, #tpu.memory_space<vmem>>) offsets(%dma_start3A_7 : memref<48xi32, #tpu.memory_space<vmem>>) semaphore(%arg8 : memref<!tpu.dma_semaphore, #tpu.memory_space<semaphore_mem>>)
    %dma_wait3A = arith.constant 0 : i32
    %dma_wait3A_11 = arith.constant 0 : i32
    %dma_wait3A_12 = tpu.memref_slice %arg5[%dma_wait3A, %dma_wait3A_11] : memref<4x48xi32, #tpu.memory_space<vmem>> -> memref<1x48xi32, #tpu.memory_space<vmem>>
    %dma_wait3A_13 = tpu.memref_squeeze %dma_wait3A_12 : memref<1x48xi32, #tpu.memory_space<vmem>> -> memref<48xi32, #tpu.memory_space<vmem>>
    %dma_wait3A_14 = arith.constant 0 : i32
    %dma_wait3A_15 = arith.constant 0 : i32
    %dma_wait3A_16 = tpu.memref_slice %arg2[%dma_wait3A_14, %dma_wait3A_15] : memref<4096x1024xf32, #tpu.memory_space<hbm>> -> memref<4096x1024xf32, #tpu.memory_space<hbm>>
    tpu.wait_indirect_dma semaphore(%arg8 : memref<!tpu.dma_semaphore, #tpu.memory_space<semaphore_mem>>) src(%dma_wait3A_16 : memref<4096x1024xf32, #tpu.memory_space<hbm>>) dst(%arg6 : memref<48x1024xf32, #tpu.memory_space<vmem>>)
    %dma_start3A_17 = arith.constant 1 : i32
    %dma_start3A_18 = arith.constant 0 : i32
    %dma_start3A_19 = tpu.memref_slice %arg5[%dma_start3A_17, %dma_start3A_18] : memref<4x48xi32, #tpu.memory_space<vmem>> -> memref<1x48xi32, #tpu.memory_space<vmem>>
    %dma_start3A_20 = tpu.memref_squeeze %dma_start3A_19 : memref<1x48xi32, #tpu.memory_space<vmem>> -> memref<48xi32, #tpu.memory_space<vmem>>
    %dma_start3A_21 = arith.constant 0 : i32
    %dma_start3A_22 = arith.constant 0 : i32
    %dma_start3A_23 = tpu.memref_slice %arg2[%dma_start3A_21, %dma_start3A_22] : memref<4096x1024xf32, #tpu.memory_space<hbm>> -> memref<4096x1024xf32, #tpu.memory_space<hbm>>
    tpu.enqueue_indirect_dma source(%dma_start3A_23 : memref<4096x1024xf32, #tpu.memory_space<hbm>>) target(%arg7 : memref<48x1024xf32, #tpu.memory_space<vmem>>) offsets(%dma_start3A_20 : memref<48xi32, #tpu.memory_space<vmem>>) semaphore(%arg9 : memref<!tpu.dma_semaphore, #tpu.memory_space<semaphore_mem>>)
    %add3A_24 = arith.constant 0 : i32
    %add3A_25 = arith.addi %mul3A_4, %add3A_24 : i32
    %dma_start3A_26 = arith.constant 0 : i32
    %dma_start3A_27 = tpu.memref_slice %arg4[%add3A_25, %dma_start3A_26] : memref<6144x1024xf32, #tpu.memory_space<hbm>> -> memref<48x1024xf32, #tpu.memory_space<hbm>>
    %dma_start3A_28 = arith.constant 0 : i32
    %dma_start3A_29 = tpu.memref_slice %arg4[%add3A_25, %dma_start3A_28] : memref<6144x1024xf32, #tpu.memory_space<hbm>> -> memref<48x1024xf32, #tpu.memory_space<hbm>>
    tpu.enqueue_dma source(%arg6 : memref<48x1024xf32, #tpu.memory_space<vmem>>) target(%dma_start3A_29 : memref<48x1024xf32, #tpu.memory_space<hbm>>) target_semaphore(%arg10 : memref<!tpu.dma_semaphore, #tpu.memory_space<semaphore_mem>>)
    %dma_wait3A_30 = arith.constant 1 : i32
    %dma_wait3A_31 = arith.constant 0 : i32
    %dma_wait3A_32 = tpu.memref_slice %arg5[%dma_wait3A_30, %dma_wait3A_31] : memref<4x48xi32, #tpu.memory_space<vmem>> -> memref<1x48xi32, #tpu.memory_space<vmem>>
    %dma_wait3A_33 = tpu.memref_squeeze %dma_wait3A_32 : memref<1x48xi32, #tpu.memory_space<vmem>> -> memref<48xi32, #tpu.memory_space<vmem>>
    %dma_wait3A_34 = arith.constant 0 : i32
    %dma_wait3A_35 = arith.constant 0 : i32
    %dma_wait3A_36 = tpu.memref_slice %arg2[%dma_wait3A_34, %dma_wait3A_35] : memref<4096x1024xf32, #tpu.memory_space<hbm>> -> memref<4096x1024xf32, #tpu.memory_space<hbm>>
    tpu.wait_indirect_dma semaphore(%arg9 : memref<!tpu.dma_semaphore, #tpu.memory_space<semaphore_mem>>) src(%dma_wait3A_36 : memref<4096x1024xf32, #tpu.memory_space<hbm>>) dst(%arg7 : memref<48x1024xf32, #tpu.memory_space<vmem>>)
    %dma_wait3A_37 = arith.constant 0 : i32
    %dma_wait3A_38 = arith.constant 0 : i32
    %dma_wait3A_39 = tpu.memref_slice %arg4[%dma_wait3A_37, %dma_wait3A_38] : memref<6144x1024xf32, #tpu.memory_space<hbm>> -> memref<48x1024xf32, #tpu.memory_space<hbm>>
    %dma_wait3A_40 = arith.constant 0 : i32
    %dma_wait3A_41 = arith.constant 0 : i32
    %dma_wait3A_42 = tpu.memref_slice %arg4[%dma_wait3A_40, %dma_wait3A_41] : memref<6144x1024xf32, #tpu.memory_space<hbm>> -> memref<48x1024xf32, #tpu.memory_space<hbm>>
    tpu.wait_dma2 semaphore(%arg10 : memref<!tpu.dma_semaphore, #tpu.memory_space<semaphore_mem>>) src(%arg6 : memref<48x1024xf32, #tpu.memory_space<vmem>>) dst(%dma_wait3A_42 : memref<48x1024xf32, #tpu.memory_space<hbm>>)
    %dma_start3A_43 = arith.constant 2 : i32
    %dma_start3A_44 = arith.constant 0 : i32
    %dma_start3A_45 = tpu.memref_slice %arg5[%dma_start3A_43, %dma_start3A_44] : memref<4x48xi32, #tpu.memory_space<vmem>> -> memref<1x48xi32, #tpu.memory_space<vmem>>
    %dma_start3A_46 = tpu.memref_squeeze %dma_start3A_45 : memref<1x48xi32, #tpu.memory_space<vmem>> -> memref<48xi32, #tpu.memory_space<vmem>>
    %dma_start3A_47 = arith.constant 0 : i32
    %dma_start3A_48 = arith.constant 0 : i32
    %dma_start3A_49 = tpu.memref_slice %arg2[%dma_start3A_47, %dma_start3A_48] : memref<4096x1024xf32, #tpu.memory_space<hbm>> -> memref<4096x1024xf32, #tpu.memory_space<hbm>>
    tpu.enqueue_indirect_dma source(%dma_start3A_49 : memref<4096x1024xf32, #tpu.memory_space<hbm>>) target(%arg6 : memref<48x1024xf32, #tpu.memory_space<vmem>>) offsets(%dma_start3A_46 : memref<48xi32, #tpu.memory_space<vmem>>) semaphore(%arg8 : memref<!tpu.dma_semaphore, #tpu.memory_space<semaphore_mem>>)
    %add3A_50 = arith.constant 48 : i32
    %add3A_51 = arith.addi %mul3A_4, %add3A_50 : i32
    %dma_start3A_52 = arith.constant 0 : i32
    %dma_start3A_53 = tpu.memref_slice %arg4[%add3A_51, %dma_start3A_52] : memref<6144x1024xf32, #tpu.memory_space<hbm>> -> memref<48x1024xf32, #tpu.memory_space<hbm>>
    %dma_start3A_54 = arith.constant 0 : i32
    %dma_start3A_55 = tpu.memref_slice %arg4[%add3A_51, %dma_start3A_54] : memref<6144x1024xf32, #tpu.memory_space<hbm>> -> memref<48x1024xf32, #tpu.memory_space<hbm>>
    tpu.enqueue_dma source(%arg7 : memref<48x1024xf32, #tpu.memory_space<vmem>>) target(%dma_start3A_55 : memref<48x1024xf32, #tpu.memory_space<hbm>>) target_semaphore(%arg10 : memref<!tpu.dma_semaphore, #tpu.memory_space<semaphore_mem>>)
    %dma_wait3A_56 = arith.constant 2 : i32
    %dma_wait3A_57 = arith.constant 0 : i32
    %dma_wait3A_58 = tpu.memref_slice %arg5[%dma_wait3A_56, %dma_wait3A_57] : memref<4x48xi32, #tpu.memory_space<vmem>> -> memref<1x48xi32, #tpu.memory_space<vmem>>
    %dma_wait3A_59 = tpu.memref_squeeze %dma_wait3A_58 : memref<1x48xi32, #tpu.memory_space<vmem>> -> memref<48xi32, #tpu.memory_space<vmem>>
    %dma_wait3A_60 = arith.constant 0 : i32
    %dma_wait3A_61 = arith.constant 0 : i32
    %dma_wait3A_62 = tpu.memref_slice %arg2[%dma_wait3A_60, %dma_wait3A_61] : memref<4096x1024xf32, #tpu.memory_space<hbm>> -> memref<4096x1024xf32, #tpu.memory_space<hbm>>
    tpu.wait_indirect_dma semaphore(%arg8 : memref<!tpu.dma_semaphore, #tpu.memory_space<semaphore_mem>>) src(%dma_wait3A_62 : memref<4096x1024xf32, #tpu.memory_space<hbm>>) dst(%arg6 : memref<48x1024xf32, #tpu.memory_space<vmem>>)
    %dma_wait3A_63 = arith.constant 0 : i32
    %dma_wait3A_64 = arith.constant 0 : i32
    %dma_wait3A_65 = tpu.memref_slice %arg4[%dma_wait3A_63, %dma_wait3A_64] : memref<6144x1024xf32, #tpu.memory_space<hbm>> -> memref<48x1024xf32, #tpu.memory_space<hbm>>
    %dma_wait3A_66 = arith.constant 0 : i32
    %dma_wait3A_67 = arith.constant 0 : i32
    %dma_wait3A_68 = tpu.memref_slice %arg4[%dma_wait3A_66, %dma_wait3A_67] : memref<6144x1024xf32, #tpu.memory_space<hbm>> -> memref<48x1024xf32, #tpu.memory_space<hbm>>
    tpu.wait_dma2 semaphore(%arg10 : memref<!tpu.dma_semaphore, #tpu.memory_space<semaphore_mem>>) src(%arg7 : memref<48x1024xf32, #tpu.memory_space<vmem>>) dst(%dma_wait3A_68 : memref<48x1024xf32, #tpu.memory_space<hbm>>)
    %dma_start3A_69 = arith.constant 3 : i32
    %dma_start3A_70 = arith.constant 0 : i32
    %dma_start3A_71 = tpu.memref_slice %arg5[%dma_start3A_69, %dma_start3A_70] : memref<4x48xi32, #tpu.memory_space<vmem>> -> memref<1x48xi32, #tpu.memory_space<vmem>>
    %dma_start3A_72 = tpu.memref_squeeze %dma_start3A_71 : memref<1x48xi32, #tpu.memory_space<vmem>> -> memref<48xi32, #tpu.memory_space<vmem>>
    %dma_start3A_73 = arith.constant 0 : i32
    %dma_start3A_74 = arith.constant 0 : i32
    %dma_start3A_75 = tpu.memref_slice %arg2[%dma_start3A_73, %dma_start3A_74] : memref<4096x1024xf32, #tpu.memory_space<hbm>> -> memref<4096x1024xf32, #tpu.memory_space<hbm>>
    tpu.enqueue_indirect_dma source(%dma_start3A_75 : memref<4096x1024xf32, #tpu.memory_space<hbm>>) target(%arg7 : memref<48x1024xf32, #tpu.memory_space<vmem>>) offsets(%dma_start3A_72 : memref<48xi32, #tpu.memory_space<vmem>>) semaphore(%arg9 : memref<!tpu.dma_semaphore, #tpu.memory_space<semaphore_mem>>)
    %add3A_76 = arith.constant 96 : i32
    %add3A_77 = arith.addi %mul3A_4, %add3A_76 : i32
    %dma_start3A_78 = arith.constant 0 : i32
    %dma_start3A_79 = tpu.memref_slice %arg4[%add3A_77, %dma_start3A_78] : memref<6144x1024xf32, #tpu.memory_space<hbm>> -> memref<48x1024xf32, #tpu.memory_space<hbm>>
    %dma_start3A_80 = arith.constant 0 : i32
    %dma_start3A_81 = tpu.memref_slice %arg4[%add3A_77, %dma_start3A_80] : memref<6144x1024xf32, #tpu.memory_space<hbm>> -> memref<48x1024xf32, #tpu.memory_space<hbm>>
    tpu.enqueue_dma source(%arg6 : memref<48x1024xf32, #tpu.memory_space<vmem>>) target(%dma_start3A_81 : memref<48x1024xf32, #tpu.memory_space<hbm>>) target_semaphore(%arg10 : memref<!tpu.dma_semaphore, #tpu.memory_space<semaphore_mem>>)
    %dma_wait3A_82 = arith.constant 3 : i32
    %dma_wait3A_83 = arith.constant 0 : i32
    %dma_wait3A_84 = tpu.memref_slice %arg5[%dma_wait3A_82, %dma_wait3A_83] : memref<4x48xi32, #tpu.memory_space<vmem>> -> memref<1x48xi32, #tpu.memory_space<vmem>>
    %dma_wait3A_85 = tpu.memref_squeeze %dma_wait3A_84 : memref<1x48xi32, #tpu.memory_space<vmem>> -> memref<48xi32, #tpu.memory_space<vmem>>
    %dma_wait3A_86 = arith.constant 0 : i32
    %dma_wait3A_87 = arith.constant 0 : i32
    %dma_wait3A_88 = tpu.memref_slice %arg2[%dma_wait3A_86, %dma_wait3A_87] : memref<4096x1024xf32, #tpu.memory_space<hbm>> -> memref<4096x1024xf32, #tpu.memory_space<hbm>>
    tpu.wait_indirect_dma semaphore(%arg9 : memref<!tpu.dma_semaphore, #tpu.memory_space<semaphore_mem>>) src(%dma_wait3A_88 : memref<4096x1024xf32, #tpu.memory_space<hbm>>) dst(%arg7 : memref<48x1024xf32, #tpu.memory_space<vmem>>)
    %add3A_89 = arith.constant 144 : i32
    %add3A_90 = arith.addi %mul3A_4, %add3A_89 : i32
    %dma_start3A_91 = arith.constant 0 : i32
    %dma_start3A_92 = tpu.memref_slice %arg4[%add3A_90, %dma_start3A_91] : memref<6144x1024xf32, #tpu.memory_space<hbm>> -> memref<48x1024xf32, #tpu.memory_space<hbm>>
    %dma_start3A_93 = arith.constant 0 : i32
    %dma_start3A_94 = tpu.memref_slice %arg4[%add3A_90, %dma_start3A_93] : memref<6144x1024xf32, #tpu.memory_space<hbm>> -> memref<48x1024xf32, #tpu.memory_space<hbm>>
    tpu.enqueue_dma source(%arg7 : memref<48x1024xf32, #tpu.memory_space<vmem>>) target(%dma_start3A_94 : memref<48x1024xf32, #tpu.memory_space<hbm>>) target_semaphore(%arg10 : memref<!tpu.dma_semaphore, #tpu.memory_space<semaphore_mem>>)
    %dma_wait3A_95 = arith.constant 0 : i32
    %dma_wait3A_96 = arith.constant 0 : i32
    %dma_wait3A_97 = tpu.memref_slice %arg4[%dma_wait3A_95, %dma_wait3A_96] : memref<6144x1024xf32, #tpu.memory_space<hbm>> -> memref<48x1024xf32, #tpu.memory_space<hbm>>
    %dma_wait3A_98 = arith.constant 0 : i32
    %dma_wait3A_99 = arith.constant 0 : i32
    %dma_wait3A_100 = tpu.memref_slice %arg4[%dma_wait3A_98, %dma_wait3A_99] : memref<6144x1024xf32, #tpu.memory_space<hbm>> -> memref<48x1024xf32, #tpu.memory_space<hbm>>
    tpu.wait_dma2 semaphore(%arg10 : memref<!tpu.dma_semaphore, #tpu.memory_space<semaphore_mem>>) src(%arg6 : memref<48x1024xf32, #tpu.memory_space<vmem>>) dst(%dma_wait3A_100 : memref<48x1024xf32, #tpu.memory_space<hbm>>)
    %dma_wait3A_101 = arith.constant 0 : i32
    %dma_wait3A_102 = arith.constant 0 : i32
    %dma_wait3A_103 = tpu.memref_slice %arg4[%dma_wait3A_101, %dma_wait3A_102] : memref<6144x1024xf32, #tpu.memory_space<hbm>> -> memref<48x1024xf32, #tpu.memory_space<hbm>>
    %dma_wait3A_104 = arith.constant 0 : i32
    %dma_wait3A_105 = arith.constant 0 : i32
    %dma_wait3A_106 = tpu.memref_slice %arg4[%dma_wait3A_104, %dma_wait3A_105] : memref<6144x1024xf32, #tpu.memory_space<hbm>> -> memref<48x1024xf32, #tpu.memory_space<hbm>>
    tpu.wait_dma2 semaphore(%arg10 : memref<!tpu.dma_semaphore, #tpu.memory_space<semaphore_mem>>) src(%arg6 : memref<48x1024xf32, #tpu.memory_space<vmem>>) dst(%dma_wait3A_106 : memref<48x1024xf32, #tpu.memory_space<hbm>>)
    return
  }
}

#map = affine_map<(d0, d1) -> (0, 0)>
#map1 = affine_map<(d0, d1) -> (0, 0, 0)>
module attributes {stable_mosaic.version = 14 : i64} {
  func.func @k(%arg0: i32, %arg1: i32, %arg2: memref<28672x1024xf32, #tpu.memory_space<hbm>>, %arg3: memref<32x4x48xi32, #tpu.memory_space<hbm>>, %arg4: memref<6144x1024xf32, #tpu.memory_space<hbm>>, %arg5: memref<4x48xi32, #tpu.memory_space<vmem>>, %arg6: memref<48x1024xf32, #tpu.memory_space<vmem>>, %arg7: memref<48x1024xf32, #tpu.memory_space<vmem>>, %arg8: memref<!tpu.dma_semaphore, #tpu.memory_space<semaphore_mem>>, %arg9: memref<!tpu.dma_semaphore, #tpu.memory_space<semaphore_mem>>, %arg10: memref<!tpu.dma_semaphore, #tpu.memory_space<semaphore_mem>>) attributes {dimension_semantics = [#tpu.dimension_semantics<core_parallel>, #tpu.dimension_semantics<subcore_parallel>], iteration_bounds = array<i64: 2, 16>, scalar_prefetch = 0 : i64, scratch_operands = 6 : i64, tpu.core_type = #tpu.core_type<sc_vector_subcore>, window_params = [{transform_indices = #map}, {transform_indices = #map1}, {transform_indices = #map}]} {
    %mul3A = arith.constant 2 : i32
    %mul3A_0 = arith.muli %arg1, %mul3A : i32
    %add3A = arith.addi %mul3A_0, %arg0 : i32
    %mul3A_1 = arith.constant 4 : i32
    %mul3A_2 = arith.muli %add3A, %mul3A_1 : i32
    %mul3A_3 = arith.constant 48 : i32
    %mul3A_4 = arith.muli %mul3A_2, %mul3A_3 : i32
    "tpu.region"() ({
      %run_scoped3A = tpu.sem_alloc : memref<!tpu.dma_semaphore, #tpu.memory_space<semaphore_mem>>
      %dma_start3A_107 = arith.constant 0 : i32
      %dma_start3A_108 = arith.constant 0 : i32
      %dma_start3A_109 = tpu.memref_slice %arg3[%add3A, %dma_start3A_107, %dma_start3A_108] : memref<32x4x48xi32, #tpu.memory_space<hbm>> -> memref<1x4x48xi32, #tpu.memory_space<hbm>>
      %dma_start3A_110 = tpu.memref_squeeze %dma_start3A_109 : memref<1x4x48xi32, #tpu.memory_space<hbm>> -> memref<4x48xi32, #tpu.memory_space<hbm>>
      %dma_start3A_111 = arith.constant 0 : i32
      %dma_start3A_112 = arith.constant 0 : i32
      %dma_start3A_113 = tpu.memref_slice %arg3[%add3A, %dma_start3A_111, %dma_start3A_112] : memref<32x4x48xi32, #tpu.memory_space<hbm>> -> memref<1x4x48xi32, #tpu.memory_space<hbm>>
      %dma_start3A_114 = tpu.memref_squeeze %dma_start3A_113 : memref<1x4x48xi32, #tpu.memory_space<hbm>> -> memref<4x48xi32, #tpu.memory_space<hbm>>
      tpu.enqueue_dma source(%dma_start3A_114 : memref<4x48xi32, #tpu.memory_space<hbm>>) target(%arg5 : memref<4x48xi32, #tpu.memory_space<vmem>>) target_semaphore(%run_scoped3A : memref<!tpu.dma_semaphore, #tpu.memory_space<semaphore_mem>>)
      %dma_wait3A_115 = arith.constant 0 : i32
      %dma_wait3A_116 = arith.constant 0 : i32
      %dma_wait3A_117 = tpu.memref_slice %arg3[%add3A, %dma_wait3A_115, %dma_wait3A_116] : memref<32x4x48xi32, #tpu.memory_space<hbm>> -> memref<1x4x48xi32, #tpu.memory_space<hbm>>
      %dma_wait3A_118 = tpu.memref_squeeze %dma_wait3A_117 : memref<1x4x48xi32, #tpu.memory_space<hbm>> -> memref<4x48xi32, #tpu.memory_space<hbm>>
      %dma_wait3A_119 = arith.constant 0 : i32
      %dma_wait3A_120 = arith.constant 0 : i32
      %dma_wait3A_121 = tpu.memref_slice %arg3[%add3A, %dma_wait3A_119, %dma_wait3A_120] : memref<32x4x48xi32, #tpu.memory_space<hbm>> -> memref<1x4x48xi32, #tpu.memory_space<hbm>>
      %dma_wait3A_122 = tpu.memref_squeeze %dma_wait3A_121 : memref<1x4x48xi32, #tpu.memory_space<hbm>> -> memref<4x48xi32, #tpu.memory_space<hbm>>
      tpu.wait_dma2 semaphore(%run_scoped3A : memref<!tpu.dma_semaphore, #tpu.memory_space<semaphore_mem>>) src(%dma_wait3A_122 : memref<4x48xi32, #tpu.memory_space<hbm>>) dst(%arg5 : memref<4x48xi32, #tpu.memory_space<vmem>>)
      tpu.yield
    }) : () -> ()
    %dma_start3A = arith.constant 0 : i32
    %dma_start3A_5 = arith.constant 0 : i32
    %dma_start3A_6 = tpu.memref_slice %arg5[%dma_start3A, %dma_start3A_5] : memref<4x48xi32, #tpu.memory_space<vmem>> -> memref<1x48xi32, #tpu.memory_space<vmem>>
    %dma_start3A_7 = tpu.memref_squeeze %dma_start3A_6 : memref<1x48xi32, #tpu.memory_space<vmem>> -> memref<48xi32, #tpu.memory_space<vmem>>
    %dma_start3A_8 = arith.constant 0 : i32
    %dma_start3A_9 = arith.constant 0 : i32
    %dma_start3A_10 = tpu.memref_slice %arg2[%dma_start3A_8, %dma_start3A_9] : memref<28672x1024xf32, #tpu.memory_space<hbm>> -> memref<28672x1024xf32, #tpu.memory_space<hbm>>
    tpu.enqueue_indirect_dma source(%dma_start3A_10 : memref<28672x1024xf32, #tpu.memory_space<hbm>>) target(%arg6 : memref<48x1024xf32, #tpu.memory_space<vmem>>) offsets(%dma_start3A_7 : memref<48xi32, #tpu.memory_space<vmem>>) semaphore(%arg8 : memref<!tpu.dma_semaphore, #tpu.memory_space<semaphore_mem>>)
    %dma_wait3A = arith.constant 0 : i32
    %dma_wait3A_11 = arith.constant 0 : i32
    %dma_wait3A_12 = tpu.memref_slice %arg5[%dma_wait3A, %dma_wait3A_11] : memref<4x48xi32, #tpu.memory_space<vmem>> -> memref<1x48xi32, #tpu.memory_space<vmem>>
    %dma_wait3A_13 = tpu.memref_squeeze %dma_wait3A_12 : memref<1x48xi32, #tpu.memory_space<vmem>> -> memref<48xi32, #tpu.memory_space<vmem>>
    %dma_wait3A_14 = arith.constant 0 : i32
    %dma_wait3A_15 = arith.constant 0 : i32
    %dma_wait3A_16 = tpu.memref_slice %arg2[%dma_wait3A_14, %dma_wait3A_15] : memref<28672x1024xf32, #tpu.memory_space<hbm>> -> memref<28672x1024xf32, #tpu.memory_space<hbm>>
    tpu.wait_indirect_dma semaphore(%arg8 : memref<!tpu.dma_semaphore, #tpu.memory_space<semaphore_mem>>) src(%dma_wait3A_16 : memref<28672x1024xf32, #tpu.memory_space<hbm>>) dst(%arg6 : memref<48x1024xf32, #tpu.memory_space<vmem>>)
    %dma_start3A_17 = arith.constant 1 : i32
    %dma_start3A_18 = arith.constant 0 : i32
    %dma_start3A_19 = tpu.memref_slice %arg5[%dma_start3A_17, %dma_start3A_18] : memref<4x48xi32, #tpu.memory_space<vmem>> -> memref<1x48xi32, #tpu.memory_space<vmem>>
    %dma_start3A_20 = tpu.memref_squeeze %dma_start3A_19 : memref<1x48xi32, #tpu.memory_space<vmem>> -> memref<48xi32, #tpu.memory_space<vmem>>
    %dma_start3A_21 = arith.constant 0 : i32
    %dma_start3A_22 = arith.constant 0 : i32
    %dma_start3A_23 = tpu.memref_slice %arg2[%dma_start3A_21, %dma_start3A_22] : memref<28672x1024xf32, #tpu.memory_space<hbm>> -> memref<28672x1024xf32, #tpu.memory_space<hbm>>
    tpu.enqueue_indirect_dma source(%dma_start3A_23 : memref<28672x1024xf32, #tpu.memory_space<hbm>>) target(%arg7 : memref<48x1024xf32, #tpu.memory_space<vmem>>) offsets(%dma_start3A_20 : memref<48xi32, #tpu.memory_space<vmem>>) semaphore(%arg9 : memref<!tpu.dma_semaphore, #tpu.memory_space<semaphore_mem>>)
    %add3A_24 = arith.constant 0 : i32
    %add3A_25 = arith.addi %mul3A_4, %add3A_24 : i32
    %dma_start3A_26 = arith.constant 0 : i32
    %dma_start3A_27 = tpu.memref_slice %arg4[%add3A_25, %dma_start3A_26] : memref<6144x1024xf32, #tpu.memory_space<hbm>> -> memref<48x1024xf32, #tpu.memory_space<hbm>>
    %dma_start3A_28 = arith.constant 0 : i32
    %dma_start3A_29 = tpu.memref_slice %arg4[%add3A_25, %dma_start3A_28] : memref<6144x1024xf32, #tpu.memory_space<hbm>> -> memref<48x1024xf32, #tpu.memory_space<hbm>>
    tpu.enqueue_dma source(%arg6 : memref<48x1024xf32, #tpu.memory_space<vmem>>) target(%dma_start3A_29 : memref<48x1024xf32, #tpu.memory_space<hbm>>) target_semaphore(%arg10 : memref<!tpu.dma_semaphore, #tpu.memory_space<semaphore_mem>>)
    %dma_wait3A_30 = arith.constant 1 : i32
    %dma_wait3A_31 = arith.constant 0 : i32
    %dma_wait3A_32 = tpu.memref_slice %arg5[%dma_wait3A_30, %dma_wait3A_31] : memref<4x48xi32, #tpu.memory_space<vmem>> -> memref<1x48xi32, #tpu.memory_space<vmem>>
    %dma_wait3A_33 = tpu.memref_squeeze %dma_wait3A_32 : memref<1x48xi32, #tpu.memory_space<vmem>> -> memref<48xi32, #tpu.memory_space<vmem>>
    %dma_wait3A_34 = arith.constant 0 : i32
    %dma_wait3A_35 = arith.constant 0 : i32
    %dma_wait3A_36 = tpu.memref_slice %arg2[%dma_wait3A_34, %dma_wait3A_35] : memref<28672x1024xf32, #tpu.memory_space<hbm>> -> memref<28672x1024xf32, #tpu.memory_space<hbm>>
    tpu.wait_indirect_dma semaphore(%arg9 : memref<!tpu.dma_semaphore, #tpu.memory_space<semaphore_mem>>) src(%dma_wait3A_36 : memref<28672x1024xf32, #tpu.memory_space<hbm>>) dst(%arg7 : memref<48x1024xf32, #tpu.memory_space<vmem>>)
    %dma_wait3A_37 = arith.constant 0 : i32
    %dma_wait3A_38 = arith.constant 0 : i32
    %dma_wait3A_39 = tpu.memref_slice %arg4[%dma_wait3A_37, %dma_wait3A_38] : memref<6144x1024xf32, #tpu.memory_space<hbm>> -> memref<48x1024xf32, #tpu.memory_space<hbm>>
    %dma_wait3A_40 = arith.constant 0 : i32
    %dma_wait3A_41 = arith.constant 0 : i32
    %dma_wait3A_42 = tpu.memref_slice %arg4[%dma_wait3A_40, %dma_wait3A_41] : memref<6144x1024xf32, #tpu.memory_space<hbm>> -> memref<48x1024xf32, #tpu.memory_space<hbm>>
    tpu.wait_dma2 semaphore(%arg10 : memref<!tpu.dma_semaphore, #tpu.memory_space<semaphore_mem>>) src(%arg6 : memref<48x1024xf32, #tpu.memory_space<vmem>>) dst(%dma_wait3A_42 : memref<48x1024xf32, #tpu.memory_space<hbm>>)
    %dma_start3A_43 = arith.constant 2 : i32
    %dma_start3A_44 = arith.constant 0 : i32
    %dma_start3A_45 = tpu.memref_slice %arg5[%dma_start3A_43, %dma_start3A_44] : memref<4x48xi32, #tpu.memory_space<vmem>> -> memref<1x48xi32, #tpu.memory_space<vmem>>
    %dma_start3A_46 = tpu.memref_squeeze %dma_start3A_45 : memref<1x48xi32, #tpu.memory_space<vmem>> -> memref<48xi32, #tpu.memory_space<vmem>>
    %dma_start3A_47 = arith.constant 0 : i32
    %dma_start3A_48 = arith.constant 0 : i32
    %dma_start3A_49 = tpu.memref_slice %arg2[%dma_start3A_47, %dma_start3A_48] : memref<28672x1024xf32, #tpu.memory_space<hbm>> -> memref<28672x1024xf32, #tpu.memory_space<hbm>>
    tpu.enqueue_indirect_dma source(%dma_start3A_49 : memref<28672x1024xf32, #tpu.memory_space<hbm>>) target(%arg6 : memref<48x1024xf32, #tpu.memory_space<vmem>>) offsets(%dma_start3A_46 : memref<48xi32, #tpu.memory_space<vmem>>) semaphore(%arg8 : memref<!tpu.dma_semaphore, #tpu.memory_space<semaphore_mem>>)
    %add3A_50 = arith.constant 48 : i32
    %add3A_51 = arith.addi %mul3A_4, %add3A_50 : i32
    %dma_start3A_52 = arith.constant 0 : i32
    %dma_start3A_53 = tpu.memref_slice %arg4[%add3A_51, %dma_start3A_52] : memref<6144x1024xf32, #tpu.memory_space<hbm>> -> memref<48x1024xf32, #tpu.memory_space<hbm>>
    %dma_start3A_54 = arith.constant 0 : i32
    %dma_start3A_55 = tpu.memref_slice %arg4[%add3A_51, %dma_start3A_54] : memref<6144x1024xf32, #tpu.memory_space<hbm>> -> memref<48x1024xf32, #tpu.memory_space<hbm>>
    tpu.enqueue_dma source(%arg7 : memref<48x1024xf32, #tpu.memory_space<vmem>>) target(%dma_start3A_55 : memref<48x1024xf32, #tpu.memory_space<hbm>>) target_semaphore(%arg10 : memref<!tpu.dma_semaphore, #tpu.memory_space<semaphore_mem>>)
    %dma_wait3A_56 = arith.constant 2 : i32
    %dma_wait3A_57 = arith.constant 0 : i32
    %dma_wait3A_58 = tpu.memref_slice %arg5[%dma_wait3A_56, %dma_wait3A_57] : memref<4x48xi32, #tpu.memory_space<vmem>> -> memref<1x48xi32, #tpu.memory_space<vmem>>
    %dma_wait3A_59 = tpu.memref_squeeze %dma_wait3A_58 : memref<1x48xi32, #tpu.memory_space<vmem>> -> memref<48xi32, #tpu.memory_space<vmem>>
    %dma_wait3A_60 = arith.constant 0 : i32
    %dma_wait3A_61 = arith.constant 0 : i32
    %dma_wait3A_62 = tpu.memref_slice %arg2[%dma_wait3A_60, %dma_wait3A_61] : memref<28672x1024xf32, #tpu.memory_space<hbm>> -> memref<28672x1024xf32, #tpu.memory_space<hbm>>
    tpu.wait_indirect_dma semaphore(%arg8 : memref<!tpu.dma_semaphore, #tpu.memory_space<semaphore_mem>>) src(%dma_wait3A_62 : memref<28672x1024xf32, #tpu.memory_space<hbm>>) dst(%arg6 : memref<48x1024xf32, #tpu.memory_space<vmem>>)
    %dma_wait3A_63 = arith.constant 0 : i32
    %dma_wait3A_64 = arith.constant 0 : i32
    %dma_wait3A_65 = tpu.memref_slice %arg4[%dma_wait3A_63, %dma_wait3A_64] : memref<6144x1024xf32, #tpu.memory_space<hbm>> -> memref<48x1024xf32, #tpu.memory_space<hbm>>
    %dma_wait3A_66 = arith.constant 0 : i32
    %dma_wait3A_67 = arith.constant 0 : i32
    %dma_wait3A_68 = tpu.memref_slice %arg4[%dma_wait3A_66, %dma_wait3A_67] : memref<6144x1024xf32, #tpu.memory_space<hbm>> -> memref<48x1024xf32, #tpu.memory_space<hbm>>
    tpu.wait_dma2 semaphore(%arg10 : memref<!tpu.dma_semaphore, #tpu.memory_space<semaphore_mem>>) src(%arg7 : memref<48x1024xf32, #tpu.memory_space<vmem>>) dst(%dma_wait3A_68 : memref<48x1024xf32, #tpu.memory_space<hbm>>)
    %dma_start3A_69 = arith.constant 3 : i32
    %dma_start3A_70 = arith.constant 0 : i32
    %dma_start3A_71 = tpu.memref_slice %arg5[%dma_start3A_69, %dma_start3A_70] : memref<4x48xi32, #tpu.memory_space<vmem>> -> memref<1x48xi32, #tpu.memory_space<vmem>>
    %dma_start3A_72 = tpu.memref_squeeze %dma_start3A_71 : memref<1x48xi32, #tpu.memory_space<vmem>> -> memref<48xi32, #tpu.memory_space<vmem>>
    %dma_start3A_73 = arith.constant 0 : i32
    %dma_start3A_74 = arith.constant 0 : i32
    %dma_start3A_75 = tpu.memref_slice %arg2[%dma_start3A_73, %dma_start3A_74] : memref<28672x1024xf32, #tpu.memory_space<hbm>> -> memref<28672x1024xf32, #tpu.memory_space<hbm>>
    tpu.enqueue_indirect_dma source(%dma_start3A_75 : memref<28672x1024xf32, #tpu.memory_space<hbm>>) target(%arg7 : memref<48x1024xf32, #tpu.memory_space<vmem>>) offsets(%dma_start3A_72 : memref<48xi32, #tpu.memory_space<vmem>>) semaphore(%arg9 : memref<!tpu.dma_semaphore, #tpu.memory_space<semaphore_mem>>)
    %add3A_76 = arith.constant 96 : i32
    %add3A_77 = arith.addi %mul3A_4, %add3A_76 : i32
    %dma_start3A_78 = arith.constant 0 : i32
    %dma_start3A_79 = tpu.memref_slice %arg4[%add3A_77, %dma_start3A_78] : memref<6144x1024xf32, #tpu.memory_space<hbm>> -> memref<48x1024xf32, #tpu.memory_space<hbm>>
    %dma_start3A_80 = arith.constant 0 : i32
    %dma_start3A_81 = tpu.memref_slice %arg4[%add3A_77, %dma_start3A_80] : memref<6144x1024xf32, #tpu.memory_space<hbm>> -> memref<48x1024xf32, #tpu.memory_space<hbm>>
    tpu.enqueue_dma source(%arg6 : memref<48x1024xf32, #tpu.memory_space<vmem>>) target(%dma_start3A_81 : memref<48x1024xf32, #tpu.memory_space<hbm>>) target_semaphore(%arg10 : memref<!tpu.dma_semaphore, #tpu.memory_space<semaphore_mem>>)
    %dma_wait3A_82 = arith.constant 3 : i32
    %dma_wait3A_83 = arith.constant 0 : i32
    %dma_wait3A_84 = tpu.memref_slice %arg5[%dma_wait3A_82, %dma_wait3A_83] : memref<4x48xi32, #tpu.memory_space<vmem>> -> memref<1x48xi32, #tpu.memory_space<vmem>>
    %dma_wait3A_85 = tpu.memref_squeeze %dma_wait3A_84 : memref<1x48xi32, #tpu.memory_space<vmem>> -> memref<48xi32, #tpu.memory_space<vmem>>
    %dma_wait3A_86 = arith.constant 0 : i32
    %dma_wait3A_87 = arith.constant 0 : i32
    %dma_wait3A_88 = tpu.memref_slice %arg2[%dma_wait3A_86, %dma_wait3A_87] : memref<28672x1024xf32, #tpu.memory_space<hbm>> -> memref<28672x1024xf32, #tpu.memory_space<hbm>>
    tpu.wait_indirect_dma semaphore(%arg9 : memref<!tpu.dma_semaphore, #tpu.memory_space<semaphore_mem>>) src(%dma_wait3A_88 : memref<28672x1024xf32, #tpu.memory_space<hbm>>) dst(%arg7 : memref<48x1024xf32, #tpu.memory_space<vmem>>)
    %add3A_89 = arith.constant 144 : i32
    %add3A_90 = arith.addi %mul3A_4, %add3A_89 : i32
    %dma_start3A_91 = arith.constant 0 : i32
    %dma_start3A_92 = tpu.memref_slice %arg4[%add3A_90, %dma_start3A_91] : memref<6144x1024xf32, #tpu.memory_space<hbm>> -> memref<48x1024xf32, #tpu.memory_space<hbm>>
    %dma_start3A_93 = arith.constant 0 : i32
    %dma_start3A_94 = tpu.memref_slice %arg4[%add3A_90, %dma_start3A_93] : memref<6144x1024xf32, #tpu.memory_space<hbm>> -> memref<48x1024xf32, #tpu.memory_space<hbm>>
    tpu.enqueue_dma source(%arg7 : memref<48x1024xf32, #tpu.memory_space<vmem>>) target(%dma_start3A_94 : memref<48x1024xf32, #tpu.memory_space<hbm>>) target_semaphore(%arg10 : memref<!tpu.dma_semaphore, #tpu.memory_space<semaphore_mem>>)
    %dma_wait3A_95 = arith.constant 0 : i32
    %dma_wait3A_96 = arith.constant 0 : i32
    %dma_wait3A_97 = tpu.memref_slice %arg4[%dma_wait3A_95, %dma_wait3A_96] : memref<6144x1024xf32, #tpu.memory_space<hbm>> -> memref<48x1024xf32, #tpu.memory_space<hbm>>
    %dma_wait3A_98 = arith.constant 0 : i32
    %dma_wait3A_99 = arith.constant 0 : i32
    %dma_wait3A_100 = tpu.memref_slice %arg4[%dma_wait3A_98, %dma_wait3A_99] : memref<6144x1024xf32, #tpu.memory_space<hbm>> -> memref<48x1024xf32, #tpu.memory_space<hbm>>
    tpu.wait_dma2 semaphore(%arg10 : memref<!tpu.dma_semaphore, #tpu.memory_space<semaphore_mem>>) src(%arg6 : memref<48x1024xf32, #tpu.memory_space<vmem>>) dst(%dma_wait3A_100 : memref<48x1024xf32, #tpu.memory_space<hbm>>)
    %dma_wait3A_101 = arith.constant 0 : i32
    %dma_wait3A_102 = arith.constant 0 : i32
    %dma_wait3A_103 = tpu.memref_slice %arg4[%dma_wait3A_101, %dma_wait3A_102] : memref<6144x1024xf32, #tpu.memory_space<hbm>> -> memref<48x1024xf32, #tpu.memory_space<hbm>>
    %dma_wait3A_104 = arith.constant 0 : i32
    %dma_wait3A_105 = arith.constant 0 : i32
    %dma_wait3A_106 = tpu.memref_slice %arg4[%dma_wait3A_104, %dma_wait3A_105] : memref<6144x1024xf32, #tpu.memory_space<hbm>> -> memref<48x1024xf32, #tpu.memory_space<hbm>>
    tpu.wait_dma2 semaphore(%arg10 : memref<!tpu.dma_semaphore, #tpu.memory_space<semaphore_mem>>) src(%arg6 : memref<48x1024xf32, #tpu.memory_space<vmem>>) dst(%dma_wait3A_106 : memref<48x1024xf32, #tpu.memory_space<hbm>>)
    return
  }
}

#map = affine_map<(d0, d1) -> (0, 0)>
#map1 = affine_map<(d0, d1) -> (0, 0, 0)>
module attributes {stable_mosaic.version = 14 : i64} {
  func.func @k(%arg0: i32, %arg1: i32, %arg2: memref<28672x1024xf32, #tpu.memory_space<hbm>>, %arg3: memref<32x4x32xi32, #tpu.memory_space<hbm>>, %arg4: memref<4096x1024xf32, #tpu.memory_space<hbm>>, %arg5: memref<4x32xi32, #tpu.memory_space<vmem>>, %arg6: memref<32x1024xf32, #tpu.memory_space<vmem>>, %arg7: memref<32x1024xf32, #tpu.memory_space<vmem>>, %arg8: memref<!tpu.dma_semaphore, #tpu.memory_space<semaphore_mem>>, %arg9: memref<!tpu.dma_semaphore, #tpu.memory_space<semaphore_mem>>, %arg10: memref<!tpu.dma_semaphore, #tpu.memory_space<semaphore_mem>>) attributes {dimension_semantics = [#tpu.dimension_semantics<core_parallel>, #tpu.dimension_semantics<subcore_parallel>], iteration_bounds = array<i64: 2, 16>, scalar_prefetch = 0 : i64, scratch_operands = 6 : i64, tpu.core_type = #tpu.core_type<sc_vector_subcore>, window_params = [{transform_indices = #map}, {transform_indices = #map1}, {transform_indices = #map}]} {
    %mul3A = arith.constant 2 : i32
    %mul3A_0 = arith.muli %arg1, %mul3A : i32
    %add3A = arith.addi %mul3A_0, %arg0 : i32
    %mul3A_1 = arith.constant 4 : i32
    %mul3A_2 = arith.muli %add3A, %mul3A_1 : i32
    %mul3A_3 = arith.constant 32 : i32
    %mul3A_4 = arith.muli %mul3A_2, %mul3A_3 : i32
    "tpu.region"() ({
      %run_scoped3A = tpu.sem_alloc : memref<!tpu.dma_semaphore, #tpu.memory_space<semaphore_mem>>
      %dma_start3A_107 = arith.constant 0 : i32
      %dma_start3A_108 = arith.constant 0 : i32
      %dma_start3A_109 = tpu.memref_slice %arg3[%add3A, %dma_start3A_107, %dma_start3A_108] : memref<32x4x32xi32, #tpu.memory_space<hbm>> -> memref<1x4x32xi32, #tpu.memory_space<hbm>>
      %dma_start3A_110 = tpu.memref_squeeze %dma_start3A_109 : memref<1x4x32xi32, #tpu.memory_space<hbm>> -> memref<4x32xi32, #tpu.memory_space<hbm>>
      %dma_start3A_111 = arith.constant 0 : i32
      %dma_start3A_112 = arith.constant 0 : i32
      %dma_start3A_113 = tpu.memref_slice %arg3[%add3A, %dma_start3A_111, %dma_start3A_112] : memref<32x4x32xi32, #tpu.memory_space<hbm>> -> memref<1x4x32xi32, #tpu.memory_space<hbm>>
      %dma_start3A_114 = tpu.memref_squeeze %dma_start3A_113 : memref<1x4x32xi32, #tpu.memory_space<hbm>> -> memref<4x32xi32, #tpu.memory_space<hbm>>
      tpu.enqueue_dma source(%dma_start3A_114 : memref<4x32xi32, #tpu.memory_space<hbm>>) target(%arg5 : memref<4x32xi32, #tpu.memory_space<vmem>>) target_semaphore(%run_scoped3A : memref<!tpu.dma_semaphore, #tpu.memory_space<semaphore_mem>>)
      %dma_wait3A_115 = arith.constant 0 : i32
      %dma_wait3A_116 = arith.constant 0 : i32
      %dma_wait3A_117 = tpu.memref_slice %arg3[%add3A, %dma_wait3A_115, %dma_wait3A_116] : memref<32x4x32xi32, #tpu.memory_space<hbm>> -> memref<1x4x32xi32, #tpu.memory_space<hbm>>
      %dma_wait3A_118 = tpu.memref_squeeze %dma_wait3A_117 : memref<1x4x32xi32, #tpu.memory_space<hbm>> -> memref<4x32xi32, #tpu.memory_space<hbm>>
      %dma_wait3A_119 = arith.constant 0 : i32
      %dma_wait3A_120 = arith.constant 0 : i32
      %dma_wait3A_121 = tpu.memref_slice %arg3[%add3A, %dma_wait3A_119, %dma_wait3A_120] : memref<32x4x32xi32, #tpu.memory_space<hbm>> -> memref<1x4x32xi32, #tpu.memory_space<hbm>>
      %dma_wait3A_122 = tpu.memref_squeeze %dma_wait3A_121 : memref<1x4x32xi32, #tpu.memory_space<hbm>> -> memref<4x32xi32, #tpu.memory_space<hbm>>
      tpu.wait_dma2 semaphore(%run_scoped3A : memref<!tpu.dma_semaphore, #tpu.memory_space<semaphore_mem>>) src(%dma_wait3A_122 : memref<4x32xi32, #tpu.memory_space<hbm>>) dst(%arg5 : memref<4x32xi32, #tpu.memory_space<vmem>>)
      tpu.yield
    }) : () -> ()
    %dma_start3A = arith.constant 0 : i32
    %dma_start3A_5 = arith.constant 0 : i32
    %dma_start3A_6 = tpu.memref_slice %arg5[%dma_start3A, %dma_start3A_5] : memref<4x32xi32, #tpu.memory_space<vmem>> -> memref<1x32xi32, #tpu.memory_space<vmem>>
    %dma_start3A_7 = tpu.memref_squeeze %dma_start3A_6 : memref<1x32xi32, #tpu.memory_space<vmem>> -> memref<32xi32, #tpu.memory_space<vmem>>
    %dma_start3A_8 = arith.constant 0 : i32
    %dma_start3A_9 = arith.constant 0 : i32
    %dma_start3A_10 = tpu.memref_slice %arg2[%dma_start3A_8, %dma_start3A_9] : memref<28672x1024xf32, #tpu.memory_space<hbm>> -> memref<28672x1024xf32, #tpu.memory_space<hbm>>
    tpu.enqueue_indirect_dma source(%dma_start3A_10 : memref<28672x1024xf32, #tpu.memory_space<hbm>>) target(%arg6 : memref<32x1024xf32, #tpu.memory_space<vmem>>) offsets(%dma_start3A_7 : memref<32xi32, #tpu.memory_space<vmem>>) semaphore(%arg8 : memref<!tpu.dma_semaphore, #tpu.memory_space<semaphore_mem>>)
    %dma_wait3A = arith.constant 0 : i32
    %dma_wait3A_11 = arith.constant 0 : i32
    %dma_wait3A_12 = tpu.memref_slice %arg5[%dma_wait3A, %dma_wait3A_11] : memref<4x32xi32, #tpu.memory_space<vmem>> -> memref<1x32xi32, #tpu.memory_space<vmem>>
    %dma_wait3A_13 = tpu.memref_squeeze %dma_wait3A_12 : memref<1x32xi32, #tpu.memory_space<vmem>> -> memref<32xi32, #tpu.memory_space<vmem>>
    %dma_wait3A_14 = arith.constant 0 : i32
    %dma_wait3A_15 = arith.constant 0 : i32
    %dma_wait3A_16 = tpu.memref_slice %arg2[%dma_wait3A_14, %dma_wait3A_15] : memref<28672x1024xf32, #tpu.memory_space<hbm>> -> memref<28672x1024xf32, #tpu.memory_space<hbm>>
    tpu.wait_indirect_dma semaphore(%arg8 : memref<!tpu.dma_semaphore, #tpu.memory_space<semaphore_mem>>) src(%dma_wait3A_16 : memref<28672x1024xf32, #tpu.memory_space<hbm>>) dst(%arg6 : memref<32x1024xf32, #tpu.memory_space<vmem>>)
    %dma_start3A_17 = arith.constant 1 : i32
    %dma_start3A_18 = arith.constant 0 : i32
    %dma_start3A_19 = tpu.memref_slice %arg5[%dma_start3A_17, %dma_start3A_18] : memref<4x32xi32, #tpu.memory_space<vmem>> -> memref<1x32xi32, #tpu.memory_space<vmem>>
    %dma_start3A_20 = tpu.memref_squeeze %dma_start3A_19 : memref<1x32xi32, #tpu.memory_space<vmem>> -> memref<32xi32, #tpu.memory_space<vmem>>
    %dma_start3A_21 = arith.constant 0 : i32
    %dma_start3A_22 = arith.constant 0 : i32
    %dma_start3A_23 = tpu.memref_slice %arg2[%dma_start3A_21, %dma_start3A_22] : memref<28672x1024xf32, #tpu.memory_space<hbm>> -> memref<28672x1024xf32, #tpu.memory_space<hbm>>
    tpu.enqueue_indirect_dma source(%dma_start3A_23 : memref<28672x1024xf32, #tpu.memory_space<hbm>>) target(%arg7 : memref<32x1024xf32, #tpu.memory_space<vmem>>) offsets(%dma_start3A_20 : memref<32xi32, #tpu.memory_space<vmem>>) semaphore(%arg9 : memref<!tpu.dma_semaphore, #tpu.memory_space<semaphore_mem>>)
    %add3A_24 = arith.constant 0 : i32
    %add3A_25 = arith.addi %mul3A_4, %add3A_24 : i32
    %dma_start3A_26 = arith.constant 0 : i32
    %dma_start3A_27 = tpu.memref_slice %arg4[%add3A_25, %dma_start3A_26] : memref<4096x1024xf32, #tpu.memory_space<hbm>> -> memref<32x1024xf32, #tpu.memory_space<hbm>>
    %dma_start3A_28 = arith.constant 0 : i32
    %dma_start3A_29 = tpu.memref_slice %arg4[%add3A_25, %dma_start3A_28] : memref<4096x1024xf32, #tpu.memory_space<hbm>> -> memref<32x1024xf32, #tpu.memory_space<hbm>>
    tpu.enqueue_dma source(%arg6 : memref<32x1024xf32, #tpu.memory_space<vmem>>) target(%dma_start3A_29 : memref<32x1024xf32, #tpu.memory_space<hbm>>) target_semaphore(%arg10 : memref<!tpu.dma_semaphore, #tpu.memory_space<semaphore_mem>>)
    %dma_wait3A_30 = arith.constant 1 : i32
    %dma_wait3A_31 = arith.constant 0 : i32
    %dma_wait3A_32 = tpu.memref_slice %arg5[%dma_wait3A_30, %dma_wait3A_31] : memref<4x32xi32, #tpu.memory_space<vmem>> -> memref<1x32xi32, #tpu.memory_space<vmem>>
    %dma_wait3A_33 = tpu.memref_squeeze %dma_wait3A_32 : memref<1x32xi32, #tpu.memory_space<vmem>> -> memref<32xi32, #tpu.memory_space<vmem>>
    %dma_wait3A_34 = arith.constant 0 : i32
    %dma_wait3A_35 = arith.constant 0 : i32
    %dma_wait3A_36 = tpu.memref_slice %arg2[%dma_wait3A_34, %dma_wait3A_35] : memref<28672x1024xf32, #tpu.memory_space<hbm>> -> memref<28672x1024xf32, #tpu.memory_space<hbm>>
    tpu.wait_indirect_dma semaphore(%arg9 : memref<!tpu.dma_semaphore, #tpu.memory_space<semaphore_mem>>) src(%dma_wait3A_36 : memref<28672x1024xf32, #tpu.memory_space<hbm>>) dst(%arg7 : memref<32x1024xf32, #tpu.memory_space<vmem>>)
    %dma_wait3A_37 = arith.constant 0 : i32
    %dma_wait3A_38 = arith.constant 0 : i32
    %dma_wait3A_39 = tpu.memref_slice %arg4[%dma_wait3A_37, %dma_wait3A_38] : memref<4096x1024xf32, #tpu.memory_space<hbm>> -> memref<32x1024xf32, #tpu.memory_space<hbm>>
    %dma_wait3A_40 = arith.constant 0 : i32
    %dma_wait3A_41 = arith.constant 0 : i32
    %dma_wait3A_42 = tpu.memref_slice %arg4[%dma_wait3A_40, %dma_wait3A_41] : memref<4096x1024xf32, #tpu.memory_space<hbm>> -> memref<32x1024xf32, #tpu.memory_space<hbm>>
    tpu.wait_dma2 semaphore(%arg10 : memref<!tpu.dma_semaphore, #tpu.memory_space<semaphore_mem>>) src(%arg6 : memref<32x1024xf32, #tpu.memory_space<vmem>>) dst(%dma_wait3A_42 : memref<32x1024xf32, #tpu.memory_space<hbm>>)
    %dma_start3A_43 = arith.constant 2 : i32
    %dma_start3A_44 = arith.constant 0 : i32
    %dma_start3A_45 = tpu.memref_slice %arg5[%dma_start3A_43, %dma_start3A_44] : memref<4x32xi32, #tpu.memory_space<vmem>> -> memref<1x32xi32, #tpu.memory_space<vmem>>
    %dma_start3A_46 = tpu.memref_squeeze %dma_start3A_45 : memref<1x32xi32, #tpu.memory_space<vmem>> -> memref<32xi32, #tpu.memory_space<vmem>>
    %dma_start3A_47 = arith.constant 0 : i32
    %dma_start3A_48 = arith.constant 0 : i32
    %dma_start3A_49 = tpu.memref_slice %arg2[%dma_start3A_47, %dma_start3A_48] : memref<28672x1024xf32, #tpu.memory_space<hbm>> -> memref<28672x1024xf32, #tpu.memory_space<hbm>>
    tpu.enqueue_indirect_dma source(%dma_start3A_49 : memref<28672x1024xf32, #tpu.memory_space<hbm>>) target(%arg6 : memref<32x1024xf32, #tpu.memory_space<vmem>>) offsets(%dma_start3A_46 : memref<32xi32, #tpu.memory_space<vmem>>) semaphore(%arg8 : memref<!tpu.dma_semaphore, #tpu.memory_space<semaphore_mem>>)
    %add3A_50 = arith.constant 32 : i32
    %add3A_51 = arith.addi %mul3A_4, %add3A_50 : i32
    %dma_start3A_52 = arith.constant 0 : i32
    %dma_start3A_53 = tpu.memref_slice %arg4[%add3A_51, %dma_start3A_52] : memref<4096x1024xf32, #tpu.memory_space<hbm>> -> memref<32x1024xf32, #tpu.memory_space<hbm>>
    %dma_start3A_54 = arith.constant 0 : i32
    %dma_start3A_55 = tpu.memref_slice %arg4[%add3A_51, %dma_start3A_54] : memref<4096x1024xf32, #tpu.memory_space<hbm>> -> memref<32x1024xf32, #tpu.memory_space<hbm>>
    tpu.enqueue_dma source(%arg7 : memref<32x1024xf32, #tpu.memory_space<vmem>>) target(%dma_start3A_55 : memref<32x1024xf32, #tpu.memory_space<hbm>>) target_semaphore(%arg10 : memref<!tpu.dma_semaphore, #tpu.memory_space<semaphore_mem>>)
    %dma_wait3A_56 = arith.constant 2 : i32
    %dma_wait3A_57 = arith.constant 0 : i32
    %dma_wait3A_58 = tpu.memref_slice %arg5[%dma_wait3A_56, %dma_wait3A_57] : memref<4x32xi32, #tpu.memory_space<vmem>> -> memref<1x32xi32, #tpu.memory_space<vmem>>
    %dma_wait3A_59 = tpu.memref_squeeze %dma_wait3A_58 : memref<1x32xi32, #tpu.memory_space<vmem>> -> memref<32xi32, #tpu.memory_space<vmem>>
    %dma_wait3A_60 = arith.constant 0 : i32
    %dma_wait3A_61 = arith.constant 0 : i32
    %dma_wait3A_62 = tpu.memref_slice %arg2[%dma_wait3A_60, %dma_wait3A_61] : memref<28672x1024xf32, #tpu.memory_space<hbm>> -> memref<28672x1024xf32, #tpu.memory_space<hbm>>
    tpu.wait_indirect_dma semaphore(%arg8 : memref<!tpu.dma_semaphore, #tpu.memory_space<semaphore_mem>>) src(%dma_wait3A_62 : memref<28672x1024xf32, #tpu.memory_space<hbm>>) dst(%arg6 : memref<32x1024xf32, #tpu.memory_space<vmem>>)
    %dma_wait3A_63 = arith.constant 0 : i32
    %dma_wait3A_64 = arith.constant 0 : i32
    %dma_wait3A_65 = tpu.memref_slice %arg4[%dma_wait3A_63, %dma_wait3A_64] : memref<4096x1024xf32, #tpu.memory_space<hbm>> -> memref<32x1024xf32, #tpu.memory_space<hbm>>
    %dma_wait3A_66 = arith.constant 0 : i32
    %dma_wait3A_67 = arith.constant 0 : i32
    %dma_wait3A_68 = tpu.memref_slice %arg4[%dma_wait3A_66, %dma_wait3A_67] : memref<4096x1024xf32, #tpu.memory_space<hbm>> -> memref<32x1024xf32, #tpu.memory_space<hbm>>
    tpu.wait_dma2 semaphore(%arg10 : memref<!tpu.dma_semaphore, #tpu.memory_space<semaphore_mem>>) src(%arg7 : memref<32x1024xf32, #tpu.memory_space<vmem>>) dst(%dma_wait3A_68 : memref<32x1024xf32, #tpu.memory_space<hbm>>)
    %dma_start3A_69 = arith.constant 3 : i32
    %dma_start3A_70 = arith.constant 0 : i32
    %dma_start3A_71 = tpu.memref_slice %arg5[%dma_start3A_69, %dma_start3A_70] : memref<4x32xi32, #tpu.memory_space<vmem>> -> memref<1x32xi32, #tpu.memory_space<vmem>>
    %dma_start3A_72 = tpu.memref_squeeze %dma_start3A_71 : memref<1x32xi32, #tpu.memory_space<vmem>> -> memref<32xi32, #tpu.memory_space<vmem>>
    %dma_start3A_73 = arith.constant 0 : i32
    %dma_start3A_74 = arith.constant 0 : i32
    %dma_start3A_75 = tpu.memref_slice %arg2[%dma_start3A_73, %dma_start3A_74] : memref<28672x1024xf32, #tpu.memory_space<hbm>> -> memref<28672x1024xf32, #tpu.memory_space<hbm>>
    tpu.enqueue_indirect_dma source(%dma_start3A_75 : memref<28672x1024xf32, #tpu.memory_space<hbm>>) target(%arg7 : memref<32x1024xf32, #tpu.memory_space<vmem>>) offsets(%dma_start3A_72 : memref<32xi32, #tpu.memory_space<vmem>>) semaphore(%arg9 : memref<!tpu.dma_semaphore, #tpu.memory_space<semaphore_mem>>)
    %add3A_76 = arith.constant 64 : i32
    %add3A_77 = arith.addi %mul3A_4, %add3A_76 : i32
    %dma_start3A_78 = arith.constant 0 : i32
    %dma_start3A_79 = tpu.memref_slice %arg4[%add3A_77, %dma_start3A_78] : memref<4096x1024xf32, #tpu.memory_space<hbm>> -> memref<32x1024xf32, #tpu.memory_space<hbm>>
    %dma_start3A_80 = arith.constant 0 : i32
    %dma_start3A_81 = tpu.memref_slice %arg4[%add3A_77, %dma_start3A_80] : memref<4096x1024xf32, #tpu.memory_space<hbm>> -> memref<32x1024xf32, #tpu.memory_space<hbm>>
    tpu.enqueue_dma source(%arg6 : memref<32x1024xf32, #tpu.memory_space<vmem>>) target(%dma_start3A_81 : memref<32x1024xf32, #tpu.memory_space<hbm>>) target_semaphore(%arg10 : memref<!tpu.dma_semaphore, #tpu.memory_space<semaphore_mem>>)
    %dma_wait3A_82 = arith.constant 3 : i32
    %dma_wait3A_83 = arith.constant 0 : i32
    %dma_wait3A_84 = tpu.memref_slice %arg5[%dma_wait3A_82, %dma_wait3A_83] : memref<4x32xi32, #tpu.memory_space<vmem>> -> memref<1x32xi32, #tpu.memory_space<vmem>>
    %dma_wait3A_85 = tpu.memref_squeeze %dma_wait3A_84 : memref<1x32xi32, #tpu.memory_space<vmem>> -> memref<32xi32, #tpu.memory_space<vmem>>
    %dma_wait3A_86 = arith.constant 0 : i32
    %dma_wait3A_87 = arith.constant 0 : i32
    %dma_wait3A_88 = tpu.memref_slice %arg2[%dma_wait3A_86, %dma_wait3A_87] : memref<28672x1024xf32, #tpu.memory_space<hbm>> -> memref<28672x1024xf32, #tpu.memory_space<hbm>>
    tpu.wait_indirect_dma semaphore(%arg9 : memref<!tpu.dma_semaphore, #tpu.memory_space<semaphore_mem>>) src(%dma_wait3A_88 : memref<28672x1024xf32, #tpu.memory_space<hbm>>) dst(%arg7 : memref<32x1024xf32, #tpu.memory_space<vmem>>)
    %add3A_89 = arith.constant 96 : i32
    %add3A_90 = arith.addi %mul3A_4, %add3A_89 : i32
    %dma_start3A_91 = arith.constant 0 : i32
    %dma_start3A_92 = tpu.memref_slice %arg4[%add3A_90, %dma_start3A_91] : memref<4096x1024xf32, #tpu.memory_space<hbm>> -> memref<32x1024xf32, #tpu.memory_space<hbm>>
    %dma_start3A_93 = arith.constant 0 : i32
    %dma_start3A_94 = tpu.memref_slice %arg4[%add3A_90, %dma_start3A_93] : memref<4096x1024xf32, #tpu.memory_space<hbm>> -> memref<32x1024xf32, #tpu.memory_space<hbm>>
    tpu.enqueue_dma source(%arg7 : memref<32x1024xf32, #tpu.memory_space<vmem>>) target(%dma_start3A_94 : memref<32x1024xf32, #tpu.memory_space<hbm>>) target_semaphore(%arg10 : memref<!tpu.dma_semaphore, #tpu.memory_space<semaphore_mem>>)
    %dma_wait3A_95 = arith.constant 0 : i32
    %dma_wait3A_96 = arith.constant 0 : i32
    %dma_wait3A_97 = tpu.memref_slice %arg4[%dma_wait3A_95, %dma_wait3A_96] : memref<4096x1024xf32, #tpu.memory_space<hbm>> -> memref<32x1024xf32, #tpu.memory_space<hbm>>
    %dma_wait3A_98 = arith.constant 0 : i32
    %dma_wait3A_99 = arith.constant 0 : i32
    %dma_wait3A_100 = tpu.memref_slice %arg4[%dma_wait3A_98, %dma_wait3A_99] : memref<4096x1024xf32, #tpu.memory_space<hbm>> -> memref<32x1024xf32, #tpu.memory_space<hbm>>
    tpu.wait_dma2 semaphore(%arg10 : memref<!tpu.dma_semaphore, #tpu.memory_space<semaphore_mem>>) src(%arg6 : memref<32x1024xf32, #tpu.memory_space<vmem>>) dst(%dma_wait3A_100 : memref<32x1024xf32, #tpu.memory_space<hbm>>)
    %dma_wait3A_101 = arith.constant 0 : i32
    %dma_wait3A_102 = arith.constant 0 : i32
    %dma_wait3A_103 = tpu.memref_slice %arg4[%dma_wait3A_101, %dma_wait3A_102] : memref<4096x1024xf32, #tpu.memory_space<hbm>> -> memref<32x1024xf32, #tpu.memory_space<hbm>>
    %dma_wait3A_104 = arith.constant 0 : i32
    %dma_wait3A_105 = arith.constant 0 : i32
    %dma_wait3A_106 = tpu.memref_slice %arg4[%dma_wait3A_104, %dma_wait3A_105] : memref<4096x1024xf32, #tpu.memory_space<hbm>> -> memref<32x1024xf32, #tpu.memory_space<hbm>>
    tpu.wait_dma2 semaphore(%arg10 : memref<!tpu.dma_semaphore, #tpu.memory_space<semaphore_mem>>) src(%arg6 : memref<32x1024xf32, #tpu.memory_space<vmem>>) dst(%dma_wait3A_106 : memref<32x1024xf32, #tpu.memory_space<hbm>>)
    return
  }
}

module attributes {stable_mosaic.version = 14 : i64} {
  func.func @_cids_body(%arg0: i32, %arg1: memref<4xi32, #tpu.memory_space<smem>>, %arg2: memref<4096x4xi32, #tpu.memory_space<vmem>>, %arg3: memref<4x256xi32, #tpu.memory_space<vmem>>) attributes {dimension_semantics = [#tpu.dimension_semantics<arbitrary>], iteration_bounds = array<i64: 24>, scalar_prefetch = 1 : i64, scratch_operands = 0 : i64, tpu.core_type = #tpu.core_type<tc>, window_params = [{pipeline_mode = #tpu.pipeline_mode<synchronous>, transform_indices = @transform_0, window_bounds = array<i64: 4096, 4>}, {transform_indices = @transform_1, window_bounds = array<i64: 4, 256>}]} {
    %iota3A = tpu.iota {dimensions = array<i32: 0>} : vector<4096x256xi32>
    %mul3A = arith.constant 256 : i32
    %mul3A_0 = arith.muli %arg0, %mul3A : i32
    %iota3A_1 = tpu.iota {dimensions = array<i32: 1>} : vector<4096x256xi32>
    %add3A = vector.broadcast %mul3A_0 : i32 to vector<4096x256xi32>
    %add3A_2 = arith.addi %add3A, %iota3A_1 : vector<4096x256xi32>
    %slice3A = vector.extract_strided_slice %add3A_2 {offsets = [0, 0], sizes = [1, 256], strides = [1, 1]} : vector<4096x256xi32> to vector<1x256xi32>
    %and3A = arith.constant 4095 : i32
    %and3A_3 = vector.broadcast %and3A : i32 to vector<1x256xi32>
    %and3A_4 = arith.andi %slice3A, %and3A_3 : vector<1x256xi32>
    %get3A = arith.constant 0 : index
    %get3A_5 = memref.load %arg1[%get3A] : memref<4xi32, #tpu.memory_space<smem>>
    %lt3A = arith.cmpi slt, %arg0, %get3A_5 : i32
    %convert_element_type3A = arith.extui %lt3A : i1 to i32
    %cond3A = arith.constant 1073741824 : i32
    %cond3A_6 = arith.constant 0 : i32
    %cond3A_7 = arith.cmpi ne, %convert_element_type3A, %cond3A_6 : i32
    scf.if %cond3A_7 {
      %get3A_73 = arith.constant 0 : index
      %get3A_74 = arith.constant 0 : index
      %get3A_75 = vector.load %arg2[%get3A_73, %get3A_74] : memref<4096x4xi32, #tpu.memory_space<vmem>>, vector<4096x1xi32>
      %eq3A = vector.broadcast %get3A_75 : vector<4096x1xi32> to vector<4096x256xi32>
      %eq3A_76 = arith.cmpi eq, %eq3A, %add3A_2 : vector<4096x256xi32>
      %broadcast_in_dim3A = vector.broadcast %cond3A : i32 to vector<4096x256xi32>
      %select_n3A = arith.select %eq3A_76, %iota3A, %broadcast_in_dim3A : vector<4096x256xi1>, vector<4096x256xi32>
      %reduce_min3A = arith.constant dense<2147483647> : vector<256xi32>
      %reduce_min3A_77 = vector.multi_reduction <minsi>, %select_n3A, %reduce_min3A [0] : vector<4096x256xi32> to vector<256xi32>
      %broadcast_in_dim3A_78 = vector.shape_cast %reduce_min3A_77 : vector<256xi32> to vector<1x256xi32>
      %eq3A_79 = vector.broadcast %cond3A : i32 to vector<1x256xi32>
      %eq3A_80 = arith.cmpi eq, %broadcast_in_dim3A_78, %eq3A_79 : vector<1x256xi32>
      %select_n3A_81 = arith.select %eq3A_80, %and3A_4, %broadcast_in_dim3A_78 : vector<1x256xi1>, vector<1x256xi32>
      %swap3A = arith.constant 0 : index
      %swap3A_82 = arith.constant 0 : index
      %swap3A_83 = vector.load %arg3[%swap3A, %swap3A_82] : memref<4x256xi32, #tpu.memory_space<vmem>>, vector<1x256xi32>
      tpu.vector_store %arg3[%swap3A, %swap3A_82], %select_n3A_81 {strides = array<i32>} : memref<4x256xi32, #tpu.memory_space<vmem>>, vector<1x256xi32>,
    } else {
    }
    %get3A_8 = arith.constant 0 : index
    %get3A_9 = memref.load %arg1[%get3A_8] : memref<4xi32, #tpu.memory_space<smem>>
    %ge3A = arith.cmpi sge, %arg0, %get3A_9 : i32
    %convert_element_type3A_10 = arith.extui %ge3A : i1 to i32
    %cond3A_11 = arith.constant 0 : i32
    %cond3A_12 = arith.cmpi ne, %convert_element_type3A_10, %cond3A_11 : i32
    scf.if %cond3A_12 {
      %broadcast_in_dim3A = arith.constant 0 : i32
      %broadcast_in_dim3A_73 = vector.broadcast %broadcast_in_dim3A : i32 to vector<1x256xi32>
      %add3A_74 = arith.addi %and3A_4, %broadcast_in_dim3A_73 : vector<1x256xi32>
      %swap3A = arith.constant 0 : index
      %swap3A_75 = arith.constant 0 : index
      %swap3A_76 = vector.load %arg3[%swap3A, %swap3A_75] : memref<4x256xi32, #tpu.memory_space<vmem>>, vector<1x256xi32>
      tpu.vector_store %arg3[%swap3A, %swap3A_75], %add3A_74 {strides = array<i32>} : memref<4x256xi32, #tpu.memory_space<vmem>>, vector<1x256xi32>,
    } else {
    }
    %slice3A_13 = vector.extract_strided_slice %add3A_2 {offsets = [0, 0], sizes = [1, 256], strides = [1, 1]} : vector<4096x256xi32> to vector<1x256xi32>
    %and3A_14 = arith.constant 4095 : i32
    %and3A_15 = vector.broadcast %and3A_14 : i32 to vector<1x256xi32>
    %and3A_16 = arith.andi %slice3A_13, %and3A_15 : vector<1x256xi32>
    %add3A_17 = arith.constant 24576 : i32
    %add3A_18 = vector.broadcast %add3A_17 : i32 to vector<1x256xi32>
    %add3A_19 = arith.addi %add3A_18, %and3A_16 : vector<1x256xi32>
    %get3A_20 = arith.constant 1 : index
    %get3A_21 = memref.load %arg1[%get3A_20] : memref<4xi32, #tpu.memory_space<smem>>
    %lt3A_22 = arith.cmpi slt, %arg0, %get3A_21 : i32
    %convert_element_type3A_23 = arith.extui %lt3A_22 : i1 to i32
    %cond3A_24 = arith.constant 1073741824 : i32
    %cond3A_25 = arith.constant 0 : i32
    %cond3A_26 = arith.cmpi ne, %convert_element_type3A_23, %cond3A_25 : i32
    scf.if %cond3A_26 {
      %get3A_73 = arith.constant 0 : index
      %get3A_74 = arith.constant 1 : index
      %get3A_75 = vector.load %arg2[%get3A_73, %get3A_74] : memref<4096x4xi32, #tpu.memory_space<vmem>>, vector<4096x1xi32>
      %get3A_76 = arith.constant 0 : index
      %get3A_77 = arith.constant 0 : index
      %get3A_78 = vector.load %arg2[%get3A_76, %get3A_77] : memref<4096x4xi32, #tpu.memory_space<vmem>>, vector<4096x1xi32>
      %add3A_79 = arith.constant 0 : i32
      %add3A_80 = vector.broadcast %add3A_79 : i32 to vector<4096x1xi32>
      %add3A_81 = arith.addi %add3A_80, %get3A_78 : vector<4096x1xi32>
      %broadcast_in_dim3A = arith.constant 0 : i32
      %broadcast_in_dim3A_82 = vector.broadcast %broadcast_in_dim3A : i32 to vector<4096x256xi32>
      %add3A_83 = vector.broadcast %add3A_81 : vector<4096x1xi32> to vector<4096x256xi32>
      %add3A_84 = arith.addi %add3A_83, %broadcast_in_dim3A_82 : vector<4096x256xi32>
      %eq3A = vector.broadcast %get3A_75 : vector<4096x1xi32> to vector<4096x256xi32>
      %eq3A_85 = arith.cmpi eq, %eq3A, %add3A_2 : vector<4096x256xi32>
      %broadcast_in_dim3A_86 = vector.broadcast %cond3A_24 : i32 to vector<4096x256xi32>
      %select_n3A = arith.select %eq3A_85, %add3A_84, %broadcast_in_dim3A_86 : vector<4096x256xi1>, vector<4096x256xi32>
      %reduce_min3A = arith.constant dense<2147483647> : vector<256xi32>
      %reduce_min3A_87 = vector.multi_reduction <minsi>, %select_n3A, %reduce_min3A [0] : vector<4096x256xi32> to vector<256xi32>
      %broadcast_in_dim3A_88 = vector.shape_cast %reduce_min3A_87 : vector<256xi32> to vector<1x256xi32>
      %eq3A_89 = vector.broadcast %cond3A_24 : i32 to vector<1x256xi32>
      %eq3A_90 = arith.cmpi eq, %broadcast_in_dim3A_88, %eq3A_89 : vector<1x256xi32>
      %select_n3A_91 = arith.select %eq3A_90, %add3A_19, %broadcast_in_dim3A_88 : vector<1x256xi1>, vector<1x256xi32>
      %swap3A = arith.constant 1 : index
      %swap3A_92 = arith.constant 0 : index
      %swap3A_93 = vector.load %arg3[%swap3A, %swap3A_92] : memref<4x256xi32, #tpu.memory_space<vmem>>, vector<1x256xi32>
      tpu.vector_store %arg3[%swap3A, %swap3A_92], %select_n3A_91 {strides = array<i32>} : memref<4x256xi32, #tpu.memory_space<vmem>>, vector<1x256xi32>,
    } else {
    }
    %get3A_27 = arith.constant 1 : index
    %get3A_28 = memref.load %arg1[%get3A_27] : memref<4xi32, #tpu.memory_space<smem>>
    %ge3A_29 = arith.cmpi sge, %arg0, %get3A_28 : i32
    %convert_element_type3A_30 = arith.extui %ge3A_29 : i1 to i32
    %cond3A_31 = arith.constant 0 : i32
    %cond3A_32 = arith.cmpi ne, %convert_element_type3A_30, %cond3A_31 : i32
    scf.if %cond3A_32 {
      %broadcast_in_dim3A = arith.constant 0 : i32
      %broadcast_in_dim3A_73 = vector.broadcast %broadcast_in_dim3A : i32 to vector<1x256xi32>
      %add3A_74 = arith.addi %add3A_19, %broadcast_in_dim3A_73 : vector<1x256xi32>
      %swap3A = arith.constant 1 : index
      %swap3A_75 = arith.constant 0 : index
      %swap3A_76 = vector.load %arg3[%swap3A, %swap3A_75] : memref<4x256xi32, #tpu.memory_space<vmem>>, vector<1x256xi32>
      tpu.vector_store %arg3[%swap3A, %swap3A_75], %add3A_74 {strides = array<i32>} : memref<4x256xi32, #tpu.memory_space<vmem>>, vector<1x256xi32>,
    } else {
    }
    %slice3A_33 = vector.extract_strided_slice %add3A_2 {offsets = [0, 0], sizes = [1, 256], strides = [1, 1]} : vector<4096x256xi32> to vector<1x256xi32>
    %and3A_34 = arith.constant 4095 : i32
    %and3A_35 = vector.broadcast %and3A_34 : i32 to vector<1x256xi32>
    %and3A_36 = arith.andi %slice3A_33, %and3A_35 : vector<1x256xi32>
    %add3A_37 = arith.constant 24576 : i32
    %add3A_38 = vector.broadcast %add3A_37 : i32 to vector<1x256xi32>
    %add3A_39 = arith.addi %add3A_38, %and3A_36 : vector<1x256xi32>
    %get3A_40 = arith.constant 2 : index
    %get3A_41 = memref.load %arg1[%get3A_40] : memref<4xi32, #tpu.memory_space<smem>>
    %lt3A_42 = arith.cmpi slt, %arg0, %get3A_41 : i32
    %convert_element_type3A_43 = arith.extui %lt3A_42 : i1 to i32
    %cond3A_44 = arith.constant 1073741824 : i32
    %cond3A_45 = arith.constant 0 : i32
    %cond3A_46 = arith.cmpi ne, %convert_element_type3A_43, %cond3A_45 : i32
    scf.if %cond3A_46 {
      %get3A_73 = arith.constant 0 : index
      %get3A_74 = arith.constant 2 : index
      %get3A_75 = vector.load %arg2[%get3A_73, %get3A_74] : memref<4096x4xi32, #tpu.memory_space<vmem>>, vector<4096x1xi32>
      %get3A_76 = arith.constant 0 : index
      %get3A_77 = arith.constant 1 : index
      %get3A_78 = vector.load %arg2[%get3A_76, %get3A_77] : memref<4096x4xi32, #tpu.memory_space<vmem>>, vector<4096x1xi32>
      %add3A_79 = arith.constant 6144 : i32
      %add3A_80 = vector.broadcast %add3A_79 : i32 to vector<4096x1xi32>
      %add3A_81 = arith.addi %add3A_80, %get3A_78 : vector<4096x1xi32>
      %broadcast_in_dim3A = arith.constant 0 : i32
      %broadcast_in_dim3A_82 = vector.broadcast %broadcast_in_dim3A : i32 to vector<4096x256xi32>
      %add3A_83 = vector.broadcast %add3A_81 : vector<4096x1xi32> to vector<4096x256xi32>
      %add3A_84 = arith.addi %add3A_83, %broadcast_in_dim3A_82 : vector<4096x256xi32>
      %eq3A = vector.broadcast %get3A_75 : vector<4096x1xi32> to vector<4096x256xi32>
      %eq3A_85 = arith.cmpi eq, %eq3A, %add3A_2 : vector<4096x256xi32>
      %broadcast_in_dim3A_86 = vector.broadcast %cond3A_44 : i32 to vector<4096x256xi32>
      %select_n3A = arith.select %eq3A_85, %add3A_84, %broadcast_in_dim3A_86 : vector<4096x256xi1>, vector<4096x256xi32>
      %reduce_min3A = arith.constant dense<2147483647> : vector<256xi32>
      %reduce_min3A_87 = vector.multi_reduction <minsi>, %select_n3A, %reduce_min3A [0] : vector<4096x256xi32> to vector<256xi32>
      %broadcast_in_dim3A_88 = vector.shape_cast %reduce_min3A_87 : vector<256xi32> to vector<1x256xi32>
      %eq3A_89 = vector.broadcast %cond3A_44 : i32 to vector<1x256xi32>
      %eq3A_90 = arith.cmpi eq, %broadcast_in_dim3A_88, %eq3A_89 : vector<1x256xi32>
      %select_n3A_91 = arith.select %eq3A_90, %add3A_39, %broadcast_in_dim3A_88 : vector<1x256xi1>, vector<1x256xi32>
      %swap3A = arith.constant 2 : index
      %swap3A_92 = arith.constant 0 : index
      %swap3A_93 = vector.load %arg3[%swap3A, %swap3A_92] : memref<4x256xi32, #tpu.memory_space<vmem>>, vector<1x256xi32>
      tpu.vector_store %arg3[%swap3A, %swap3A_92], %select_n3A_91 {strides = array<i32>} : memref<4x256xi32, #tpu.memory_space<vmem>>, vector<1x256xi32>,
    } else {
    }
    %get3A_47 = arith.constant 2 : index
    %get3A_48 = memref.load %arg1[%get3A_47] : memref<4xi32, #tpu.memory_space<smem>>
    %ge3A_49 = arith.cmpi sge, %arg0, %get3A_48 : i32
    %convert_element_type3A_50 = arith.extui %ge3A_49 : i1 to i32
    %cond3A_51 = arith.constant 0 : i32
    %cond3A_52 = arith.cmpi ne, %convert_element_type3A_50, %cond3A_51 : i32
    scf.if %cond3A_52 {
      %broadcast_in_dim3A = arith.constant 0 : i32
      %broadcast_in_dim3A_73 = vector.broadcast %broadcast_in_dim3A : i32 to vector<1x256xi32>
      %add3A_74 = arith.addi %add3A_39, %broadcast_in_dim3A_73 : vector<1x256xi32>
      %swap3A = arith.constant 2 : index
      %swap3A_75 = arith.constant 0 : index
      %swap3A_76 = vector.load %arg3[%swap3A, %swap3A_75] : memref<4x256xi32, #tpu.memory_space<vmem>>, vector<1x256xi32>
      tpu.vector_store %arg3[%swap3A, %swap3A_75], %add3A_74 {strides = array<i32>} : memref<4x256xi32, #tpu.memory_space<vmem>>, vector<1x256xi32>,
    } else {
    }
    %slice3A_53 = vector.extract_strided_slice %add3A_2 {offsets = [0, 0], sizes = [1, 256], strides = [1, 1]} : vector<4096x256xi32> to vector<1x256xi32>
    %and3A_54 = arith.constant 4095 : i32
    %and3A_55 = vector.broadcast %and3A_54 : i32 to vector<1x256xi32>
    %and3A_56 = arith.andi %slice3A_53, %and3A_55 : vector<1x256xi32>
    %add3A_57 = arith.constant 24576 : i32
    %add3A_58 = vector.broadcast %add3A_57 : i32 to vector<1x256xi32>
    %add3A_59 = arith.addi %add3A_58, %and3A_56 : vector<1x256xi32>
    %get3A_60 = arith.constant 3 : index
    %get3A_61 = memref.load %arg1[%get3A_60] : memref<4xi32, #tpu.memory_space<smem>>
    %lt3A_62 = arith.cmpi slt, %arg0, %get3A_61 : i32
    %convert_element_type3A_63 = arith.extui %lt3A_62 : i1 to i32
    %cond3A_64 = arith.constant 1073741824 : i32
    %cond3A_65 = arith.constant 0 : i32
    %cond3A_66 = arith.cmpi ne, %convert_element_type3A_63, %cond3A_65 : i32
    scf.if %cond3A_66 {
      %get3A_73 = arith.constant 0 : index
      %get3A_74 = arith.constant 3 : index
      %get3A_75 = vector.load %arg2[%get3A_73, %get3A_74] : memref<4096x4xi32, #tpu.memory_space<vmem>>, vector<4096x1xi32>
      %get3A_76 = arith.constant 0 : index
      %get3A_77 = arith.constant 2 : index
      %get3A_78 = vector.load %arg2[%get3A_76, %get3A_77] : memref<4096x4xi32, #tpu.memory_space<vmem>>, vector<4096x1xi32>
      %add3A_79 = arith.constant 12288 : i32
      %add3A_80 = vector.broadcast %add3A_79 : i32 to vector<4096x1xi32>
      %add3A_81 = arith.addi %add3A_80, %get3A_78 : vector<4096x1xi32>
      %broadcast_in_dim3A = arith.constant 0 : i32
      %broadcast_in_dim3A_82 = vector.broadcast %broadcast_in_dim3A : i32 to vector<4096x256xi32>
      %add3A_83 = vector.broadcast %add3A_81 : vector<4096x1xi32> to vector<4096x256xi32>
      %add3A_84 = arith.addi %add3A_83, %broadcast_in_dim3A_82 : vector<4096x256xi32>
      %eq3A = vector.broadcast %get3A_75 : vector<4096x1xi32> to vector<4096x256xi32>
      %eq3A_85 = arith.cmpi eq, %eq3A, %add3A_2 : vector<4096x256xi32>
      %broadcast_in_dim3A_86 = vector.broadcast %cond3A_64 : i32 to vector<4096x256xi32>
      %select_n3A = arith.select %eq3A_85, %add3A_84, %broadcast_in_dim3A_86 : vector<4096x256xi1>, vector<4096x256xi32>
      %reduce_min3A = arith.constant dense<2147483647> : vector<256xi32>
      %reduce_min3A_87 = vector.multi_reduction <minsi>, %select_n3A, %reduce_min3A [0] : vector<4096x256xi32> to vector<256xi32>
      %broadcast_in_dim3A_88 = vector.shape_cast %reduce_min3A_87 : vector<256xi32> to vector<1x256xi32>
      %eq3A_89 = vector.broadcast %cond3A_64 : i32 to vector<1x256xi32>
      %eq3A_90 = arith.cmpi eq, %broadcast_in_dim3A_88, %eq3A_89 : vector<1x256xi32>
      %select_n3A_91 = arith.select %eq3A_90, %add3A_59, %broadcast_in_dim3A_88 : vector<1x256xi1>, vector<1x256xi32>
      %swap3A = arith.constant 3 : index
      %swap3A_92 = arith.constant 0 : index
      %swap3A_93 = vector.load %arg3[%swap3A, %swap3A_92] : memref<4x256xi32, #tpu.memory_space<vmem>>, vector<1x256xi32>
      tpu.vector_store %arg3[%swap3A, %swap3A_92], %select_n3A_91 {strides = array<i32>} : memref<4x256xi32, #tpu.memory_space<vmem>>, vector<1x256xi32>,
    } else {
    }
    %get3A_67 = arith.constant 3 : index
    %get3A_68 = memref.load %arg1[%get3A_67] : memref<4xi32, #tpu.memory_space<smem>>
    %ge3A_69 = arith.cmpi sge, %arg0, %get3A_68 : i32
    %convert_element_type3A_70 = arith.extui %ge3A_69 : i1 to i32
    %cond3A_71 = arith.constant 0 : i32
    %cond3A_72 = arith.cmpi ne, %convert_element_type3A_70, %cond3A_71 : i32
    scf.if %cond3A_72 {
      %broadcast_in_dim3A = arith.constant 0 : i32
      %broadcast_in_dim3A_73 = vector.broadcast %broadcast_in_dim3A : i32 to vector<1x256xi32>
      %add3A_74 = arith.addi %add3A_59, %broadcast_in_dim3A_73 : vector<1x256xi32>
      %swap3A = arith.constant 3 : index
      %swap3A_75 = arith.constant 0 : index
      %swap3A_76 = vector.load %arg3[%swap3A, %swap3A_75] : memref<4x256xi32, #tpu.memory_space<vmem>>, vector<1x256xi32>
      tpu.vector_store %arg3[%swap3A, %swap3A_75], %add3A_74 {strides = array<i32>} : memref<4x256xi32, #tpu.memory_space<vmem>>, vector<1x256xi32>,
    } else {
    }
    return
  }
  func.func @transform_0(%arg0: i32, %arg1: memref<4xi32, #tpu.memory_space<smem>>) -> (i32, i32) {
    %c0_i32 = arith.constant 0 : i32
    %c0_i32_0 = arith.constant 0 : i32
    %c0_i32_1 = arith.constant 0 : i32
    return %c0_i32, %c0_i32_0 : i32, i32
  }
  func.func @transform_1(%arg0: i32, %arg1: memref<4xi32, #tpu.memory_space<smem>>) -> (i32, i32) {
    %c0_i32 = arith.constant 0 : i32
    %c0_i32_0 = arith.constant 0 : i32
    return %c0_i32, %arg0 : i32, i32
  }
}

module attributes {stable_mosaic.version = 14 : i64} {
  func.func @_sched_body(%arg0: memref<4x8xi32, #tpu.memory_space<vmem>>, %arg1: memref<4x8xi32, #tpu.memory_space<vmem>>, %arg2: memref<4x24xi32, #tpu.memory_space<vmem>>, %arg3: memref<4x1xi32, #tpu.memory_space<vmem>>) attributes {dimension_semantics = [], scalar_prefetch = 0 : i64, scratch_operands = 0 : i64, tpu.core_type = #tpu.core_type<tc>} {
    %get3A = arith.constant 0 : index
    %get3A_0 = arith.constant 0 : index
    %get3A_1 = vector.load %arg0[%get3A, %get3A_0] : memref<4x8xi32, #tpu.memory_space<vmem>>, vector<4x8xi32>
    %convert_element_type3A = arith.sitofp %get3A_1 : vector<4x8xi32> to vector<4x8xf32>
    %div3A = arith.constant 2.560000e+02 : f32
    %div3A_2 = vector.broadcast %div3A : f32 to vector<4x8xf32>
    %div3A_3 = arith.divf %convert_element_type3A, %div3A_2 : vector<4x8xf32>
    %ceil3A = math.ceil %div3A_3 : vector<4x8xf32>
    %iota3A = tpu.iota {dimensions = array<i32: 0>} : vector<8x8xi32>
    %iota3A_4 = tpu.iota {dimensions = array<i32: 1>} : vector<8x8xi32>
    %lt3A = arith.cmpi slt, %iota3A, %iota3A_4 : vector<8x8xi32>
    %convert_element_type3A_5 = arith.extui %lt3A : vector<8x8xi1> to vector<8x8xi32>
    %convert_element_type3A_6 = arith.sitofp %convert_element_type3A_5 : vector<8x8xi32> to vector<8x8xf32>
    %le3A = arith.cmpi sle, %iota3A, %iota3A_4 : vector<8x8xi32>
    %convert_element_type3A_7 = arith.extui %le3A : vector<8x8xi1> to vector<8x8xi32>
    %convert_element_type3A_8 = arith.sitofp %convert_element_type3A_7 : vector<8x8xi32> to vector<8x8xf32>
    %dot_general3A = arith.constant dense<0.000000e+00> : vector<4x8xf32>
    %dot_general3A_9 = tpu.matmul %ceil3A, %convert_element_type3A_6, %dot_general3A {dimension_numbers = #tpu.dot_dimension_numbers<[1], [0], [0], [1], [0, 0, 1, 1], [], []>, transpose_lhs_hint = false} : vector<4x8xf32>, vector<8x8xf32>, vector<4x8xf32> -> vector<4x8xf32>
    %dot_general3A_10 = arith.constant dense<0.000000e+00> : vector<4x8xf32>
    %dot_general3A_11 = tpu.matmul %ceil3A, %convert_element_type3A_8, %dot_general3A_10 {dimension_numbers = #tpu.dot_dimension_numbers<[1], [0], [0], [1], [0, 0, 1, 1], [], []>, transpose_lhs_hint = false} : vector<4x8xf32>, vector<8x8xf32>, vector<4x8xf32> -> vector<4x8xf32>
    %mul3A = arith.constant 2.560000e+02 : f32
    %mul3A_12 = vector.broadcast %mul3A : f32 to vector<4x8xf32>
    %mul3A_13 = arith.mulf %mul3A_12, %dot_general3A_9 : vector<4x8xf32>
    %convert_element_type3A_14 = arith.fptosi %mul3A_13 : vector<4x8xf32> to vector<4x8xi32>
    %swap3A = arith.constant 0 : index
    %swap3A_15 = arith.constant 0 : index
    %swap3A_16 = vector.load %arg1[%swap3A, %swap3A_15] : memref<4x8xi32, #tpu.memory_space<vmem>>, vector<4x8xi32>
    tpu.vector_store %arg1[%swap3A, %swap3A_15], %convert_element_type3A_14 {strides = array<i32>} : memref<4x8xi32, #tpu.memory_space<vmem>>, vector<4x8xi32>,
    %iota3A_17 = tpu.iota {dimensions = array<i32: 1>} : vector<4x24x8xi32>
    %convert_element_type3A_18 = arith.fptosi %dot_general3A_11 : vector<4x8xf32> to vector<4x8xi32>
    %broadcast_in_dim3A = vector.shape_cast %convert_element_type3A_18 : vector<4x8xi32> to vector<4x1x8xi32>
    %le3A_19 = vector.broadcast %broadcast_in_dim3A : vector<4x1x8xi32> to vector<4x24x8xi32>
    %le3A_20 = arith.cmpi sle, %le3A_19, %iota3A_17 : vector<4x24x8xi32>
    %convert_element_type3A_21 = arith.extui %le3A_20 : vector<4x24x8xi1> to vector<4x24x8xi32>
    %reduce_sum3A = arith.constant dense<0> : vector<4x24xi32>
    %reduce_sum3A_22 = vector.multi_reduction <add>, %convert_element_type3A_21, %reduce_sum3A [2] : vector<4x24x8xi32> to vector<4x24xi32>
    %convert_element_type3A_23 = arith.fptosi %dot_general3A_11 : vector<4x8xf32> to vector<4x8xi32>
    %slice3A = vector.extract_strided_slice %convert_element_type3A_23 {offsets = [0, 7], sizes = [4, 1], strides = [1, 1]} : vector<4x8xi32> to vector<4x1xi32>
    %iota3A_24 = tpu.iota {dimensions = array<i32: 1>} : vector<4x24xi32>
    %lt3A_25 = vector.broadcast %slice3A : vector<4x1xi32> to vector<4x24xi32>
    %lt3A_26 = arith.cmpi slt, %iota3A_24, %lt3A_25 : vector<4x24xi32>
    %min3A = arith.constant 7 : i32
    %min3A_27 = vector.broadcast %min3A : i32 to vector<4x24xi32>
    %min3A_28 = arith.minsi %reduce_sum3A_22, %min3A_27 : vector<4x24xi32>
    %jit3A = arith.constant -1 : i32
    %broadcast_in_dim3A_29 = vector.broadcast %jit3A : i32 to vector<4x24xi32>
    %select_n3A = arith.select %lt3A_26, %min3A_28, %broadcast_in_dim3A_29 : vector<4x24xi1>, vector<4x24xi32>
    %swap3A_30 = arith.constant 0 : index
    %swap3A_31 = arith.constant 0 : index
    %swap3A_32 = vector.load %arg2[%swap3A_30, %swap3A_31] : memref<4x24xi32, #tpu.memory_space<vmem>>, vector<4x24xi32>
    tpu.vector_store %arg2[%swap3A_30, %swap3A_31], %select_n3A {strides = array<i32>} : memref<4x24xi32, #tpu.memory_space<vmem>>, vector<4x24xi32>,
    %swap3A_33 = arith.constant 0 : index
    %swap3A_34 = arith.constant 0 : index
    %swap3A_35 = vector.load %arg3[%swap3A_33, %swap3A_34] : memref<4x1xi32, #tpu.memory_space<vmem>>, vector<4x1xi32>
    tpu.vector_store %arg3[%swap3A_33, %swap3A_34], %slice3A {strides = array<i32>} : memref<4x1xi32, #tpu.memory_space<vmem>>, vector<4x1xi32>,
    return
  }
}

module attributes {stable_mosaic.version = 14 : i64} {
  func.func @_stage_a_body(%arg0: i32, %arg1: memref<256x1024xf32, #tpu.memory_space<vmem>>, %arg2: memref<1024x1024xf32, #tpu.memory_space<vmem>>, %arg3: memref<1x1024xf32, #tpu.memory_space<vmem>>, %arg4: memref<8x1024x128xf32, #tpu.memory_space<vmem>>, %arg5: memref<1024x36xf32, #tpu.memory_space<vmem>>, %arg6: memref<128x36xf32, #tpu.memory_space<vmem>>, %arg7: memref<256x1024xf32, #tpu.memory_space<vmem>>, %arg8: memref<256x8x128xf32, #tpu.memory_space<vmem>>, %arg9: memref<256x4xi32, #tpu.memory_space<vmem>>, %arg10: memref<256x4xi32, #tpu.memory_space<vmem>>, %arg11: memref<4x8xi32, #tpu.memory_space<vmem>>, %arg12: memref<4x8xf32, #tpu.memory_space<vmem>>) attributes {dimension_semantics = [#tpu.dimension_semantics<arbitrary>], iteration_bounds = array<i64: 16>, scalar_prefetch = 0 : i64, scratch_operands = 1 : i64, tpu.core_type = #tpu.core_type<tc>, window_params = [{transform_indices = @transform_0, window_bounds = array<i64: 256, 1024>}, {pipeline_mode = #tpu.pipeline_mode<synchronous>, transform_indices = @transform_1, window_bounds = array<i64: 1024, 1024>}, {pipeline_mode = #tpu.pipeline_mode<synchronous>, transform_indices = @transform_2, window_bounds = array<i64: 1, 1024>}, {pipeline_mode = #tpu.pipeline_mode<synchronous>, transform_indices = @transform_3, window_bounds = array<i64: 8, 1024, 128>}, {pipeline_mode = #tpu.pipeline_mode<synchronous>, transform_indices = @transform_4, window_bounds = array<i64: 1024, 36>}, {pipeline_mode = #tpu.pipeline_mode<synchronous>, transform_indices = @transform_5, window_bounds = array<i64: 128, 36>}, {transform_indices = @transform_6, window_bounds = array<i64: 256, 1024>}, {transform_indices = @transform_7, window_bounds = array<i64: 256, 8, 128>}, {transform_indices = @transform_8, window_bounds = array<i64: 256, 4>}, {transform_indices = @transform_9, window_bounds = array<i64: 256, 4>}, {pipeline_mode = #tpu.pipeline_mode<synchronous>, transform_indices = @transform_10, window_bounds = array<i64: 4, 8>}]} {
    %get3A = arith.constant 0 : index
    %get3A_0 = arith.constant 0 : index
    %get3A_1 = vector.load %arg1[%get3A, %get3A_0] : memref<256x1024xf32, #tpu.memory_space<vmem>>, vector<256x1024xf32>
    %get3A_2 = arith.constant 0 : index
    %get3A_3 = arith.constant 0 : index
    %get3A_4 = vector.load %arg2[%get3A_2, %get3A_3] : memref<1024x1024xf32, #tpu.memory_space<vmem>>, vector<1024x1024xf32>
    %dot_general3A = arith.constant dense<0.000000e+00> : vector<256x1024xf32>
    %dot_general3A_5 = tpu.matmul %get3A_1, %get3A_4, %dot_general3A {dimension_numbers = #tpu.dot_dimension_numbers<[1], [0], [0], [1], [0, 0, 1, 1], [], []>, transpose_lhs_hint = false} : vector<256x1024xf32>, vector<1024x1024xf32>, vector<256x1024xf32> -> vector<256x1024xf32>
    %get3A_6 = arith.constant 0 : index
    %get3A_7 = arith.constant 0 : index
    %get3A_8 = vector.load %arg3[%get3A_6, %get3A_7] : memref<1x1024xf32, #tpu.memory_space<vmem>>, vector<1x1024xf32>
    %add3A = vector.broadcast %get3A_8 : vector<1x1024xf32> to vector<256x1024xf32>
    %add3A_9 = arith.addf %dot_general3A_5, %add3A : vector<256x1024xf32>
    %swap3A = arith.constant 0 : index
    %swap3A_10 = arith.constant 0 : index
    %swap3A_11 = vector.load %arg7[%swap3A, %swap3A_10] : memref<256x1024xf32, #tpu.memory_space<vmem>>, vector<256x1024xf32>
    tpu.vector_store %arg7[%swap3A, %swap3A_10], %add3A_9 {strides = array<i32>} : memref<256x1024xf32, #tpu.memory_space<vmem>>, vector<256x1024xf32>,
    %get3A_12 = arith.constant 0 : index
    %get3A_13 = arith.constant 0 : index
    %get3A_14 = arith.constant 0 : index
    %get3A_15 = vector.load %arg4[%get3A_12, %get3A_13, %get3A_14] : memref<8x1024x128xf32, #tpu.memory_space<vmem>>, vector<1x1024x128xf32>
    %get3A_16 = vector.shape_cast %get3A_15 : vector<1x1024x128xf32> to vector<1024x128xf32>
    %dot_general3A_17 = arith.constant dense<0.000000e+00> : vector<256x128xf32>
    %dot_general3A_18 = tpu.matmul %add3A_9, %get3A_16, %dot_general3A_17 {dimension_numbers = #tpu.dot_dimension_numbers<[1], [0], [0], [1], [0, 0, 1, 1], [], []>, transpose_lhs_hint = false} : vector<256x1024xf32>, vector<1024x128xf32>, vector<256x128xf32> -> vector<256x128xf32>
    %get3A_19 = arith.constant 1 : index
    %get3A_20 = arith.constant 0 : index
    %get3A_21 = arith.constant 0 : index
    %get3A_22 = vector.load %arg4[%get3A_19, %get3A_20, %get3A_21] : memref<8x1024x128xf32, #tpu.memory_space<vmem>>, vector<1x1024x128xf32>
    %get3A_23 = vector.shape_cast %get3A_22 : vector<1x1024x128xf32> to vector<1024x128xf32>
    %dot_general3A_24 = arith.constant dense<0.000000e+00> : vector<256x128xf32>
    %dot_general3A_25 = tpu.matmul %add3A_9, %get3A_23, %dot_general3A_24 {dimension_numbers = #tpu.dot_dimension_numbers<[1], [0], [0], [1], [0, 0, 1, 1], [], []>, transpose_lhs_hint = false} : vector<256x1024xf32>, vector<1024x128xf32>, vector<256x128xf32> -> vector<256x128xf32>
    %get3A_26 = arith.constant 2 : index
    %get3A_27 = arith.constant 0 : index
    %get3A_28 = arith.constant 0 : index
    %get3A_29 = vector.load %arg4[%get3A_26, %get3A_27, %get3A_28] : memref<8x1024x128xf32, #tpu.memory_space<vmem>>, vector<1x1024x128xf32>
    %get3A_30 = vector.shape_cast %get3A_29 : vector<1x1024x128xf32> to vector<1024x128xf32>
    %dot_general3A_31 = arith.constant dense<0.000000e+00> : vector<256x128xf32>
    %dot_general3A_32 = tpu.matmul %add3A_9, %get3A_30, %dot_general3A_31 {dimension_numbers = #tpu.dot_dimension_numbers<[1], [0], [0], [1], [0, 0, 1, 1], [], []>, transpose_lhs_hint = false} : vector<256x1024xf32>, vector<1024x128xf32>, vector<256x128xf32> -> vector<256x128xf32>
    %get3A_33 = arith.constant 3 : index
    %get3A_34 = arith.constant 0 : index
    %get3A_35 = arith.constant 0 : index
    %get3A_36 = vector.load %arg4[%get3A_33, %get3A_34, %get3A_35] : memref<8x1024x128xf32, #tpu.memory_space<vmem>>, vector<1x1024x128xf32>
    %get3A_37 = vector.shape_cast %get3A_36 : vector<1x1024x128xf32> to vector<1024x128xf32>
    %dot_general3A_38 = arith.constant dense<0.000000e+00> : vector<256x128xf32>
    %dot_general3A_39 = tpu.matmul %add3A_9, %get3A_37, %dot_general3A_38 {dimension_numbers = #tpu.dot_dimension_numbers<[1], [0], [0], [1], [0, 0, 1, 1], [], []>, transpose_lhs_hint = false} : vector<256x1024xf32>, vector<1024x128xf32>, vector<256x128xf32> -> vector<256x128xf32>
    %get3A_40 = arith.constant 4 : index
    %get3A_41 = arith.constant 0 : index
    %get3A_42 = arith.constant 0 : index
    %get3A_43 = vector.load %arg4[%get3A_40, %get3A_41, %get3A_42] : memref<8x1024x128xf32, #tpu.memory_space<vmem>>, vector<1x1024x128xf32>
    %get3A_44 = vector.shape_cast %get3A_43 : vector<1x1024x128xf32> to vector<1024x128xf32>
    %dot_general3A_45 = arith.constant dense<0.000000e+00> : vector<256x128xf32>
    %dot_general3A_46 = tpu.matmul %add3A_9, %get3A_44, %dot_general3A_45 {dimension_numbers = #tpu.dot_dimension_numbers<[1], [0], [0], [1], [0, 0, 1, 1], [], []>, transpose_lhs_hint = false} : vector<256x1024xf32>, vector<1024x128xf32>, vector<256x128xf32> -> vector<256x128xf32>
    %get3A_47 = arith.constant 5 : index
    %get3A_48 = arith.constant 0 : index
    %get3A_49 = arith.constant 0 : index
    %get3A_50 = vector.load %arg4[%get3A_47, %get3A_48, %get3A_49] : memref<8x1024x128xf32, #tpu.memory_space<vmem>>, vector<1x1024x128xf32>
    %get3A_51 = vector.shape_cast %get3A_50 : vector<1x1024x128xf32> to vector<1024x128xf32>
    %dot_general3A_52 = arith.constant dense<0.000000e+00> : vector<256x128xf32>
    %dot_general3A_53 = tpu.matmul %add3A_9, %get3A_51, %dot_general3A_52 {dimension_numbers = #tpu.dot_dimension_numbers<[1], [0], [0], [1], [0, 0, 1, 1], [], []>, transpose_lhs_hint = false} : vector<256x1024xf32>, vector<1024x128xf32>, vector<256x128xf32> -> vector<256x128xf32>
    %get3A_54 = arith.constant 6 : index
    %get3A_55 = arith.constant 0 : index
    %get3A_56 = arith.constant 0 : index
    %get3A_57 = vector.load %arg4[%get3A_54, %get3A_55, %get3A_56] : memref<8x1024x128xf32, #tpu.memory_space<vmem>>, vector<1x1024x128xf32>
    %get3A_58 = vector.shape_cast %get3A_57 : vector<1x1024x128xf32> to vector<1024x128xf32>
    %dot_general3A_59 = arith.constant dense<0.000000e+00> : vector<256x128xf32>
    %dot_general3A_60 = tpu.matmul %add3A_9, %get3A_58, %dot_general3A_59 {dimension_numbers = #tpu.dot_dimension_numbers<[1], [0], [0], [1], [0, 0, 1, 1], [], []>, transpose_lhs_hint = false} : vector<256x1024xf32>, vector<1024x128xf32>, vector<256x128xf32> -> vector<256x128xf32>
    %get3A_61 = arith.constant 7 : index
    %get3A_62 = arith.constant 0 : index
    %get3A_63 = arith.constant 0 : index
    %get3A_64 = vector.load %arg4[%get3A_61, %get3A_62, %get3A_63] : memref<8x1024x128xf32, #tpu.memory_space<vmem>>, vector<1x1024x128xf32>
    %get3A_65 = vector.shape_cast %get3A_64 : vector<1x1024x128xf32> to vector<1024x128xf32>
    %dot_general3A_66 = arith.constant dense<0.000000e+00> : vector<256x128xf32>
    %dot_general3A_67 = tpu.matmul %add3A_9, %get3A_65, %dot_general3A_66 {dimension_numbers = #tpu.dot_dimension_numbers<[1], [0], [0], [1], [0, 0, 1, 1], [], []>, transpose_lhs_hint = false} : vector<256x1024xf32>, vector<1024x128xf32>, vector<256x128xf32> -> vector<256x128xf32>
    %stack3A = vector.shape_cast %dot_general3A_18 : vector<256x128xf32> to vector<256x1x128xf32>
    %stack3A_68 = vector.shape_cast %dot_general3A_25 : vector<256x128xf32> to vector<256x1x128xf32>
    %stack3A_69 = vector.shape_cast %dot_general3A_32 : vector<256x128xf32> to vector<256x1x128xf32>
    %stack3A_70 = vector.shape_cast %dot_general3A_39 : vector<256x128xf32> to vector<256x1x128xf32>
    %stack3A_71 = vector.shape_cast %dot_general3A_46 : vector<256x128xf32> to vector<256x1x128xf32>
    %stack3A_72 = vector.shape_cast %dot_general3A_53 : vector<256x128xf32> to vector<256x1x128xf32>
    %stack3A_73 = vector.shape_cast %dot_general3A_60 : vector<256x128xf32> to vector<256x1x128xf32>
    %stack3A_74 = vector.shape_cast %dot_general3A_67 : vector<256x128xf32> to vector<256x1x128xf32>
    %stack3A_75 = tpu.concatenate %stack3A, %stack3A_68, %stack3A_69, %stack3A_70, %stack3A_71, %stack3A_72, %stack3A_73, %stack3A_74 in 1 : vector<256x1x128xf32>, vector<256x1x128xf32>, vector<256x1x128xf32>, vector<256x1x128xf32>, vector<256x1x128xf32>, vector<256x1x128xf32>, vector<256x1x128xf32>, vector<256x1x128xf32> -> vector<256x8x128xf32>
    %tanh3A = math.tanh %stack3A_75 : vector<256x8x128xf32>
    %swap3A_76 = arith.constant 0 : index
    %swap3A_77 = arith.constant 0 : index
    %swap3A_78 = arith.constant 0 : index
    %swap3A_79 = vector.load %arg8[%swap3A_76, %swap3A_77, %swap3A_78] : memref<256x8x128xf32, #tpu.memory_space<vmem>>, vector<256x8x128xf32>
    tpu.vector_store %arg8[%swap3A_76, %swap3A_77, %swap3A_78], %tanh3A {strides = array<i32>} : memref<256x8x128xf32, #tpu.memory_space<vmem>>, vector<256x8x128xf32>,
    %reduce_sum3A = arith.constant dense<0.000000e+00> : vector<256x128xf32>
    %reduce_sum3A_80 = vector.multi_reduction <add>, %tanh3A, %reduce_sum3A [1] : vector<256x8x128xf32> to vector<256x128xf32>
    %div3A = arith.constant 8.000000e+00 : f32
    %div3A_81 = vector.broadcast %div3A : f32 to vector<256x128xf32>
    %div3A_82 = arith.divf %reduce_sum3A_80, %div3A_81 : vector<256x128xf32>
    %get3A_83 = arith.constant 0 : index
    %get3A_84 = arith.constant 0 : index
    %get3A_85 = vector.load %arg5[%get3A_83, %get3A_84] : memref<1024x36xf32, #tpu.memory_space<vmem>>, vector<1024x36xf32>
    %dot_general3A_86 = arith.constant dense<0.000000e+00> : vector<256x36xf32>
    %dot_general3A_87 = tpu.matmul %add3A_9, %get3A_85, %dot_general3A_86 {dimension_numbers = #tpu.dot_dimension_numbers<[1], [0], [0], [1], [0, 0, 1, 1], [], []>, transpose_lhs_hint = false} : vector<256x1024xf32>, vector<1024x36xf32>, vector<256x36xf32> -> vector<256x36xf32>
    %get3A_88 = arith.constant 0 : index
    %get3A_89 = arith.constant 0 : index
    %get3A_90 = vector.load %arg6[%get3A_88, %get3A_89] : memref<128x36xf32, #tpu.memory_space<vmem>>, vector<128x36xf32>
    %dot_general3A_91 = arith.constant dense<0.000000e+00> : vector<256x36xf32>
    %dot_general3A_92 = tpu.matmul %div3A_82, %get3A_90, %dot_general3A_91 {dimension_numbers = #tpu.dot_dimension_numbers<[1], [0], [0], [1], [0, 0, 1, 1], [], []>, transpose_lhs_hint = false} : vector<256x128xf32>, vector<128x36xf32>, vector<256x36xf32> -> vector<256x36xf32>
    %add3A_93 = arith.addf %dot_general3A_87, %dot_general3A_92 : vector<256x36xf32>
    %reshape3A = vector.shape_cast %add3A_93 : vector<256x36xf32> to vector<256x4x9xf32>
    %reduce_max3A = arith.constant dense<0xFF800000> : vector<256x4xf32>
    %reduce_max3A_94 = vector.multi_reduction <maximumf>, %reshape3A, %reduce_max3A [2] : vector<256x4x9xf32> to vector<256x4xf32>
    %broadcast_in_dim3A = vector.shape_cast %reduce_max3A_94 : vector<256x4xf32> to vector<256x4x1xf32>
    %iota3A = tpu.iota {dimensions = array<i32: 2>} : vector<256x4x9xi32>
    %ge3A = vector.broadcast %broadcast_in_dim3A : vector<256x4x1xf32> to vector<256x4x9xf32>
    %ge3A_95 = arith.cmpf oge, %reshape3A, %ge3A : vector<256x4x9xf32>
    %jit3A = arith.constant 9 : i32
    %broadcast_in_dim3A_96 = vector.broadcast %jit3A : i32 to vector<256x4x9xi32>
    %select_n3A = arith.select %ge3A_95, %iota3A, %broadcast_in_dim3A_96 : vector<256x4x9xi1>, vector<256x4x9xi32>
    %reduce_min3A = arith.constant dense<2147483647> : vector<256x4xi32>
    %reduce_min3A_97 = vector.multi_reduction <minsi>, %select_n3A, %reduce_min3A [2] : vector<256x4x9xi32> to vector<256x4xi32>
    %swap3A_98 = arith.constant 0 : index
    %swap3A_99 = arith.constant 0 : index
    %swap3A_100 = vector.load %arg9[%swap3A_98, %swap3A_99] : memref<256x4xi32, #tpu.memory_space<vmem>>, vector<256x4xi32>
    tpu.vector_store %arg9[%swap3A_98, %swap3A_99], %reduce_min3A_97 {strides = array<i32>} : memref<256x4xi32, #tpu.memory_space<vmem>>, vector<256x4xi32>,
    %broadcast_in_dim3A_101 = arith.constant true
    %broadcast_in_dim3A_102 = vector.broadcast %broadcast_in_dim3A_101 : i1 to vector<256x1xi1>
    %slice3A = vector.extract_strided_slice %reduce_min3A_97 {offsets = [0, 0], sizes = [256, 1], strides = [1, 1]} : vector<256x4xi32> to vector<256x1xi32>
    %ne3A = arith.constant 8 : i32
    %ne3A_103 = vector.broadcast %ne3A : i32 to vector<256x1xi32>
    %ne3A_104 = arith.cmpi ne, %slice3A, %ne3A_103 : vector<256x1xi32>
    %and3A = arith.andi %broadcast_in_dim3A_102, %ne3A_104 : vector<256x1xi1>
    %jit3A_105 = arith.constant 8 : i32
    %broadcast_in_dim3A_106 = vector.broadcast %jit3A_105 : i32 to vector<256x1xi32>
    %select_n3A_107 = arith.select %and3A, %slice3A, %broadcast_in_dim3A_106 : vector<256x1xi1>, vector<256x1xi32>
    %slice3A_108 = vector.extract_strided_slice %reduce_min3A_97 {offsets = [0, 1], sizes = [256, 1], strides = [1, 1]} : vector<256x4xi32> to vector<256x1xi32>
    %ne3A_109 = arith.constant 8 : i32
    %ne3A_110 = vector.broadcast %ne3A_109 : i32 to vector<256x1xi32>
    %ne3A_111 = arith.cmpi ne, %slice3A_108, %ne3A_110 : vector<256x1xi32>
    %and3A_112 = arith.andi %and3A, %ne3A_111 : vector<256x1xi1>
    %jit3A_113 = arith.constant 8 : i32
    %broadcast_in_dim3A_114 = vector.broadcast %jit3A_113 : i32 to vector<256x1xi32>
    %select_n3A_115 = arith.select %and3A_112, %slice3A_108, %broadcast_in_dim3A_114 : vector<256x1xi1>, vector<256x1xi32>
    %slice3A_116 = vector.extract_strided_slice %reduce_min3A_97 {offsets = [0, 2], sizes = [256, 1], strides = [1, 1]} : vector<256x4xi32> to vector<256x1xi32>
    %ne3A_117 = arith.constant 8 : i32
    %ne3A_118 = vector.broadcast %ne3A_117 : i32 to vector<256x1xi32>
    %ne3A_119 = arith.cmpi ne, %slice3A_116, %ne3A_118 : vector<256x1xi32>
    %and3A_120 = arith.andi %and3A_112, %ne3A_119 : vector<256x1xi1>
    %jit3A_121 = arith.constant 8 : i32
    %broadcast_in_dim3A_122 = vector.broadcast %jit3A_121 : i32 to vector<256x1xi32>
    %select_n3A_123 = arith.select %and3A_120, %slice3A_116, %broadcast_in_dim3A_122 : vector<256x1xi1>, vector<256x1xi32>
    %slice3A_124 = vector.extract_strided_slice %reduce_min3A_97 {offsets = [0, 3], sizes = [256, 1], strides = [1, 1]} : vector<256x4xi32> to vector<256x1xi32>
    %ne3A_125 = arith.constant 8 : i32
    %ne3A_126 = vector.broadcast %ne3A_125 : i32 to vector<256x1xi32>
    %ne3A_127 = arith.cmpi ne, %slice3A_124, %ne3A_126 : vector<256x1xi32>
    %and3A_128 = arith.andi %and3A_120, %ne3A_127 : vector<256x1xi1>
    %jit3A_129 = arith.constant 8 : i32
    %broadcast_in_dim3A_130 = vector.broadcast %jit3A_129 : i32 to vector<256x1xi32>
    %select_n3A_131 = arith.select %and3A_128, %slice3A_124, %broadcast_in_dim3A_130 : vector<256x1xi1>, vector<256x1xi32>
    %concatenate3A = tpu.concatenate %select_n3A_107, %select_n3A_115, %select_n3A_123, %select_n3A_131 in 1 : vector<256x1xi32>, vector<256x1xi32>, vector<256x1xi32>, vector<256x1xi32> -> vector<256x4xi32>
    %swap3A_132 = arith.constant 0 : index
    %swap3A_133 = arith.constant 0 : index
    %swap3A_134 = vector.load %arg10[%swap3A_132, %swap3A_133] : memref<256x4xi32, #tpu.memory_space<vmem>>, vector<256x4xi32>
    tpu.vector_store %arg10[%swap3A_132, %swap3A_133], %concatenate3A {strides = array<i32>} : memref<256x4xi32, #tpu.memory_space<vmem>>, vector<256x4xi32>,
    %iota3A_135 = tpu.iota {dimensions = array<i32: 2>} : vector<256x4x8xi32>
    %broadcast_in_dim3A_136 = vector.shape_cast %concatenate3A : vector<256x4xi32> to vector<256x4x1xi32>
    %eq3A = vector.broadcast %broadcast_in_dim3A_136 : vector<256x4x1xi32> to vector<256x4x8xi32>
    %eq3A_137 = arith.cmpi eq, %eq3A, %iota3A_135 : vector<256x4x8xi32>
    %convert_element_type3A = arith.extui %eq3A_137 : vector<256x4x8xi1> to vector<256x4x8xi32>
    %convert_element_type3A_138 = arith.sitofp %convert_element_type3A : vector<256x4x8xi32> to vector<256x4x8xf32>
    %reduce_sum3A_139 = arith.constant dense<0.000000e+00> : vector<4x8xf32>
    %reduce_sum3A_140 = vector.multi_reduction <add>, %convert_element_type3A_138, %reduce_sum3A_139 [0] : vector<256x4x8xf32> to vector<4x8xf32>
    %eq3A_141 = arith.constant 0 : i32
    %eq3A_142 = arith.cmpi eq, %arg0, %eq3A_141 : i32
    %convert_element_type3A_143 = arith.extui %eq3A_142 : i1 to i32
    %cond3A = arith.constant 0 : i32
    %cond3A_144 = arith.cmpi ne, %convert_element_type3A_143, %cond3A : i32
    scf.if %cond3A_144 {
      %broadcast_in_dim3A_157 = arith.constant 0.000000e+00 : f32
      %broadcast_in_dim3A_158 = vector.broadcast %broadcast_in_dim3A_157 : f32 to vector<4x8xf32>
      %swap3A_159 = arith.constant 0 : index
      %swap3A_160 = arith.constant 0 : index
      %swap3A_161 = vector.load %arg12[%swap3A_159, %swap3A_160] : memref<4x8xf32, #tpu.memory_space<vmem>>, vector<4x8xf32>
      tpu.vector_store %arg12[%swap3A_159, %swap3A_160], %broadcast_in_dim3A_158 {strides = array<i32>} : memref<4x8xf32, #tpu.memory_space<vmem>>, vector<4x8xf32>,
    } else {
    }
    %get3A_145 = arith.constant 0 : index
    %get3A_146 = arith.constant 0 : index
    %get3A_147 = vector.load %arg12[%get3A_145, %get3A_146] : memref<4x8xf32, #tpu.memory_space<vmem>>, vector<4x8xf32>
    %add3A_148 = arith.addf %get3A_147, %reduce_sum3A_140 : vector<4x8xf32>
    %swap3A_149 = arith.constant 0 : index
    %swap3A_150 = arith.constant 0 : index
    %swap3A_151 = vector.load %arg12[%swap3A_149, %swap3A_150] : memref<4x8xf32, #tpu.memory_space<vmem>>, vector<4x8xf32>
    tpu.vector_store %arg12[%swap3A_149, %swap3A_150], %add3A_148 {strides = array<i32>} : memref<4x8xf32, #tpu.memory_space<vmem>>, vector<4x8xf32>,
    %eq3A_152 = arith.constant 15 : i32
    %eq3A_153 = arith.cmpi eq, %arg0, %eq3A_152 : i32
    %convert_element_type3A_154 = arith.extui %eq3A_153 : i1 to i32
    %cond3A_155 = arith.constant 0 : i32
    %cond3A_156 = arith.cmpi ne, %convert_element_type3A_154, %cond3A_155 : i32
    scf.if %cond3A_156 {
      %get3A_157 = arith.constant 0 : index
      %get3A_158 = arith.constant 0 : index
      %get3A_159 = vector.load %arg12[%get3A_157, %get3A_158] : memref<4x8xf32, #tpu.memory_space<vmem>>, vector<4x8xf32>
      %convert_element_type3A_160 = arith.fptosi %get3A_159 : vector<4x8xf32> to vector<4x8xi32>
      %swap3A_161 = arith.constant 0 : index
      %swap3A_162 = arith.constant 0 : index
      %swap3A_163 = vector.load %arg11[%swap3A_161, %swap3A_162] : memref<4x8xi32, #tpu.memory_space<vmem>>, vector<4x8xi32>
      tpu.vector_store %arg11[%swap3A_161, %swap3A_162], %convert_element_type3A_160 {strides = array<i32>} : memref<4x8xi32, #tpu.memory_space<vmem>>, vector<4x8xi32>,
    } else {
    }
    return
  }
  func.func @transform_0(%arg0: i32) -> (i32, i32) {
    %c0_i32 = arith.constant 0 : i32
    %c0_i32_0 = arith.constant 0 : i32
    return %arg0, %c0_i32 : i32, i32
  }
  func.func @transform_1(%arg0: i32) -> (i32, i32) {
    %c0_i32 = arith.constant 0 : i32
    %c0_i32_0 = arith.constant 0 : i32
    %c0_i32_1 = arith.constant 0 : i32
    return %c0_i32, %c0_i32_0 : i32, i32
  }
  func.func @transform_2(%arg0: i32) -> (i32, i32) {
    %c0_i32 = arith.constant 0 : i32
    %c0_i32_0 = arith.constant 0 : i32
    %c0_i32_1 = arith.constant 0 : i32
    return %c0_i32, %c0_i32_0 : i32, i32
  }
  func.func @transform_3(%arg0: i32) -> (i32, i32, i32) {
    %c0_i32 = arith.constant 0 : i32
    %c0_i32_0 = arith.constant 0 : i32
    %c0_i32_1 = arith.constant 0 : i32
    %c0_i32_2 = arith.constant 0 : i32
    return %c0_i32, %c0_i32_0, %c0_i32_1 : i32, i32, i32
  }
  func.func @transform_4(%arg0: i32) -> (i32, i32) {
    %c0_i32 = arith.constant 0 : i32
    %c0_i32_0 = arith.constant 0 : i32
    %c0_i32_1 = arith.constant 0 : i32
    return %c0_i32, %c0_i32_0 : i32, i32
  }
  func.func @transform_5(%arg0: i32) -> (i32, i32) {
    %c0_i32 = arith.constant 0 : i32
    %c0_i32_0 = arith.constant 0 : i32
    %c0_i32_1 = arith.constant 0 : i32
    return %c0_i32, %c0_i32_0 : i32, i32
  }
  func.func @transform_6(%arg0: i32) -> (i32, i32) {
    %c0_i32 = arith.constant 0 : i32
    %c0_i32_0 = arith.constant 0 : i32
    return %arg0, %c0_i32 : i32, i32
  }
  func.func @transform_7(%arg0: i32) -> (i32, i32, i32) {
    %c0_i32 = arith.constant 0 : i32
    %c0_i32_0 = arith.constant 0 : i32
    %c0_i32_1 = arith.constant 0 : i32
    return %arg0, %c0_i32, %c0_i32_0 : i32, i32, i32
  }
  func.func @transform_8(%arg0: i32) -> (i32, i32) {
    %c0_i32 = arith.constant 0 : i32
    %c0_i32_0 = arith.constant 0 : i32
    return %arg0, %c0_i32 : i32, i32
  }
  func.func @transform_9(%arg0: i32) -> (i32, i32) {
    %c0_i32 = arith.constant 0 : i32
    %c0_i32_0 = arith.constant 0 : i32
    return %arg0, %c0_i32 : i32, i32
  }
  func.func @transform_10(%arg0: i32) -> (i32, i32) {
    %c0_i32 = arith.constant 0 : i32
    %c0_i32_0 = arith.constant 0 : i32
    %c0_i32_1 = arith.constant 0 : i32
    return %c0_i32, %c0_i32_0 : i32, i32
  }
}

module attributes {stable_mosaic.version = 14 : i64} {
  func.func @_pos_body(%arg0: i32, %arg1: memref<256x4xi32, #tpu.memory_space<vmem>>, %arg2: memref<4x8xi32, #tpu.memory_space<vmem>>, %arg3: memref<256x4xi32, #tpu.memory_space<vmem>>, %arg4: memref<256x1xi32, #tpu.memory_space<vmem>>, %arg5: memref<4x8xf32, #tpu.memory_space<vmem>>) attributes {dimension_semantics = [#tpu.dimension_semantics<arbitrary>], iteration_bounds = array<i64: 16>, scalar_prefetch = 0 : i64, scratch_operands = 1 : i64, tpu.core_type = #tpu.core_type<tc>, window_params = [{transform_indices = @transform_0, window_bounds = array<i64: 256, 4>}, {pipeline_mode = #tpu.pipeline_mode<synchronous>, transform_indices = @transform_1, window_bounds = array<i64: 4, 8>}, {transform_indices = @transform_2, window_bounds = array<i64: 256, 4>}, {transform_indices = @transform_3, window_bounds = array<i64: 256, 1>}]} {
    %eq3A = arith.constant 0 : i32
    %eq3A_0 = arith.cmpi eq, %arg0, %eq3A : i32
    %convert_element_type3A = arith.extui %eq3A_0 : i1 to i32
    %cond3A = arith.constant 0 : i32
    %cond3A_1 = arith.cmpi ne, %convert_element_type3A, %cond3A : i32
    scf.if %cond3A_1 {
      %broadcast_in_dim3A_165 = arith.constant 0.000000e+00 : f32
      %broadcast_in_dim3A_166 = vector.broadcast %broadcast_in_dim3A_165 : f32 to vector<4x8xf32>
      %swap3A_167 = arith.constant 0 : index
      %swap3A_168 = arith.constant 0 : index
      %swap3A_169 = vector.load %arg5[%swap3A_167, %swap3A_168] : memref<4x8xf32, #tpu.memory_space<vmem>>, vector<4x8xf32>
      tpu.vector_store %arg5[%swap3A_167, %swap3A_168], %broadcast_in_dim3A_166 {strides = array<i32>} : memref<4x8xf32, #tpu.memory_space<vmem>>, vector<4x8xf32>,
    } else {
    }
    %get3A = arith.constant 0 : index
    %get3A_2 = arith.constant 0 : index
    %get3A_3 = vector.load %arg1[%get3A, %get3A_2] : memref<256x4xi32, #tpu.memory_space<vmem>>, vector<256x4xi32>
    %get3A_4 = arith.constant 0 : index
    %get3A_5 = arith.constant 0 : index
    %get3A_6 = vector.load %arg2[%get3A_4, %get3A_5] : memref<4x8xi32, #tpu.memory_space<vmem>>, vector<4x8xi32>
    %convert_element_type3A_7 = arith.sitofp %get3A_6 : vector<4x8xi32> to vector<4x8xf32>
    %get3A_8 = arith.constant 0 : index
    %get3A_9 = arith.constant 0 : index
    %get3A_10 = vector.load %arg5[%get3A_8, %get3A_9] : memref<4x8xf32, #tpu.memory_space<vmem>>, vector<4x8xf32>
    %iota3A = tpu.iota {dimensions = array<i32: 0>} : vector<256x256xi32>
    %iota3A_11 = tpu.iota {dimensions = array<i32: 1>} : vector<256x256xi32>
    %lt3A = arith.cmpi slt, %iota3A_11, %iota3A : vector<256x256xi32>
    %convert_element_type3A_12 = arith.extui %lt3A : vector<256x256xi1> to vector<256x256xi32>
    %convert_element_type3A_13 = arith.sitofp %convert_element_type3A_12 : vector<256x256xi32> to vector<256x256xf32>
    %mul3A = arith.constant 256 : i32
    %mul3A_14 = arith.muli %arg0, %mul3A : i32
    %iota3A_15 = tpu.iota {dimensions = array<i32: 0>} : vector<256x1xi32>
    %add3A = vector.broadcast %mul3A_14 : i32 to vector<256x1xi32>
    %add3A_16 = arith.addi %add3A, %iota3A_15 : vector<256x1xi32>
    %convert_element_type3A_17 = arith.sitofp %add3A_16 : vector<256x1xi32> to vector<256x1xf32>
    %add3A_18 = arith.constant 2.457600e+04 : f32
    %add3A_19 = vector.broadcast %add3A_18 : f32 to vector<256x1xf32>
    %add3A_20 = arith.addf %add3A_19, %convert_element_type3A_17 : vector<256x1xf32>
    %iota3A_21 = tpu.iota {dimensions = array<i32: 1>} : vector<256x8xi32>
    %slice3A = vector.extract_strided_slice %get3A_3 {offsets = [0, 0], sizes = [256, 1], strides = [1, 1]} : vector<256x4xi32> to vector<256x1xi32>
    %eq3A_22 = vector.broadcast %slice3A : vector<256x1xi32> to vector<256x8xi32>
    %eq3A_23 = arith.cmpi eq, %eq3A_22, %iota3A_21 : vector<256x8xi32>
    %convert_element_type3A_24 = arith.extui %eq3A_23 : vector<256x8xi1> to vector<256x8xi32>
    %convert_element_type3A_25 = arith.sitofp %convert_element_type3A_24 : vector<256x8xi32> to vector<256x8xf32>
    %dot_general3A = arith.constant dense<0.000000e+00> : vector<256x8xf32>
    %dot_general3A_26 = tpu.matmul %convert_element_type3A_13, %convert_element_type3A_25, %dot_general3A {dimension_numbers = #tpu.dot_dimension_numbers<[1], [0], [0], [1], [0, 0, 1, 1], [], []>, transpose_lhs_hint = false} : vector<256x256xf32>, vector<256x8xf32>, vector<256x8xf32> -> vector<256x8xf32>
    %slice3A_27 = vector.extract_strided_slice %convert_element_type3A_7 {offsets = [0, 0], sizes = [1, 8], strides = [1, 1]} : vector<4x8xf32> to vector<1x8xf32>
    %slice3A_28 = vector.extract_strided_slice %get3A_10 {offsets = [0, 0], sizes = [1, 8], strides = [1, 1]} : vector<4x8xf32> to vector<1x8xf32>
    %add3A_29 = arith.addf %slice3A_27, %slice3A_28 : vector<1x8xf32>
    %add3A_30 = vector.broadcast %add3A_29 : vector<1x8xf32> to vector<256x8xf32>
    %add3A_31 = arith.addf %dot_general3A_26, %add3A_30 : vector<256x8xf32>
    %mul3A_32 = arith.mulf %convert_element_type3A_25, %add3A_31 : vector<256x8xf32>
    %reduce_sum3A = arith.constant dense<0.000000e+00> : vector<256xf32>
    %reduce_sum3A_33 = vector.multi_reduction <add>, %mul3A_32, %reduce_sum3A [1] : vector<256x8xf32> to vector<256xf32>
    %broadcast_in_dim3A = vector.shape_cast %reduce_sum3A_33 : vector<256xf32> to vector<256x1xf32>
    %reduce_sum3A_34 = arith.constant dense<0.000000e+00> : vector<256xf32>
    %reduce_sum3A_35 = vector.multi_reduction <add>, %convert_element_type3A_25, %reduce_sum3A_34 [1] : vector<256x8xf32> to vector<256xf32>
    %broadcast_in_dim3A_36 = vector.shape_cast %reduce_sum3A_35 : vector<256xf32> to vector<256x1xf32>
    %gt3A = arith.constant 0.000000e+00 : f32
    %gt3A_37 = vector.broadcast %gt3A : f32 to vector<256x1xf32>
    %gt3A_38 = arith.cmpf ogt, %broadcast_in_dim3A_36, %gt3A_37 : vector<256x1xf32>
    %jit3A = arith.constant -1.000000e+00 : f32
    %broadcast_in_dim3A_39 = vector.broadcast %jit3A : f32 to vector<256x1xf32>
    %select_n3A = arith.select %gt3A_38, %broadcast_in_dim3A, %broadcast_in_dim3A_39 : vector<256x1xi1>, vector<256x1xf32>
    %add3A_40 = arith.constant 0.000000e+00 : f32
    %add3A_41 = vector.broadcast %add3A_40 : f32 to vector<256x1xf32>
    %add3A_42 = arith.addf %add3A_41, %broadcast_in_dim3A : vector<256x1xf32>
    %select_n3A_43 = arith.select %gt3A_38, %add3A_42, %add3A_20 : vector<256x1xi1>, vector<256x1xf32>
    %slice3A_44 = vector.extract_strided_slice %get3A_10 {offsets = [0, 0], sizes = [1, 8], strides = [1, 1]} : vector<4x8xf32> to vector<1x8xf32>
    %reduce_sum3A_45 = arith.constant dense<0.000000e+00> : vector<8xf32>
    %reduce_sum3A_46 = vector.multi_reduction <add>, %convert_element_type3A_25, %reduce_sum3A_45 [0] : vector<256x8xf32> to vector<8xf32>
    %broadcast_in_dim3A_47 = vector.shape_cast %reduce_sum3A_46 : vector<8xf32> to vector<1x8xf32>
    %add3A_48 = arith.addf %slice3A_44, %broadcast_in_dim3A_47 : vector<1x8xf32>
    %iota3A_49 = tpu.iota {dimensions = array<i32: 1>} : vector<256x8xi32>
    %slice3A_50 = vector.extract_strided_slice %get3A_3 {offsets = [0, 1], sizes = [256, 1], strides = [1, 1]} : vector<256x4xi32> to vector<256x1xi32>
    %eq3A_51 = vector.broadcast %slice3A_50 : vector<256x1xi32> to vector<256x8xi32>
    %eq3A_52 = arith.cmpi eq, %eq3A_51, %iota3A_49 : vector<256x8xi32>
    %convert_element_type3A_53 = arith.extui %eq3A_52 : vector<256x8xi1> to vector<256x8xi32>
    %convert_element_type3A_54 = arith.sitofp %convert_element_type3A_53 : vector<256x8xi32> to vector<256x8xf32>
    %dot_general3A_55 = arith.constant dense<0.000000e+00> : vector<256x8xf32>
    %dot_general3A_56 = tpu.matmul %convert_element_type3A_13, %convert_element_type3A_54, %dot_general3A_55 {dimension_numbers = #tpu.dot_dimension_numbers<[1], [0], [0], [1], [0, 0, 1, 1], [], []>, transpose_lhs_hint = false} : vector<256x256xf32>, vector<256x8xf32>, vector<256x8xf32> -> vector<256x8xf32>
    %slice3A_57 = vector.extract_strided_slice %convert_element_type3A_7 {offsets = [1, 0], sizes = [1, 8], strides = [1, 1]} : vector<4x8xf32> to vector<1x8xf32>
    %slice3A_58 = vector.extract_strided_slice %get3A_10 {offsets = [1, 0], sizes = [1, 8], strides = [1, 1]} : vector<4x8xf32> to vector<1x8xf32>
    %add3A_59 = arith.addf %slice3A_57, %slice3A_58 : vector<1x8xf32>
    %add3A_60 = vector.broadcast %add3A_59 : vector<1x8xf32> to vector<256x8xf32>
    %add3A_61 = arith.addf %dot_general3A_56, %add3A_60 : vector<256x8xf32>
    %mul3A_62 = arith.mulf %convert_element_type3A_54, %add3A_61 : vector<256x8xf32>
    %reduce_sum3A_63 = arith.constant dense<0.000000e+00> : vector<256xf32>
    %reduce_sum3A_64 = vector.multi_reduction <add>, %mul3A_62, %reduce_sum3A_63 [1] : vector<256x8xf32> to vector<256xf32>
    %broadcast_in_dim3A_65 = vector.shape_cast %reduce_sum3A_64 : vector<256xf32> to vector<256x1xf32>
    %reduce_sum3A_66 = arith.constant dense<0.000000e+00> : vector<256xf32>
    %reduce_sum3A_67 = vector.multi_reduction <add>, %convert_element_type3A_54, %reduce_sum3A_66 [1] : vector<256x8xf32> to vector<256xf32>
    %broadcast_in_dim3A_68 = vector.shape_cast %reduce_sum3A_67 : vector<256xf32> to vector<256x1xf32>
    %gt3A_69 = arith.constant 0.000000e+00 : f32
    %gt3A_70 = vector.broadcast %gt3A_69 : f32 to vector<256x1xf32>
    %gt3A_71 = arith.cmpf ogt, %broadcast_in_dim3A_68, %gt3A_70 : vector<256x1xf32>
    %jit3A_72 = arith.constant -1.000000e+00 : f32
    %broadcast_in_dim3A_73 = vector.broadcast %jit3A_72 : f32 to vector<256x1xf32>
    %select_n3A_74 = arith.select %gt3A_71, %broadcast_in_dim3A_65, %broadcast_in_dim3A_73 : vector<256x1xi1>, vector<256x1xf32>
    %add3A_75 = arith.constant 6.144000e+03 : f32
    %add3A_76 = vector.broadcast %add3A_75 : f32 to vector<256x1xf32>
    %add3A_77 = arith.addf %add3A_76, %broadcast_in_dim3A_65 : vector<256x1xf32>
    %select_n3A_78 = arith.select %gt3A_71, %add3A_77, %select_n3A_43 : vector<256x1xi1>, vector<256x1xf32>
    %slice3A_79 = vector.extract_strided_slice %get3A_10 {offsets = [1, 0], sizes = [1, 8], strides = [1, 1]} : vector<4x8xf32> to vector<1x8xf32>
    %reduce_sum3A_80 = arith.constant dense<0.000000e+00> : vector<8xf32>
    %reduce_sum3A_81 = vector.multi_reduction <add>, %convert_element_type3A_54, %reduce_sum3A_80 [0] : vector<256x8xf32> to vector<8xf32>
    %broadcast_in_dim3A_82 = vector.shape_cast %reduce_sum3A_81 : vector<8xf32> to vector<1x8xf32>
    %add3A_83 = arith.addf %slice3A_79, %broadcast_in_dim3A_82 : vector<1x8xf32>
    %iota3A_84 = tpu.iota {dimensions = array<i32: 1>} : vector<256x8xi32>
    %slice3A_85 = vector.extract_strided_slice %get3A_3 {offsets = [0, 2], sizes = [256, 1], strides = [1, 1]} : vector<256x4xi32> to vector<256x1xi32>
    %eq3A_86 = vector.broadcast %slice3A_85 : vector<256x1xi32> to vector<256x8xi32>
    %eq3A_87 = arith.cmpi eq, %eq3A_86, %iota3A_84 : vector<256x8xi32>
    %convert_element_type3A_88 = arith.extui %eq3A_87 : vector<256x8xi1> to vector<256x8xi32>
    %convert_element_type3A_89 = arith.sitofp %convert_element_type3A_88 : vector<256x8xi32> to vector<256x8xf32>
    %dot_general3A_90 = arith.constant dense<0.000000e+00> : vector<256x8xf32>
    %dot_general3A_91 = tpu.matmul %convert_element_type3A_13, %convert_element_type3A_89, %dot_general3A_90 {dimension_numbers = #tpu.dot_dimension_numbers<[1], [0], [0], [1], [0, 0, 1, 1], [], []>, transpose_lhs_hint = false} : vector<256x256xf32>, vector<256x8xf32>, vector<256x8xf32> -> vector<256x8xf32>
    %slice3A_92 = vector.extract_strided_slice %convert_element_type3A_7 {offsets = [2, 0], sizes = [1, 8], strides = [1, 1]} : vector<4x8xf32> to vector<1x8xf32>
    %slice3A_93 = vector.extract_strided_slice %get3A_10 {offsets = [2, 0], sizes = [1, 8], strides = [1, 1]} : vector<4x8xf32> to vector<1x8xf32>
    %add3A_94 = arith.addf %slice3A_92, %slice3A_93 : vector<1x8xf32>
    %add3A_95 = vector.broadcast %add3A_94 : vector<1x8xf32> to vector<256x8xf32>
    %add3A_96 = arith.addf %dot_general3A_91, %add3A_95 : vector<256x8xf32>
    %mul3A_97 = arith.mulf %convert_element_type3A_89, %add3A_96 : vector<256x8xf32>
    %reduce_sum3A_98 = arith.constant dense<0.000000e+00> : vector<256xf32>
    %reduce_sum3A_99 = vector.multi_reduction <add>, %mul3A_97, %reduce_sum3A_98 [1] : vector<256x8xf32> to vector<256xf32>
    %broadcast_in_dim3A_100 = vector.shape_cast %reduce_sum3A_99 : vector<256xf32> to vector<256x1xf32>
    %reduce_sum3A_101 = arith.constant dense<0.000000e+00> : vector<256xf32>
    %reduce_sum3A_102 = vector.multi_reduction <add>, %convert_element_type3A_89, %reduce_sum3A_101 [1] : vector<256x8xf32> to vector<256xf32>
    %broadcast_in_dim3A_103 = vector.shape_cast %reduce_sum3A_102 : vector<256xf32> to vector<256x1xf32>
    %gt3A_104 = arith.constant 0.000000e+00 : f32
    %gt3A_105 = vector.broadcast %gt3A_104 : f32 to vector<256x1xf32>
    %gt3A_106 = arith.cmpf ogt, %broadcast_in_dim3A_103, %gt3A_105 : vector<256x1xf32>
    %jit3A_107 = arith.constant -1.000000e+00 : f32
    %broadcast_in_dim3A_108 = vector.broadcast %jit3A_107 : f32 to vector<256x1xf32>
    %select_n3A_109 = arith.select %gt3A_106, %broadcast_in_dim3A_100, %broadcast_in_dim3A_108 : vector<256x1xi1>, vector<256x1xf32>
    %add3A_110 = arith.constant 1.228800e+04 : f32
    %add3A_111 = vector.broadcast %add3A_110 : f32 to vector<256x1xf32>
    %add3A_112 = arith.addf %add3A_111, %broadcast_in_dim3A_100 : vector<256x1xf32>
    %select_n3A_113 = arith.select %gt3A_106, %add3A_112, %select_n3A_78 : vector<256x1xi1>, vector<256x1xf32>
    %slice3A_114 = vector.extract_strided_slice %get3A_10 {offsets = [2, 0], sizes = [1, 8], strides = [1, 1]} : vector<4x8xf32> to vector<1x8xf32>
    %reduce_sum3A_115 = arith.constant dense<0.000000e+00> : vector<8xf32>
    %reduce_sum3A_116 = vector.multi_reduction <add>, %convert_element_type3A_89, %reduce_sum3A_115 [0] : vector<256x8xf32> to vector<8xf32>
    %broadcast_in_dim3A_117 = vector.shape_cast %reduce_sum3A_116 : vector<8xf32> to vector<1x8xf32>
    %add3A_118 = arith.addf %slice3A_114, %broadcast_in_dim3A_117 : vector<1x8xf32>
    %iota3A_119 = tpu.iota {dimensions = array<i32: 1>} : vector<256x8xi32>
    %slice3A_120 = vector.extract_strided_slice %get3A_3 {offsets = [0, 3], sizes = [256, 1], strides = [1, 1]} : vector<256x4xi32> to vector<256x1xi32>
    %eq3A_121 = vector.broadcast %slice3A_120 : vector<256x1xi32> to vector<256x8xi32>
    %eq3A_122 = arith.cmpi eq, %eq3A_121, %iota3A_119 : vector<256x8xi32>
    %convert_element_type3A_123 = arith.extui %eq3A_122 : vector<256x8xi1> to vector<256x8xi32>
    %convert_element_type3A_124 = arith.sitofp %convert_element_type3A_123 : vector<256x8xi32> to vector<256x8xf32>
    %dot_general3A_125 = arith.constant dense<0.000000e+00> : vector<256x8xf32>
    %dot_general3A_126 = tpu.matmul %convert_element_type3A_13, %convert_element_type3A_124, %dot_general3A_125 {dimension_numbers = #tpu.dot_dimension_numbers<[1], [0], [0], [1], [0, 0, 1, 1], [], []>, transpose_lhs_hint = false} : vector<256x256xf32>, vector<256x8xf32>, vector<256x8xf32> -> vector<256x8xf32>
    %slice3A_127 = vector.extract_strided_slice %convert_element_type3A_7 {offsets = [3, 0], sizes = [1, 8], strides = [1, 1]} : vector<4x8xf32> to vector<1x8xf32>
    %slice3A_128 = vector.extract_strided_slice %get3A_10 {offsets = [3, 0], sizes = [1, 8], strides = [1, 1]} : vector<4x8xf32> to vector<1x8xf32>
    %add3A_129 = arith.addf %slice3A_127, %slice3A_128 : vector<1x8xf32>
    %add3A_130 = vector.broadcast %add3A_129 : vector<1x8xf32> to vector<256x8xf32>
    %add3A_131 = arith.addf %dot_general3A_126, %add3A_130 : vector<256x8xf32>
    %mul3A_132 = arith.mulf %convert_element_type3A_124, %add3A_131 : vector<256x8xf32>
    %reduce_sum3A_133 = arith.constant dense<0.000000e+00> : vector<256xf32>
    %reduce_sum3A_134 = vector.multi_reduction <add>, %mul3A_132, %reduce_sum3A_133 [1] : vector<256x8xf32> to vector<256xf32>
    %broadcast_in_dim3A_135 = vector.shape_cast %reduce_sum3A_134 : vector<256xf32> to vector<256x1xf32>
    %reduce_sum3A_136 = arith.constant dense<0.000000e+00> : vector<256xf32>
    %reduce_sum3A_137 = vector.multi_reduction <add>, %convert_element_type3A_124, %reduce_sum3A_136 [1] : vector<256x8xf32> to vector<256xf32>
    %broadcast_in_dim3A_138 = vector.shape_cast %reduce_sum3A_137 : vector<256xf32> to vector<256x1xf32>
    %gt3A_139 = arith.constant 0.000000e+00 : f32
    %gt3A_140 = vector.broadcast %gt3A_139 : f32 to vector<256x1xf32>
    %gt3A_141 = arith.cmpf ogt, %broadcast_in_dim3A_138, %gt3A_140 : vector<256x1xf32>
    %jit3A_142 = arith.constant -1.000000e+00 : f32
    %broadcast_in_dim3A_143 = vector.broadcast %jit3A_142 : f32 to vector<256x1xf32>
    %select_n3A_144 = arith.select %gt3A_141, %broadcast_in_dim3A_135, %broadcast_in_dim3A_143 : vector<256x1xi1>, vector<256x1xf32>
    %add3A_145 = arith.constant 1.843200e+04 : f32
    %add3A_146 = vector.broadcast %add3A_145 : f32 to vector<256x1xf32>
    %add3A_147 = arith.addf %add3A_146, %broadcast_in_dim3A_135 : vector<256x1xf32>
    %select_n3A_148 = arith.select %gt3A_141, %add3A_147, %select_n3A_113 : vector<256x1xi1>, vector<256x1xf32>
    %slice3A_149 = vector.extract_strided_slice %get3A_10 {offsets = [3, 0], sizes = [1, 8], strides = [1, 1]} : vector<4x8xf32> to vector<1x8xf32>
    %reduce_sum3A_150 = arith.constant dense<0.000000e+00> : vector<8xf32>
    %reduce_sum3A_151 = vector.multi_reduction <add>, %convert_element_type3A_124, %reduce_sum3A_150 [0] : vector<256x8xf32> to vector<8xf32>
    %broadcast_in_dim3A_152 = vector.shape_cast %reduce_sum3A_151 : vector<8xf32> to vector<1x8xf32>
    %add3A_153 = arith.addf %slice3A_149, %broadcast_in_dim3A_152 : vector<1x8xf32>
    %concatenate3A = tpu.concatenate %select_n3A, %select_n3A_74, %select_n3A_109, %select_n3A_144 in 1 : vector<256x1xf32>, vector<256x1xf32>, vector<256x1xf32>, vector<256x1xf32> -> vector<256x4xf32>
    %convert_element_type3A_154 = arith.fptosi %concatenate3A : vector<256x4xf32> to vector<256x4xi32>
    %swap3A = arith.constant 0 : index
    %swap3A_155 = arith.constant 0 : index
    %swap3A_156 = vector.load %arg3[%swap3A, %swap3A_155] : memref<256x4xi32, #tpu.memory_space<vmem>>, vector<256x4xi32>
    tpu.vector_store %arg3[%swap3A, %swap3A_155], %convert_element_type3A_154 {strides = array<i32>} : memref<256x4xi32, #tpu.memory_space<vmem>>, vector<256x4xi32>,
    %convert_element_type3A_157 = arith.fptosi %select_n3A_148 : vector<256x1xf32> to vector<256x1xi32>
    %swap3A_158 = arith.constant 0 : index
    %swap3A_159 = arith.constant 0 : index
    %swap3A_160 = vector.load %arg4[%swap3A_158, %swap3A_159] : memref<256x1xi32, #tpu.memory_space<vmem>>, vector<256x1xi32>
    tpu.vector_store %arg4[%swap3A_158, %swap3A_159], %convert_element_type3A_157 {strides = array<i32>} : memref<256x1xi32, #tpu.memory_space<vmem>>, vector<256x1xi32>,
    %concatenate3A_161 = tpu.concatenate %add3A_48, %add3A_83, %add3A_118, %add3A_153 in 0 : vector<1x8xf32>, vector<1x8xf32>, vector<1x8xf32>, vector<1x8xf32> -> vector<4x8xf32>
    %swap3A_162 = arith.constant 0 : index
    %swap3A_163 = arith.constant 0 : index
    %swap3A_164 = vector.load %arg5[%swap3A_162, %swap3A_163] : memref<4x8xf32, #tpu.memory_space<vmem>>, vector<4x8xf32>
    tpu.vector_store %arg5[%swap3A_162, %swap3A_163], %concatenate3A_161 {strides = array<i32>} : memref<4x8xf32, #tpu.memory_space<vmem>>, vector<4x8xf32>,
    return
  }
  func.func @transform_0(%arg0: i32) -> (i32, i32) {
    %c0_i32 = arith.constant 0 : i32
    %c0_i32_0 = arith.constant 0 : i32
    return %arg0, %c0_i32 : i32, i32
  }
  func.func @transform_1(%arg0: i32) -> (i32, i32) {
    %c0_i32 = arith.constant 0 : i32
    %c0_i32_0 = arith.constant 0 : i32
    %c0_i32_1 = arith.constant 0 : i32
    return %c0_i32, %c0_i32_0 : i32, i32
  }
  func.func @transform_2(%arg0: i32) -> (i32, i32) {
    %c0_i32 = arith.constant 0 : i32
    %c0_i32_0 = arith.constant 0 : i32
    return %arg0, %c0_i32 : i32, i32
  }
  func.func @transform_3(%arg0: i32) -> (i32, i32) {
    %c0_i32 = arith.constant 0 : i32
    %c0_i32_0 = arith.constant 0 : i32
    return %arg0, %c0_i32 : i32, i32
  }
}

module attributes {stable_mosaic.version = 14 : i64} {
  func.func @_expert0_body(%arg0: i32, %arg1: memref<24xi32, #tpu.memory_space<smem>>, %arg2: memref<256x1024xf32, #tpu.memory_space<vmem>>, %arg3: memref<256x1024xf32, #tpu.memory_space<vmem>>, %arg4: memref<1x1024x1024xf32, #tpu.memory_space<vmem>>, %arg5: memref<1x1x1024xf32, #tpu.memory_space<vmem>>, %arg6: memref<256x1024xf32, #tpu.memory_space<vmem>>) attributes {dimension_semantics = [#tpu.dimension_semantics<arbitrary>], iteration_bounds = array<i64: 40>, scalar_prefetch = 1 : i64, scratch_operands = 0 : i64, tpu.core_type = #tpu.core_type<tc>, window_params = [{transform_indices = @transform_0, window_bounds = array<i64: 256, 1024>}, {transform_indices = @transform_1, window_bounds = array<i64: 256, 1024>}, {transform_indices = @transform_2, window_bounds = array<i64: 1, 1024, 1024>}, {transform_indices = @transform_3, window_bounds = array<i64: 1, 1, 1024>}, {transform_indices = @transform_4, window_bounds = array<i64: 256, 1024>}]} {
    %lt3A = arith.constant 24 : i32
    %lt3A_0 = arith.cmpi slt, %arg0, %lt3A : i32
    %min3A = arith.constant 23 : i32
    %min3A_1 = arith.minsi %arg0, %min3A : i32
    %get3A = arith.index_cast %min3A_1 : i32 to index
    %get3A_2 = memref.load %arg1[%get3A] : memref<24xi32, #tpu.memory_space<smem>>
    %ge3A = arith.constant 0 : i32
    %ge3A_3 = arith.cmpi sge, %get3A_2, %ge3A : i32
    %and3A = arith.andi %lt3A_0, %ge3A_3 : i1
    %convert_element_type3A = arith.extui %and3A : i1 to i32
    %cond3A = arith.constant 0 : i32
    %cond3A_4 = arith.cmpi ne, %convert_element_type3A, %cond3A : i32
    scf.if %cond3A_4 {
      %get3A_10 = arith.constant 0 : index
      %get3A_11 = arith.constant 0 : index
      %get3A_12 = vector.load %arg2[%get3A_10, %get3A_11] : memref<256x1024xf32, #tpu.memory_space<vmem>>, vector<256x1024xf32>
      %get3A_13 = arith.constant 0 : index
      %get3A_14 = arith.constant 0 : index
      %get3A_15 = arith.constant 0 : index
      %get3A_16 = vector.load %arg4[%get3A_13, %get3A_14, %get3A_15] : memref<1x1024x1024xf32, #tpu.memory_space<vmem>>, vector<1x1024x1024xf32>
      %get3A_17 = vector.shape_cast %get3A_16 : vector<1x1024x1024xf32> to vector<1024x1024xf32>
      %dot_general3A = arith.constant dense<0.000000e+00> : vector<256x1024xf32>
      %dot_general3A_18 = tpu.matmul %get3A_12, %get3A_17, %dot_general3A {dimension_numbers = #tpu.dot_dimension_numbers<[1], [0], [0], [1], [0, 0, 1, 1], [], []>, transpose_lhs_hint = false} : vector<256x1024xf32>, vector<1024x1024xf32>, vector<256x1024xf32> -> vector<256x1024xf32>
      %get3A_19 = arith.constant 0 : index
      %get3A_20 = arith.constant 0 : index
      %get3A_21 = arith.constant 0 : index
      %get3A_22 = vector.load %arg5[%get3A_19, %get3A_20, %get3A_21] : memref<1x1x1024xf32, #tpu.memory_space<vmem>>, vector<1x1x1024xf32>
      %get3A_23 = vector.shape_cast %get3A_22 : vector<1x1x1024xf32> to vector<1x1024xf32>
      %add3A = vector.broadcast %get3A_23 : vector<1x1024xf32> to vector<256x1024xf32>
      %add3A_24 = arith.addf %dot_general3A_18, %add3A : vector<256x1024xf32>
      %tanh3A = math.tanh %add3A_24 : vector<256x1024xf32>
      %swap3A = arith.constant 0 : index
      %swap3A_25 = arith.constant 0 : index
      %swap3A_26 = vector.load %arg6[%swap3A, %swap3A_25] : memref<256x1024xf32, #tpu.memory_space<vmem>>, vector<256x1024xf32>
      tpu.vector_store %arg6[%swap3A, %swap3A_25], %tanh3A {strides = array<i32>} : memref<256x1024xf32, #tpu.memory_space<vmem>>, vector<256x1024xf32>,
    } else {
    }
    %ge3A_5 = arith.constant 24 : i32
    %ge3A_6 = arith.cmpi sge, %arg0, %ge3A_5 : i32
    %convert_element_type3A_7 = arith.extui %ge3A_6 : i1 to i32
    %cond3A_8 = arith.constant 0 : i32
    %cond3A_9 = arith.cmpi ne, %convert_element_type3A_7, %cond3A_8 : i32
    scf.if %cond3A_9 {
      %get3A_10 = arith.constant 0 : index
      %get3A_11 = arith.constant 0 : index
      %get3A_12 = vector.load %arg3[%get3A_10, %get3A_11] : memref<256x1024xf32, #tpu.memory_space<vmem>>, vector<256x1024xf32>
      %swap3A = arith.constant 0 : index
      %swap3A_13 = arith.constant 0 : index
      %swap3A_14 = vector.load %arg6[%swap3A, %swap3A_13] : memref<256x1024xf32, #tpu.memory_space<vmem>>, vector<256x1024xf32>
      tpu.vector_store %arg6[%swap3A, %swap3A_13], %get3A_12 {strides = array<i32>} : memref<256x1024xf32, #tpu.memory_space<vmem>>, vector<256x1024xf32>,
    } else {
    }
    return
  }
  func.func @transform_0(%arg0: i32, %arg1: memref<24xi32, #tpu.memory_space<smem>>) -> (i32, i32) {
    %min3A = arith.constant 23 : i32
    %min3A_0 = arith.minsi %arg0, %min3A : i32
    %c0_i32 = arith.constant 0 : i32
    %c0_i32_1 = arith.constant 0 : i32
    return %min3A_0, %c0_i32 : i32, i32
  }
  func.func @transform_1(%arg0: i32, %arg1: memref<24xi32, #tpu.memory_space<smem>>) -> (i32, i32) {
    %sub3A = arith.constant 24 : i32
    %sub3A_0 = arith.subi %arg0, %sub3A : i32
    %max3A = arith.constant 0 : i32
    %max3A_1 = arith.maxsi %sub3A_0, %max3A : i32
    %c0_i32 = arith.constant 0 : i32
    %c0_i32_2 = arith.constant 0 : i32
    return %max3A_1, %c0_i32 : i32, i32
  }
  func.func @transform_2(%arg0: i32, %arg1: memref<24xi32, #tpu.memory_space<smem>>) -> (i32, i32, i32) {
    %min3A = arith.constant 23 : i32
    %min3A_0 = arith.minsi %arg0, %min3A : i32
    %get3A = arith.index_cast %min3A_0 : i32 to index
    %get3A_1 = memref.load %arg1[%get3A] : memref<24xi32, #tpu.memory_space<smem>>
    %max3A = arith.constant 0 : i32
    %max3A_2 = arith.maxsi %get3A_1, %max3A : i32
    %c0_i32 = arith.constant 0 : i32
    %c0_i32_3 = arith.constant 0 : i32
    %c0_i32_4 = arith.constant 0 : i32
    return %max3A_2, %c0_i32, %c0_i32_3 : i32, i32, i32
  }
  func.func @transform_3(%arg0: i32, %arg1: memref<24xi32, #tpu.memory_space<smem>>) -> (i32, i32, i32) {
    %min3A = arith.constant 23 : i32
    %min3A_0 = arith.minsi %arg0, %min3A : i32
    %get3A = arith.index_cast %min3A_0 : i32 to index
    %get3A_1 = memref.load %arg1[%get3A] : memref<24xi32, #tpu.memory_space<smem>>
    %max3A = arith.constant 0 : i32
    %max3A_2 = arith.maxsi %get3A_1, %max3A : i32
    %c0_i32 = arith.constant 0 : i32
    %c0_i32_3 = arith.constant 0 : i32
    %c0_i32_4 = arith.constant 0 : i32
    return %max3A_2, %c0_i32, %c0_i32_3 : i32, i32, i32
  }
  func.func @transform_4(%arg0: i32, %arg1: memref<24xi32, #tpu.memory_space<smem>>) -> (i32, i32) {
    %lt3A = arith.constant 24 : i32
    %lt3A_0 = arith.cmpi slt, %arg0, %lt3A : i32
    %add3A = arith.constant 96 : i32
    %add3A_1 = arith.addi %add3A, %arg0 : i32
    %sub3A = arith.constant 24 : i32
    %sub3A_2 = arith.subi %add3A_1, %sub3A : i32
    %select_n3A = arith.select %lt3A_0, %arg0, %sub3A_2 : i32
    %c0_i32 = arith.constant 0 : i32
    %c0_i32_3 = arith.constant 0 : i32
    return %select_n3A, %c0_i32 : i32, i32
  }
}

module attributes {stable_mosaic.version = 14 : i64} {
  func.func @_expert_acc_body(%arg0: i32, %arg1: memref<24xi32, #tpu.memory_space<smem>>, %arg2: memref<256x1024xf32, #tpu.memory_space<vmem>>, %arg3: memref<1x1024x1024xf32, #tpu.memory_space<vmem>>, %arg4: memref<1x1x1024xf32, #tpu.memory_space<vmem>>, %arg5: memref<28672x1024xf32, #tpu.memory_space<hbm>>, %arg6: memref<256x1024xf32, #tpu.memory_space<vmem>>) attributes {dimension_semantics = [#tpu.dimension_semantics<arbitrary>], iteration_bounds = array<i64: 24>, scalar_prefetch = 1 : i64, scratch_operands = 0 : i64, tpu.core_type = #tpu.core_type<tc>, window_params = [{transform_indices = @transform_0, window_bounds = array<i64: 256, 1024>}, {transform_indices = @transform_1, window_bounds = array<i64: 1, 1024, 1024>}, {transform_indices = @transform_2, window_bounds = array<i64: 1, 1, 1024>}, {}, {transform_indices = @transform_4, window_bounds = array<i64: 256, 1024>}]} {
    %get3A = arith.index_cast %arg0 : i32 to index
    %get3A_0 = memref.load %arg1[%get3A] : memref<24xi32, #tpu.memory_space<smem>>
    %ge3A = arith.constant 0 : i32
    %ge3A_1 = arith.cmpi sge, %get3A_0, %ge3A : i32
    %convert_element_type3A = arith.extui %ge3A_1 : i1 to i32
    %cond3A = arith.constant 0 : i32
    %cond3A_2 = arith.cmpi ne, %convert_element_type3A, %cond3A : i32
    scf.if %cond3A_2 {
      %get3A_3 = arith.constant 0 : index
      %get3A_4 = arith.constant 0 : index
      %get3A_5 = vector.load %arg2[%get3A_3, %get3A_4] : memref<256x1024xf32, #tpu.memory_space<vmem>>, vector<256x1024xf32>
      %get3A_6 = arith.constant 0 : index
      %get3A_7 = arith.constant 0 : index
      %get3A_8 = arith.constant 0 : index
      %get3A_9 = vector.load %arg3[%get3A_6, %get3A_7, %get3A_8] : memref<1x1024x1024xf32, #tpu.memory_space<vmem>>, vector<1x1024x1024xf32>
      %get3A_10 = vector.shape_cast %get3A_9 : vector<1x1024x1024xf32> to vector<1024x1024xf32>
      %dot_general3A = arith.constant dense<0.000000e+00> : vector<256x1024xf32>
      %dot_general3A_11 = tpu.matmul %get3A_5, %get3A_10, %dot_general3A {dimension_numbers = #tpu.dot_dimension_numbers<[1], [0], [0], [1], [0, 0, 1, 1], [], []>, transpose_lhs_hint = false} : vector<256x1024xf32>, vector<1024x1024xf32>, vector<256x1024xf32> -> vector<256x1024xf32>
      %get3A_12 = arith.constant 0 : index
      %get3A_13 = arith.constant 0 : index
      %get3A_14 = arith.constant 0 : index
      %get3A_15 = vector.load %arg4[%get3A_12, %get3A_13, %get3A_14] : memref<1x1x1024xf32, #tpu.memory_space<vmem>>, vector<1x1x1024xf32>
      %get3A_16 = vector.shape_cast %get3A_15 : vector<1x1x1024xf32> to vector<1x1024xf32>
      %add3A = vector.broadcast %get3A_16 : vector<1x1024xf32> to vector<256x1024xf32>
      %add3A_17 = arith.addf %dot_general3A_11, %add3A : vector<256x1024xf32>
      %tanh3A = math.tanh %add3A_17 : vector<256x1024xf32>
      %swap3A = arith.constant 0 : index
      %swap3A_18 = arith.constant 0 : index
      %swap3A_19 = vector.load %arg6[%swap3A, %swap3A_18] : memref<256x1024xf32, #tpu.memory_space<vmem>>, vector<256x1024xf32>
      tpu.vector_store %arg6[%swap3A, %swap3A_18], %tanh3A {strides = array<i32>} : memref<256x1024xf32, #tpu.memory_space<vmem>>, vector<256x1024xf32>,
    } else {
    }
    return
  }
  func.func @transform_0(%arg0: i32, %arg1: memref<24xi32, #tpu.memory_space<smem>>) -> (i32, i32) {
    %c0_i32 = arith.constant 0 : i32
    %c0_i32_0 = arith.constant 0 : i32
    return %arg0, %c0_i32 : i32, i32
  }
  func.func @transform_1(%arg0: i32, %arg1: memref<24xi32, #tpu.memory_space<smem>>) -> (i32, i32, i32) {
    %get3A = arith.index_cast %arg0 : i32 to index
    %get3A_0 = memref.load %arg1[%get3A] : memref<24xi32, #tpu.memory_space<smem>>
    %max3A = arith.constant 0 : i32
    %max3A_1 = arith.maxsi %get3A_0, %max3A : i32
    %c0_i32 = arith.constant 0 : i32
    %c0_i32_2 = arith.constant 0 : i32
    %c0_i32_3 = arith.constant 0 : i32
    return %max3A_1, %c0_i32, %c0_i32_2 : i32, i32, i32
  }
  func.func @transform_2(%arg0: i32, %arg1: memref<24xi32, #tpu.memory_space<smem>>) -> (i32, i32, i32) {
    %get3A = arith.index_cast %arg0 : i32 to index
    %get3A_0 = memref.load %arg1[%get3A] : memref<24xi32, #tpu.memory_space<smem>>
    %max3A = arith.constant 0 : i32
    %max3A_1 = arith.maxsi %get3A_0, %max3A : i32
    %c0_i32 = arith.constant 0 : i32
    %c0_i32_2 = arith.constant 0 : i32
    %c0_i32_3 = arith.constant 0 : i32
    return %max3A_1, %c0_i32, %c0_i32_2 : i32, i32, i32
  }
  func.func @transform_4(%arg0: i32, %arg1: memref<24xi32, #tpu.memory_space<smem>>) -> (i32, i32) {
    %add3A = arith.constant 24 : i32
    %add3A_0 = arith.addi %add3A, %arg0 : i32
    %c0_i32 = arith.constant 0 : i32
    %c0_i32_1 = arith.constant 0 : i32
    return %add3A_0, %c0_i32 : i32, i32
  }
}

module attributes {stable_mosaic.version = 14 : i64} {
  func.func @_expert_acc_body(%arg0: i32, %arg1: memref<24xi32, #tpu.memory_space<smem>>, %arg2: memref<256x1024xf32, #tpu.memory_space<vmem>>, %arg3: memref<1x1024x1024xf32, #tpu.memory_space<vmem>>, %arg4: memref<1x1x1024xf32, #tpu.memory_space<vmem>>, %arg5: memref<28672x1024xf32, #tpu.memory_space<hbm>>, %arg6: memref<256x1024xf32, #tpu.memory_space<vmem>>) attributes {dimension_semantics = [#tpu.dimension_semantics<arbitrary>], iteration_bounds = array<i64: 24>, scalar_prefetch = 1 : i64, scratch_operands = 0 : i64, tpu.core_type = #tpu.core_type<tc>, window_params = [{transform_indices = @transform_0, window_bounds = array<i64: 256, 1024>}, {transform_indices = @transform_1, window_bounds = array<i64: 1, 1024, 1024>}, {transform_indices = @transform_2, window_bounds = array<i64: 1, 1, 1024>}, {}, {transform_indices = @transform_4, window_bounds = array<i64: 256, 1024>}]} {
    %get3A = arith.index_cast %arg0 : i32 to index
    %get3A_0 = memref.load %arg1[%get3A] : memref<24xi32, #tpu.memory_space<smem>>
    %ge3A = arith.constant 0 : i32
    %ge3A_1 = arith.cmpi sge, %get3A_0, %ge3A : i32
    %convert_element_type3A = arith.extui %ge3A_1 : i1 to i32
    %cond3A = arith.constant 0 : i32
    %cond3A_2 = arith.cmpi ne, %convert_element_type3A, %cond3A : i32
    scf.if %cond3A_2 {
      %get3A_3 = arith.constant 0 : index
      %get3A_4 = arith.constant 0 : index
      %get3A_5 = vector.load %arg2[%get3A_3, %get3A_4] : memref<256x1024xf32, #tpu.memory_space<vmem>>, vector<256x1024xf32>
      %get3A_6 = arith.constant 0 : index
      %get3A_7 = arith.constant 0 : index
      %get3A_8 = arith.constant 0 : index
      %get3A_9 = vector.load %arg3[%get3A_6, %get3A_7, %get3A_8] : memref<1x1024x1024xf32, #tpu.memory_space<vmem>>, vector<1x1024x1024xf32>
      %get3A_10 = vector.shape_cast %get3A_9 : vector<1x1024x1024xf32> to vector<1024x1024xf32>
      %dot_general3A = arith.constant dense<0.000000e+00> : vector<256x1024xf32>
      %dot_general3A_11 = tpu.matmul %get3A_5, %get3A_10, %dot_general3A {dimension_numbers = #tpu.dot_dimension_numbers<[1], [0], [0], [1], [0, 0, 1, 1], [], []>, transpose_lhs_hint = false} : vector<256x1024xf32>, vector<1024x1024xf32>, vector<256x1024xf32> -> vector<256x1024xf32>
      %get3A_12 = arith.constant 0 : index
      %get3A_13 = arith.constant 0 : index
      %get3A_14 = arith.constant 0 : index
      %get3A_15 = vector.load %arg4[%get3A_12, %get3A_13, %get3A_14] : memref<1x1x1024xf32, #tpu.memory_space<vmem>>, vector<1x1x1024xf32>
      %get3A_16 = vector.shape_cast %get3A_15 : vector<1x1x1024xf32> to vector<1x1024xf32>
      %add3A = vector.broadcast %get3A_16 : vector<1x1024xf32> to vector<256x1024xf32>
      %add3A_17 = arith.addf %dot_general3A_11, %add3A : vector<256x1024xf32>
      %tanh3A = math.tanh %add3A_17 : vector<256x1024xf32>
      %swap3A = arith.constant 0 : index
      %swap3A_18 = arith.constant 0 : index
      %swap3A_19 = vector.load %arg6[%swap3A, %swap3A_18] : memref<256x1024xf32, #tpu.memory_space<vmem>>, vector<256x1024xf32>
      tpu.vector_store %arg6[%swap3A, %swap3A_18], %tanh3A {strides = array<i32>} : memref<256x1024xf32, #tpu.memory_space<vmem>>, vector<256x1024xf32>,
    } else {
    }
    return
  }
  func.func @transform_0(%arg0: i32, %arg1: memref<24xi32, #tpu.memory_space<smem>>) -> (i32, i32) {
    %c0_i32 = arith.constant 0 : i32
    %c0_i32_0 = arith.constant 0 : i32
    return %arg0, %c0_i32 : i32, i32
  }
  func.func @transform_1(%arg0: i32, %arg1: memref<24xi32, #tpu.memory_space<smem>>) -> (i32, i32, i32) {
    %get3A = arith.index_cast %arg0 : i32 to index
    %get3A_0 = memref.load %arg1[%get3A] : memref<24xi32, #tpu.memory_space<smem>>
    %max3A = arith.constant 0 : i32
    %max3A_1 = arith.maxsi %get3A_0, %max3A : i32
    %c0_i32 = arith.constant 0 : i32
    %c0_i32_2 = arith.constant 0 : i32
    %c0_i32_3 = arith.constant 0 : i32
    return %max3A_1, %c0_i32, %c0_i32_2 : i32, i32, i32
  }
  func.func @transform_2(%arg0: i32, %arg1: memref<24xi32, #tpu.memory_space<smem>>) -> (i32, i32, i32) {
    %get3A = arith.index_cast %arg0 : i32 to index
    %get3A_0 = memref.load %arg1[%get3A] : memref<24xi32, #tpu.memory_space<smem>>
    %max3A = arith.constant 0 : i32
    %max3A_1 = arith.maxsi %get3A_0, %max3A : i32
    %c0_i32 = arith.constant 0 : i32
    %c0_i32_2 = arith.constant 0 : i32
    %c0_i32_3 = arith.constant 0 : i32
    return %max3A_1, %c0_i32, %c0_i32_2 : i32, i32, i32
  }
  func.func @transform_4(%arg0: i32, %arg1: memref<24xi32, #tpu.memory_space<smem>>) -> (i32, i32) {
    %add3A = arith.constant 48 : i32
    %add3A_0 = arith.addi %add3A, %arg0 : i32
    %c0_i32 = arith.constant 0 : i32
    %c0_i32_1 = arith.constant 0 : i32
    return %add3A_0, %c0_i32 : i32, i32
  }
}

module attributes {stable_mosaic.version = 14 : i64} {
  func.func @_expert_acc_body(%arg0: i32, %arg1: memref<24xi32, #tpu.memory_space<smem>>, %arg2: memref<256x1024xf32, #tpu.memory_space<vmem>>, %arg3: memref<1x1024x1024xf32, #tpu.memory_space<vmem>>, %arg4: memref<1x1x1024xf32, #tpu.memory_space<vmem>>, %arg5: memref<28672x1024xf32, #tpu.memory_space<hbm>>, %arg6: memref<256x1024xf32, #tpu.memory_space<vmem>>) attributes {dimension_semantics = [#tpu.dimension_semantics<arbitrary>], iteration_bounds = array<i64: 24>, scalar_prefetch = 1 : i64, scratch_operands = 0 : i64, tpu.core_type = #tpu.core_type<tc>, window_params = [{transform_indices = @transform_0, window_bounds = array<i64: 256, 1024>}, {transform_indices = @transform_1, window_bounds = array<i64: 1, 1024, 1024>}, {transform_indices = @transform_2, window_bounds = array<i64: 1, 1, 1024>}, {}, {transform_indices = @transform_4, window_bounds = array<i64: 256, 1024>}]} {
    %get3A = arith.index_cast %arg0 : i32 to index
    %get3A_0 = memref.load %arg1[%get3A] : memref<24xi32, #tpu.memory_space<smem>>
    %ge3A = arith.constant 0 : i32
    %ge3A_1 = arith.cmpi sge, %get3A_0, %ge3A : i32
    %convert_element_type3A = arith.extui %ge3A_1 : i1 to i32
    %cond3A = arith.constant 0 : i32
    %cond3A_2 = arith.cmpi ne, %convert_element_type3A, %cond3A : i32
    scf.if %cond3A_2 {
      %get3A_3 = arith.constant 0 : index
      %get3A_4 = arith.constant 0 : index
      %get3A_5 = vector.load %arg2[%get3A_3, %get3A_4] : memref<256x1024xf32, #tpu.memory_space<vmem>>, vector<256x1024xf32>
      %get3A_6 = arith.constant 0 : index
      %get3A_7 = arith.constant 0 : index
      %get3A_8 = arith.constant 0 : index
      %get3A_9 = vector.load %arg3[%get3A_6, %get3A_7, %get3A_8] : memref<1x1024x1024xf32, #tpu.memory_space<vmem>>, vector<1x1024x1024xf32>
      %get3A_10 = vector.shape_cast %get3A_9 : vector<1x1024x1024xf32> to vector<1024x1024xf32>
      %dot_general3A = arith.constant dense<0.000000e+00> : vector<256x1024xf32>
      %dot_general3A_11 = tpu.matmul %get3A_5, %get3A_10, %dot_general3A {dimension_numbers = #tpu.dot_dimension_numbers<[1], [0], [0], [1], [0, 0, 1, 1], [], []>, transpose_lhs_hint = false} : vector<256x1024xf32>, vector<1024x1024xf32>, vector<256x1024xf32> -> vector<256x1024xf32>
      %get3A_12 = arith.constant 0 : index
      %get3A_13 = arith.constant 0 : index
      %get3A_14 = arith.constant 0 : index
      %get3A_15 = vector.load %arg4[%get3A_12, %get3A_13, %get3A_14] : memref<1x1x1024xf32, #tpu.memory_space<vmem>>, vector<1x1x1024xf32>
      %get3A_16 = vector.shape_cast %get3A_15 : vector<1x1x1024xf32> to vector<1x1024xf32>
      %add3A = vector.broadcast %get3A_16 : vector<1x1024xf32> to vector<256x1024xf32>
      %add3A_17 = arith.addf %dot_general3A_11, %add3A : vector<256x1024xf32>
      %tanh3A = math.tanh %add3A_17 : vector<256x1024xf32>
      %swap3A = arith.constant 0 : index
      %swap3A_18 = arith.constant 0 : index
      %swap3A_19 = vector.load %arg6[%swap3A, %swap3A_18] : memref<256x1024xf32, #tpu.memory_space<vmem>>, vector<256x1024xf32>
      tpu.vector_store %arg6[%swap3A, %swap3A_18], %tanh3A {strides = array<i32>} : memref<256x1024xf32, #tpu.memory_space<vmem>>, vector<256x1024xf32>,
    } else {
    }
    return
  }
  func.func @transform_0(%arg0: i32, %arg1: memref<24xi32, #tpu.memory_space<smem>>) -> (i32, i32) {
    %c0_i32 = arith.constant 0 : i32
    %c0_i32_0 = arith.constant 0 : i32
    return %arg0, %c0_i32 : i32, i32
  }
  func.func @transform_1(%arg0: i32, %arg1: memref<24xi32, #tpu.memory_space<smem>>) -> (i32, i32, i32) {
    %get3A = arith.index_cast %arg0 : i32 to index
    %get3A_0 = memref.load %arg1[%get3A] : memref<24xi32, #tpu.memory_space<smem>>
    %max3A = arith.constant 0 : i32
    %max3A_1 = arith.maxsi %get3A_0, %max3A : i32
    %c0_i32 = arith.constant 0 : i32
    %c0_i32_2 = arith.constant 0 : i32
    %c0_i32_3 = arith.constant 0 : i32
    return %max3A_1, %c0_i32, %c0_i32_2 : i32, i32, i32
  }
  func.func @transform_2(%arg0: i32, %arg1: memref<24xi32, #tpu.memory_space<smem>>) -> (i32, i32, i32) {
    %get3A = arith.index_cast %arg0 : i32 to index
    %get3A_0 = memref.load %arg1[%get3A] : memref<24xi32, #tpu.memory_space<smem>>
    %max3A = arith.constant 0 : i32
    %max3A_1 = arith.maxsi %get3A_0, %max3A : i32
    %c0_i32 = arith.constant 0 : i32
    %c0_i32_2 = arith.constant 0 : i32
    %c0_i32_3 = arith.constant 0 : i32
    return %max3A_1, %c0_i32, %c0_i32_2 : i32, i32, i32
  }
  func.func @transform_4(%arg0: i32, %arg1: memref<24xi32, #tpu.memory_space<smem>>) -> (i32, i32) {
    %add3A = arith.constant 72 : i32
    %add3A_0 = arith.addi %add3A, %arg0 : i32
    %c0_i32 = arith.constant 0 : i32
    %c0_i32_1 = arith.constant 0 : i32
    return %add3A_0, %c0_i32 : i32, i32
  }
}

</mosaic_0001>

<sc_bundles>
// kernel: kernel.15.cloned.1.call-start
scs
__scs_entry_jumppad:
0x0: {  	(pc) =	sbr.rel $0x88, $3  }
0x1: {  	(tag) =	ssettag $0x0;
	lr =	simm.s32 $0x1  }
0x2: {  	[smem:$0x3F9A] =	sst lr;
	_ =	strace $0xD0000000  }
0x3: {  	_ = 	snop  }
0x4: {  	_ = 	snop  }
0x5: {  	_ = 	snop  }
0x6: {  	_ = 	snop  }
0x7: {  	_ = 	snop  }
__scs_overlays_trampoline_lowered:
0x8: {  	[smem:$0x3FA9] =	sst s0  }
0x9: {  	[smem:$0x3FAA] =	sst s1  }
0xa: {  	[smem:$0x3FAB] =	sst s2  }
0xb: {  	[smem:$0x3FAC] =	sst s3  }
0xc: {  	[smem:$0x3FAD] =	sst s4  }
0xd: {  	[smem:$0x3FAE] =	sst s5  }
0xe: {  	[smem:$0x3FAF] =	sst s6  }
0xf: {  	[smem:$0x3FB0] =	sst s7  }
0x10: {  	[smem:$0x3FB1] =	sst s8  }
0x11: {  	[smem:$0x3FB2] =	sst s9;
	s0 =	simm.s32 @!p0 $0x0  }
0x12: {  	s1 =	sld [smem:$0x3F98];
	s0 =	simm.s32 @p0 $0x1  }
0x13: {  	[smem:$0x3FB3] =	sst s0;
	s0 =	simm.s32 @!p1 $0x0  }
0x14: {  	s2 =	sld [smem:$0x3F97];
	s0 =	simm.s32 @p1 $0x1  }
0x15: {  	[smem:$0x3FB4] =	sst s0;
	s0 =	simm.s32 @!p2 $0x0  }
0x16: {  	s3 =	sld [smem:$0x3FDB];
	s0 =	simm.s32 @p2 $0x1  }
0x17: {  	s4 =	simm.s32 $0x1BF5;
	[smem:$0x3FB6] =	sst s0  }
0x18: {  	s0 =	sld [smem:$0x3F99];
	_ =	swait.ge [sflag:s4], $0x0  }
0x19: {  	s7 =	sld [smem:$0x3F9A]  }
0x1a: {  	s8 =	sadd.s32 $0xFFFFE003, lr  }
0x1b: {  	s9 =	sadd.s32 $0xFFFFFEF7, lr;
	s5 =	simm.s32 $0xFFFFFFFF;
	p2 =	slt.u32 s8, $0xFFFFF086  }
0x1c: {  	p1 =	slt.u32 s9, $0xF7A;
	s5 =	simm.s32 @!p2 $0x0  }
0x1d: {  	s5 =	simm.s32 @p1 $0x1;
	p0 =	seq.s32 s7, s2  }
0x1e: {  	s7 =	smul.u32 @!p0 $0xF7A, s2;
	p2 =	seq.s32 @!p0 s5, $0x0  }
0x1f: {  	s9 =	smul.u32 $0xF7A, s1;
	s8 =	simm.s32 @!p0 $0x1BF5;
	p2 =	por !p2, p0  }
0x20: {  	[sflag:s8] =	ssyncset.s32 @!p0 $0xFFFFF086;
	s6 =	sadd.s32 @!p0 s3, s7;
	s7 =	simm.s32 @!p0 $0x108  }
0x21: {  	s3 =	sadd.s32 s3, s9;
	s6 =	sadd.s32 @!p0 $0x88, s6;
	s7 =	simm.s32 @p2 $0x1082  }
0x22: {  	[simem:s7], [sflag:s8] =	dma.local @!p0 [hbm:s6], $0xF7A  }
0x23: {  	s9 =	sor.u32 $0xD0000000, s2;
	s6 =	simm.s32 $0x108;
	_ =	swait.ge @!p0 [sflag:s8], $0x0  }
0x24: {  	s3 =	sadd.s32 $0x88, s3;
	s6 =	simm.s32 @!p1 $0x1082;
	[sflag:s4] =	ssyncset.s32 $0xFFFFF086  }
0x25: {  	[simem:s6], [sflag:s4] =	dma.local [hbm:s3], $0xF7A  }
0x26: {  	[smem:$0x3F9A] =	sst s1;
	(tag) =	ssettag s2;
	_ =	strace s9  }
0x27: {  	s1 =	sld [smem:$0x3FAA]  }
0x28: {  	s2 =	sld [smem:$0x3FAB]  }
0x29: {  	s4 =	sld [smem:$0x3FAD]  }
0x2a: {  	p0 =	seq.s32 s5, $0x0;
	s5 =	sld [smem:$0x3FAE]  }
0x2b: {  	s6 =	sld [smem:$0x3FAF]  }
0x2c: {  	s7 =	sld [smem:$0x3FB0]  }
0x2d: {  	s3 =	simm.s32 $0x108;
	s8 =	sld [smem:$0x3FB1]  }
0x2e: {  	s3 =	simm.s32 @!p0 $0x1082;
	s9 =	sld [smem:$0x3FB2]  }
0x2f: {  	lr =	sadd.s32 s0, s3;
	s0 =	sld [smem:$0x3FA9]  }
0x30: {  	s3 =	sld [smem:$0x3FAC]  }
0x31: {  	[smem:$0x3FB5] =	sst s10  }
0x32: {  	s10 =	sld [smem:$0x3FB3];
	_ =	sdelay $0x3  }
0x33: {  	p0 =	seq.s32 s10, $0x1;
	s10 =	sld [smem:$0x3FB5];
	_ =	sdelay $0x3  }
0x34: {  	[smem:$0x3FB5] =	sst s10  }
0x35: {  	s10 =	sld [smem:$0x3FB4];
	_ =	sdelay $0x3  }
0x36: {  	p1 =	seq.s32 s10, $0x1;
	s10 =	sld [smem:$0x3FB5];
	_ =	sdelay $0x3  }
0x37: {  	[smem:$0x3FB5] =	sst s10  }
0x38: {  	s10 =	sld [smem:$0x3FB6]  }
0x39: {  	_ = 	snop;
	(pc) =	sbr.ind lr, $3  }
0x3a: {  	_ = 	snop  }
0x3b: {  	_ = 	snop  }
0x3c: {  	p2 =	seq.s32 s10, $0x1;
	s10 =	sld [smem:$0x3FB5]  }
0x3d: {  	_ =	shalt  }
0x3e: {  	_ =	shalt  }
0x3f: {  	_ =	shalt  }
0x40: {  	_ =	shalt  }
0x41: {  	_ =	shalt  }
0x42: {  	_ =	shalt  }
0x43: {  	_ =	shalt  }
0x44: {  	_ =	shalt  }
0x45: {  	_ =	shalt  }
0x46: {  	_ =	shalt  }
0x47: {  	_ =	shalt  }
0x48: {  	_ =	shalt  }
0x49: {  	_ =	shalt  }
0x4a: {  	_ =	shalt  }
0x4b: {  	_ =	shalt  }
0x4c: {  	_ =	shalt  }
0x4d: {  	_ =	shalt  }
0x4e: {  	_ =	shalt  }
0x4f: {  	_ =	shalt  }
0x50: {  	_ =	shalt  }
0x51: {  	_ =	shalt  }
0x52: {  	_ =	shalt  }
0x53: {  	_ =	shalt  }
0x54: {  	_ =	shalt  }
0x55: {  	_ =	shalt  }
0x56: {  	_ =	shalt  }
0x57: {  	_ =	shalt  }
0x58: {  	_ =	shalt  }
0x59: {  	_ =	shalt  }
0x5a: {  	_ =	shalt  }
0x5b: {  	_ =	shalt  }
0x5c: {  	_ =	shalt  }
0x5d: {  	_ =	shalt  }
0x5e: {  	_ =	shalt  }
0x5f: {  	_ =	shalt  }
0x60: {  	_ =	shalt  }
0x61: {  	_ =	shalt  }
0x62: {  	_ =	shalt  }
0x63: {  	_ =	shalt  }
0x64: {  	_ =	shalt  }
0x65: {  	_ =	shalt  }
0x66: {  	_ =	shalt  }
0x67: {  	_ =	shalt  }
0x68: {  	_ =	shalt  }
0x69: {  	_ =	shalt  }
0x6a: {  	_ =	shalt  }
0x6b: {  	_ =	shalt  }
0x6c: {  	_ =	shalt  }
0x6d: {  	_ =	shalt  }
0x6e: {  	_ =	shalt  }
0x6f: {  	_ =	shalt  }
0x70: {  	_ =	shalt  }
0x71: {  	_ =	shalt  }
0x72: {  	_ =	shalt  }
0x73: {  	_ =	shalt  }
0x74: {  	_ =	shalt  }
0x75: {  	_ =	shalt  }
0x76: {  	_ =	shalt  }
0x77: {  	_ =	shalt  }
0x78: {  	_ =	shalt  }
0x79: {  	_ =	shalt  }
0x7a: {  	_ =	shalt  }
0x7b: {  	_ =	shalt  }
0x7c: {  	_ =	shalt  }
0x7d: {  	_ =	shalt  }
0x7e: {  	_ =	shalt  }
0x7f: {  	_ =	shalt  }
0x80: {  	_ =	shalt  }
0x81: {  	_ =	shalt  }
0x82: {  	_ =	shalt  }
0x83: {  	_ =	shalt  }
0x84: {  	_ =	shalt  }
0x85: {  	_ =	shalt  }
0x86: {  	_ =	shalt  }
0x87: {  	_ =	shalt  }
.Lfunc_end0:
.L_simem_size_0:
called_computation_lowered:
.L_overlay_start_0:
0x88: {  	s2 =	sld [smem:$0x3FD9]  }
0x89: {  	s3 =	sld [smem:$0x3FFE];
	_ =	sdelay $0x1  }
0x8a: {  	s1 =	srdreg.scid  }
0x8b: {  	s0 =	sand.u32 $0x1, s1  }
0x8c: {  	s14 =	sshll.u32 s0, $0xA;
	s2 =	sadd.s32 s3, s2  }
0x8d: {  	s2 =	sadd.s32 s2, s14  }
0x8e: {  	[smem:$0x3FC1] =	sst s2  }
0x8f: {  	_ = 	snop  }
0x90: {  	s2 =	sld [smem:$0x3FD0];
	_ =	sdelay $0x2  }
0x91: {  	s15 =	simm.s32 $0xA;
	s4 =	simm.s32 $0x10  }
0x92: {  	[smem:s4], [sflag:s15] =	dma.local [hbm:s2], $0x1  }
0x93: {  	_ =	swait.eq [sflag:s15], $0x1  }
0x94: {  	[sflag:s15] =	ssyncset.done $0x0  }
0x95: {  	s16 =	sld [smem:$0x10];
	[sflag:s15] =	ssyncadd.s32 $0xFFFFFFFF  }
0x96: {  	s17 =	sld [smem:$0x11];
	(tm) =	ssettm $0x1  }
0x97: {  	s18 =	sld [smem:$0x3FFB];
	_ =	sdelay $0x3  }
0x98: {  	_ =	strace s18  }
0x99: {  	s4 =	sld [smem:$0x3FFC];
	_ =	sdelay $0x3  }
0x9a: {  	_ =	strace s4  }
0x9b: {  	s4 =	sld [smem:$0x3FFD];
	_ =	sdelay $0x3  }
0x9c: {  	_ =	strace s4  }
0x9d: {  	_ =	strace $0x8FFFFFFF  }
0x9e: {  	s19 =	sld [smem:$0x3FDB];
	_ =	sdelay $0x1  }
0x9f: {  	s5 =	simm.s32 $_scs_section_size  }
0xa0: {  	s6 =	simm.s32 $_size__tile_overlayer_lowered;
	s7 =	simm.s32 $_tile_overlayer_lowered  }
0xa1: {  	s22 =	simm.s32 $0x1BFF;
	s21 =	sshll.u32 s7, $0x1;
	s4 =	sadd.s32 s5, s19  }
0xa2: {  	s8 =	simm.s32 $0x0;
	s20 =	sshll.u32 s6, $0x1;
	s6 =	sadd.s32 s21, s4  }
0xa3: {  	[timem:s8], [sflag:s22] =	dma.local [hbm:s6], s20  }
0xa4: {  	_ =	swait.ge [sflag:s22], s20  }
0xa5: {  	s5 =	ssub.s32 $0x0, s20;
	[sflag:s22] =	ssyncset.done $0x0  }
0xa6: {  	[sflag:s22] =	ssyncadd.s32 s5;
	_ =	sdelay $0x1  }
0xa7: {  	s23 =	simm.s32 $0x1B8B  }
0xa8: {  	_ =	swait.ge [sflag:s23], $0x1  }
0xa9: {  	[sflag:s23] =	ssyncset.done $0x0  }
0xaa: {  	s25 =	simm.s32 $0x1B8E;
	s24 =	sld [smem:$0x3FFE];
	[sflag:s23] =	ssyncadd.s32 $0xFFFFFFFF  }
0xab: {  	s26 =	simm.s32 $execute0_lowered;
	[smem:$0x3FD2] =	sst s25  }
0xac: {  	s6 =	sshll.u32 s26, $0x1;
	_ =	strace $0x80000046;
	[dreg:$0x1] =	wrdreg $0xFFFFFFFF  }
0xad: {  	s28 =	simm.s32 $_size_execute0_lowered;
	s4 =	sadd.s32 s4, s6;
	[dreg:$0x0] =	wrdreg $0x0  }
0xae: {  	s6 =	sshll.u32 s28, $0x1;
	[dreg:$0x2] =	wrdreg s4  }
0xaf: {  	[dreg:$0x3] =	wrdreg s6  }
0xb0: {  	[dreg:$0x4] =	wrdreg $0xC0  }
0xb1: {  	_ =	task [dreg:s8], $0x5FFFF  }
0xb2: {  	[dreg:$0x1] =	wrdreg $0xFFFFFFFF  }
0xb3: {  	[dreg:$0x0] =	wrdreg $0x60  }
0xb4: {  	[dreg:$0x2] =	wrdreg s16  }
0xb5: {  	[dreg:$0x3] =	wrdreg s17  }
0xb6: {  	[dreg:$0x4] =	wrdreg s24  }
0xb7: {  	[dreg:$0x5] =	wrdreg $0x9  }
0xb8: {  	_ =	task.clear_ibuf [dreg:s8], $0x6FFFF;
	_ =	strace $0x90000046  }
0xb9: {  	s29 =	simm.s32 $0x9;
	_ =	strace $0x80000048  }
0xba: {  	_ =	swait.ge [sflag:s29], $0x1  }
0xbb: {  	[sflag:s29] =	ssyncadd.s32 $0xFFFFFFFF  }
0xbc: {  	_ =	strace $0x90000048  }
0xbd: {  	_ =	sfence  }
0xbe: {  	s30 =	sld [smem:$0x0];
	_ =	sdelay $0x2  }
0xbf: {  	s31 =	sshll.u32 s1, $0xD;
	s1 =	sshrl.u32 s1, $0x2  }
0xc0: {  	s3 =	sand.u32 $0x4000, s31;
	s1 =	sadd.s32 s1, s30  }
0xc1: {  	s0 =	sor.u32 s3, s0;
	s1 =	sshll.u32 s1, $0x11  }
0xc2: {  	s0 =	sor.u32 s1, s0  }
0xc3: {  	s0 =	sadd.s32 $0x8F2B, s0  }
0xc4: {  	[sflag:s0] =	ssyncadd.remote.s32 $0x1  }
0xc5: {  	_ =	sfence.sel $0xFFFF  }
0xc6: {  	[dreg:$0x0] =	wrdreg $0xFFFFFFFF;
	(pc) =	sbr.abs _section_cstart, $3  }
0xc7: {  	[dreg:$0x1] =	wrdreg $0xFFFFFFFF  }
0xc8: {  	_ =	task.clear_ibuf [dreg:s8], $0x2FFFF;
	_ =	strace $0x9FFFFFFF  }
0xc9: {  	(tm) =	ssettm $0x7FFFFFFF  }
tec
execute0_lowered:
.L_overlay_start_1:
0x0: {  	(tag) =	ssettag $0x1  }
0x1: {  	s1 =	rddreg [dreg:$0x0]  }
0x2: {  	s0 =	rddreg [dreg:$0x1]  }
0x3: {  	s2 =	rddreg [dreg:$0x2];
	s4 =	srdreg.scid  }
0x4: {  	s5 =	stileid.u32;
	s3 =	simm.s32 $0x0;
	s16 =	simm.s32 $0x3  }
0x5: {  	s18 =	simm.s32 $0xA00;
	s19 =	simm.s32 $0x1200;
	s20 =	simm.s32 $0x1A00  }
0x6: {  	s21 =	simm.s32 $0x2200;
	s22 =	simm.s32 $0x2A00;
	s23 =	simm.s32 $0x3200  }
0x7: {  	s24 =	simm.s32 $0x3A00;
	s28 =	simm.s32 $0x5200;
	s29 =	simm.s32 $0x5A00  }
0x8: {  	s30 =	simm.s32 $0x6200;
	s31 =	simm.s32 $0x6A00;
	s11 =	simm.s32 $0x8200  }
0x9: {  	s13 =	simm.s32 $0x8A00;
	s14 =	simm.s32 $0x9200;
	s10 =	simm.s32 $0xA200  }
0xa: {  	s12 =	simm.s32 $0xB200;
	s4 =	sand.u32 $0x1, s4;
	s5 =	sshll.u32 s5, $0x1  }
0xb: {  	[smem:$0x7FF] =	sst s3;
	s2 =	sadd.s32 $0x22E00, s2;
	s5 =	sor.u32 s4, s5  }
0xc: {  	_ =	strace $0x80000047;
	s4 =	ssub.s32 $0x2, s4;
	s6 =	smul.u32 $0x6000, s5  }
0xd: {  	s7 =	sshrl.u32 s4, $0x1;
	s8 =	sshll.u32 s5, $0x6;
	s5 =	smul.u32 $0x30000, s5  }
0xe: {  	s4 =	ssub.s32 s4, s7;
	s0 =	sadd.s32 s0, s8;
	s7 =	sadd.s32 $0x300, s1  }
0xf: {  	[dreg:$0x4] =	wrdreg s0;
	s6 =	sadd.s32 s2, s6;
	s25 =	sshrl.u32 s5, $0x3  }
0x10: {  	s5 =	sadd.s32 $0x100, s1;
	s8 =	smax.u32 s4, $0x1;
	s4 =	simm.s32 $0x2  }
0x11: {  	[dreg:$0x8] =	wrdreg s6;
	s26 =	sadd.s32 $0x1800, s6;
	s0 =	sadd.s32 s2, s25  }
0x12: {  	v2 =	vlaneseq.u32;
	s6 =	sadd.s32 $0x200, s1;
	[dreg:$0x5] =	wrdreg s26;
	s2 =	sadd.s32 $0x3000, s0  }
0x13: {  	vm0 =	vmmov $0xffff;
	v1 =	vshrl.u32 v2, $0x3;
	s25 =	simm.s32 $0x4200;
	s0 =	sadd.s32 $0x4800, s0;
	[dreg:$0x6] =	wrdreg s2  }
0x14: {  	v0 =	vand.u32 $0x7, v2;
	v2 =	vor.u32 $0x8, v2;
	v1 =	vmul.u32 $0x8, v1;
	s26 =	simm.s32 $0x4A00;
	[dreg:$0x7] =	wrdreg s0;
	s2 =	simm.s32 $0xC200  }
.LBB2_1:
0x15: {  	s17 =	rddreg [dreg:$0x4];
	s0 =	simm.s32 $0x4  }
0x16: {  	[tilespmem:s3], [sflag:$0x4] =	stream.linear.gather [hbm4b:s17+s3], $0x200, $0x38;
	[tilespmem:$0x18200] =	vst v63  }
0x17: {  	_ =	swait.ge [sflag:s0], $0x200  }
0x18: {  	[sflag:s0] =	ssyncset.done $0x0  }
0x19: {  	[sflag:s0] =	ssyncadd.s32 $0xFFFFFE00  }
0x1a: {  	v3 =	vld [tilespmem:$0x0];
	_ =	sdelay $0x4  }
0x1b: {  	v4 =	vshll.u32 v3, $0x3  }
0x1c: {  	v3 =	vand.u32 $0x7, v3;
	v4 =	vand.u32 $0xFFFFFFC0, v4  }
0x1d: {  	v3 =	vor.u32 v3, v4  }
0x1e: {  	v4 =	vperm.xlane v3, v0;
	_ =	sdelay $0x1  }
0x1f: {  	v4 =	vadd.s32 v1, v4;
	_ =	sdelay $0x3  }
0x20: {  	s17 =	simm.s32 $0x200  }
0x21: {  	[tilespmem:s17], [sflag:$0x1] =	stream.indirect_vreg.gather [hbm4b:s1+s3], $0x80, v4, vm0, $0xb8;
	[tilespmem:$0x18200] =	vst v63  }
0x22: {  	v3 =	vperm.xlane v3, v2  }
0x23: {  	[tilespmem:s18], [sflag:$0x1] =	stream.indirect_vreg.gather [hbm4b:s5+s3], $0x80, v4, vm0, $0xb8;
	[tilespmem:$0x18200] =	vst v63  }
0x24: {  	v3 =	vadd.s32 v1, v3  }
0x25: {  	[tilespmem:s19], [sflag:$0x1] =	stream.indirect_vreg.gather [hbm4b:s6+s3], $0x80, v4, vm0, $0xb8;
	[tilespmem:$0x18200] =	vst v63  }
0x26: {  	_ = 	snop  }
0x27: {  	[tilespmem:s20], [sflag:$0x1] =	stream.indirect_vreg.gather [hbm4b:s7+s3], $0x80, v4, vm0, $0xb8;
	[tilespmem:$0x18200] =	vst v63  }
0x28: {  	_ = 	snop  }
0x29: {  	[tilespmem:s21], [sflag:$0x1] =	stream.indirect_vreg.gather [hbm4b:s1+s3], $0x80, v3, vm0, $0xb8;
	[tilespmem:$0x18200] =	vst v63  }
0x2a: {  	_ = 	snop  }
0x2b: {  	[tilespmem:s22], [sflag:$0x1] =	stream.indirect_vreg.gather [hbm4b:s5+s3], $0x80, v3, vm0, $0xb8;
	[tilespmem:$0x18200] =	vst v63  }
0x2c: {  	_ = 	snop  }
0x2d: {  	[tilespmem:s23], [sflag:$0x1] =	stream.indirect_vreg.gather [hbm4b:s6+s3], $0x80, v3, vm0, $0xb8;
	[tilespmem:$0x18200] =	vst v63  }
0x2e: {  	_ = 	snop  }
0x2f: {  	[tilespmem:s24], [sflag:$0x1] =	stream.indirect_vreg.gather [hbm4b:s7+s3], $0x80, v3, vm0, $0xb8;
	[tilespmem:$0x18200] =	vst v63  }
0x30: {  	v3 =	vld [tilespmem:$0x10];
	_ =	sdelay $0x4  }
0x31: {  	v53 =	vshll.u32 v3, $0x3  }
0x32: {  	v3 =	vand.u32 $0x7, v3;
	v4 =	vand.u32 $0xFFFFFFC0, v53  }
0x33: {  	v3 =	vor.u32 v3, v4  }
0x34: {  	v4 =	vperm.xlane v3, v0;
	_ =	sdelay $0x1  }
0x35: {  	v4 =	vadd.s32 v1, v4;
	_ =	sdelay $0x4  }
0x36: {  	[tilespmem:s25], [sflag:$0x1] =	stream.indirect_vreg.gather [hbm4b:s1+s3], $0x80, v4, vm0, $0xb8;
	[tilespmem:$0x18200] =	vst v63  }
0x37: {  	v3 =	vperm.xlane v3, v2  }
0x38: {  	[tilespmem:s26], [sflag:$0x1] =	stream.indirect_vreg.gather [hbm4b:s5+s3], $0x80, v4, vm0, $0xb8;
	[tilespmem:$0x18200] =	vst v63  }
0x39: {  	v3 =	vadd.s32 v1, v3  }
0x3a: {  	[tilespmem:s28], [sflag:$0x1] =	stream.indirect_vreg.gather [hbm4b:s6+s3], $0x80, v4, vm0, $0xb8;
	[tilespmem:$0x18200] =	vst v63  }
0x3b: {  	_ = 	snop  }
0x3c: {  	[tilespmem:s29], [sflag:$0x1] =	stream.indirect_vreg.gather [hbm4b:s7+s3], $0x80, v4, vm0, $0xb8;
	[tilespmem:$0x18200] =	vst v63  }
0x3d: {  	_ = 	snop  }
0x3e: {  	[tilespmem:s30], [sflag:$0x1] =	stream.indirect_vreg.gather [hbm4b:s1+s3], $0x80, v3, vm0, $0xb8;
	[tilespmem:$0x18200] =	vst v63  }
0x3f: {  	_ = 	snop  }
0x40: {  	[tilespmem:s31], [sflag:$0x1] =	stream.indirect_vreg.gather [hbm4b:s5+s3], $0x80, v3, vm0, $0xb8;
	[tilespmem:$0x18200] =	vst v63  }
0x41: {  	s9 =	simm.s32 $0x7200  }
0x42: {  	[tilespmem:s9], [sflag:$0x1] =	stream.indirect_vreg.gather [hbm4b:s6+s3], $0x80, v3, vm0, $0xb8;
	[tilespmem:$0x18200] =	vst v63  }
0x43: {  	s15 =	simm.s32 $0x7A00  }
0x44: {  	[tilespmem:s15], [sflag:$0x1] =	stream.indirect_vreg.gather [hbm4b:s7+s3], $0x80, v3, vm0, $0xb8;
	[tilespmem:$0x18200] =	vst v63  }
0x45: {  	v3 =	vld [tilespmem:$0x20];
	_ =	sdelay $0x4  }
0x46: {  	v54 =	vshll.u32 v3, $0x3  }
0x47: {  	v3 =	vand.u32 $0x7, v3;
	v4 =	vand.u32 $0xFFFFFFC0, v54  }
0x48: {  	v3 =	vor.u32 v3, v4  }
0x49: {  	v4 =	vperm.xlane v3, v0;
	_ =	sdelay $0x1  }
0x4a: {  	v4 =	vadd.s32 v1, v4;
	_ =	sdelay $0x4  }
0x4b: {  	[tilespmem:s11], [sflag:$0x1] =	stream.indirect_vreg.gather [hbm4b:s1+s3], $0x80, v4, vm0, $0xb8;
	[tilespmem:$0x18200] =	vst v63  }
0x4c: {  	v3 =	vperm.xlane v3, v2  }
0x4d: {  	[tilespmem:s13], [sflag:$0x1] =	stream.indirect_vreg.gather [hbm4b:s5+s3], $0x80, v4, vm0, $0xb8;
	[tilespmem:$0x18200] =	vst v63  }
0x4e: {  	v3 =	vadd.s32 v1, v3  }
0x4f: {  	[tilespmem:s14], [sflag:$0x1] =	stream.indirect_vreg.gather [hbm4b:s6+s3], $0x80, v4, vm0, $0xb8;
	[tilespmem:$0x18200] =	vst v63  }
0x50: {  	s9 =	simm.s32 $0x9A00  }
0x51: {  	[tilespmem:s9], [sflag:$0x1] =	stream.indirect_vreg.gather [hbm4b:s7+s3], $0x80, v4, vm0, $0xb8;
	[tilespmem:$0x18200] =	vst v63  }
0x52: {  	_ = 	snop  }
0x53: {  	[tilespmem:s10], [sflag:$0x1] =	stream.indirect_vreg.gather [hbm4b:s1+s3], $0x80, v3, vm0, $0xb8;
	[tilespmem:$0x18200] =	vst v63  }
0x54: {  	s17 =	simm.s32 $0xAA00  }
0x55: {  	[tilespmem:s17], [sflag:$0x1] =	stream.indirect_vreg.gather [hbm4b:s5+s3], $0x80, v3, vm0, $0xb8;
	[tilespmem:$0x18200] =	vst v63  }
0x56: {  	_ = 	snop  }
0x57: {  	[tilespmem:s12], [sflag:$0x1] =	stream.indirect_vreg.gather [hbm4b:s6+s3], $0x80, v3, vm0, $0xb8;
	[tilespmem:$0x18200] =	vst v63  }
0x58: {  	s0 =	simm.s32 $0x1;
	s15 =	simm.s32 $0xBA00  }
0x59: {  	[tilespmem:s15], [sflag:$0x1] =	stream.indirect_vreg.gather [hbm4b:s7+s3], $0x80, v3, vm0, $0xb8;
	[tilespmem:$0x18200] =	vst v63  }
0x5a: {  	_ =	swait.ge [sflag:s0], $0xC000  }
0x5b: {  	[sflag:s0] =	ssyncset.done $0x0  }
0x5c: {  	[sflag:s0] =	ssyncadd.s32 $0xFFFF4000  }
0x5d: {  	v3 =	vld [tilespmem:$0x80];
	_ =	sdelay $0x4  }
0x5e: {  	v55 =	vshll.u32 v3, $0x3  }
0x5f: {  	v3 =	vand.u32 $0x7, v3;
	v4 =	vand.u32 $0xFFFFFFC0, v55  }
0x60: {  	v3 =	vor.u32 v3, v4  }
0x61: {  	v4 =	vperm.xlane v3, v0;
	_ =	sdelay $0x1  }
0x62: {  	v4 =	vadd.s32 v1, v4;
	_ =	sdelay $0x4  }
0x63: {  	[tilespmem:s2], [sflag:$0x2] =	stream.indirect_vreg.gather [hbm4b:s1+s3], $0x80, v4, vm0, $0xb8;
	[tilespmem:$0x18200] =	vst v63  }
0x64: {  	s15 =	simm.s32 $0xCA00;
	v3 =	vperm.xlane v3, v2  }
0x65: {  	[tilespmem:s15], [sflag:$0x2] =	stream.indirect_vreg.gather [hbm4b:s5+s3], $0x80, v4, vm0, $0xb8;
	[tilespmem:$0x18200] =	vst v63  }
0x66: {  	s17 =	simm.s32 $0xD200;
	v3 =	vadd.s32 v1, v3  }
0x67: {  	[tilespmem:s17], [sflag:$0x2] =	stream.indirect_vreg.gather [hbm4b:s6+s3], $0x80, v4, vm0, $0xb8;
	[tilespmem:$0x18200] =	vst v63  }
0x68: {  	s17 =	simm.s32 $0xDA00  }
0x69: {  	[tilespmem:s17], [sflag:$0x2] =	stream.indirect_vreg.gather [hbm4b:s7+s3], $0x80, v4, vm0, $0xb8;
	[tilespmem:$0x18200] =	vst v63  }
0x6a: {  	s17 =	simm.s32 $0xE200  }
0x6b: {  	[tilespmem:s17], [sflag:$0x2] =	stream.indirect_vreg.gather [hbm4b:s1+s3], $0x80, v3, vm0, $0xb8;
	[tilespmem:$0x18200] =	vst v63  }
0x6c: {  	s17 =	simm.s32 $0xEA00  }
0x6d: {  	[tilespmem:s17], [sflag:$0x2] =	stream.indirect_vreg.gather [hbm4b:s5+s3], $0x80, v3, vm0, $0xb8;
	[tilespmem:$0x18200] =	vst v63  }
0x6e: {  	s17 =	simm.s32 $0xF200  }
0x6f: {  	[tilespmem:s17], [sflag:$0x2] =	stream.indirect_vreg.gather [hbm4b:s6+s3], $0x80, v3, vm0, $0xb8;
	[tilespmem:$0x18200] =	vst v63  }
0x70: {  	s17 =	simm.s32 $0xFA00  }
0x71: {  	[tilespmem:s17], [sflag:$0x2] =	stream.indirect_vreg.gather [hbm4b:s7+s3], $0x80, v3, vm0, $0xb8;
	[tilespmem:$0x18200] =	vst v63  }
0x72: {  	v3 =	vld [tilespmem:$0x90];
	_ =	sdelay $0x4  }
0x73: {  	v56 =	vshll.u32 v3, $0x3  }
0x74: {  	v3 =	vand.u32 $0x7, v3;
	v4 =	vand.u32 $0xFFFFFFC0, v56  }
0x75: {  	v3 =	vor.u32 v3, v4  }
0x76: {  	v4 =	vperm.xlane v3, v0;
	_ =	sdelay $0x1  }
0x77: {  	v4 =	vadd.s32 v1, v4;
	_ =	sdelay $0x3  }
0x78: {  	s17 =	simm.s32 $0x10200  }
0x79: {  	[tilespmem:s17], [sflag:$0x2] =	stream.indirect_vreg.gather [hbm4b:s1+s3], $0x80, v4, vm0, $0xb8;
	[tilespmem:$0x18200] =	vst v63  }
0x7a: {  	v3 =	vperm.xlane v3, v2;
	s17 =	simm.s32 $0x10A00  }
0x7b: {  	[tilespmem:s17], [sflag:$0x2] =	stream.indirect_vreg.gather [hbm4b:s5+s3], $0x80, v4, vm0, $0xb8;
	[tilespmem:$0x18200] =	vst v63  }
0x7c: {  	v3 =	vadd.s32 v1, v3;
	s17 =	simm.s32 $0x11200  }
0x7d: {  	[tilespmem:s17], [sflag:$0x2] =	stream.indirect_vreg.gather [hbm4b:s6+s3], $0x80, v4, vm0, $0xb8;
	[tilespmem:$0x18200] =	vst v63  }
0x7e: {  	s17 =	simm.s32 $0x11A00  }
0x7f: {  	[tilespmem:s17], [sflag:$0x2] =	stream.indirect_vreg.gather [hbm4b:s7+s3], $0x80, v4, vm0, $0xb8;
	[tilespmem:$0x18200] =	vst v63  }
0x80: {  	s17 =	simm.s32 $0x12200  }
0x81: {  	[tilespmem:s17], [sflag:$0x2] =	stream.indirect_vreg.gather [hbm4b:s1+s3], $0x80, v3, vm0, $0xb8;
	[tilespmem:$0x18200] =	vst v63  }
0x82: {  	s17 =	simm.s32 $0x12A00  }
0x83: {  	[tilespmem:s17], [sflag:$0x2] =	stream.indirect_vreg.gather [hbm4b:s5+s3], $0x80, v3, vm0, $0xb8;
	[tilespmem:$0x18200] =	vst v63  }
0x84: {  	s17 =	simm.s32 $0x13200  }
0x85: {  	[tilespmem:s17], [sflag:$0x2] =	stream.indirect_vreg.gather [hbm4b:s6+s3], $0x80, v3, vm0, $0xb8;
	[tilespmem:$0x18200] =	vst v63  }
0x86: {  	s17 =	simm.s32 $0x13A00  }
0x87: {  	[tilespmem:s17], [sflag:$0x2] =	stream.indirect_vreg.gather [hbm4b:s7+s3], $0x80, v3, vm0, $0xb8;
	[tilespmem:$0x18200] =	vst v63  }
0x88: {  	v3 =	vld [tilespmem:$0xA0];
	_ =	sdelay $0x4  }
0x89: {  	v57 =	vshll.u32 v3, $0x3  }
0x8a: {  	v3 =	vand.u32 $0x7, v3;
	v4 =	vand.u32 $0xFFFFFFC0, v57  }
0x8b: {  	v3 =	vor.u32 v3, v4  }
0x8c: {  	v4 =	vperm.xlane v3, v0;
	_ =	sdelay $0x1  }
0x8d: {  	v4 =	vadd.s32 v1, v4;
	_ =	sdelay $0x3  }
0x8e: {  	s17 =	simm.s32 $0x14200  }
0x8f: {  	[tilespmem:s17], [sflag:$0x2] =	stream.indirect_vreg.gather [hbm4b:s1+s3], $0x80, v4, vm0, $0xb8;
	[tilespmem:$0x18200] =	vst v63  }
0x90: {  	v3 =	vperm.xlane v3, v2;
	s17 =	simm.s32 $0x14A00  }
0x91: {  	[tilespmem:s17], [sflag:$0x2] =	stream.indirect_vreg.gather [hbm4b:s5+s3], $0x80, v4, vm0, $0xb8;
	[tilespmem:$0x18200] =	vst v63  }
0x92: {  	v3 =	vadd.s32 v1, v3;
	s17 =	simm.s32 $0x15200  }
0x93: {  	[tilespmem:s17], [sflag:$0x2] =	stream.indirect_vreg.gather [hbm4b:s6+s3], $0x80, v4, vm0, $0xb8;
	[tilespmem:$0x18200] =	vst v63  }
0x94: {  	s17 =	simm.s32 $0x15A00  }
0x95: {  	[tilespmem:s17], [sflag:$0x2] =	stream.indirect_vreg.gather [hbm4b:s7+s3], $0x80, v4, vm0, $0xb8;
	[tilespmem:$0x18200] =	vst v63  }
0x96: {  	s17 =	simm.s32 $0x16200  }
0x97: {  	[tilespmem:s17], [sflag:$0x2] =	stream.indirect_vreg.gather [hbm4b:s1+s3], $0x80, v3, vm0, $0xb8;
	[tilespmem:$0x18200] =	vst v63  }
0x98: {  	s17 =	simm.s32 $0x16A00  }
0x99: {  	[tilespmem:s17], [sflag:$0x2] =	stream.indirect_vreg.gather [hbm4b:s5+s3], $0x80, v3, vm0, $0xb8;
	[tilespmem:$0x18200] =	vst v63  }
0x9a: {  	s17 =	simm.s32 $0x17200  }
0x9b: {  	[tilespmem:s17], [sflag:$0x2] =	stream.indirect_vreg.gather [hbm4b:s6+s3], $0x80, v3, vm0, $0xb8;
	[tilespmem:$0x18200] =	vst v63  }
0x9c: {  	s17 =	simm.s32 $0x17A00  }
0x9d: {  	[tilespmem:s17], [sflag:$0x2] =	stream.indirect_vreg.gather [hbm4b:s7+s3], $0x80, v3, vm0, $0xb8;
	[tilespmem:$0x18200] =	vst v63  }
0x9e: {  	s15 =	simm.s32 $0x200;
	s17 =	rddreg [dreg:$0x8]  }
0x9f: {  	[hbm4b:s17+s3] =	stream.linear.scatter [tilespmem:s15], [sflag:$0x3], $0xC000, $0x38;
	[tilespmem:$0x18200] =	vst v63  }
0xa0: {  	_ =	swait.ge [sflag:s4], $0xC000  }
0xa1: {  	[sflag:s4] =	ssyncset.done $0x0  }
0xa2: {  	[sflag:s4] =	ssyncadd.s32 $0xFFFF4000  }
0xa3: {  	_ =	swait.ge [sflag:s16], $0xC000  }
0xa4: {  	[sflag:s16] =	ssyncset.done $0x0  }
0xa5: {  	[sflag:s16] =	ssyncadd.s32 $0xFFFF4000  }
0xa6: {  	v3 =	vld [tilespmem:$0x100];
	_ =	sdelay $0x4  }
0xa7: {  	v58 =	vshll.u32 v3, $0x3  }
0xa8: {  	v3 =	vand.u32 $0x7, v3;
	v4 =	vand.u32 $0xFFFFFFC0, v58  }
0xa9: {  	v3 =	vor.u32 v3, v4  }
0xaa: {  	v4 =	vperm.xlane v3, v0;
	_ =	sdelay $0x1  }
0xab: {  	v4 =	vadd.s32 v1, v4;
	_ =	sdelay $0x4  }
0xac: {  	[tilespmem:s15], [sflag:$0x1] =	stream.indirect_vreg.gather [hbm4b:s1+s3], $0x80, v4, vm0, $0xb8;
	[tilespmem:$0x18200] =	vst v63  }
0xad: {  	v3 =	vperm.xlane v3, v2  }
0xae: {  	[tilespmem:s18], [sflag:$0x1] =	stream.indirect_vreg.gather [hbm4b:s5+s3], $0x80, v4, vm0, $0xb8;
	[tilespmem:$0x18200] =	vst v63  }
0xaf: {  	v3 =	vadd.s32 v1, v3  }
0xb0: {  	[tilespmem:s19], [sflag:$0x1] =	stream.indirect_vreg.gather [hbm4b:s6+s3], $0x80, v4, vm0, $0xb8;
	[tilespmem:$0x18200] =	vst v63  }
0xb1: {  	_ = 	snop  }
0xb2: {  	[tilespmem:s20], [sflag:$0x1] =	stream.indirect_vreg.gather [hbm4b:s7+s3], $0x80, v4, vm0, $0xb8;
	[tilespmem:$0x18200] =	vst v63  }
0xb3: {  	_ = 	snop  }
0xb4: {  	[tilespmem:s21], [sflag:$0x1] =	stream.indirect_vreg.gather [hbm4b:s1+s3], $0x80, v3, vm0, $0xb8;
	[tilespmem:$0x18200] =	vst v63  }
0xb5: {  	_ = 	snop  }
0xb6: {  	[tilespmem:s22], [sflag:$0x1] =	stream.indirect_vreg.gather [hbm4b:s5+s3], $0x80, v3, vm0, $0xb8;
	[tilespmem:$0x18200] =	vst v63  }
0xb7: {  	_ = 	snop  }
0xb8: {  	[tilespmem:s23], [sflag:$0x1] =	stream.indirect_vreg.gather [hbm4b:s6+s3], $0x80, v3, vm0, $0xb8;
	[tilespmem:$0x18200] =	vst v63  }
0xb9: {  	_ = 	snop  }
0xba: {  	[tilespmem:s24], [sflag:$0x1] =	stream.indirect_vreg.gather [hbm4b:s7+s3], $0x80, v3, vm0, $0xb8;
	[tilespmem:$0x18200] =	vst v63  }
0xbb: {  	v3 =	vld [tilespmem:$0x110];
	_ =	sdelay $0x4  }
0xbc: {  	v59 =	vshll.u32 v3, $0x3  }
0xbd: {  	v3 =	vand.u32 $0x7, v3;
	v4 =	vand.u32 $0xFFFFFFC0, v59  }
0xbe: {  	v3 =	vor.u32 v3, v4  }
0xbf: {  	v4 =	vperm.xlane v3, v0;
	_ =	sdelay $0x1  }
0xc0: {  	v4 =	vadd.s32 v1, v4;
	_ =	sdelay $0x4  }
0xc1: {  	[tilespmem:s25], [sflag:$0x1] =	stream.indirect_vreg.gather [hbm4b:s1+s3], $0x80, v4, vm0, $0xb8;
	[tilespmem:$0x18200] =	vst v63  }
0xc2: {  	v3 =	vperm.xlane v3, v2  }
0xc3: {  	[tilespmem:s26], [sflag:$0x1] =	stream.indirect_vreg.gather [hbm4b:s5+s3], $0x80, v4, vm0, $0xb8;
	[tilespmem:$0x18200] =	vst v63  }
0xc4: {  	v3 =	vadd.s32 v1, v3  }
0xc5: {  	[tilespmem:s28], [sflag:$0x1] =	stream.indirect_vreg.gather [hbm4b:s6+s3], $0x80, v4, vm0, $0xb8;
	[tilespmem:$0x18200] =	vst v63  }
0xc6: {  	_ = 	snop  }
0xc7: {  	[tilespmem:s29], [sflag:$0x1] =	stream.indirect_vreg.gather [hbm4b:s7+s3], $0x80, v4, vm0, $0xb8;
	[tilespmem:$0x18200] =	vst v63  }
0xc8: {  	_ = 	snop  }
0xc9: {  	[tilespmem:s30], [sflag:$0x1] =	stream.indirect_vreg.gather [hbm4b:s1+s3], $0x80, v3, vm0, $0xb8;
	[tilespmem:$0x18200] =	vst v63  }
0xca: {  	_ = 	snop  }
0xcb: {  	[tilespmem:s31], [sflag:$0x1] =	stream.indirect_vreg.gather [hbm4b:s5+s3], $0x80, v3, vm0, $0xb8;
	[tilespmem:$0x18200] =	vst v63  }
0xcc: {  	s17 =	simm.s32 $0x7200  }
0xcd: {  	[tilespmem:s17], [sflag:$0x1] =	stream.indirect_vreg.gather [hbm4b:s6+s3], $0x80, v3, vm0, $0xb8;
	[tilespmem:$0x18200] =	vst v63  }
0xce: {  	s17 =	simm.s32 $0x7A00  }
0xcf: {  	[tilespmem:s17], [sflag:$0x1] =	stream.indirect_vreg.gather [hbm4b:s7+s3], $0x80, v3, vm0, $0xb8;
	[tilespmem:$0x18200] =	vst v63  }
0xd0: {  	v3 =	vld [tilespmem:$0x120];
	_ =	sdelay $0x4  }
0xd1: {  	v60 =	vshll.u32 v3, $0x3  }
0xd2: {  	v3 =	vand.u32 $0x7, v3;
	v4 =	vand.u32 $0xFFFFFFC0, v60  }
0xd3: {  	v3 =	vor.u32 v3, v4  }
0xd4: {  	v4 =	vperm.xlane v3, v0;
	_ =	sdelay $0x1  }
0xd5: {  	v4 =	vadd.s32 v1, v4;
	_ =	sdelay $0x4  }
0xd6: {  	[tilespmem:s11], [sflag:$0x1] =	stream.indirect_vreg.gather [hbm4b:s1+s3], $0x80, v4, vm0, $0xb8;
	[tilespmem:$0x18200] =	vst v63  }
0xd7: {  	v3 =	vperm.xlane v3, v2  }
0xd8: {  	[tilespmem:s13], [sflag:$0x1] =	stream.indirect_vreg.gather [hbm4b:s5+s3], $0x80, v4, vm0, $0xb8;
	[tilespmem:$0x18200] =	vst v63  }
0xd9: {  	v3 =	vadd.s32 v1, v3  }
0xda: {  	[tilespmem:s14], [sflag:$0x1] =	stream.indirect_vreg.gather [hbm4b:s6+s3], $0x80, v4, vm0, $0xb8;
	[tilespmem:$0x18200] =	vst v63  }
0xdb: {  	_ = 	snop  }
0xdc: {  	[tilespmem:s9], [sflag:$0x1] =	stream.indirect_vreg.gather [hbm4b:s7+s3], $0x80, v4, vm0, $0xb8;
	[tilespmem:$0x18200] =	vst v63  }
0xdd: {  	_ = 	snop  }
0xde: {  	[tilespmem:s10], [sflag:$0x1] =	stream.indirect_vreg.gather [hbm4b:s1+s3], $0x80, v3, vm0, $0xb8;
	[tilespmem:$0x18200] =	vst v63  }
0xdf: {  	s17 =	simm.s32 $0xAA00  }
0xe0: {  	[tilespmem:s17], [sflag:$0x1] =	stream.indirect_vreg.gather [hbm4b:s5+s3], $0x80, v3, vm0, $0xb8;
	[tilespmem:$0x18200] =	vst v63  }
0xe1: {  	_ = 	snop  }
0xe2: {  	[tilespmem:s12], [sflag:$0x1] =	stream.indirect_vreg.gather [hbm4b:s6+s3], $0x80, v3, vm0, $0xb8;
	[tilespmem:$0x18200] =	vst v63  }
0xe3: {  	s15 =	simm.s32 $0xBA00  }
0xe4: {  	[tilespmem:s15], [sflag:$0x1] =	stream.indirect_vreg.gather [hbm4b:s7+s3], $0x80, v3, vm0, $0xb8;
	[tilespmem:$0x18200] =	vst v63  }
0xe5: {  	s17 =	rddreg [dreg:$0x5]  }
0xe6: {  	[hbm4b:s17+s3] =	stream.linear.scatter [tilespmem:s2], [sflag:$0x3], $0xC000, $0x38;
	[tilespmem:$0x18200] =	vst v63  }
0xe7: {  	_ =	swait.ge [sflag:s0], $0xC000  }
0xe8: {  	[sflag:s0] =	ssyncset.done $0x0  }
0xe9: {  	[sflag:s0] =	ssyncadd.s32 $0xFFFF4000  }
0xea: {  	_ =	swait.ge [sflag:s16], $0xC000  }
0xeb: {  	[sflag:s16] =	ssyncset.done $0x0  }
0xec: {  	[sflag:s16] =	ssyncadd.s32 $0xFFFF4000  }
0xed: {  	v3 =	vld [tilespmem:$0x180];
	_ =	sdelay $0x4  }
0xee: {  	v61 =	vshll.u32 v3, $0x3  }
0xef: {  	v3 =	vand.u32 $0x7, v3;
	v4 =	vand.u32 $0xFFFFFFC0, v61  }
0xf0: {  	v3 =	vor.u32 v3, v4  }
0xf1: {  	v4 =	vperm.xlane v3, v0;
	_ =	sdelay $0x1  }
0xf2: {  	v4 =	vadd.s32 v1, v4;
	_ =	sdelay $0x4  }
0xf3: {  	[tilespmem:s2], [sflag:$0x2] =	stream.indirect_vreg.gather [hbm4b:s1+s3], $0x80, v4, vm0, $0xb8;
	[tilespmem:$0x18200] =	vst v63  }
0xf4: {  	s9 =	simm.s32 $0xCA00;
	v3 =	vperm.xlane v3, v2  }
0xf5: {  	[tilespmem:s9], [sflag:$0x2] =	stream.indirect_vreg.gather [hbm4b:s5+s3], $0x80, v4, vm0, $0xb8;
	[tilespmem:$0x18200] =	vst v63  }
0xf6: {  	s15 =	simm.s32 $0xD200;
	v3 =	vadd.s32 v1, v3  }
0xf7: {  	[tilespmem:s15], [sflag:$0x2] =	stream.indirect_vreg.gather [hbm4b:s6+s3], $0x80, v4, vm0, $0xb8;
	[tilespmem:$0x18200] =	vst v63  }
0xf8: {  	s17 =	simm.s32 $0xDA00  }
0xf9: {  	[tilespmem:s17], [sflag:$0x2] =	stream.indirect_vreg.gather [hbm4b:s7+s3], $0x80, v4, vm0, $0xb8;
	[tilespmem:$0x18200] =	vst v63  }
0xfa: {  	s9 =	simm.s32 $0xE200  }
0xfb: {  	[tilespmem:s9], [sflag:$0x2] =	stream.indirect_vreg.gather [hbm4b:s1+s3], $0x80, v3, vm0, $0xb8;
	[tilespmem:$0x18200] =	vst v63  }
0xfc: {  	s15 =	simm.s32 $0xEA00  }
0xfd: {  	[tilespmem:s15], [sflag:$0x2] =	stream.indirect_vreg.gather [hbm4b:s5+s3], $0x80, v3, vm0, $0xb8;
	[tilespmem:$0x18200] =	vst v63  }
0xfe: {  	s17 =	simm.s32 $0xF200  }
0xff: {  	[tilespmem:s17], [sflag:$0x2] =	stream.indirect_vreg.gather [hbm4b:s6+s3], $0x80, v3, vm0, $0xb8;
	[tilespmem:$0x18200] =	vst v63  }
0x100: {  	s9 =	simm.s32 $0xFA00  }
0x101: {  	[tilespmem:s9], [sflag:$0x2] =	stream.indirect_vreg.gather [hbm4b:s7+s3], $0x80, v3, vm0, $0xb8;
	[tilespmem:$0x18200] =	vst v63  }
0x102: {  	v3 =	vld [tilespmem:$0x190];
	_ =	sdelay $0x4  }
0x103: {  	v62 =	vshll.u32 v3, $0x3  }
0x104: {  	v3 =	vand.u32 $0x7, v3;
	v4 =	vand.u32 $0xFFFFFFC0, v62  }
0x105: {  	v3 =	vor.u32 v3, v4  }
0x106: {  	v4 =	vperm.xlane v3, v0;
	_ =	sdelay $0x1  }
0x107: {  	v4 =	vadd.s32 v1, v4;
	_ =	sdelay $0x3  }
0x108: {  	s15 =	simm.s32 $0x10200  }
0x109: {  	[tilespmem:s15], [sflag:$0x2] =	stream.indirect_vreg.gather [hbm4b:s1+s3], $0x80, v4, vm0, $0xb8;
	[tilespmem:$0x18200] =	vst v63  }
0x10a: {  	s17 =	simm.s32 $0x10A00;
	v3 =	vperm.xlane v3, v2  }
0x10b: {  	[tilespmem:s17], [sflag:$0x2] =	stream.indirect_vreg.gather [hbm4b:s5+s3], $0x80, v4, vm0, $0xb8;
	[tilespmem:$0x18200] =	vst v63  }
0x10c: {  	s9 =	simm.s32 $0x11200;
	v3 =	vadd.s32 v1, v3  }
0x10d: {  	[tilespmem:s9], [sflag:$0x2] =	stream.indirect_vreg.gather [hbm4b:s6+s3], $0x80, v4, vm0, $0xb8;
	[tilespmem:$0x18200] =	vst v63  }
0x10e: {  	s15 =	simm.s32 $0x11A00  }
0x10f: {  	[tilespmem:s15], [sflag:$0x2] =	stream.indirect_vreg.gather [hbm4b:s7+s3], $0x80, v4, vm0, $0xb8;
	[tilespmem:$0x18200] =	vst v63  }
0x110: {  	s17 =	simm.s32 $0x12200  }
0x111: {  	[tilespmem:s17], [sflag:$0x2] =	stream.indirect_vreg.gather [hbm4b:s1+s3], $0x80, v3, vm0, $0xb8;
	[tilespmem:$0x18200] =	vst v63  }
0x112: {  	s9 =	simm.s32 $0x12A00  }
0x113: {  	[tilespmem:s9], [sflag:$0x2] =	stream.indirect_vreg.gather [hbm4b:s5+s3], $0x80, v3, vm0, $0xb8;
	[tilespmem:$0x18200] =	vst v63  }
0x114: {  	s15 =	simm.s32 $0x13200  }
0x115: {  	[tilespmem:s15], [sflag:$0x2] =	stream.indirect_vreg.gather [hbm4b:s6+s3], $0x80, v3, vm0, $0xb8;
	[tilespmem:$0x18200] =	vst v63  }
0x116: {  	s17 =	simm.s32 $0x13A00  }
0x117: {  	[tilespmem:s17], [sflag:$0x2] =	stream.indirect_vreg.gather [hbm4b:s7+s3], $0x80, v3, vm0, $0xb8;
	[tilespmem:$0x18200] =	vst v63  }
0x118: {  	v3 =	vld [tilespmem:$0x1A0];
	_ =	sdelay $0x4  }
0x119: {  	v63 =	vshll.u32 v3, $0x3  }
0x11a: {  	v3 =	vand.u32 $0x7, v3;
	v4 =	vand.u32 $0xFFFFFFC0, v63  }
0x11b: {  	v3 =	vor.u32 v3, v4  }
0x11c: {  	v4 =	vperm.xlane v3, v0;
	_ =	sdelay $0x1  }
0x11d: {  	v4 =	vadd.s32 v1, v4;
	_ =	sdelay $0x3  }
0x11e: {  	s9 =	simm.s32 $0x14200  }
0x11f: {  	[tilespmem:s9], [sflag:$0x2] =	stream.indirect_vreg.gather [hbm4b:s1+s3], $0x80, v4, vm0, $0xb8;
	[tilespmem:$0x18200] =	vst v63  }
0x120: {  	s15 =	simm.s32 $0x14A00;
	v3 =	vperm.xlane v3, v2  }
0x121: {  	[tilespmem:s15], [sflag:$0x2] =	stream.indirect_vreg.gather [hbm4b:s5+s3], $0x80, v4, vm0, $0xb8;
	[tilespmem:$0x18200] =	vst v63  }
0x122: {  	s17 =	simm.s32 $0x15200;
	v3 =	vadd.s32 v1, v3  }
0x123: {  	[tilespmem:s17], [sflag:$0x2] =	stream.indirect_vreg.gather [hbm4b:s6+s3], $0x80, v4, vm0, $0xb8;
	[tilespmem:$0x18200] =	vst v63  }
0x124: {  	s9 =	simm.s32 $0x15A00  }
0x125: {  	[tilespmem:s9], [sflag:$0x2] =	stream.indirect_vreg.gather [hbm4b:s7+s3], $0x80, v4, vm0, $0xb8;
	[tilespmem:$0x18200] =	vst v63  }
0x126: {  	s15 =	simm.s32 $0x16200  }
0x127: {  	[tilespmem:s15], [sflag:$0x2] =	stream.indirect_vreg.gather [hbm4b:s1+s3], $0x80, v3, vm0, $0xb8;
	[tilespmem:$0x18200] =	vst v63  }
0x128: {  	s17 =	simm.s32 $0x16A00  }
0x129: {  	[tilespmem:s17], [sflag:$0x2] =	stream.indirect_vreg.gather [hbm4b:s5+s3], $0x80, v3, vm0, $0xb8;
	[tilespmem:$0x18200] =	vst v63  }
0x12a: {  	s9 =	simm.s32 $0x17200  }
0x12b: {  	[tilespmem:s9], [sflag:$0x2] =	stream.indirect_vreg.gather [hbm4b:s6+s3], $0x80, v3, vm0, $0xb8;
	[tilespmem:$0x18200] =	vst v63  }
0x12c: {  	s15 =	simm.s32 $0x17A00  }
0x12d: {  	[tilespmem:s15], [sflag:$0x2] =	stream.indirect_vreg.gather [hbm4b:s7+s3], $0x80, v3, vm0, $0xb8;
	[tilespmem:$0x18200] =	vst v63  }
0x12e: {  	s17 =	rddreg [dreg:$0x6];
	s9 =	simm.s32 $0x200  }
0x12f: {  	[hbm4b:s17+s3] =	stream.linear.scatter [tilespmem:s9], [sflag:$0x3], $0xC000, $0x38;
	[tilespmem:$0x18200] =	vst v63  }
0x130: {  	_ =	swait.ge [sflag:s4], $0xC000  }
0x131: {  	[sflag:s4] =	ssyncset.done $0x0  }
0x132: {  	s15 =	rddreg [dreg:$0x7];
	[sflag:s4] =	ssyncadd.s32 $0xFFFF4000  }
0x133: {  	[hbm4b:s15+s3] =	stream.linear.scatter [tilespmem:s2], [sflag:$0x3], $0xC000, $0x38;
	[tilespmem:$0x18200] =	vst v63  }
0x134: {  	p0 =	sne.s32 s8, $0x1;
	_ =	swait.ge [sflag:s16], $0xC000  }
.Ltmp0:
0x135: {  	[sflag:s16] =	ssyncset.done $0x0;
	(pc) =	sbr.rel @p0 .LBB2_1-.Ltmp0, $4  }
0x136: {  	[sflag:s16] =	ssyncadd.s32 $0xFFFF4000  }
0x137: {  	_ =	swait.ge [sflag:s16], $0xC000  }
0x138: {  	[sflag:s16] =	ssyncset.done $0x0  }
0x139: {  	s8 =	sadd.s32 $0xFFFFFFFF, s8;
	[sflag:s16] =	ssyncadd.s32 $0xFFFF4000  }
0x13a: {  	_ =	sfence.sel $0x180000  }
0x13b: {  	[bflag:$0x0] =	sbarrier.arrive $0xFFFF  }
0x13c: {  	_ =	strace $0x90000047  }
0x13d: {  	s0 =	stileid.u32;
	[bflag:$0x2] =	sbarrier.arrive $0xFFFF  }
0x13e: {  	p0 =	sne.s32 s0, $0x0;
	s0 =	rddreg [dreg:$0x3]  }
0x13f: {  	s0 =	sadd.s32 @!p0 $0x100000, s0  }
0x140: {  	[sflag:s0] =	ssyncadd.tile.s32 @!p0 $0x1;
	_ =	shalt  }
.Lfunc_end2:
_tile_overlayer_lowered:
.L_overlay_start_2:
0x141: {  	(tag) =	ssettag $0x2  }
0x142: {  	s0 =	rddreg [dreg:$0x0];
	s2 =	stileid.u32  }
0x143: {  	s1 =	rddreg [dreg:$0x1];
	p0 =	sne.s32 s2, $0x0  }
0x144: {  	s3 =	rddreg [dreg:$0x2];
	[bflag:$0x3] =	sbarrier.arrive $0xFFFF;
	s2 =	simm.s32 @!p0 $0x1C04  }
0x145: {  	[timem:s3], [sflag:s2] =	dma.local @!p0 [hbm:s0], s1  }
0x146: {  	s0 =	simm.s32 @!p0 $0x4  }
0x147: {  	_ =	swait.ge @!p0 [sflag:s0], s1  }
0x148: {  	s1 =	ssub.s32 @!p0 $0x0, s1;
	[sflag:s0] =	ssyncset.done @!p0 $0x0  }
0x149: {  	[sflag:s0] =	ssyncadd.s32 @!p0 s1  }
0x14a: {  	[bflag:$0x3] =	sbarrier.arrive $0xFFFF  }
0x14b: {  	_ =	shalt  }

// kernel: kernel.18.cloned.1.call-start
scs
__scs_entry_jumppad:
0x0: {  	(pc) =	sbr.rel $0x88, $3  }
0x1: {  	(tag) =	ssettag $0x0;
	lr =	simm.s32 $0x1  }
0x2: {  	[smem:$0x3F9A] =	sst lr;
	_ =	strace $0xD0000000  }
0x3: {  	_ = 	snop  }
0x4: {  	_ = 	snop  }
0x5: {  	_ = 	snop  }
0x6: {  	_ = 	snop  }
0x7: {  	_ = 	snop  }
__scs_overlays_trampoline_lowered:
0x8: {  	[smem:$0x3FA9] =	sst s0  }
0x9: {  	[smem:$0x3FAA] =	sst s1  }
0xa: {  	[smem:$0x3FAB] =	sst s2  }
0xb: {  	[smem:$0x3FAC] =	sst s3  }
0xc: {  	[smem:$0x3FAD] =	sst s4  }
0xd: {  	[smem:$0x3FAE] =	sst s5  }
0xe: {  	[smem:$0x3FAF] =	sst s6  }
0xf: {  	[smem:$0x3FB0] =	sst s7  }
0x10: {  	[smem:$0x3FB1] =	sst s8  }
0x11: {  	[smem:$0x3FB2] =	sst s9;
	s0 =	simm.s32 @!p0 $0x0  }
0x12: {  	s1 =	sld [smem:$0x3F98];
	s0 =	simm.s32 @p0 $0x1  }
0x13: {  	[smem:$0x3FB3] =	sst s0;
	s0 =	simm.s32 @!p1 $0x0  }
0x14: {  	s2 =	sld [smem:$0x3F97];
	s0 =	simm.s32 @p1 $0x1  }
0x15: {  	[smem:$0x3FB4] =	sst s0;
	s0 =	simm.s32 @!p2 $0x0  }
0x16: {  	s3 =	sld [smem:$0x3FDB];
	s0 =	simm.s32 @p2 $0x1  }
0x17: {  	s4 =	simm.s32 $0x1BF5;
	[smem:$0x3FB6] =	sst s0  }
0x18: {  	s0 =	sld [smem:$0x3F99];
	_ =	swait.ge [sflag:s4], $0x0  }
0x19: {  	s7 =	sld [smem:$0x3F9A]  }
0x1a: {  	s8 =	sadd.s32 $0xFFFFE003, lr  }
0x1b: {  	s9 =	sadd.s32 $0xFFFFFEF7, lr;
	s5 =	simm.s32 $0xFFFFFFFF;
	p2 =	slt.u32 s8, $0xFFFFF086  }
0x1c: {  	p1 =	slt.u32 s9, $0xF7A;
	s5 =	simm.s32 @!p2 $0x0  }
0x1d: {  	s5 =	simm.s32 @p1 $0x1;
	p0 =	seq.s32 s7, s2  }
0x1e: {  	s7 =	smul.u32 @!p0 $0xF7A, s2;
	p2 =	seq.s32 @!p0 s5, $0x0  }
0x1f: {  	s9 =	smul.u32 $0xF7A, s1;
	s8 =	simm.s32 @!p0 $0x1BF5;
	p2 =	por !p2, p0  }
0x20: {  	[sflag:s8] =	ssyncset.s32 @!p0 $0xFFFFF086;
	s6 =	sadd.s32 @!p0 s3, s7;
	s7 =	simm.s32 @!p0 $0x108  }
0x21: {  	s3 =	sadd.s32 s3, s9;
	s6 =	sadd.s32 @!p0 $0x88, s6;
	s7 =	simm.s32 @p2 $0x1082  }
0x22: {  	[simem:s7], [sflag:s8] =	dma.local @!p0 [hbm:s6], $0xF7A  }
0x23: {  	s9 =	sor.u32 $0xD0000000, s2;
	s6 =	simm.s32 $0x108;
	_ =	swait.ge @!p0 [sflag:s8], $0x0  }
0x24: {  	s3 =	sadd.s32 $0x88, s3;
	s6 =	simm.s32 @!p1 $0x1082;
	[sflag:s4] =	ssyncset.s32 $0xFFFFF086  }
0x25: {  	[simem:s6], [sflag:s4] =	dma.local [hbm:s3], $0xF7A  }
0x26: {  	[smem:$0x3F9A] =	sst s1;
	(tag) =	ssettag s2;
	_ =	strace s9  }
0x27: {  	s1 =	sld [smem:$0x3FAA]  }
0x28: {  	s2 =	sld [smem:$0x3FAB]  }
0x29: {  	s4 =	sld [smem:$0x3FAD]  }
0x2a: {  	p0 =	seq.s32 s5, $0x0;
	s5 =	sld [smem:$0x3FAE]  }
0x2b: {  	s6 =	sld [smem:$0x3FAF]  }
0x2c: {  	s7 =	sld [smem:$0x3FB0]  }
0x2d: {  	s3 =	simm.s32 $0x108;
	s8 =	sld [smem:$0x3FB1]  }
0x2e: {  	s3 =	simm.s32 @!p0 $0x1082;
	s9 =	sld [smem:$0x3FB2]  }
0x2f: {  	lr =	sadd.s32 s0, s3;
	s0 =	sld [smem:$0x3FA9]  }
0x30: {  	s3 =	sld [smem:$0x3FAC]  }
0x31: {  	[smem:$0x3FB5] =	sst s10  }
0x32: {  	s10 =	sld [smem:$0x3FB3];
	_ =	sdelay $0x3  }
0x33: {  	p0 =	seq.s32 s10, $0x1;
	s10 =	sld [smem:$0x3FB5];
	_ =	sdelay $0x3  }
0x34: {  	[smem:$0x3FB5] =	sst s10  }
0x35: {  	s10 =	sld [smem:$0x3FB4];
	_ =	sdelay $0x3  }
0x36: {  	p1 =	seq.s32 s10, $0x1;
	s10 =	sld [smem:$0x3FB5];
	_ =	sdelay $0x3  }
0x37: {  	[smem:$0x3FB5] =	sst s10  }
0x38: {  	s10 =	sld [smem:$0x3FB6]  }
0x39: {  	_ = 	snop;
	(pc) =	sbr.ind lr, $3  }
0x3a: {  	_ = 	snop  }
0x3b: {  	_ = 	snop  }
0x3c: {  	p2 =	seq.s32 s10, $0x1;
	s10 =	sld [smem:$0x3FB5]  }
0x3d: {  	_ =	shalt  }
0x3e: {  	_ =	shalt  }
0x3f: {  	_ =	shalt  }
0x40: {  	_ =	shalt  }
0x41: {  	_ =	shalt  }
0x42: {  	_ =	shalt  }
0x43: {  	_ =	shalt  }
0x44: {  	_ =	shalt  }
0x45: {  	_ =	shalt  }
0x46: {  	_ =	shalt  }
0x47: {  	_ =	shalt  }
0x48: {  	_ =	shalt  }
0x49: {  	_ =	shalt  }
0x4a: {  	_ =	shalt  }
0x4b: {  	_ =	shalt  }
0x4c: {  	_ =	shalt  }
0x4d: {  	_ =	shalt  }
0x4e: {  	_ =	shalt  }
0x4f: {  	_ =	shalt  }
0x50: {  	_ =	shalt  }
0x51: {  	_ =	shalt  }
0x52: {  	_ =	shalt  }
0x53: {  	_ =	shalt  }
0x54: {  	_ =	shalt  }
0x55: {  	_ =	shalt  }
0x56: {  	_ =	shalt  }
0x57: {  	_ =	shalt  }
0x58: {  	_ =	shalt  }
0x59: {  	_ =	shalt  }
0x5a: {  	_ =	shalt  }
0x5b: {  	_ =	shalt  }
0x5c: {  	_ =	shalt  }
0x5d: {  	_ =	shalt  }
0x5e: {  	_ =	shalt  }
0x5f: {  	_ =	shalt  }
0x60: {  	_ =	shalt  }
0x61: {  	_ =	shalt  }
0x62: {  	_ =	shalt  }
0x63: {  	_ =	shalt  }
0x64: {  	_ =	shalt  }
0x65: {  	_ =	shalt  }
0x66: {  	_ =	shalt  }
0x67: {  	_ =	shalt  }
0x68: {  	_ =	shalt  }
0x69: {  	_ =	shalt  }
0x6a: {  	_ =	shalt  }
0x6b: {  	_ =	shalt  }
0x6c: {  	_ =	shalt  }
0x6d: {  	_ =	shalt  }
0x6e: {  	_ =	shalt  }
0x6f: {  	_ =	shalt  }
0x70: {  	_ =	shalt  }
0x71: {  	_ =	shalt  }
0x72: {  	_ =	shalt  }
0x73: {  	_ =	shalt  }
0x74: {  	_ =	shalt  }
0x75: {  	_ =	shalt  }
0x76: {  	_ =	shalt  }
0x77: {  	_ =	shalt  }
0x78: {  	_ =	shalt  }
0x79: {  	_ =	shalt  }
0x7a: {  	_ =	shalt  }
0x7b: {  	_ =	shalt  }
0x7c: {  	_ =	shalt  }
0x7d: {  	_ =	shalt  }
0x7e: {  	_ =	shalt  }
0x7f: {  	_ =	shalt  }
0x80: {  	_ =	shalt  }
0x81: {  	_ =	shalt  }
0x82: {  	_ =	shalt  }
0x83: {  	_ =	shalt  }
0x84: {  	_ =	shalt  }
0x85: {  	_ =	shalt  }
0x86: {  	_ =	shalt  }
0x87: {  	_ =	shalt  }
.Lfunc_end0:
.L_simem_size_0:
called_computation.1_lowered:
.L_overlay_start_0:
0x88: {  	s2 =	sld [smem:$0x3FD9]  }
0x89: {  	s3 =	sld [smem:$0x3FFE];
	_ =	sdelay $0x1  }
0x8a: {  	s1 =	srdreg.scid  }
0x8b: {  	s0 =	sand.u32 $0x1, s1  }
0x8c: {  	s16 =	sshll.u32 s0, $0xA;
	s2 =	sadd.s32 s3, s2  }
0x8d: {  	s2 =	sadd.s32 s2, s16  }
0x8e: {  	[smem:$0x3FC1] =	sst s2  }
0x8f: {  	_ = 	snop  }
0x90: {  	(tm) =	ssettm $0x1  }
0x91: {  	s17 =	sld [smem:$0x3FFB];
	_ =	sdelay $0x3  }
0x92: {  	_ =	strace s17  }
0x93: {  	s2 =	sld [smem:$0x3FFC];
	_ =	sdelay $0x3  }
0x94: {  	_ =	strace s2  }
0x95: {  	s2 =	sld [smem:$0x3FFD];
	_ =	sdelay $0x3  }
0x96: {  	_ =	strace s2  }
0x97: {  	_ =	strace $0x8FFFFFFF  }
0x98: {  	s18 =	sld [smem:$0x3FDB];
	_ =	sdelay $0x1  }
0x99: {  	s19 =	simm.s32 $_scs_section_size  }
0x9a: {  	s4 =	simm.s32 $_size__tile_overlayer_lowered;
	s5 =	simm.s32 $_tile_overlayer_lowered  }
0x9b: {  	s22 =	simm.s32 $0x1BFF;
	s21 =	sshll.u32 s5, $0x1;
	s2 =	sadd.s32 s19, s18  }
0x9c: {  	s6 =	simm.s32 $0x0;
	s20 =	sshll.u32 s4, $0x1;
	s4 =	sadd.s32 s21, s2  }
0x9d: {  	[timem:s6], [sflag:s22] =	dma.local [hbm:s4], s20  }
0x9e: {  	_ =	swait.ge [sflag:s22], s20  }
0x9f: {  	s3 =	ssub.s32 $0x0, s20;
	[sflag:s22] =	ssyncset.done $0x0  }
0xa0: {  	[sflag:s22] =	ssyncadd.s32 s3;
	_ =	sdelay $0x1  }
0xa1: {  	s23 =	simm.s32 $0x1B8B  }
0xa2: {  	_ =	swait.ge [sflag:s23], $0x1  }
0xa3: {  	[sflag:s23] =	ssyncset.done $0x0  }
0xa4: {  	s25 =	simm.s32 $0x1B8E;
	s24 =	sld [smem:$0x3FFE];
	[sflag:s23] =	ssyncadd.s32 $0xFFFFFFFF  }
0xa5: {  	s26 =	simm.s32 $execute0_lowered;
	[smem:$0x3FD2] =	sst s25  }
0xa6: {  	s4 =	sshll.u32 s26, $0x1;
	_ =	strace $0x80000049;
	[dreg:$0x1] =	wrdreg $0xFFFFFFFF  }
0xa7: {  	s28 =	simm.s32 $_size_execute0_lowered;
	s2 =	sadd.s32 s2, s4;
	[dreg:$0x0] =	wrdreg $0x0  }
0xa8: {  	s4 =	sshll.u32 s28, $0x1;
	[dreg:$0x2] =	wrdreg s2  }
0xa9: {  	[dreg:$0x3] =	wrdreg s4  }
0xaa: {  	[dreg:$0x4] =	wrdreg $0xC0  }
0xab: {  	_ =	task [dreg:s6], $0x5FFFF  }
0xac: {  	[dreg:$0x1] =	wrdreg $0xFFFFFFFF  }
0xad: {  	[dreg:$0x0] =	wrdreg $0x60  }
0xae: {  	[dreg:$0x2] =	wrdreg s24  }
0xaf: {  	[dreg:$0x3] =	wrdreg $0x9  }
0xb0: {  	_ =	task.clear_ibuf [dreg:s6], $0x4FFFF;
	_ =	strace $0x90000049  }
0xb1: {  	s29 =	simm.s32 $0x9;
	_ =	strace $0x8000004B  }
0xb2: {  	_ =	swait.ge [sflag:s29], $0x1  }
0xb3: {  	[sflag:s29] =	ssyncadd.s32 $0xFFFFFFFF  }
0xb4: {  	_ =	strace $0x9000004B  }
0xb5: {  	_ =	sfence  }
0xb6: {  	s30 =	sld [smem:$0x0];
	_ =	sdelay $0x2  }
0xb7: {  	s31 =	sshll.u32 s1, $0xD;
	s1 =	sshrl.u32 s1, $0x2  }
0xb8: {  	s3 =	sand.u32 $0x4000, s31;
	s1 =	sadd.s32 s1, s30  }
0xb9: {  	s0 =	sor.u32 s3, s0;
	s1 =	sshll.u32 s1, $0x11  }
0xba: {  	s0 =	sor.u32 s1, s0  }
0xbb: {  	s0 =	sadd.s32 $0x8F2B, s0  }
0xbc: {  	[sflag:s0] =	ssyncadd.remote.s32 $0x1  }
0xbd: {  	_ =	sfence.sel $0xFFFF  }
0xbe: {  	[dreg:$0x0] =	wrdreg $0xFFFFFFFF;
	(pc) =	sbr.abs _section_cstart, $3  }
0xbf: {  	[dreg:$0x1] =	wrdreg $0xFFFFFFFF  }
0xc0: {  	_ =	task.clear_ibuf [dreg:s6], $0x2FFFF;
	_ =	strace $0x9FFFFFFF  }
0xc1: {  	(tm) =	ssettm $0x7FFFFFFF  }
tec
execute0_lowered:
.L_overlay_start_1:
0x0: {  	(tag) =	ssettag $0x1  }
0x1: {  	s0 =	rddreg [dreg:$0x0]  }
0x2: {  	s2 =	simm.s32 $0x0;
	s1 =	srdreg.scid;
	s3 =	stileid.u32  }
0x3: {  	s16 =	simm.s32 $0x3;
	s18 =	simm.s32 $0xA00;
	s19 =	simm.s32 $0x1200  }
0x4: {  	s20 =	simm.s32 $0x1A00;
	s21 =	simm.s32 $0x2200;
	s22 =	simm.s32 $0x2A00  }
0x5: {  	s23 =	simm.s32 $0x3200;
	s24 =	simm.s32 $0x3A00;
	s28 =	simm.s32 $0x5200  }
0x6: {  	s29 =	simm.s32 $0x5A00;
	s30 =	simm.s32 $0x6200;
	s31 =	simm.s32 $0x6A00  }
0x7: {  	s11 =	simm.s32 $0x8200;
	s13 =	simm.s32 $0x8A00;
	s14 =	simm.s32 $0x9200  }
0x8: {  	s10 =	simm.s32 $0xA200;
	s12 =	simm.s32 $0xB200;
	[smem:$0x7FF] =	sst s2  }
0x9: {  	s1 =	sand.u32 $0x1, s1;
	s4 =	sshll.u32 s3, $0x1;
	s3 =	sadd.s32 $0xE3C00, s0  }
0xa: {  	s8 =	sadd.s32 $0x22E00, s0;
	_ =	strace $0x8000004A;
	s4 =	sor.u32 s1, s4  }
0xb: {  	s1 =	ssub.s32 $0x2, s1;
	s5 =	sshll.u32 s4, $0x6;
	s6 =	smul.u32 $0x6000, s4  }
0xc: {  	s7 =	sshrl.u32 s1, $0x1;
	s4 =	smul.u32 $0x30000, s4;
	s5 =	sadd.s32 s5, s0  }
0xd: {  	s1 =	ssub.s32 s1, s7;
	s7 =	sadd.s32 $0xE3F00, s0;
	s5 =	sadd.s32 $0xE2E00, s5  }
0xe: {  	s6 =	sadd.s32 s8, s6;
	s4 =	sshrl.u32 s4, $0x3;
	[dreg:$0x2] =	wrdreg s5  }
0xf: {  	[dreg:$0x6] =	wrdreg s6;
	s25 =	sadd.s32 $0x1800, s6;
	s4 =	sadd.s32 s8, s4  }
0x10: {  	s5 =	sadd.s32 $0xE3D00, s0;
	[dreg:$0x3] =	wrdreg s25;
	s8 =	sadd.s32 $0x3000, s4  }
0x11: {  	v2 =	vlaneseq.u32;
	s6 =	sadd.s32 $0xE3E00, s0;
	s26 =	sadd.s32 $0x4800, s4;
	[dreg:$0x4] =	wrdreg s8  }
0x12: {  	vm0 =	vmmov $0xffff;
	v1 =	vshrl.u32 v2, $0x3;
	s4 =	simm.s32 $0x2;
	s25 =	simm.s32 $0x4200;
	[dreg:$0x5] =	wrdreg s26  }
0x13: {  	v0 =	vand.u32 $0x7, v2;
	v2 =	vor.u32 $0x8, v2;
	v1 =	vmul.u32 $0x8, v1;
	s8 =	smax.u32 s1, $0x1;
	s26 =	simm.s32 $0x4A00;
	s1 =	simm.s32 $0xC200  }
.LBB2_1:
0x14: {  	s17 =	rddreg [dreg:$0x2];
	s0 =	simm.s32 $0x4  }
0x15: {  	[tilespmem:s2], [sflag:$0x4] =	stream.linear.gather [hbm4b:s17+s2], $0x200, $0x38;
	[tilespmem:$0x18200] =	vst v63  }
0x16: {  	_ =	swait.ge [sflag:s0], $0x200  }
0x17: {  	[sflag:s0] =	ssyncset.done $0x0  }
0x18: {  	[sflag:s0] =	ssyncadd.s32 $0xFFFFFE00  }
0x19: {  	v3 =	vld [tilespmem:$0x0];
	_ =	sdelay $0x4  }
0x1a: {  	v4 =	vshll.u32 v3, $0x3  }
0x1b: {  	v3 =	vand.u32 $0x7, v3;
	v4 =	vand.u32 $0xFFFFFFC0, v4  }
0x1c: {  	v3 =	vor.u32 v3, v4  }
0x1d: {  	v4 =	vperm.xlane v3, v0;
	_ =	sdelay $0x1  }
0x1e: {  	v4 =	vadd.s32 v1, v4;
	_ =	sdelay $0x3  }
0x1f: {  	s17 =	simm.s32 $0x200  }
0x20: {  	[tilespmem:s17], [sflag:$0x1] =	stream.indirect_vreg.gather [hbm4b:s3+s2], $0x80, v4, vm0, $0xb8;
	[tilespmem:$0x18200] =	vst v63  }
0x21: {  	v3 =	vperm.xlane v3, v2  }
0x22: {  	[tilespmem:s18], [sflag:$0x1] =	stream.indirect_vreg.gather [hbm4b:s5+s2], $0x80, v4, vm0, $0xb8;
	[tilespmem:$0x18200] =	vst v63  }
0x23: {  	v3 =	vadd.s32 v1, v3  }
0x24: {  	[tilespmem:s19], [sflag:$0x1] =	stream.indirect_vreg.gather [hbm4b:s6+s2], $0x80, v4, vm0, $0xb8;
	[tilespmem:$0x18200] =	vst v63  }
0x25: {  	_ = 	snop  }
0x26: {  	[tilespmem:s20], [sflag:$0x1] =	stream.indirect_vreg.gather [hbm4b:s7+s2], $0x80, v4, vm0, $0xb8;
	[tilespmem:$0x18200] =	vst v63  }
0x27: {  	_ = 	snop  }
0x28: {  	[tilespmem:s21], [sflag:$0x1] =	stream.indirect_vreg.gather [hbm4b:s3+s2], $0x80, v3, vm0, $0xb8;
	[tilespmem:$0x18200] =	vst v63  }
0x29: {  	_ = 	snop  }
0x2a: {  	[tilespmem:s22], [sflag:$0x1] =	stream.indirect_vreg.gather [hbm4b:s5+s2], $0x80, v3, vm0, $0xb8;
	[tilespmem:$0x18200] =	vst v63  }
0x2b: {  	_ = 	snop  }
0x2c: {  	[tilespmem:s23], [sflag:$0x1] =	stream.indirect_vreg.gather [hbm4b:s6+s2], $0x80, v3, vm0, $0xb8;
	[tilespmem:$0x18200] =	vst v63  }
0x2d: {  	_ = 	snop  }
0x2e: {  	[tilespmem:s24], [sflag:$0x1] =	stream.indirect_vreg.gather [hbm4b:s7+s2], $0x80, v3, vm0, $0xb8;
	[tilespmem:$0x18200] =	vst v63  }
0x2f: {  	v3 =	vld [tilespmem:$0x10];
	_ =	sdelay $0x4  }
0x30: {  	v53 =	vshll.u32 v3, $0x3  }
0x31: {  	v3 =	vand.u32 $0x7, v3;
	v4 =	vand.u32 $0xFFFFFFC0, v53  }
0x32: {  	v3 =	vor.u32 v3, v4  }
0x33: {  	v4 =	vperm.xlane v3, v0;
	_ =	sdelay $0x1  }
0x34: {  	v4 =	vadd.s32 v1, v4;
	_ =	sdelay $0x4  }
0x35: {  	[tilespmem:s25], [sflag:$0x1] =	stream.indirect_vreg.gather [hbm4b:s3+s2], $0x80, v4, vm0, $0xb8;
	[tilespmem:$0x18200] =	vst v63  }
0x36: {  	v3 =	vperm.xlane v3, v2  }
0x37: {  	[tilespmem:s26], [sflag:$0x1] =	stream.indirect_vreg.gather [hbm4b:s5+s2], $0x80, v4, vm0, $0xb8;
	[tilespmem:$0x18200] =	vst v63  }
0x38: {  	v3 =	vadd.s32 v1, v3  }
0x39: {  	[tilespmem:s28], [sflag:$0x1] =	stream.indirect_vreg.gather [hbm4b:s6+s2], $0x80, v4, vm0, $0xb8;
	[tilespmem:$0x18200] =	vst v63  }
0x3a: {  	_ = 	snop  }
0x3b: {  	[tilespmem:s29], [sflag:$0x1] =	stream.indirect_vreg.gather [hbm4b:s7+s2], $0x80, v4, vm0, $0xb8;
	[tilespmem:$0x18200] =	vst v63  }
0x3c: {  	_ = 	snop  }
0x3d: {  	[tilespmem:s30], [sflag:$0x1] =	stream.indirect_vreg.gather [hbm4b:s3+s2], $0x80, v3, vm0, $0xb8;
	[tilespmem:$0x18200] =	vst v63  }
0x3e: {  	_ = 	snop  }
0x3f: {  	[tilespmem:s31], [sflag:$0x1] =	stream.indirect_vreg.gather [hbm4b:s5+s2], $0x80, v3, vm0, $0xb8;
	[tilespmem:$0x18200] =	vst v63  }
0x40: {  	s9 =	simm.s32 $0x7200  }
0x41: {  	[tilespmem:s9], [sflag:$0x1] =	stream.indirect_vreg.gather [hbm4b:s6+s2], $0x80, v3, vm0, $0xb8;
	[tilespmem:$0x18200] =	vst v63  }
0x42: {  	s15 =	simm.s32 $0x7A00  }
0x43: {  	[tilespmem:s15], [sflag:$0x1] =	stream.indirect_vreg.gather [hbm4b:s7+s2], $0x80, v3, vm0, $0xb8;
	[tilespmem:$0x18200] =	vst v63  }
0x44: {  	v3 =	vld [tilespmem:$0x20];
	_ =	sdelay $0x4  }
0x45: {  	v54 =	vshll.u32 v3, $0x3  }
0x46: {  	v3 =	vand.u32 $0x7, v3;
	v4 =	vand.u32 $0xFFFFFFC0, v54  }
0x47: {  	v3 =	vor.u32 v3, v4  }
0x48: {  	v4 =	vperm.xlane v3, v0;
	_ =	sdelay $0x1  }
0x49: {  	v4 =	vadd.s32 v1, v4;
	_ =	sdelay $0x4  }
0x4a: {  	[tilespmem:s11], [sflag:$0x1] =	stream.indirect_vreg.gather [hbm4b:s3+s2], $0x80, v4, vm0, $0xb8;
	[tilespmem:$0x18200] =	vst v63  }
0x4b: {  	v3 =	vperm.xlane v3, v2  }
0x4c: {  	[tilespmem:s13], [sflag:$0x1] =	stream.indirect_vreg.gather [hbm4b:s5+s2], $0x80, v4, vm0, $0xb8;
	[tilespmem:$0x18200] =	vst v63  }
0x4d: {  	v3 =	vadd.s32 v1, v3  }
0x4e: {  	[tilespmem:s14], [sflag:$0x1] =	stream.indirect_vreg.gather [hbm4b:s6+s2], $0x80, v4, vm0, $0xb8;
	[tilespmem:$0x18200] =	vst v63  }
0x4f: {  	s9 =	simm.s32 $0x9A00  }
0x50: {  	[tilespmem:s9], [sflag:$0x1] =	stream.indirect_vreg.gather [hbm4b:s7+s2], $0x80, v4, vm0, $0xb8;
	[tilespmem:$0x18200] =	vst v63  }
0x51: {  	_ = 	snop  }
0x52: {  	[tilespmem:s10], [sflag:$0x1] =	stream.indirect_vreg.gather [hbm4b:s3+s2], $0x80, v3, vm0, $0xb8;
	[tilespmem:$0x18200] =	vst v63  }
0x53: {  	s17 =	simm.s32 $0xAA00  }
0x54: {  	[tilespmem:s17], [sflag:$0x1] =	stream.indirect_vreg.gather [hbm4b:s5+s2], $0x80, v3, vm0, $0xb8;
	[tilespmem:$0x18200] =	vst v63  }
0x55: {  	_ = 	snop  }
0x56: {  	[tilespmem:s12], [sflag:$0x1] =	stream.indirect_vreg.gather [hbm4b:s6+s2], $0x80, v3, vm0, $0xb8;
	[tilespmem:$0x18200] =	vst v63  }
0x57: {  	s0 =	simm.s32 $0x1;
	s15 =	simm.s32 $0xBA00  }
0x58: {  	[tilespmem:s15], [sflag:$0x1] =	stream.indirect_vreg.gather [hbm4b:s7+s2], $0x80, v3, vm0, $0xb8;
	[tilespmem:$0x18200] =	vst v63  }
0x59: {  	_ =	swait.ge [sflag:s0], $0xC000  }
0x5a: {  	[sflag:s0] =	ssyncset.done $0x0  }
0x5b: {  	[sflag:s0] =	ssyncadd.s32 $0xFFFF4000  }
0x5c: {  	v3 =	vld [tilespmem:$0x80];
	_ =	sdelay $0x4  }
0x5d: {  	v55 =	vshll.u32 v3, $0x3  }
0x5e: {  	v3 =	vand.u32 $0x7, v3;
	v4 =	vand.u32 $0xFFFFFFC0, v55  }
0x5f: {  	v3 =	vor.u32 v3, v4  }
0x60: {  	v4 =	vperm.xlane v3, v0;
	_ =	sdelay $0x1  }
0x61: {  	v4 =	vadd.s32 v1, v4;
	_ =	sdelay $0x4  }
0x62: {  	[tilespmem:s1], [sflag:$0x2] =	stream.indirect_vreg.gather [hbm4b:s3+s2], $0x80, v4, vm0, $0xb8;
	[tilespmem:$0x18200] =	vst v63  }
0x63: {  	s15 =	simm.s32 $0xCA00;
	v3 =	vperm.xlane v3, v2  }
0x64: {  	[tilespmem:s15], [sflag:$0x2] =	stream.indirect_vreg.gather [hbm4b:s5+s2], $0x80, v4, vm0, $0xb8;
	[tilespmem:$0x18200] =	vst v63  }
0x65: {  	s17 =	simm.s32 $0xD200;
	v3 =	vadd.s32 v1, v3  }
0x66: {  	[tilespmem:s17], [sflag:$0x2] =	stream.indirect_vreg.gather [hbm4b:s6+s2], $0x80, v4, vm0, $0xb8;
	[tilespmem:$0x18200] =	vst v63  }
0x67: {  	s17 =	simm.s32 $0xDA00  }
0x68: {  	[tilespmem:s17], [sflag:$0x2] =	stream.indirect_vreg.gather [hbm4b:s7+s2], $0x80, v4, vm0, $0xb8;
	[tilespmem:$0x18200] =	vst v63  }
0x69: {  	s17 =	simm.s32 $0xE200  }
0x6a: {  	[tilespmem:s17], [sflag:$0x2] =	stream.indirect_vreg.gather [hbm4b:s3+s2], $0x80, v3, vm0, $0xb8;
	[tilespmem:$0x18200] =	vst v63  }
0x6b: {  	s17 =	simm.s32 $0xEA00  }
0x6c: {  	[tilespmem:s17], [sflag:$0x2] =	stream.indirect_vreg.gather [hbm4b:s5+s2], $0x80, v3, vm0, $0xb8;
	[tilespmem:$0x18200] =	vst v63  }
0x6d: {  	s17 =	simm.s32 $0xF200  }
0x6e: {  	[tilespmem:s17], [sflag:$0x2] =	stream.indirect_vreg.gather [hbm4b:s6+s2], $0x80, v3, vm0, $0xb8;
	[tilespmem:$0x18200] =	vst v63  }
0x6f: {  	s17 =	simm.s32 $0xFA00  }
0x70: {  	[tilespmem:s17], [sflag:$0x2] =	stream.indirect_vreg.gather [hbm4b:s7+s2], $0x80, v3, vm0, $0xb8;
	[tilespmem:$0x18200] =	vst v63  }
0x71: {  	v3 =	vld [tilespmem:$0x90];
	_ =	sdelay $0x4  }
0x72: {  	v56 =	vshll.u32 v3, $0x3  }
0x73: {  	v3 =	vand.u32 $0x7, v3;
	v4 =	vand.u32 $0xFFFFFFC0, v56  }
0x74: {  	v3 =	vor.u32 v3, v4  }
0x75: {  	v4 =	vperm.xlane v3, v0;
	_ =	sdelay $0x1  }
0x76: {  	v4 =	vadd.s32 v1, v4;
	_ =	sdelay $0x3  }
0x77: {  	s17 =	simm.s32 $0x10200  }
0x78: {  	[tilespmem:s17], [sflag:$0x2] =	stream.indirect_vreg.gather [hbm4b:s3+s2], $0x80, v4, vm0, $0xb8;
	[tilespmem:$0x18200] =	vst v63  }
0x79: {  	v3 =	vperm.xlane v3, v2;
	s17 =	simm.s32 $0x10A00  }
0x7a: {  	[tilespmem:s17], [sflag:$0x2] =	stream.indirect_vreg.gather [hbm4b:s5+s2], $0x80, v4, vm0, $0xb8;
	[tilespmem:$0x18200] =	vst v63  }
0x7b: {  	v3 =	vadd.s32 v1, v3;
	s17 =	simm.s32 $0x11200  }
0x7c: {  	[tilespmem:s17], [sflag:$0x2] =	stream.indirect_vreg.gather [hbm4b:s6+s2], $0x80, v4, vm0, $0xb8;
	[tilespmem:$0x18200] =	vst v63  }
0x7d: {  	s17 =	simm.s32 $0x11A00  }
0x7e: {  	[tilespmem:s17], [sflag:$0x2] =	stream.indirect_vreg.gather [hbm4b:s7+s2], $0x80, v4, vm0, $0xb8;
	[tilespmem:$0x18200] =	vst v63  }
0x7f: {  	s17 =	simm.s32 $0x12200  }
0x80: {  	[tilespmem:s17], [sflag:$0x2] =	stream.indirect_vreg.gather [hbm4b:s3+s2], $0x80, v3, vm0, $0xb8;
	[tilespmem:$0x18200] =	vst v63  }
0x81: {  	s17 =	simm.s32 $0x12A00  }
0x82: {  	[tilespmem:s17], [sflag:$0x2] =	stream.indirect_vreg.gather [hbm4b:s5+s2], $0x80, v3, vm0, $0xb8;
	[tilespmem:$0x18200] =	vst v63  }
0x83: {  	s17 =	simm.s32 $0x13200  }
0x84: {  	[tilespmem:s17], [sflag:$0x2] =	stream.indirect_vreg.gather [hbm4b:s6+s2], $0x80, v3, vm0, $0xb8;
	[tilespmem:$0x18200] =	vst v63  }
0x85: {  	s17 =	simm.s32 $0x13A00  }
0x86: {  	[tilespmem:s17], [sflag:$0x2] =	stream.indirect_vreg.gather [hbm4b:s7+s2], $0x80, v3, vm0, $0xb8;
	[tilespmem:$0x18200] =	vst v63  }
0x87: {  	v3 =	vld [tilespmem:$0xA0];
	_ =	sdelay $0x4  }
0x88: {  	v57 =	vshll.u32 v3, $0x3  }
0x89: {  	v3 =	vand.u32 $0x7, v3;
	v4 =	vand.u32 $0xFFFFFFC0, v57  }
0x8a: {  	v3 =	vor.u32 v3, v4  }
0x8b: {  	v4 =	vperm.xlane v3, v0;
	_ =	sdelay $0x1  }
0x8c: {  	v4 =	vadd.s32 v1, v4;
	_ =	sdelay $0x3  }
0x8d: {  	s17 =	simm.s32 $0x14200  }
0x8e: {  	[tilespmem:s17], [sflag:$0x2] =	stream.indirect_vreg.gather [hbm4b:s3+s2], $0x80, v4, vm0, $0xb8;
	[tilespmem:$0x18200] =	vst v63  }
0x8f: {  	v3 =	vperm.xlane v3, v2;
	s17 =	simm.s32 $0x14A00  }
0x90: {  	[tilespmem:s17], [sflag:$0x2] =	stream.indirect_vreg.gather [hbm4b:s5+s2], $0x80, v4, vm0, $0xb8;
	[tilespmem:$0x18200] =	vst v63  }
0x91: {  	v3 =	vadd.s32 v1, v3;
	s17 =	simm.s32 $0x15200  }
0x92: {  	[tilespmem:s17], [sflag:$0x2] =	stream.indirect_vreg.gather [hbm4b:s6+s2], $0x80, v4, vm0, $0xb8;
	[tilespmem:$0x18200] =	vst v63  }
0x93: {  	s17 =	simm.s32 $0x15A00  }
0x94: {  	[tilespmem:s17], [sflag:$0x2] =	stream.indirect_vreg.gather [hbm4b:s7+s2], $0x80, v4, vm0, $0xb8;
	[tilespmem:$0x18200] =	vst v63  }
0x95: {  	s17 =	simm.s32 $0x16200  }
0x96: {  	[tilespmem:s17], [sflag:$0x2] =	stream.indirect_vreg.gather [hbm4b:s3+s2], $0x80, v3, vm0, $0xb8;
	[tilespmem:$0x18200] =	vst v63  }
0x97: {  	s17 =	simm.s32 $0x16A00  }
0x98: {  	[tilespmem:s17], [sflag:$0x2] =	stream.indirect_vreg.gather [hbm4b:s5+s2], $0x80, v3, vm0, $0xb8;
	[tilespmem:$0x18200] =	vst v63  }
0x99: {  	s17 =	simm.s32 $0x17200  }
0x9a: {  	[tilespmem:s17], [sflag:$0x2] =	stream.indirect_vreg.gather [hbm4b:s6+s2], $0x80, v3, vm0, $0xb8;
	[tilespmem:$0x18200] =	vst v63  }
0x9b: {  	s17 =	simm.s32 $0x17A00  }
0x9c: {  	[tilespmem:s17], [sflag:$0x2] =	stream.indirect_vreg.gather [hbm4b:s7+s2], $0x80, v3, vm0, $0xb8;
	[tilespmem:$0x18200] =	vst v63  }
0x9d: {  	s15 =	simm.s32 $0x200;
	s17 =	rddreg [dreg:$0x6]  }
0x9e: {  	[hbm4b:s17+s2] =	stream.linear.scatter [tilespmem:s15], [sflag:$0x3], $0xC000, $0x38;
	[tilespmem:$0x18200] =	vst v63  }
0x9f: {  	_ =	swait.ge [sflag:s4], $0xC000  }
0xa0: {  	[sflag:s4] =	ssyncset.done $0x0  }
0xa1: {  	[sflag:s4] =	ssyncadd.s32 $0xFFFF4000  }
0xa2: {  	_ =	swait.ge [sflag:s16], $0xC000  }
0xa3: {  	[sflag:s16] =	ssyncset.done $0x0  }
0xa4: {  	[sflag:s16] =	ssyncadd.s32 $0xFFFF4000  }
0xa5: {  	v3 =	vld [tilespmem:$0x100];
	_ =	sdelay $0x4  }
0xa6: {  	v58 =	vshll.u32 v3, $0x3  }
0xa7: {  	v3 =	vand.u32 $0x7, v3;
	v4 =	vand.u32 $0xFFFFFFC0, v58  }
0xa8: {  	v3 =	vor.u32 v3, v4  }
0xa9: {  	v4 =	vperm.xlane v3, v0;
	_ =	sdelay $0x1  }
0xaa: {  	v4 =	vadd.s32 v1, v4;
	_ =	sdelay $0x4  }
0xab: {  	[tilespmem:s15], [sflag:$0x1] =	stream.indirect_vreg.gather [hbm4b:s3+s2], $0x80, v4, vm0, $0xb8;
	[tilespmem:$0x18200] =	vst v63  }
0xac: {  	v3 =	vperm.xlane v3, v2  }
0xad: {  	[tilespmem:s18], [sflag:$0x1] =	stream.indirect_vreg.gather [hbm4b:s5+s2], $0x80, v4, vm0, $0xb8;
	[tilespmem:$0x18200] =	vst v63  }
0xae: {  	v3 =	vadd.s32 v1, v3  }
0xaf: {  	[tilespmem:s19], [sflag:$0x1] =	stream.indirect_vreg.gather [hbm4b:s6+s2], $0x80, v4, vm0, $0xb8;
	[tilespmem:$0x18200] =	vst v63  }
0xb0: {  	_ = 	snop  }
0xb1: {  	[tilespmem:s20], [sflag:$0x1] =	stream.indirect_vreg.gather [hbm4b:s7+s2], $0x80, v4, vm0, $0xb8;
	[tilespmem:$0x18200] =	vst v63  }
0xb2: {  	_ = 	snop  }
0xb3: {  	[tilespmem:s21], [sflag:$0x1] =	stream.indirect_vreg.gather [hbm4b:s3+s2], $0x80, v3, vm0, $0xb8;
	[tilespmem:$0x18200] =	vst v63  }
0xb4: {  	_ = 	snop  }
0xb5: {  	[tilespmem:s22], [sflag:$0x1] =	stream.indirect_vreg.gather [hbm4b:s5+s2], $0x80, v3, vm0, $0xb8;
	[tilespmem:$0x18200] =	vst v63  }
0xb6: {  	_ = 	snop  }
0xb7: {  	[tilespmem:s23], [sflag:$0x1] =	stream.indirect_vreg.gather [hbm4b:s6+s2], $0x80, v3, vm0, $0xb8;
	[tilespmem:$0x18200] =	vst v63  }
0xb8: {  	_ = 	snop  }
0xb9: {  	[tilespmem:s24], [sflag:$0x1] =	stream.indirect_vreg.gather [hbm4b:s7+s2], $0x80, v3, vm0, $0xb8;
	[tilespmem:$0x18200] =	vst v63  }
0xba: {  	v3 =	vld [tilespmem:$0x110];
	_ =	sdelay $0x4  }
0xbb: {  	v59 =	vshll.u32 v3, $0x3  }
0xbc: {  	v3 =	vand.u32 $0x7, v3;
	v4 =	vand.u32 $0xFFFFFFC0, v59  }
0xbd: {  	v3 =	vor.u32 v3, v4  }
0xbe: {  	v4 =	vperm.xlane v3, v0;
	_ =	sdelay $0x1  }
0xbf: {  	v4 =	vadd.s32 v1, v4;
	_ =	sdelay $0x4  }
0xc0: {  	[tilespmem:s25], [sflag:$0x1] =	stream.indirect_vreg.gather [hbm4b:s3+s2], $0x80, v4, vm0, $0xb8;
	[tilespmem:$0x18200] =	vst v63  }
0xc1: {  	v3 =	vperm.xlane v3, v2  }
0xc2: {  	[tilespmem:s26], [sflag:$0x1] =	stream.indirect_vreg.gather [hbm4b:s5+s2], $0x80, v4, vm0, $0xb8;
	[tilespmem:$0x18200] =	vst v63  }
0xc3: {  	v3 =	vadd.s32 v1, v3  }
0xc4: {  	[tilespmem:s28], [sflag:$0x1] =	stream.indirect_vreg.gather [hbm4b:s6+s2], $0x80, v4, vm0, $0xb8;
	[tilespmem:$0x18200] =	vst v63  }
0xc5: {  	_ = 	snop  }
0xc6: {  	[tilespmem:s29], [sflag:$0x1] =	stream.indirect_vreg.gather [hbm4b:s7+s2], $0x80, v4, vm0, $0xb8;
	[tilespmem:$0x18200] =	vst v63  }
0xc7: {  	_ = 	snop  }
0xc8: {  	[tilespmem:s30], [sflag:$0x1] =	stream.indirect_vreg.gather [hbm4b:s3+s2], $0x80, v3, vm0, $0xb8;
	[tilespmem:$0x18200] =	vst v63  }
0xc9: {  	_ = 	snop  }
0xca: {  	[tilespmem:s31], [sflag:$0x1] =	stream.indirect_vreg.gather [hbm4b:s5+s2], $0x80, v3, vm0, $0xb8;
	[tilespmem:$0x18200] =	vst v63  }
0xcb: {  	s17 =	simm.s32 $0x7200  }
0xcc: {  	[tilespmem:s17], [sflag:$0x1] =	stream.indirect_vreg.gather [hbm4b:s6+s2], $0x80, v3, vm0, $0xb8;
	[tilespmem:$0x18200] =	vst v63  }
0xcd: {  	s17 =	simm.s32 $0x7A00  }
0xce: {  	[tilespmem:s17], [sflag:$0x1] =	stream.indirect_vreg.gather [hbm4b:s7+s2], $0x80, v3, vm0, $0xb8;
	[tilespmem:$0x18200] =	vst v63  }
0xcf: {  	v3 =	vld [tilespmem:$0x120];
	_ =	sdelay $0x4  }
0xd0: {  	v60 =	vshll.u32 v3, $0x3  }
0xd1: {  	v3 =	vand.u32 $0x7, v3;
	v4 =	vand.u32 $0xFFFFFFC0, v60  }
0xd2: {  	v3 =	vor.u32 v3, v4  }
0xd3: {  	v4 =	vperm.xlane v3, v0;
	_ =	sdelay $0x1  }
0xd4: {  	v4 =	vadd.s32 v1, v4;
	_ =	sdelay $0x4  }
0xd5: {  	[tilespmem:s11], [sflag:$0x1] =	stream.indirect_vreg.gather [hbm4b:s3+s2], $0x80, v4, vm0, $0xb8;
	[tilespmem:$0x18200] =	vst v63  }
0xd6: {  	v3 =	vperm.xlane v3, v2  }
0xd7: {  	[tilespmem:s13], [sflag:$0x1] =	stream.indirect_vreg.gather [hbm4b:s5+s2], $0x80, v4, vm0, $0xb8;
	[tilespmem:$0x18200] =	vst v63  }
0xd8: {  	v3 =	vadd.s32 v1, v3  }
0xd9: {  	[tilespmem:s14], [sflag:$0x1] =	stream.indirect_vreg.gather [hbm4b:s6+s2], $0x80, v4, vm0, $0xb8;
	[tilespmem:$0x18200] =	vst v63  }
0xda: {  	_ = 	snop  }
0xdb: {  	[tilespmem:s9], [sflag:$0x1] =	stream.indirect_vreg.gather [hbm4b:s7+s2], $0x80, v4, vm0, $0xb8;
	[tilespmem:$0x18200] =	vst v63  }
0xdc: {  	_ = 	snop  }
0xdd: {  	[tilespmem:s10], [sflag:$0x1] =	stream.indirect_vreg.gather [hbm4b:s3+s2], $0x80, v3, vm0, $0xb8;
	[tilespmem:$0x18200] =	vst v63  }
0xde: {  	s17 =	simm.s32 $0xAA00  }
0xdf: {  	[tilespmem:s17], [sflag:$0x1] =	stream.indirect_vreg.gather [hbm4b:s5+s2], $0x80, v3, vm0, $0xb8;
	[tilespmem:$0x18200] =	vst v63  }
0xe0: {  	_ = 	snop  }
0xe1: {  	[tilespmem:s12], [sflag:$0x1] =	stream.indirect_vreg.gather [hbm4b:s6+s2], $0x80, v3, vm0, $0xb8;
	[tilespmem:$0x18200] =	vst v63  }
0xe2: {  	s15 =	simm.s32 $0xBA00  }
0xe3: {  	[tilespmem:s15], [sflag:$0x1] =	stream.indirect_vreg.gather [hbm4b:s7+s2], $0x80, v3, vm0, $0xb8;
	[tilespmem:$0x18200] =	vst v63  }
0xe4: {  	s17 =	rddreg [dreg:$0x3]  }
0xe5: {  	[hbm4b:s17+s2] =	stream.linear.scatter [tilespmem:s1], [sflag:$0x3], $0xC000, $0x38;
	[tilespmem:$0x18200] =	vst v63  }
0xe6: {  	_ =	swait.ge [sflag:s0], $0xC000  }
0xe7: {  	[sflag:s0] =	ssyncset.done $0x0  }
0xe8: {  	[sflag:s0] =	ssyncadd.s32 $0xFFFF4000  }
0xe9: {  	_ =	swait.ge [sflag:s16], $0xC000  }
0xea: {  	[sflag:s16] =	ssyncset.done $0x0  }
0xeb: {  	[sflag:s16] =	ssyncadd.s32 $0xFFFF4000  }
0xec: {  	v3 =	vld [tilespmem:$0x180];
	_ =	sdelay $0x4  }
0xed: {  	v61 =	vshll.u32 v3, $0x3  }
0xee: {  	v3 =	vand.u32 $0x7, v3;
	v4 =	vand.u32 $0xFFFFFFC0, v61  }
0xef: {  	v3 =	vor.u32 v3, v4  }
0xf0: {  	v4 =	vperm.xlane v3, v0;
	_ =	sdelay $0x1  }
0xf1: {  	v4 =	vadd.s32 v1, v4;
	_ =	sdelay $0x4  }
0xf2: {  	[tilespmem:s1], [sflag:$0x2] =	stream.indirect_vreg.gather [hbm4b:s3+s2], $0x80, v4, vm0, $0xb8;
	[tilespmem:$0x18200] =	vst v63  }
0xf3: {  	s9 =	simm.s32 $0xCA00;
	v3 =	vperm.xlane v3, v2  }
0xf4: {  	[tilespmem:s9], [sflag:$0x2] =	stream.indirect_vreg.gather [hbm4b:s5+s2], $0x80, v4, vm0, $0xb8;
	[tilespmem:$0x18200] =	vst v63  }
0xf5: {  	s15 =	simm.s32 $0xD200;
	v3 =	vadd.s32 v1, v3  }
0xf6: {  	[tilespmem:s15], [sflag:$0x2] =	stream.indirect_vreg.gather [hbm4b:s6+s2], $0x80, v4, vm0, $0xb8;
	[tilespmem:$0x18200] =	vst v63  }
0xf7: {  	s17 =	simm.s32 $0xDA00  }
0xf8: {  	[tilespmem:s17], [sflag:$0x2] =	stream.indirect_vreg.gather [hbm4b:s7+s2], $0x80, v4, vm0, $0xb8;
	[tilespmem:$0x18200] =	vst v63  }
0xf9: {  	s9 =	simm.s32 $0xE200  }
0xfa: {  	[tilespmem:s9], [sflag:$0x2] =	stream.indirect_vreg.gather [hbm4b:s3+s2], $0x80, v3, vm0, $0xb8;
	[tilespmem:$0x18200] =	vst v63  }
0xfb: {  	s15 =	simm.s32 $0xEA00  }
0xfc: {  	[tilespmem:s15], [sflag:$0x2] =	stream.indirect_vreg.gather [hbm4b:s5+s2], $0x80, v3, vm0, $0xb8;
	[tilespmem:$0x18200] =	vst v63  }
0xfd: {  	s17 =	simm.s32 $0xF200  }
0xfe: {  	[tilespmem:s17], [sflag:$0x2] =	stream.indirect_vreg.gather [hbm4b:s6+s2], $0x80, v3, vm0, $0xb8;
	[tilespmem:$0x18200] =	vst v63  }
0xff: {  	s9 =	simm.s32 $0xFA00  }
0x100: {  	[tilespmem:s9], [sflag:$0x2] =	stream.indirect_vreg.gather [hbm4b:s7+s2], $0x80, v3, vm0, $0xb8;
	[tilespmem:$0x18200] =	vst v63  }
0x101: {  	v3 =	vld [tilespmem:$0x190];
	_ =	sdelay $0x4  }
0x102: {  	v62 =	vshll.u32 v3, $0x3  }
0x103: {  	v3 =	vand.u32 $0x7, v3;
	v4 =	vand.u32 $0xFFFFFFC0, v62  }
0x104: {  	v3 =	vor.u32 v3, v4  }
0x105: {  	v4 =	vperm.xlane v3, v0;
	_ =	sdelay $0x1  }
0x106: {  	v4 =	vadd.s32 v1, v4;
	_ =	sdelay $0x3  }
0x107: {  	s15 =	simm.s32 $0x10200  }
0x108: {  	[tilespmem:s15], [sflag:$0x2] =	stream.indirect_vreg.gather [hbm4b:s3+s2], $0x80, v4, vm0, $0xb8;
	[tilespmem:$0x18200] =	vst v63  }
0x109: {  	s17 =	simm.s32 $0x10A00;
	v3 =	vperm.xlane v3, v2  }
0x10a: {  	[tilespmem:s17], [sflag:$0x2] =	stream.indirect_vreg.gather [hbm4b:s5+s2], $0x80, v4, vm0, $0xb8;
	[tilespmem:$0x18200] =	vst v63  }
0x10b: {  	s9 =	simm.s32 $0x11200;
	v3 =	vadd.s32 v1, v3  }
0x10c: {  	[tilespmem:s9], [sflag:$0x2] =	stream.indirect_vreg.gather [hbm4b:s6+s2], $0x80, v4, vm0, $0xb8;
	[tilespmem:$0x18200] =	vst v63  }
0x10d: {  	s15 =	simm.s32 $0x11A00  }
0x10e: {  	[tilespmem:s15], [sflag:$0x2] =	stream.indirect_vreg.gather [hbm4b:s7+s2], $0x80, v4, vm0, $0xb8;
	[tilespmem:$0x18200] =	vst v63  }
0x10f: {  	s17 =	simm.s32 $0x12200  }
0x110: {  	[tilespmem:s17], [sflag:$0x2] =	stream.indirect_vreg.gather [hbm4b:s3+s2], $0x80, v3, vm0, $0xb8;
	[tilespmem:$0x18200] =	vst v63  }
0x111: {  	s9 =	simm.s32 $0x12A00  }
0x112: {  	[tilespmem:s9], [sflag:$0x2] =	stream.indirect_vreg.gather [hbm4b:s5+s2], $0x80, v3, vm0, $0xb8;
	[tilespmem:$0x18200] =	vst v63  }
0x113: {  	s15 =	simm.s32 $0x13200  }
0x114: {  	[tilespmem:s15], [sflag:$0x2] =	stream.indirect_vreg.gather [hbm4b:s6+s2], $0x80, v3, vm0, $0xb8;
	[tilespmem:$0x18200] =	vst v63  }
0x115: {  	s17 =	simm.s32 $0x13A00  }
0x116: {  	[tilespmem:s17], [sflag:$0x2] =	stream.indirect_vreg.gather [hbm4b:s7+s2], $0x80, v3, vm0, $0xb8;
	[tilespmem:$0x18200] =	vst v63  }
0x117: {  	v3 =	vld [tilespmem:$0x1A0];
	_ =	sdelay $0x4  }
0x118: {  	v63 =	vshll.u32 v3, $0x3  }
0x119: {  	v3 =	vand.u32 $0x7, v3;
	v4 =	vand.u32 $0xFFFFFFC0, v63  }
0x11a: {  	v3 =	vor.u32 v3, v4  }
0x11b: {  	v4 =	vperm.xlane v3, v0;
	_ =	sdelay $0x1  }
0x11c: {  	v4 =	vadd.s32 v1, v4;
	_ =	sdelay $0x3  }
0x11d: {  	s9 =	simm.s32 $0x14200  }
0x11e: {  	[tilespmem:s9], [sflag:$0x2] =	stream.indirect_vreg.gather [hbm4b:s3+s2], $0x80, v4, vm0, $0xb8;
	[tilespmem:$0x18200] =	vst v63  }
0x11f: {  	s15 =	simm.s32 $0x14A00;
	v3 =	vperm.xlane v3, v2  }
0x120: {  	[tilespmem:s15], [sflag:$0x2] =	stream.indirect_vreg.gather [hbm4b:s5+s2], $0x80, v4, vm0, $0xb8;
	[tilespmem:$0x18200] =	vst v63  }
0x121: {  	s17 =	simm.s32 $0x15200;
	v3 =	vadd.s32 v1, v3  }
0x122: {  	[tilespmem:s17], [sflag:$0x2] =	stream.indirect_vreg.gather [hbm4b:s6+s2], $0x80, v4, vm0, $0xb8;
	[tilespmem:$0x18200] =	vst v63  }
0x123: {  	s9 =	simm.s32 $0x15A00  }
0x124: {  	[tilespmem:s9], [sflag:$0x2] =	stream.indirect_vreg.gather [hbm4b:s7+s2], $0x80, v4, vm0, $0xb8;
	[tilespmem:$0x18200] =	vst v63  }
0x125: {  	s15 =	simm.s32 $0x16200  }
0x126: {  	[tilespmem:s15], [sflag:$0x2] =	stream.indirect_vreg.gather [hbm4b:s3+s2], $0x80, v3, vm0, $0xb8;
	[tilespmem:$0x18200] =	vst v63  }
0x127: {  	s17 =	simm.s32 $0x16A00  }
0x128: {  	[tilespmem:s17], [sflag:$0x2] =	stream.indirect_vreg.gather [hbm4b:s5+s2], $0x80, v3, vm0, $0xb8;
	[tilespmem:$0x18200] =	vst v63  }
0x129: {  	s9 =	simm.s32 $0x17200  }
0x12a: {  	[tilespmem:s9], [sflag:$0x2] =	stream.indirect_vreg.gather [hbm4b:s6+s2], $0x80, v3, vm0, $0xb8;
	[tilespmem:$0x18200] =	vst v63  }
0x12b: {  	s15 =	simm.s32 $0x17A00  }
0x12c: {  	[tilespmem:s15], [sflag:$0x2] =	stream.indirect_vreg.gather [hbm4b:s7+s2], $0x80, v3, vm0, $0xb8;
	[tilespmem:$0x18200] =	vst v63  }
0x12d: {  	s17 =	rddreg [dreg:$0x4];
	s9 =	simm.s32 $0x200  }
0x12e: {  	[hbm4b:s17+s2] =	stream.linear.scatter [tilespmem:s9], [sflag:$0x3], $0xC000, $0x38;
	[tilespmem:$0x18200] =	vst v63  }
0x12f: {  	_ =	swait.ge [sflag:s4], $0xC000  }
0x130: {  	[sflag:s4] =	ssyncset.done $0x0  }
0x131: {  	s15 =	rddreg [dreg:$0x5];
	[sflag:s4] =	ssyncadd.s32 $0xFFFF4000  }
0x132: {  	[hbm4b:s15+s2] =	stream.linear.scatter [tilespmem:s1], [sflag:$0x3], $0xC000, $0x38;
	[tilespmem:$0x18200] =	vst v63  }
0x133: {  	p0 =	sne.s32 s8, $0x1;
	_ =	swait.ge [sflag:s16], $0xC000  }
.Ltmp0:
0x134: {  	[sflag:s16] =	ssyncset.done $0x0;
	(pc) =	sbr.rel @p0 .LBB2_1-.Ltmp0, $4  }
0x135: {  	[sflag:s16] =	ssyncadd.s32 $0xFFFF4000  }
0x136: {  	_ =	swait.ge [sflag:s16], $0xC000  }
0x137: {  	[sflag:s16] =	ssyncset.done $0x0  }
0x138: {  	s8 =	sadd.s32 $0xFFFFFFFF, s8;
	[sflag:s16] =	ssyncadd.s32 $0xFFFF4000  }
0x139: {  	_ =	sfence.sel $0x180000  }
0x13a: {  	[bflag:$0x0] =	sbarrier.arrive $0xFFFF  }
0x13b: {  	_ =	strace $0x9000004A  }
0x13c: {  	s0 =	stileid.u32;
	[bflag:$0x2] =	sbarrier.arrive $0xFFFF  }
0x13d: {  	p0 =	sne.s32 s0, $0x0;
	s0 =	rddreg [dreg:$0x1]  }
0x13e: {  	s0 =	sadd.s32 @!p0 $0x100000, s0  }
0x13f: {  	[sflag:s0] =	ssyncadd.tile.s32 @!p0 $0x1;
	_ =	shalt  }
.Lfunc_end2:
_tile_overlayer_lowered:
.L_overlay_start_2:
0x140: {  	(tag) =	ssettag $0x2  }
0x141: {  	s0 =	rddreg [dreg:$0x0];
	s2 =	stileid.u32  }
0x142: {  	s1 =	rddreg [dreg:$0x1];
	p0 =	sne.s32 s2, $0x0  }
0x143: {  	s3 =	rddreg [dreg:$0x2];
	[bflag:$0x3] =	sbarrier.arrive $0xFFFF;
	s2 =	simm.s32 @!p0 $0x1C04  }
0x144: {  	[timem:s3], [sflag:s2] =	dma.local @!p0 [hbm:s0], s1  }
0x145: {  	s0 =	simm.s32 @!p0 $0x4  }
0x146: {  	_ =	swait.ge @!p0 [sflag:s0], s1  }
0x147: {  	s1 =	ssub.s32 @!p0 $0x0, s1;
	[sflag:s0] =	ssyncset.done @!p0 $0x0  }
0x148: {  	[sflag:s0] =	ssyncadd.s32 @!p0 s1  }
0x149: {  	[bflag:$0x3] =	sbarrier.arrive $0xFFFF  }
0x14a: {  	_ =	shalt  }

// kernel: kernel.21.cloned.1.call-start
scs
__scs_entry_jumppad:
0x0: {  	(pc) =	sbr.rel $0x88, $3  }
0x1: {  	(tag) =	ssettag $0x0;
	lr =	simm.s32 $0x1  }
0x2: {  	[smem:$0x3F9A] =	sst lr;
	_ =	strace $0xD0000000  }
0x3: {  	_ = 	snop  }
0x4: {  	_ = 	snop  }
0x5: {  	_ = 	snop  }
0x6: {  	_ = 	snop  }
0x7: {  	_ = 	snop  }
__scs_overlays_trampoline_lowered:
0x8: {  	[smem:$0x3FA9] =	sst s0  }
0x9: {  	[smem:$0x3FAA] =	sst s1  }
0xa: {  	[smem:$0x3FAB] =	sst s2  }
0xb: {  	[smem:$0x3FAC] =	sst s3  }
0xc: {  	[smem:$0x3FAD] =	sst s4  }
0xd: {  	[smem:$0x3FAE] =	sst s5  }
0xe: {  	[smem:$0x3FAF] =	sst s6  }
0xf: {  	[smem:$0x3FB0] =	sst s7  }
0x10: {  	[smem:$0x3FB1] =	sst s8  }
0x11: {  	[smem:$0x3FB2] =	sst s9;
	s0 =	simm.s32 @!p0 $0x0  }
0x12: {  	s1 =	sld [smem:$0x3F98];
	s0 =	simm.s32 @p0 $0x1  }
0x13: {  	[smem:$0x3FB3] =	sst s0;
	s0 =	simm.s32 @!p1 $0x0  }
0x14: {  	s2 =	sld [smem:$0x3F97];
	s0 =	simm.s32 @p1 $0x1  }
0x15: {  	[smem:$0x3FB4] =	sst s0;
	s0 =	simm.s32 @!p2 $0x0  }
0x16: {  	s3 =	sld [smem:$0x3FDB];
	s0 =	simm.s32 @p2 $0x1  }
0x17: {  	s4 =	simm.s32 $0x1BF5;
	[smem:$0x3FB6] =	sst s0  }
0x18: {  	s0 =	sld [smem:$0x3F99];
	_ =	swait.ge [sflag:s4], $0x0  }
0x19: {  	s7 =	sld [smem:$0x3F9A]  }
0x1a: {  	s8 =	sadd.s32 $0xFFFFE003, lr  }
0x1b: {  	s9 =	sadd.s32 $0xFFFFFEF7, lr;
	s5 =	simm.s32 $0xFFFFFFFF;
	p2 =	slt.u32 s8, $0xFFFFF086  }
0x1c: {  	p1 =	slt.u32 s9, $0xF7A;
	s5 =	simm.s32 @!p2 $0x0  }
0x1d: {  	s5 =	simm.s32 @p1 $0x1;
	p0 =	seq.s32 s7, s2  }
0x1e: {  	s7 =	smul.u32 @!p0 $0xF7A, s2;
	p2 =	seq.s32 @!p0 s5, $0x0  }
0x1f: {  	s9 =	smul.u32 $0xF7A, s1;
	s8 =	simm.s32 @!p0 $0x1BF5;
	p2 =	por !p2, p0  }
0x20: {  	[sflag:s8] =	ssyncset.s32 @!p0 $0xFFFFF086;
	s6 =	sadd.s32 @!p0 s3, s7;
	s7 =	simm.s32 @!p0 $0x108  }
0x21: {  	s3 =	sadd.s32 s3, s9;
	s6 =	sadd.s32 @!p0 $0x88, s6;
	s7 =	simm.s32 @p2 $0x1082  }
0x22: {  	[simem:s7], [sflag:s8] =	dma.local @!p0 [hbm:s6], $0xF7A  }
0x23: {  	s9 =	sor.u32 $0xD0000000, s2;
	s6 =	simm.s32 $0x108;
	_ =	swait.ge @!p0 [sflag:s8], $0x0  }
0x24: {  	s3 =	sadd.s32 $0x88, s3;
	s6 =	simm.s32 @!p1 $0x1082;
	[sflag:s4] =	ssyncset.s32 $0xFFFFF086  }
0x25: {  	[simem:s6], [sflag:s4] =	dma.local [hbm:s3], $0xF7A  }
0x26: {  	[smem:$0x3F9A] =	sst s1;
	(tag) =	ssettag s2;
	_ =	strace s9  }
0x27: {  	s1 =	sld [smem:$0x3FAA]  }
0x28: {  	s2 =	sld [smem:$0x3FAB]  }
0x29: {  	s4 =	sld [smem:$0x3FAD]  }
0x2a: {  	p0 =	seq.s32 s5, $0x0;
	s5 =	sld [smem:$0x3FAE]  }
0x2b: {  	s6 =	sld [smem:$0x3FAF]  }
0x2c: {  	s7 =	sld [smem:$0x3FB0]  }
0x2d: {  	s3 =	simm.s32 $0x108;
	s8 =	sld [smem:$0x3FB1]  }
0x2e: {  	s3 =	simm.s32 @!p0 $0x1082;
	s9 =	sld [smem:$0x3FB2]  }
0x2f: {  	lr =	sadd.s32 s0, s3;
	s0 =	sld [smem:$0x3FA9]  }
0x30: {  	s3 =	sld [smem:$0x3FAC]  }
0x31: {  	[smem:$0x3FB5] =	sst s10  }
0x32: {  	s10 =	sld [smem:$0x3FB3];
	_ =	sdelay $0x3  }
0x33: {  	p0 =	seq.s32 s10, $0x1;
	s10 =	sld [smem:$0x3FB5];
	_ =	sdelay $0x3  }
0x34: {  	[smem:$0x3FB5] =	sst s10  }
0x35: {  	s10 =	sld [smem:$0x3FB4];
	_ =	sdelay $0x3  }
0x36: {  	p1 =	seq.s32 s10, $0x1;
	s10 =	sld [smem:$0x3FB5];
	_ =	sdelay $0x3  }
0x37: {  	[smem:$0x3FB5] =	sst s10  }
0x38: {  	s10 =	sld [smem:$0x3FB6]  }
0x39: {  	_ = 	snop;
	(pc) =	sbr.ind lr, $3  }
0x3a: {  	_ = 	snop  }
0x3b: {  	_ = 	snop  }
0x3c: {  	p2 =	seq.s32 s10, $0x1;
	s10 =	sld [smem:$0x3FB5]  }
0x3d: {  	_ =	shalt  }
0x3e: {  	_ =	shalt  }
0x3f: {  	_ =	shalt  }
0x40: {  	_ =	shalt  }
0x41: {  	_ =	shalt  }
0x42: {  	_ =	shalt  }
0x43: {  	_ =	shalt  }
0x44: {  	_ =	shalt  }
0x45: {  	_ =	shalt  }
0x46: {  	_ =	shalt  }
0x47: {  	_ =	shalt  }
0x48: {  	_ =	shalt  }
0x49: {  	_ =	shalt  }
0x4a: {  	_ =	shalt  }
0x4b: {  	_ =	shalt  }
0x4c: {  	_ =	shalt  }
0x4d: {  	_ =	shalt  }
0x4e: {  	_ =	shalt  }
0x4f: {  	_ =	shalt  }
0x50: {  	_ =	shalt  }
0x51: {  	_ =	shalt  }
0x52: {  	_ =	shalt  }
0x53: {  	_ =	shalt  }
0x54: {  	_ =	shalt  }
0x55: {  	_ =	shalt  }
0x56: {  	_ =	shalt  }
0x57: {  	_ =	shalt  }
0x58: {  	_ =	shalt  }
0x59: {  	_ =	shalt  }
0x5a: {  	_ =	shalt  }
0x5b: {  	_ =	shalt  }
0x5c: {  	_ =	shalt  }
0x5d: {  	_ =	shalt  }
0x5e: {  	_ =	shalt  }
0x5f: {  	_ =	shalt  }
0x60: {  	_ =	shalt  }
0x61: {  	_ =	shalt  }
0x62: {  	_ =	shalt  }
0x63: {  	_ =	shalt  }
0x64: {  	_ =	shalt  }
0x65: {  	_ =	shalt  }
0x66: {  	_ =	shalt  }
0x67: {  	_ =	shalt  }
0x68: {  	_ =	shalt  }
0x69: {  	_ =	shalt  }
0x6a: {  	_ =	shalt  }
0x6b: {  	_ =	shalt  }
0x6c: {  	_ =	shalt  }
0x6d: {  	_ =	shalt  }
0x6e: {  	_ =	shalt  }
0x6f: {  	_ =	shalt  }
0x70: {  	_ =	shalt  }
0x71: {  	_ =	shalt  }
0x72: {  	_ =	shalt  }
0x73: {  	_ =	shalt  }
0x74: {  	_ =	shalt  }
0x75: {  	_ =	shalt  }
0x76: {  	_ =	shalt  }
0x77: {  	_ =	shalt  }
0x78: {  	_ =	shalt  }
0x79: {  	_ =	shalt  }
0x7a: {  	_ =	shalt  }
0x7b: {  	_ =	shalt  }
0x7c: {  	_ =	shalt  }
0x7d: {  	_ =	shalt  }
0x7e: {  	_ =	shalt  }
0x7f: {  	_ =	shalt  }
0x80: {  	_ =	shalt  }
0x81: {  	_ =	shalt  }
0x82: {  	_ =	shalt  }
0x83: {  	_ =	shalt  }
0x84: {  	_ =	shalt  }
0x85: {  	_ =	shalt  }
0x86: {  	_ =	shalt  }
0x87: {  	_ =	shalt  }
.Lfunc_end0:
.L_simem_size_0:
called_computation.2_lowered:
.L_overlay_start_0:
0x88: {  	s2 =	sld [smem:$0x3FD9]  }
0x89: {  	s3 =	sld [smem:$0x3FFE];
	_ =	sdelay $0x1  }
0x8a: {  	s1 =	srdreg.scid  }
0x8b: {  	s0 =	sand.u32 $0x1, s1  }
0x8c: {  	s14 =	sshll.u32 s0, $0xA;
	s2 =	sadd.s32 s3, s2  }
0x8d: {  	s2 =	sadd.s32 s2, s14  }
0x8e: {  	[smem:$0x3FC1] =	sst s2  }
0x8f: {  	_ = 	snop  }
0x90: {  	s2 =	sld [smem:$0x3FD0];
	_ =	sdelay $0x2  }
0x91: {  	s15 =	simm.s32 $0xA;
	s4 =	simm.s32 $0x10  }
0x92: {  	[smem:s4], [sflag:s15] =	dma.local [hbm:s2], $0x1  }
0x93: {  	_ =	swait.eq [sflag:s15], $0x1  }
0x94: {  	[sflag:s15] =	ssyncset.done $0x0  }
0x95: {  	[sflag:s15] =	ssyncadd.s32 $0xFFFFFFFF  }
0x96: {  	s16 =	sld [smem:$0x11];
	(tm) =	ssettm $0x1  }
0x97: {  	s17 =	sld [smem:$0x3FFB];
	_ =	sdelay $0x3  }
0x98: {  	_ =	strace s17  }
0x99: {  	s3 =	sld [smem:$0x3FFC];
	_ =	sdelay $0x3  }
0x9a: {  	_ =	strace s3  }
0x9b: {  	s3 =	sld [smem:$0x3FFD];
	_ =	sdelay $0x3  }
0x9c: {  	_ =	strace s3  }
0x9d: {  	_ =	strace $0x8FFFFFFF  }
0x9e: {  	s18 =	sld [smem:$0x3FDB];
	_ =	sdelay $0x1  }
0x9f: {  	s19 =	simm.s32 $_scs_section_size  }
0xa0: {  	s5 =	simm.s32 $_size__tile_overlayer_lowered;
	s6 =	simm.s32 $_tile_overlayer_lowered  }
0xa1: {  	s22 =	simm.s32 $0x1BFF;
	s21 =	sshll.u32 s6, $0x1;
	s3 =	sadd.s32 s19, s18  }
0xa2: {  	s7 =	simm.s32 $0x0;
	s20 =	sshll.u32 s5, $0x1;
	s5 =	sadd.s32 s21, s3  }
0xa3: {  	[timem:s7], [sflag:s22] =	dma.local [hbm:s5], s20  }
0xa4: {  	_ =	swait.ge [sflag:s22], s20  }
0xa5: {  	s4 =	ssub.s32 $0x0, s20;
	[sflag:s22] =	ssyncset.done $0x0  }
0xa6: {  	[sflag:s22] =	ssyncadd.s32 s4;
	_ =	sdelay $0x1  }
0xa7: {  	s23 =	simm.s32 $0x1B8B  }
0xa8: {  	_ =	swait.ge [sflag:s23], $0x1  }
0xa9: {  	[sflag:s23] =	ssyncset.done $0x0  }
0xaa: {  	s25 =	simm.s32 $0x1B8E;
	s24 =	sld [smem:$0x3FFE];
	[sflag:s23] =	ssyncadd.s32 $0xFFFFFFFF  }
0xab: {  	s26 =	simm.s32 $execute0_lowered;
	[smem:$0x3FD2] =	sst s25  }
0xac: {  	s5 =	sshll.u32 s26, $0x1;
	_ =	strace $0x8000004C;
	[dreg:$0x1] =	wrdreg $0xFFFFFFFF  }
0xad: {  	s28 =	simm.s32 $_size_execute0_lowered;
	s3 =	sadd.s32 s3, s5;
	[dreg:$0x0] =	wrdreg $0x0  }
0xae: {  	s5 =	sshll.u32 s28, $0x1;
	[dreg:$0x2] =	wrdreg s3  }
0xaf: {  	[dreg:$0x3] =	wrdreg s5  }
0xb0: {  	[dreg:$0x4] =	wrdreg $0xC0  }
0xb1: {  	_ =	task [dreg:s7], $0x5FFFF  }
0xb2: {  	[dreg:$0x1] =	wrdreg $0xFFFFFFFF  }
0xb3: {  	[dreg:$0x0] =	wrdreg $0x60  }
0xb4: {  	[dreg:$0x2] =	wrdreg s24  }
0xb5: {  	[dreg:$0x3] =	wrdreg s16  }
0xb6: {  	[dreg:$0x4] =	wrdreg $0x9  }
0xb7: {  	_ =	task.clear_ibuf [dreg:s7], $0x5FFFF;
	_ =	strace $0x9000004C  }
0xb8: {  	s29 =	simm.s32 $0x9;
	_ =	strace $0x8000004E  }
0xb9: {  	_ =	swait.ge [sflag:s29], $0x1  }
0xba: {  	[sflag:s29] =	ssyncadd.s32 $0xFFFFFFFF  }
0xbb: {  	_ =	strace $0x9000004E  }
0xbc: {  	_ =	sfence  }
0xbd: {  	s30 =	sld [smem:$0x0];
	_ =	sdelay $0x2  }
0xbe: {  	s31 =	sshll.u32 s1, $0xD;
	s1 =	sshrl.u32 s1, $0x2  }
0xbf: {  	s3 =	sand.u32 $0x4000, s31;
	s1 =	sadd.s32 s1, s30  }
0xc0: {  	s0 =	sor.u32 s3, s0;
	s1 =	sshll.u32 s1, $0x11  }
0xc1: {  	s0 =	sor.u32 s1, s0  }
0xc2: {  	s0 =	sadd.s32 $0x8F2B, s0  }
0xc3: {  	[sflag:s0] =	ssyncadd.remote.s32 $0x1  }
0xc4: {  	_ =	sfence.sel $0xFFFF  }
0xc5: {  	[dreg:$0x0] =	wrdreg $0xFFFFFFFF;
	(pc) =	sbr.abs _section_cstart, $3  }
0xc6: {  	[dreg:$0x1] =	wrdreg $0xFFFFFFFF  }
0xc7: {  	_ =	task.clear_ibuf [dreg:s7], $0x2FFFF;
	_ =	strace $0x9FFFFFFF  }
0xc8: {  	(tm) =	ssettm $0x7FFFFFFF  }
0xc9: {  	_ =	shalt  }
tec
execute0_lowered:
.L_overlay_start_1:
0x0: {  	(tag) =	ssettag $0x1  }
0x1: {  	s0 =	rddreg [dreg:$0x0]  }
0x2: {  	s1 =	rddreg [dreg:$0x1];
	s2 =	simm.s32 $0x0;
	s3 =	srdreg.scid  }
0x3: {  	s5 =	stileid.u32;
	s16 =	simm.s32 $0x3;
	s18 =	simm.s32 $0xA00  }
0x4: {  	s19 =	simm.s32 $0x1200;
	s20 =	simm.s32 $0x1A00;
	s21 =	simm.s32 $0x2200  }
0x5: {  	s28 =	simm.s32 $0x5200;
	s29 =	simm.s32 $0x5A00;
	s30 =	simm.s32 $0x6200  }
0x6: {  	s31 =	simm.s32 $0x6A00;
	s11 =	simm.s32 $0x8200;
	s13 =	simm.s32 $0x8A00  }
0x7: {  	s14 =	simm.s32 $0x9200;
	s10 =	simm.s32 $0xA200;
	s12 =	simm.s32 $0xB200  }
0x8: {  	[smem:$0x7FF] =	sst s2;
	s4 =	sand.u32 $0x1, s3;
	s22 =	sshll.u32 s5, $0x1  }
0x9: {  	s3 =	sadd.s32 $0xE3C00, s0;
	s9 =	sadd.s32 $0x22E00, s0;
	_ =	strace $0x8000004D  }
0xa: {  	s5 =	sor.u32 s4, s22;
	s4 =	ssub.s32 $0x2, s4;
	s22 =	simm.s32 $0x2A00  }
0xb: {  	s6 =	smul.u32 $0x6000, s5;
	s7 =	sshrl.u32 s4, $0x1;
	s8 =	sshll.u32 s5, $0x6  }
0xc: {  	s5 =	smul.u32 $0x30000, s5;
	s4 =	ssub.s32 s4, s7;
	s1 =	sadd.s32 s1, s8  }
0xd: {  	s7 =	sadd.s32 $0xE3F00, s0;
	[dreg:$0x3] =	wrdreg s1;
	s6 =	sadd.s32 s9, s6  }
0xe: {  	s23 =	sshrl.u32 s5, $0x3;
	s5 =	sadd.s32 $0xE3D00, s0;
	s8 =	smax.u32 s4, $0x1  }
0xf: {  	s4 =	simm.s32 $0x2;
	[dreg:$0x7] =	wrdreg s6;
	s24 =	sadd.s32 $0x1800, s6  }
0x10: {  	s1 =	sadd.s32 s9, s23;
	s6 =	sadd.s32 $0xE3E00, s0;
	s23 =	simm.s32 $0x3200  }
0x11: {  	v2 =	vlaneseq.u32;
	[dreg:$0x4] =	wrdreg s24;
	s25 =	sadd.s32 $0x3000, s1;
	s26 =	sadd.s32 $0x4800, s1  }
0x12: {  	vm0 =	vmmov $0xffff;
	v1 =	vshrl.u32 v2, $0x3;
	s24 =	simm.s32 $0x3A00;
	s1 =	simm.s32 $0xC200;
	[dreg:$0x5] =	wrdreg s25  }
0x13: {  	v0 =	vand.u32 $0x7, v2;
	v2 =	vor.u32 $0x8, v2;
	v1 =	vmul.u32 $0x8, v1;
	[dreg:$0x6] =	wrdreg s26;
	s25 =	simm.s32 $0x4200;
	s26 =	simm.s32 $0x4A00  }
.LBB2_1:
0x14: {  	s17 =	rddreg [dreg:$0x3];
	s0 =	simm.s32 $0x4  }
0x15: {  	[tilespmem:s2], [sflag:$0x4] =	stream.linear.gather [hbm4b:s17+s2], $0x200, $0x38;
	[tilespmem:$0x18200] =	vst v63  }
0x16: {  	_ =	swait.ge [sflag:s0], $0x200  }
0x17: {  	[sflag:s0] =	ssyncset.done $0x0  }
0x18: {  	[sflag:s0] =	ssyncadd.s32 $0xFFFFFE00  }
0x19: {  	v3 =	vld [tilespmem:$0x0];
	_ =	sdelay $0x4  }
0x1a: {  	v4 =	vshll.u32 v3, $0x3  }
0x1b: {  	v3 =	vand.u32 $0x7, v3;
	v4 =	vand.u32 $0xFFFFFFC0, v4  }
0x1c: {  	v3 =	vor.u32 v3, v4  }
0x1d: {  	v4 =	vperm.xlane v3, v0;
	_ =	sdelay $0x1  }
0x1e: {  	v4 =	vadd.s32 v1, v4;
	_ =	sdelay $0x3  }
0x1f: {  	s17 =	simm.s32 $0x200  }
0x20: {  	[tilespmem:s17], [sflag:$0x1] =	stream.indirect_vreg.gather [hbm4b:s3+s2], $0x80, v4, vm0, $0xb8;
	[tilespmem:$0x18200] =	vst v63  }
0x21: {  	v3 =	vperm.xlane v3, v2  }
0x22: {  	[tilespmem:s18], [sflag:$0x1] =	stream.indirect_vreg.gather [hbm4b:s5+s2], $0x80, v4, vm0, $0xb8;
	[tilespmem:$0x18200] =	vst v63  }
0x23: {  	v3 =	vadd.s32 v1, v3  }
0x24: {  	[tilespmem:s19], [sflag:$0x1] =	stream.indirect_vreg.gather [hbm4b:s6+s2], $0x80, v4, vm0, $0xb8;
	[tilespmem:$0x18200] =	vst v63  }
0x25: {  	_ = 	snop  }
0x26: {  	[tilespmem:s20], [sflag:$0x1] =	stream.indirect_vreg.gather [hbm4b:s7+s2], $0x80, v4, vm0, $0xb8;
	[tilespmem:$0x18200] =	vst v63  }
0x27: {  	_ = 	snop  }
0x28: {  	[tilespmem:s21], [sflag:$0x1] =	stream.indirect_vreg.gather [hbm4b:s3+s2], $0x80, v3, vm0, $0xb8;
	[tilespmem:$0x18200] =	vst v63  }
0x29: {  	_ = 	snop  }
0x2a: {  	[tilespmem:s22], [sflag:$0x1] =	stream.indirect_vreg.gather [hbm4b:s5+s2], $0x80, v3, vm0, $0xb8;
	[tilespmem:$0x18200] =	vst v63  }
0x2b: {  	_ = 	snop  }
0x2c: {  	[tilespmem:s23], [sflag:$0x1] =	stream.indirect_vreg.gather [hbm4b:s6+s2], $0x80, v3, vm0, $0xb8;
	[tilespmem:$0x18200] =	vst v63  }
0x2d: {  	_ = 	snop  }
0x2e: {  	[tilespmem:s24], [sflag:$0x1] =	stream.indirect_vreg.gather [hbm4b:s7+s2], $0x80, v3, vm0, $0xb8;
	[tilespmem:$0x18200] =	vst v63  }
0x2f: {  	v3 =	vld [tilespmem:$0x10];
	_ =	sdelay $0x4  }
0x30: {  	v53 =	vshll.u32 v3, $0x3  }
0x31: {  	v3 =	vand.u32 $0x7, v3;
	v4 =	vand.u32 $0xFFFFFFC0, v53  }
0x32: {  	v3 =	vor.u32 v3, v4  }
0x33: {  	v4 =	vperm.xlane v3, v0;
	_ =	sdelay $0x1  }
0x34: {  	v4 =	vadd.s32 v1, v4;
	_ =	sdelay $0x4  }
0x35: {  	[tilespmem:s25], [sflag:$0x1] =	stream.indirect_vreg.gather [hbm4b:s3+s2], $0x80, v4, vm0, $0xb8;
	[tilespmem:$0x18200] =	vst v63  }
0x36: {  	v3 =	vperm.xlane v3, v2  }
0x37: {  	[tilespmem:s26], [sflag:$0x1] =	stream.indirect_vreg.gather [hbm4b:s5+s2], $0x80, v4, vm0, $0xb8;
	[tilespmem:$0x18200] =	vst v63  }
0x38: {  	v3 =	vadd.s32 v1, v3  }
0x39: {  	[tilespmem:s28], [sflag:$0x1] =	stream.indirect_vreg.gather [hbm4b:s6+s2], $0x80, v4, vm0, $0xb8;
	[tilespmem:$0x18200] =	vst v63  }
0x3a: {  	_ = 	snop  }
0x3b: {  	[tilespmem:s29], [sflag:$0x1] =	stream.indirect_vreg.gather [hbm4b:s7+s2], $0x80, v4, vm0, $0xb8;
	[tilespmem:$0x18200] =	vst v63  }
0x3c: {  	_ = 	snop  }
0x3d: {  	[tilespmem:s30], [sflag:$0x1] =	stream.indirect_vreg.gather [hbm4b:s3+s2], $0x80, v3, vm0, $0xb8;
	[tilespmem:$0x18200] =	vst v63  }
0x3e: {  	_ = 	snop  }
0x3f: {  	[tilespmem:s31], [sflag:$0x1] =	stream.indirect_vreg.gather [hbm4b:s5+s2], $0x80, v3, vm0, $0xb8;
	[tilespmem:$0x18200] =	vst v63  }
0x40: {  	s9 =	simm.s32 $0x7200  }
0x41: {  	[tilespmem:s9], [sflag:$0x1] =	stream.indirect_vreg.gather [hbm4b:s6+s2], $0x80, v3, vm0, $0xb8;
	[tilespmem:$0x18200] =	vst v63  }
0x42: {  	s15 =	simm.s32 $0x7A00  }
0x43: {  	[tilespmem:s15], [sflag:$0x1] =	stream.indirect_vreg.gather [hbm4b:s7+s2], $0x80, v3, vm0, $0xb8;
	[tilespmem:$0x18200] =	vst v63  }
0x44: {  	v3 =	vld [tilespmem:$0x20];
	_ =	sdelay $0x4  }
0x45: {  	v54 =	vshll.u32 v3, $0x3  }
0x46: {  	v3 =	vand.u32 $0x7, v3;
	v4 =	vand.u32 $0xFFFFFFC0, v54  }
0x47: {  	v3 =	vor.u32 v3, v4  }
0x48: {  	v4 =	vperm.xlane v3, v0;
	_ =	sdelay $0x1  }
0x49: {  	v4 =	vadd.s32 v1, v4;
	_ =	sdelay $0x4  }
0x4a: {  	[tilespmem:s11], [sflag:$0x1] =	stream.indirect_vreg.gather [hbm4b:s3+s2], $0x80, v4, vm0, $0xb8;
	[tilespmem:$0x18200] =	vst v63  }
0x4b: {  	v3 =	vperm.xlane v3, v2  }
0x4c: {  	[tilespmem:s13], [sflag:$0x1] =	stream.indirect_vreg.gather [hbm4b:s5+s2], $0x80, v4, vm0, $0xb8;
	[tilespmem:$0x18200] =	vst v63  }
0x4d: {  	v3 =	vadd.s32 v1, v3  }
0x4e: {  	[tilespmem:s14], [sflag:$0x1] =	stream.indirect_vreg.gather [hbm4b:s6+s2], $0x80, v4, vm0, $0xb8;
	[tilespmem:$0x18200] =	vst v63  }
0x4f: {  	s9 =	simm.s32 $0x9A00  }
0x50: {  	[tilespmem:s9], [sflag:$0x1] =	stream.indirect_vreg.gather [hbm4b:s7+s2], $0x80, v4, vm0, $0xb8;
	[tilespmem:$0x18200] =	vst v63  }
0x51: {  	_ = 	snop  }
0x52: {  	[tilespmem:s10], [sflag:$0x1] =	stream.indirect_vreg.gather [hbm4b:s3+s2], $0x80, v3, vm0, $0xb8;
	[tilespmem:$0x18200] =	vst v63  }
0x53: {  	s17 =	simm.s32 $0xAA00  }
0x54: {  	[tilespmem:s17], [sflag:$0x1] =	stream.indirect_vreg.gather [hbm4b:s5+s2], $0x80, v3, vm0, $0xb8;
	[tilespmem:$0x18200] =	vst v63  }
0x55: {  	_ = 	snop  }
0x56: {  	[tilespmem:s12], [sflag:$0x1] =	stream.indirect_vreg.gather [hbm4b:s6+s2], $0x80, v3, vm0, $0xb8;
	[tilespmem:$0x18200] =	vst v63  }
0x57: {  	s0 =	simm.s32 $0x1;
	s15 =	simm.s32 $0xBA00  }
0x58: {  	[tilespmem:s15], [sflag:$0x1] =	stream.indirect_vreg.gather [hbm4b:s7+s2], $0x80, v3, vm0, $0xb8;
	[tilespmem:$0x18200] =	vst v63  }
0x59: {  	_ =	swait.ge [sflag:s0], $0xC000  }
0x5a: {  	[sflag:s0] =	ssyncset.done $0x0  }
0x5b: {  	[sflag:s0] =	ssyncadd.s32 $0xFFFF4000  }
0x5c: {  	v3 =	vld [tilespmem:$0x80];
	_ =	sdelay $0x4  }
0x5d: {  	v55 =	vshll.u32 v3, $0x3  }
0x5e: {  	v3 =	vand.u32 $0x7, v3;
	v4 =	vand.u32 $0xFFFFFFC0, v55  }
0x5f: {  	v3 =	vor.u32 v3, v4  }
0x60: {  	v4 =	vperm.xlane v3, v0;
	_ =	sdelay $0x1  }
0x61: {  	v4 =	vadd.s32 v1, v4;
	_ =	sdelay $0x4  }
0x62: {  	[tilespmem:s1], [sflag:$0x2] =	stream.indirect_vreg.gather [hbm4b:s3+s2], $0x80, v4, vm0, $0xb8;
	[tilespmem:$0x18200] =	vst v63  }
0x63: {  	s15 =	simm.s32 $0xCA00;
	v3 =	vperm.xlane v3, v2  }
0x64: {  	[tilespmem:s15], [sflag:$0x2] =	stream.indirect_vreg.gather [hbm4b:s5+s2], $0x80, v4, vm0, $0xb8;
	[tilespmem:$0x18200] =	vst v63  }
0x65: {  	s17 =	simm.s32 $0xD200;
	v3 =	vadd.s32 v1, v3  }
0x66: {  	[tilespmem:s17], [sflag:$0x2] =	stream.indirect_vreg.gather [hbm4b:s6+s2], $0x80, v4, vm0, $0xb8;
	[tilespmem:$0x18200] =	vst v63  }
0x67: {  	s17 =	simm.s32 $0xDA00  }
0x68: {  	[tilespmem:s17], [sflag:$0x2] =	stream.indirect_vreg.gather [hbm4b:s7+s2], $0x80, v4, vm0, $0xb8;
	[tilespmem:$0x18200] =	vst v63  }
0x69: {  	s17 =	simm.s32 $0xE200  }
0x6a: {  	[tilespmem:s17], [sflag:$0x2] =	stream.indirect_vreg.gather [hbm4b:s3+s2], $0x80, v3, vm0, $0xb8;
	[tilespmem:$0x18200] =	vst v63  }
0x6b: {  	s17 =	simm.s32 $0xEA00  }
0x6c: {  	[tilespmem:s17], [sflag:$0x2] =	stream.indirect_vreg.gather [hbm4b:s5+s2], $0x80, v3, vm0, $0xb8;
	[tilespmem:$0x18200] =	vst v63  }
0x6d: {  	s17 =	simm.s32 $0xF200  }
0x6e: {  	[tilespmem:s17], [sflag:$0x2] =	stream.indirect_vreg.gather [hbm4b:s6+s2], $0x80, v3, vm0, $0xb8;
	[tilespmem:$0x18200] =	vst v63  }
0x6f: {  	s17 =	simm.s32 $0xFA00  }
0x70: {  	[tilespmem:s17], [sflag:$0x2] =	stream.indirect_vreg.gather [hbm4b:s7+s2], $0x80, v3, vm0, $0xb8;
	[tilespmem:$0x18200] =	vst v63  }
0x71: {  	v3 =	vld [tilespmem:$0x90];
	_ =	sdelay $0x4  }
0x72: {  	v56 =	vshll.u32 v3, $0x3  }
0x73: {  	v3 =	vand.u32 $0x7, v3;
	v4 =	vand.u32 $0xFFFFFFC0, v56  }
0x74: {  	v3 =	vor.u32 v3, v4  }
0x75: {  	v4 =	vperm.xlane v3, v0;
	_ =	sdelay $0x1  }
0x76: {  	v4 =	vadd.s32 v1, v4;
	_ =	sdelay $0x3  }
0x77: {  	s17 =	simm.s32 $0x10200  }
0x78: {  	[tilespmem:s17], [sflag:$0x2] =	stream.indirect_vreg.gather [hbm4b:s3+s2], $0x80, v4, vm0, $0xb8;
	[tilespmem:$0x18200] =	vst v63  }
0x79: {  	v3 =	vperm.xlane v3, v2;
	s17 =	simm.s32 $0x10A00  }
0x7a: {  	[tilespmem:s17], [sflag:$0x2] =	stream.indirect_vreg.gather [hbm4b:s5+s2], $0x80, v4, vm0, $0xb8;
	[tilespmem:$0x18200] =	vst v63  }
0x7b: {  	v3 =	vadd.s32 v1, v3;
	s17 =	simm.s32 $0x11200  }
0x7c: {  	[tilespmem:s17], [sflag:$0x2] =	stream.indirect_vreg.gather [hbm4b:s6+s2], $0x80, v4, vm0, $0xb8;
	[tilespmem:$0x18200] =	vst v63  }
0x7d: {  	s17 =	simm.s32 $0x11A00  }
0x7e: {  	[tilespmem:s17], [sflag:$0x2] =	stream.indirect_vreg.gather [hbm4b:s7+s2], $0x80, v4, vm0, $0xb8;
	[tilespmem:$0x18200] =	vst v63  }
0x7f: {  	s17 =	simm.s32 $0x12200  }
0x80: {  	[tilespmem:s17], [sflag:$0x2] =	stream.indirect_vreg.gather [hbm4b:s3+s2], $0x80, v3, vm0, $0xb8;
	[tilespmem:$0x18200] =	vst v63  }
0x81: {  	s17 =	simm.s32 $0x12A00  }
0x82: {  	[tilespmem:s17], [sflag:$0x2] =	stream.indirect_vreg.gather [hbm4b:s5+s2], $0x80, v3, vm0, $0xb8;
	[tilespmem:$0x18200] =	vst v63  }
0x83: {  	s17 =	simm.s32 $0x13200  }
0x84: {  	[tilespmem:s17], [sflag:$0x2] =	stream.indirect_vreg.gather [hbm4b:s6+s2], $0x80, v3, vm0, $0xb8;
	[tilespmem:$0x18200] =	vst v63  }
0x85: {  	s17 =	simm.s32 $0x13A00  }
0x86: {  	[tilespmem:s17], [sflag:$0x2] =	stream.indirect_vreg.gather [hbm4b:s7+s2], $0x80, v3, vm0, $0xb8;
	[tilespmem:$0x18200] =	vst v63  }
0x87: {  	v3 =	vld [tilespmem:$0xA0];
	_ =	sdelay $0x4  }
0x88: {  	v57 =	vshll.u32 v3, $0x3  }
0x89: {  	v3 =	vand.u32 $0x7, v3;
	v4 =	vand.u32 $0xFFFFFFC0, v57  }
0x8a: {  	v3 =	vor.u32 v3, v4  }
0x8b: {  	v4 =	vperm.xlane v3, v0;
	_ =	sdelay $0x1  }
0x8c: {  	v4 =	vadd.s32 v1, v4;
	_ =	sdelay $0x3  }
0x8d: {  	s17 =	simm.s32 $0x14200  }
0x8e: {  	[tilespmem:s17], [sflag:$0x2] =	stream.indirect_vreg.gather [hbm4b:s3+s2], $0x80, v4, vm0, $0xb8;
	[tilespmem:$0x18200] =	vst v63  }
0x8f: {  	v3 =	vperm.xlane v3, v2;
	s17 =	simm.s32 $0x14A00  }
0x90: {  	[tilespmem:s17], [sflag:$0x2] =	stream.indirect_vreg.gather [hbm4b:s5+s2], $0x80, v4, vm0, $0xb8;
	[tilespmem:$0x18200] =	vst v63  }
0x91: {  	v3 =	vadd.s32 v1, v3;
	s17 =	simm.s32 $0x15200  }
0x92: {  	[tilespmem:s17], [sflag:$0x2] =	stream.indirect_vreg.gather [hbm4b:s6+s2], $0x80, v4, vm0, $0xb8;
	[tilespmem:$0x18200] =	vst v63  }
0x93: {  	s17 =	simm.s32 $0x15A00  }
0x94: {  	[tilespmem:s17], [sflag:$0x2] =	stream.indirect_vreg.gather [hbm4b:s7+s2], $0x80, v4, vm0, $0xb8;
	[tilespmem:$0x18200] =	vst v63  }
0x95: {  	s17 =	simm.s32 $0x16200  }
0x96: {  	[tilespmem:s17], [sflag:$0x2] =	stream.indirect_vreg.gather [hbm4b:s3+s2], $0x80, v3, vm0, $0xb8;
	[tilespmem:$0x18200] =	vst v63  }
0x97: {  	s17 =	simm.s32 $0x16A00  }
0x98: {  	[tilespmem:s17], [sflag:$0x2] =	stream.indirect_vreg.gather [hbm4b:s5+s2], $0x80, v3, vm0, $0xb8;
	[tilespmem:$0x18200] =	vst v63  }
0x99: {  	s17 =	simm.s32 $0x17200  }
0x9a: {  	[tilespmem:s17], [sflag:$0x2] =	stream.indirect_vreg.gather [hbm4b:s6+s2], $0x80, v3, vm0, $0xb8;
	[tilespmem:$0x18200] =	vst v63  }
0x9b: {  	s17 =	simm.s32 $0x17A00  }
0x9c: {  	[tilespmem:s17], [sflag:$0x2] =	stream.indirect_vreg.gather [hbm4b:s7+s2], $0x80, v3, vm0, $0xb8;
	[tilespmem:$0x18200] =	vst v63  }
0x9d: {  	s15 =	simm.s32 $0x200;
	s17 =	rddreg [dreg:$0x7]  }
0x9e: {  	[hbm4b:s17+s2] =	stream.linear.scatter [tilespmem:s15], [sflag:$0x3], $0xC000, $0x38;
	[tilespmem:$0x18200] =	vst v63  }
0x9f: {  	_ =	swait.ge [sflag:s4], $0xC000  }
0xa0: {  	[sflag:s4] =	ssyncset.done $0x0  }
0xa1: {  	[sflag:s4] =	ssyncadd.s32 $0xFFFF4000  }
0xa2: {  	_ =	swait.ge [sflag:s16], $0xC000  }
0xa3: {  	[sflag:s16] =	ssyncset.done $0x0  }
0xa4: {  	[sflag:s16] =	ssyncadd.s32 $0xFFFF4000  }
0xa5: {  	v3 =	vld [tilespmem:$0x100];
	_ =	sdelay $0x4  }
0xa6: {  	v58 =	vshll.u32 v3, $0x3  }
0xa7: {  	v3 =	vand.u32 $0x7, v3;
	v4 =	vand.u32 $0xFFFFFFC0, v58  }
0xa8: {  	v3 =	vor.u32 v3, v4  }
0xa9: {  	v4 =	vperm.xlane v3, v0;
	_ =	sdelay $0x1  }
0xaa: {  	v4 =	vadd.s32 v1, v4;
	_ =	sdelay $0x4  }
0xab: {  	[tilespmem:s15], [sflag:$0x1] =	stream.indirect_vreg.gather [hbm4b:s3+s2], $0x80, v4, vm0, $0xb8;
	[tilespmem:$0x18200] =	vst v63  }
0xac: {  	v3 =	vperm.xlane v3, v2  }
0xad: {  	[tilespmem:s18], [sflag:$0x1] =	stream.indirect_vreg.gather [hbm4b:s5+s2], $0x80, v4, vm0, $0xb8;
	[tilespmem:$0x18200] =	vst v63  }
0xae: {  	v3 =	vadd.s32 v1, v3  }
0xaf: {  	[tilespmem:s19], [sflag:$0x1] =	stream.indirect_vreg.gather [hbm4b:s6+s2], $0x80, v4, vm0, $0xb8;
	[tilespmem:$0x18200] =	vst v63  }
0xb0: {  	_ = 	snop  }
0xb1: {  	[tilespmem:s20], [sflag:$0x1] =	stream.indirect_vreg.gather [hbm4b:s7+s2], $0x80, v4, vm0, $0xb8;
	[tilespmem:$0x18200] =	vst v63  }
0xb2: {  	_ = 	snop  }
0xb3: {  	[tilespmem:s21], [sflag:$0x1] =	stream.indirect_vreg.gather [hbm4b:s3+s2], $0x80, v3, vm0, $0xb8;
	[tilespmem:$0x18200] =	vst v63  }
0xb4: {  	_ = 	snop  }
0xb5: {  	[tilespmem:s22], [sflag:$0x1] =	stream.indirect_vreg.gather [hbm4b:s5+s2], $0x80, v3, vm0, $0xb8;
	[tilespmem:$0x18200] =	vst v63  }
0xb6: {  	_ = 	snop  }
0xb7: {  	[tilespmem:s23], [sflag:$0x1] =	stream.indirect_vreg.gather [hbm4b:s6+s2], $0x80, v3, vm0, $0xb8;
	[tilespmem:$0x18200] =	vst v63  }
0xb8: {  	_ = 	snop  }
0xb9: {  	[tilespmem:s24], [sflag:$0x1] =	stream.indirect_vreg.gather [hbm4b:s7+s2], $0x80, v3, vm0, $0xb8;
	[tilespmem:$0x18200] =	vst v63  }
0xba: {  	v3 =	vld [tilespmem:$0x110];
	_ =	sdelay $0x4  }
0xbb: {  	v59 =	vshll.u32 v3, $0x3  }
0xbc: {  	v3 =	vand.u32 $0x7, v3;
	v4 =	vand.u32 $0xFFFFFFC0, v59  }
0xbd: {  	v3 =	vor.u32 v3, v4  }
0xbe: {  	v4 =	vperm.xlane v3, v0;
	_ =	sdelay $0x1  }
0xbf: {  	v4 =	vadd.s32 v1, v4;
	_ =	sdelay $0x4  }
0xc0: {  	[tilespmem:s25], [sflag:$0x1] =	stream.indirect_vreg.gather [hbm4b:s3+s2], $0x80, v4, vm0, $0xb8;
	[tilespmem:$0x18200] =	vst v63  }
0xc1: {  	v3 =	vperm.xlane v3, v2  }
0xc2: {  	[tilespmem:s26], [sflag:$0x1] =	stream.indirect_vreg.gather [hbm4b:s5+s2], $0x80, v4, vm0, $0xb8;
	[tilespmem:$0x18200] =	vst v63  }
0xc3: {  	v3 =	vadd.s32 v1, v3  }
0xc4: {  	[tilespmem:s28], [sflag:$0x1] =	stream.indirect_vreg.gather [hbm4b:s6+s2], $0x80, v4, vm0, $0xb8;
	[tilespmem:$0x18200] =	vst v63  }
0xc5: {  	_ = 	snop  }
0xc6: {  	[tilespmem:s29], [sflag:$0x1] =	stream.indirect_vreg.gather [hbm4b:s7+s2], $0x80, v4, vm0, $0xb8;
	[tilespmem:$0x18200] =	vst v63  }
0xc7: {  	_ = 	snop  }
0xc8: {  	[tilespmem:s30], [sflag:$0x1] =	stream.indirect_vreg.gather [hbm4b:s3+s2], $0x80, v3, vm0, $0xb8;
	[tilespmem:$0x18200] =	vst v63  }
0xc9: {  	_ = 	snop  }
0xca: {  	[tilespmem:s31], [sflag:$0x1] =	stream.indirect_vreg.gather [hbm4b:s5+s2], $0x80, v3, vm0, $0xb8;
	[tilespmem:$0x18200] =	vst v63  }
0xcb: {  	s17 =	simm.s32 $0x7200  }
0xcc: {  	[tilespmem:s17], [sflag:$0x1] =	stream.indirect_vreg.gather [hbm4b:s6+s2], $0x80, v3, vm0, $0xb8;
	[tilespmem:$0x18200] =	vst v63  }
0xcd: {  	s17 =	simm.s32 $0x7A00  }
0xce: {  	[tilespmem:s17], [sflag:$0x1] =	stream.indirect_vreg.gather [hbm4b:s7+s2], $0x80, v3, vm0, $0xb8;
	[tilespmem:$0x18200] =	vst v63  }
0xcf: {  	v3 =	vld [tilespmem:$0x120];
	_ =	sdelay $0x4  }
0xd0: {  	v60 =	vshll.u32 v3, $0x3  }
0xd1: {  	v3 =	vand.u32 $0x7, v3;
	v4 =	vand.u32 $0xFFFFFFC0, v60  }
0xd2: {  	v3 =	vor.u32 v3, v4  }
0xd3: {  	v4 =	vperm.xlane v3, v0;
	_ =	sdelay $0x1  }
0xd4: {  	v4 =	vadd.s32 v1, v4;
	_ =	sdelay $0x4  }
0xd5: {  	[tilespmem:s11], [sflag:$0x1] =	stream.indirect_vreg.gather [hbm4b:s3+s2], $0x80, v4, vm0, $0xb8;
	[tilespmem:$0x18200] =	vst v63  }
0xd6: {  	v3 =	vperm.xlane v3, v2  }
0xd7: {  	[tilespmem:s13], [sflag:$0x1] =	stream.indirect_vreg.gather [hbm4b:s5+s2], $0x80, v4, vm0, $0xb8;
	[tilespmem:$0x18200] =	vst v63  }
0xd8: {  	v3 =	vadd.s32 v1, v3  }
0xd9: {  	[tilespmem:s14], [sflag:$0x1] =	stream.indirect_vreg.gather [hbm4b:s6+s2], $0x80, v4, vm0, $0xb8;
	[tilespmem:$0x18200] =	vst v63  }
0xda: {  	_ = 	snop  }
0xdb: {  	[tilespmem:s9], [sflag:$0x1] =	stream.indirect_vreg.gather [hbm4b:s7+s2], $0x80, v4, vm0, $0xb8;
	[tilespmem:$0x18200] =	vst v63  }
0xdc: {  	_ = 	snop  }
0xdd: {  	[tilespmem:s10], [sflag:$0x1] =	stream.indirect_vreg.gather [hbm4b:s3+s2], $0x80, v3, vm0, $0xb8;
	[tilespmem:$0x18200] =	vst v63  }
0xde: {  	s17 =	simm.s32 $0xAA00  }
0xdf: {  	[tilespmem:s17], [sflag:$0x1] =	stream.indirect_vreg.gather [hbm4b:s5+s2], $0x80, v3, vm0, $0xb8;
	[tilespmem:$0x18200] =	vst v63  }
0xe0: {  	_ = 	snop  }
0xe1: {  	[tilespmem:s12], [sflag:$0x1] =	stream.indirect_vreg.gather [hbm4b:s6+s2], $0x80, v3, vm0, $0xb8;
	[tilespmem:$0x18200] =	vst v63  }
0xe2: {  	s15 =	simm.s32 $0xBA00  }
0xe3: {  	[tilespmem:s15], [sflag:$0x1] =	stream.indirect_vreg.gather [hbm4b:s7+s2], $0x80, v3, vm0, $0xb8;
	[tilespmem:$0x18200] =	vst v63  }
0xe4: {  	s17 =	rddreg [dreg:$0x4]  }
0xe5: {  	[hbm4b:s17+s2] =	stream.linear.scatter [tilespmem:s1], [sflag:$0x3], $0xC000, $0x38;
	[tilespmem:$0x18200] =	vst v63  }
0xe6: {  	_ =	swait.ge [sflag:s0], $0xC000  }
0xe7: {  	[sflag:s0] =	ssyncset.done $0x0  }
0xe8: {  	[sflag:s0] =	ssyncadd.s32 $0xFFFF4000  }
0xe9: {  	_ =	swait.ge [sflag:s16], $0xC000  }
0xea: {  	[sflag:s16] =	ssyncset.done $0x0  }
0xeb: {  	[sflag:s16] =	ssyncadd.s32 $0xFFFF4000  }
0xec: {  	v3 =	vld [tilespmem:$0x180];
	_ =	sdelay $0x4  }
0xed: {  	v61 =	vshll.u32 v3, $0x3  }
0xee: {  	v3 =	vand.u32 $0x7, v3;
	v4 =	vand.u32 $0xFFFFFFC0, v61  }
0xef: {  	v3 =	vor.u32 v3, v4  }
0xf0: {  	v4 =	vperm.xlane v3, v0;
	_ =	sdelay $0x1  }
0xf1: {  	v4 =	vadd.s32 v1, v4;
	_ =	sdelay $0x4  }
0xf2: {  	[tilespmem:s1], [sflag:$0x2] =	stream.indirect_vreg.gather [hbm4b:s3+s2], $0x80, v4, vm0, $0xb8;
	[tilespmem:$0x18200] =	vst v63  }
0xf3: {  	s9 =	simm.s32 $0xCA00;
	v3 =	vperm.xlane v3, v2  }
0xf4: {  	[tilespmem:s9], [sflag:$0x2] =	stream.indirect_vreg.gather [hbm4b:s5+s2], $0x80, v4, vm0, $0xb8;
	[tilespmem:$0x18200] =	vst v63  }
0xf5: {  	s15 =	simm.s32 $0xD200;
	v3 =	vadd.s32 v1, v3  }
0xf6: {  	[tilespmem:s15], [sflag:$0x2] =	stream.indirect_vreg.gather [hbm4b:s6+s2], $0x80, v4, vm0, $0xb8;
	[tilespmem:$0x18200] =	vst v63  }
0xf7: {  	s17 =	simm.s32 $0xDA00  }
0xf8: {  	[tilespmem:s17], [sflag:$0x2] =	stream.indirect_vreg.gather [hbm4b:s7+s2], $0x80, v4, vm0, $0xb8;
	[tilespmem:$0x18200] =	vst v63  }
0xf9: {  	s9 =	simm.s32 $0xE200  }
0xfa: {  	[tilespmem:s9], [sflag:$0x2] =	stream.indirect_vreg.gather [hbm4b:s3+s2], $0x80, v3, vm0, $0xb8;
	[tilespmem:$0x18200] =	vst v63  }
0xfb: {  	s15 =	simm.s32 $0xEA00  }
0xfc: {  	[tilespmem:s15], [sflag:$0x2] =	stream.indirect_vreg.gather [hbm4b:s5+s2], $0x80, v3, vm0, $0xb8;
	[tilespmem:$0x18200] =	vst v63  }
0xfd: {  	s17 =	simm.s32 $0xF200  }
0xfe: {  	[tilespmem:s17], [sflag:$0x2] =	stream.indirect_vreg.gather [hbm4b:s6+s2], $0x80, v3, vm0, $0xb8;
	[tilespmem:$0x18200] =	vst v63  }
0xff: {  	s9 =	simm.s32 $0xFA00  }
0x100: {  	[tilespmem:s9], [sflag:$0x2] =	stream.indirect_vreg.gather [hbm4b:s7+s2], $0x80, v3, vm0, $0xb8;
	[tilespmem:$0x18200] =	vst v63  }
0x101: {  	v3 =	vld [tilespmem:$0x190];
	_ =	sdelay $0x4  }
0x102: {  	v62 =	vshll.u32 v3, $0x3  }
0x103: {  	v3 =	vand.u32 $0x7, v3;
	v4 =	vand.u32 $0xFFFFFFC0, v62  }
0x104: {  	v3 =	vor.u32 v3, v4  }
0x105: {  	v4 =	vperm.xlane v3, v0;
	_ =	sdelay $0x1  }
0x106: {  	v4 =	vadd.s32 v1, v4;
	_ =	sdelay $0x3  }
0x107: {  	s15 =	simm.s32 $0x10200  }
0x108: {  	[tilespmem:s15], [sflag:$0x2] =	stream.indirect_vreg.gather [hbm4b:s3+s2], $0x80, v4, vm0, $0xb8;
	[tilespmem:$0x18200] =	vst v63  }
0x109: {  	s17 =	simm.s32 $0x10A00;
	v3 =	vperm.xlane v3, v2  }
0x10a: {  	[tilespmem:s17], [sflag:$0x2] =	stream.indirect_vreg.gather [hbm4b:s5+s2], $0x80, v4, vm0, $0xb8;
	[tilespmem:$0x18200] =	vst v63  }
0x10b: {  	s9 =	simm.s32 $0x11200;
	v3 =	vadd.s32 v1, v3  }
0x10c: {  	[tilespmem:s9], [sflag:$0x2] =	stream.indirect_vreg.gather [hbm4b:s6+s2], $0x80, v4, vm0, $0xb8;
	[tilespmem:$0x18200] =	vst v63  }
0x10d: {  	s15 =	simm.s32 $0x11A00  }
0x10e: {  	[tilespmem:s15], [sflag:$0x2] =	stream.indirect_vreg.gather [hbm4b:s7+s2], $0x80, v4, vm0, $0xb8;
	[tilespmem:$0x18200] =	vst v63  }
0x10f: {  	s17 =	simm.s32 $0x12200  }
0x110: {  	[tilespmem:s17], [sflag:$0x2] =	stream.indirect_vreg.gather [hbm4b:s3+s2], $0x80, v3, vm0, $0xb8;
	[tilespmem:$0x18200] =	vst v63  }
0x111: {  	s9 =	simm.s32 $0x12A00  }
0x112: {  	[tilespmem:s9], [sflag:$0x2] =	stream.indirect_vreg.gather [hbm4b:s5+s2], $0x80, v3, vm0, $0xb8;
	[tilespmem:$0x18200] =	vst v63  }
0x113: {  	s15 =	simm.s32 $0x13200  }
0x114: {  	[tilespmem:s15], [sflag:$0x2] =	stream.indirect_vreg.gather [hbm4b:s6+s2], $0x80, v3, vm0, $0xb8;
	[tilespmem:$0x18200] =	vst v63  }
0x115: {  	s17 =	simm.s32 $0x13A00  }
0x116: {  	[tilespmem:s17], [sflag:$0x2] =	stream.indirect_vreg.gather [hbm4b:s7+s2], $0x80, v3, vm0, $0xb8;
	[tilespmem:$0x18200] =	vst v63  }
0x117: {  	v3 =	vld [tilespmem:$0x1A0];
	_ =	sdelay $0x4  }
0x118: {  	v63 =	vshll.u32 v3, $0x3  }
0x119: {  	v3 =	vand.u32 $0x7, v3;
	v4 =	vand.u32 $0xFFFFFFC0, v63  }
0x11a: {  	v3 =	vor.u32 v3, v4  }
0x11b: {  	v4 =	vperm.xlane v3, v0;
	_ =	sdelay $0x1  }
0x11c: {  	v4 =	vadd.s32 v1, v4;
	_ =	sdelay $0x3  }
0x11d: {  	s9 =	simm.s32 $0x14200  }
0x11e: {  	[tilespmem:s9], [sflag:$0x2] =	stream.indirect_vreg.gather [hbm4b:s3+s2], $0x80, v4, vm0, $0xb8;
	[tilespmem:$0x18200] =	vst v63  }
0x11f: {  	s15 =	simm.s32 $0x14A00;
	v3 =	vperm.xlane v3, v2  }
0x120: {  	[tilespmem:s15], [sflag:$0x2] =	stream.indirect_vreg.gather [hbm4b:s5+s2], $0x80, v4, vm0, $0xb8;
	[tilespmem:$0x18200] =	vst v63  }
0x121: {  	s17 =	simm.s32 $0x15200;
	v3 =	vadd.s32 v1, v3  }
0x122: {  	[tilespmem:s17], [sflag:$0x2] =	stream.indirect_vreg.gather [hbm4b:s6+s2], $0x80, v4, vm0, $0xb8;
	[tilespmem:$0x18200] =	vst v63  }
0x123: {  	s9 =	simm.s32 $0x15A00  }
0x124: {  	[tilespmem:s9], [sflag:$0x2] =	stream.indirect_vreg.gather [hbm4b:s7+s2], $0x80, v4, vm0, $0xb8;
	[tilespmem:$0x18200] =	vst v63  }
0x125: {  	s15 =	simm.s32 $0x16200  }
0x126: {  	[tilespmem:s15], [sflag:$0x2] =	stream.indirect_vreg.gather [hbm4b:s3+s2], $0x80, v3, vm0, $0xb8;
	[tilespmem:$0x18200] =	vst v63  }
0x127: {  	s17 =	simm.s32 $0x16A00  }
0x128: {  	[tilespmem:s17], [sflag:$0x2] =	stream.indirect_vreg.gather [hbm4b:s5+s2], $0x80, v3, vm0, $0xb8;
	[tilespmem:$0x18200] =	vst v63  }
0x129: {  	s9 =	simm.s32 $0x17200  }
0x12a: {  	[tilespmem:s9], [sflag:$0x2] =	stream.indirect_vreg.gather [hbm4b:s6+s2], $0x80, v3, vm0, $0xb8;
	[tilespmem:$0x18200] =	vst v63  }
0x12b: {  	s15 =	simm.s32 $0x17A00  }
0x12c: {  	[tilespmem:s15], [sflag:$0x2] =	stream.indirect_vreg.gather [hbm4b:s7+s2], $0x80, v3, vm0, $0xb8;
	[tilespmem:$0x18200] =	vst v63  }
0x12d: {  	s17 =	rddreg [dreg:$0x5];
	s9 =	simm.s32 $0x200  }
0x12e: {  	[hbm4b:s17+s2] =	stream.linear.scatter [tilespmem:s9], [sflag:$0x3], $0xC000, $0x38;
	[tilespmem:$0x18200] =	vst v63  }
0x12f: {  	_ =	swait.ge [sflag:s4], $0xC000  }
0x130: {  	[sflag:s4] =	ssyncset.done $0x0  }
0x131: {  	s15 =	rddreg [dreg:$0x6];
	[sflag:s4] =	ssyncadd.s32 $0xFFFF4000  }
0x132: {  	[hbm4b:s15+s2] =	stream.linear.scatter [tilespmem:s1], [sflag:$0x3], $0xC000, $0x38;
	[tilespmem:$0x18200] =	vst v63  }
0x133: {  	p0 =	sne.s32 s8, $0x1;
	_ =	swait.ge [sflag:s16], $0xC000  }
.Ltmp0:
0x134: {  	[sflag:s16] =	ssyncset.done $0x0;
	(pc) =	sbr.rel @p0 .LBB2_1-.Ltmp0, $4  }
0x135: {  	[sflag:s16] =	ssyncadd.s32 $0xFFFF4000  }
0x136: {  	_ =	swait.ge [sflag:s16], $0xC000  }
0x137: {  	[sflag:s16] =	ssyncset.done $0x0  }
0x138: {  	s8 =	sadd.s32 $0xFFFFFFFF, s8;
	[sflag:s16] =	ssyncadd.s32 $0xFFFF4000  }
0x139: {  	_ =	sfence.sel $0x180000  }
0x13a: {  	[bflag:$0x0] =	sbarrier.arrive $0xFFFF  }
0x13b: {  	_ =	strace $0x9000004D  }
0x13c: {  	s0 =	stileid.u32;
	[bflag:$0x2] =	sbarrier.arrive $0xFFFF  }
0x13d: {  	p0 =	sne.s32 s0, $0x0;
	s0 =	rddreg [dreg:$0x2]  }
0x13e: {  	s0 =	sadd.s32 @!p0 $0x100000, s0  }
0x13f: {  	[sflag:s0] =	ssyncadd.tile.s32 @!p0 $0x1;
	_ =	shalt  }
.Lfunc_end2:
_tile_overlayer_lowered:
.L_overlay_start_2:
0x140: {  	(tag) =	ssettag $0x2  }
0x141: {  	s0 =	rddreg [dreg:$0x0];
	s2 =	stileid.u32  }
0x142: {  	s1 =	rddreg [dreg:$0x1];
	p0 =	sne.s32 s2, $0x0  }
0x143: {  	s3 =	rddreg [dreg:$0x2];
	[bflag:$0x3] =	sbarrier.arrive $0xFFFF;
	s2 =	simm.s32 @!p0 $0x1C04  }
0x144: {  	[timem:s3], [sflag:s2] =	dma.local @!p0 [hbm:s0], s1  }
0x145: {  	s0 =	simm.s32 @!p0 $0x4  }
0x146: {  	_ =	swait.ge @!p0 [sflag:s0], s1  }
0x147: {  	s1 =	ssub.s32 @!p0 $0x0, s1;
	[sflag:s0] =	ssyncset.done @!p0 $0x0  }
0x148: {  	[sflag:s0] =	ssyncadd.s32 @!p0 s1  }
0x149: {  	[bflag:$0x3] =	sbarrier.arrive $0xFFFF  }
0x14a: {  	_ =	shalt  }

// kernel: kernel.24.cloned.1.call-start
scs
__scs_entry_jumppad:
0x0: {  	(pc) =	sbr.rel $0x88, $3  }
0x1: {  	(tag) =	ssettag $0x0;
	lr =	simm.s32 $0x1  }
0x2: {  	[smem:$0x3F9A] =	sst lr;
	_ =	strace $0xD0000000  }
0x3: {  	_ = 	snop  }
0x4: {  	_ = 	snop  }
0x5: {  	_ = 	snop  }
0x6: {  	_ = 	snop  }
0x7: {  	_ = 	snop  }
__scs_overlays_trampoline_lowered:
0x8: {  	[smem:$0x3FA9] =	sst s0  }
0x9: {  	[smem:$0x3FAA] =	sst s1  }
0xa: {  	[smem:$0x3FAB] =	sst s2  }
0xb: {  	[smem:$0x3FAC] =	sst s3  }
0xc: {  	[smem:$0x3FAD] =	sst s4  }
0xd: {  	[smem:$0x3FAE] =	sst s5  }
0xe: {  	[smem:$0x3FAF] =	sst s6  }
0xf: {  	[smem:$0x3FB0] =	sst s7  }
0x10: {  	[smem:$0x3FB1] =	sst s8  }
0x11: {  	[smem:$0x3FB2] =	sst s9;
	s0 =	simm.s32 @!p0 $0x0  }
0x12: {  	s1 =	sld [smem:$0x3F98];
	s0 =	simm.s32 @p0 $0x1  }
0x13: {  	[smem:$0x3FB3] =	sst s0;
	s0 =	simm.s32 @!p1 $0x0  }
0x14: {  	s2 =	sld [smem:$0x3F97];
	s0 =	simm.s32 @p1 $0x1  }
0x15: {  	[smem:$0x3FB4] =	sst s0;
	s0 =	simm.s32 @!p2 $0x0  }
0x16: {  	s3 =	sld [smem:$0x3FDB];
	s0 =	simm.s32 @p2 $0x1  }
0x17: {  	s4 =	simm.s32 $0x1BF5;
	[smem:$0x3FB6] =	sst s0  }
0x18: {  	s0 =	sld [smem:$0x3F99];
	_ =	swait.ge [sflag:s4], $0x0  }
0x19: {  	s7 =	sld [smem:$0x3F9A]  }
0x1a: {  	s8 =	sadd.s32 $0xFFFFE003, lr  }
0x1b: {  	s9 =	sadd.s32 $0xFFFFFEF7, lr;
	s5 =	simm.s32 $0xFFFFFFFF;
	p2 =	slt.u32 s8, $0xFFFFF086  }
0x1c: {  	p1 =	slt.u32 s9, $0xF7A;
	s5 =	simm.s32 @!p2 $0x0  }
0x1d: {  	s5 =	simm.s32 @p1 $0x1;
	p0 =	seq.s32 s7, s2  }
0x1e: {  	s7 =	smul.u32 @!p0 $0xF7A, s2;
	p2 =	seq.s32 @!p0 s5, $0x0  }
0x1f: {  	s9 =	smul.u32 $0xF7A, s1;
	s8 =	simm.s32 @!p0 $0x1BF5;
	p2 =	por !p2, p0  }
0x20: {  	[sflag:s8] =	ssyncset.s32 @!p0 $0xFFFFF086;
	s6 =	sadd.s32 @!p0 s3, s7;
	s7 =	simm.s32 @!p0 $0x108  }
0x21: {  	s3 =	sadd.s32 s3, s9;
	s6 =	sadd.s32 @!p0 $0x88, s6;
	s7 =	simm.s32 @p2 $0x1082  }
0x22: {  	[simem:s7], [sflag:s8] =	dma.local @!p0 [hbm:s6], $0xF7A  }
0x23: {  	s9 =	sor.u32 $0xD0000000, s2;
	s6 =	simm.s32 $0x108;
	_ =	swait.ge @!p0 [sflag:s8], $0x0  }
0x24: {  	s3 =	sadd.s32 $0x88, s3;
	s6 =	simm.s32 @!p1 $0x1082;
	[sflag:s4] =	ssyncset.s32 $0xFFFFF086  }
0x25: {  	[simem:s6], [sflag:s4] =	dma.local [hbm:s3], $0xF7A  }
0x26: {  	[smem:$0x3F9A] =	sst s1;
	(tag) =	ssettag s2;
	_ =	strace s9  }
0x27: {  	s1 =	sld [smem:$0x3FAA]  }
0x28: {  	s2 =	sld [smem:$0x3FAB]  }
0x29: {  	s4 =	sld [smem:$0x3FAD]  }
0x2a: {  	p0 =	seq.s32 s5, $0x0;
	s5 =	sld [smem:$0x3FAE]  }
0x2b: {  	s6 =	sld [smem:$0x3FAF]  }
0x2c: {  	s7 =	sld [smem:$0x3FB0]  }
0x2d: {  	s3 =	simm.s32 $0x108;
	s8 =	sld [smem:$0x3FB1]  }
0x2e: {  	s3 =	simm.s32 @!p0 $0x1082;
	s9 =	sld [smem:$0x3FB2]  }
0x2f: {  	lr =	sadd.s32 s0, s3;
	s0 =	sld [smem:$0x3FA9]  }
0x30: {  	s3 =	sld [smem:$0x3FAC]  }
0x31: {  	[smem:$0x3FB5] =	sst s10  }
0x32: {  	s10 =	sld [smem:$0x3FB3];
	_ =	sdelay $0x3  }
0x33: {  	p0 =	seq.s32 s10, $0x1;
	s10 =	sld [smem:$0x3FB5];
	_ =	sdelay $0x3  }
0x34: {  	[smem:$0x3FB5] =	sst s10  }
0x35: {  	s10 =	sld [smem:$0x3FB4];
	_ =	sdelay $0x3  }
0x36: {  	p1 =	seq.s32 s10, $0x1;
	s10 =	sld [smem:$0x3FB5];
	_ =	sdelay $0x3  }
0x37: {  	[smem:$0x3FB5] =	sst s10  }
0x38: {  	s10 =	sld [smem:$0x3FB6]  }
0x39: {  	_ = 	snop;
	(pc) =	sbr.ind lr, $3  }
0x3a: {  	_ = 	snop  }
0x3b: {  	_ = 	snop  }
0x3c: {  	p2 =	seq.s32 s10, $0x1;
	s10 =	sld [smem:$0x3FB5]  }
0x3d: {  	_ =	shalt  }
0x3e: {  	_ =	shalt  }
0x3f: {  	_ =	shalt  }
0x40: {  	_ =	shalt  }
0x41: {  	_ =	shalt  }
0x42: {  	_ =	shalt  }
0x43: {  	_ =	shalt  }
0x44: {  	_ =	shalt  }
0x45: {  	_ =	shalt  }
0x46: {  	_ =	shalt  }
0x47: {  	_ =	shalt  }
0x48: {  	_ =	shalt  }
0x49: {  	_ =	shalt  }
0x4a: {  	_ =	shalt  }
0x4b: {  	_ =	shalt  }
0x4c: {  	_ =	shalt  }
0x4d: {  	_ =	shalt  }
0x4e: {  	_ =	shalt  }
0x4f: {  	_ =	shalt  }
0x50: {  	_ =	shalt  }
0x51: {  	_ =	shalt  }
0x52: {  	_ =	shalt  }
0x53: {  	_ =	shalt  }
0x54: {  	_ =	shalt  }
0x55: {  	_ =	shalt  }
0x56: {  	_ =	shalt  }
0x57: {  	_ =	shalt  }
0x58: {  	_ =	shalt  }
0x59: {  	_ =	shalt  }
0x5a: {  	_ =	shalt  }
0x5b: {  	_ =	shalt  }
0x5c: {  	_ =	shalt  }
0x5d: {  	_ =	shalt  }
0x5e: {  	_ =	shalt  }
0x5f: {  	_ =	shalt  }
0x60: {  	_ =	shalt  }
0x61: {  	_ =	shalt  }
0x62: {  	_ =	shalt  }
0x63: {  	_ =	shalt  }
0x64: {  	_ =	shalt  }
0x65: {  	_ =	shalt  }
0x66: {  	_ =	shalt  }
0x67: {  	_ =	shalt  }
0x68: {  	_ =	shalt  }
0x69: {  	_ =	shalt  }
0x6a: {  	_ =	shalt  }
0x6b: {  	_ =	shalt  }
0x6c: {  	_ =	shalt  }
0x6d: {  	_ =	shalt  }
0x6e: {  	_ =	shalt  }
0x6f: {  	_ =	shalt  }
0x70: {  	_ =	shalt  }
0x71: {  	_ =	shalt  }
0x72: {  	_ =	shalt  }
0x73: {  	_ =	shalt  }
0x74: {  	_ =	shalt  }
0x75: {  	_ =	shalt  }
0x76: {  	_ =	shalt  }
0x77: {  	_ =	shalt  }
0x78: {  	_ =	shalt  }
0x79: {  	_ =	shalt  }
0x7a: {  	_ =	shalt  }
0x7b: {  	_ =	shalt  }
0x7c: {  	_ =	shalt  }
0x7d: {  	_ =	shalt  }
0x7e: {  	_ =	shalt  }
0x7f: {  	_ =	shalt  }
0x80: {  	_ =	shalt  }
0x81: {  	_ =	shalt  }
0x82: {  	_ =	shalt  }
0x83: {  	_ =	shalt  }
0x84: {  	_ =	shalt  }
0x85: {  	_ =	shalt  }
0x86: {  	_ =	shalt  }
0x87: {  	_ =	shalt  }
.Lfunc_end0:
.L_simem_size_0:
called_computation.3_lowered:
.L_overlay_start_0:
0x88: {  	s2 =	sld [smem:$0x3FD9]  }
0x89: {  	s3 =	sld [smem:$0x3FFE];
	_ =	sdelay $0x1  }
0x8a: {  	s1 =	srdreg.scid  }
0x8b: {  	s0 =	sand.u32 $0x1, s1  }
0x8c: {  	s14 =	sshll.u32 s0, $0xA;
	s2 =	sadd.s32 s3, s2  }
0x8d: {  	s2 =	sadd.s32 s2, s14  }
0x8e: {  	[smem:$0x3FC1] =	sst s2  }
0x8f: {  	_ = 	snop  }
0x90: {  	s2 =	sld [smem:$0x3FD0];
	_ =	sdelay $0x2  }
0x91: {  	s15 =	simm.s32 $0xA;
	s4 =	simm.s32 $0x10  }
0x92: {  	[smem:s4], [sflag:s15] =	dma.local [hbm:s2], $0x1  }
0x93: {  	_ =	swait.eq [sflag:s15], $0x1  }
0x94: {  	[sflag:s15] =	ssyncset.done $0x0  }
0x95: {  	[sflag:s15] =	ssyncadd.s32 $0xFFFFFFFF  }
0x96: {  	s16 =	sld [smem:$0x10];
	(tm) =	ssettm $0x1  }
0x97: {  	s17 =	sld [smem:$0x3FFB];
	_ =	sdelay $0x3  }
0x98: {  	_ =	strace s17  }
0x99: {  	s3 =	sld [smem:$0x3FFC];
	_ =	sdelay $0x3  }
0x9a: {  	_ =	strace s3  }
0x9b: {  	s3 =	sld [smem:$0x3FFD];
	_ =	sdelay $0x3  }
0x9c: {  	_ =	strace s3  }
0x9d: {  	_ =	strace $0x8FFFFFFF  }
0x9e: {  	s18 =	sld [smem:$0x3FDB];
	_ =	sdelay $0x1  }
0x9f: {  	s19 =	simm.s32 $_scs_section_size  }
0xa0: {  	s5 =	simm.s32 $_size__tile_overlayer_lowered;
	s6 =	simm.s32 $_tile_overlayer_lowered  }
0xa1: {  	s22 =	simm.s32 $0x1BFF;
	s21 =	sshll.u32 s6, $0x1;
	s3 =	sadd.s32 s19, s18  }
0xa2: {  	s7 =	simm.s32 $0x0;
	s20 =	sshll.u32 s5, $0x1;
	s5 =	sadd.s32 s21, s3  }
0xa3: {  	[timem:s7], [sflag:s22] =	dma.local [hbm:s5], s20  }
0xa4: {  	_ =	swait.ge [sflag:s22], s20  }
0xa5: {  	s4 =	ssub.s32 $0x0, s20;
	[sflag:s22] =	ssyncset.done $0x0  }
0xa6: {  	[sflag:s22] =	ssyncadd.s32 s4;
	_ =	sdelay $0x1  }
0xa7: {  	s23 =	simm.s32 $0x1B8B  }
0xa8: {  	_ =	swait.ge [sflag:s23], $0x1  }
0xa9: {  	[sflag:s23] =	ssyncset.done $0x0  }
0xaa: {  	s25 =	simm.s32 $0x1B8E;
	s24 =	sld [smem:$0x3FFE];
	[sflag:s23] =	ssyncadd.s32 $0xFFFFFFFF  }
0xab: {  	s26 =	simm.s32 $execute0_lowered;
	[smem:$0x3FD2] =	sst s25  }
0xac: {  	s5 =	sshll.u32 s26, $0x1;
	_ =	strace $0x8000004F;
	[dreg:$0x1] =	wrdreg $0xFFFFFFFF  }
0xad: {  	s28 =	simm.s32 $_size_execute0_lowered;
	s3 =	sadd.s32 s3, s5;
	[dreg:$0x0] =	wrdreg $0x0  }
0xae: {  	s5 =	sshll.u32 s28, $0x1;
	[dreg:$0x2] =	wrdreg s3  }
0xaf: {  	[dreg:$0x3] =	wrdreg s5  }
0xb0: {  	[dreg:$0x4] =	wrdreg $0xC0  }
0xb1: {  	_ =	task [dreg:s7], $0x5FFFF  }
0xb2: {  	[dreg:$0x1] =	wrdreg $0xFFFFFFFF  }
0xb3: {  	[dreg:$0x0] =	wrdreg $0x60  }
0xb4: {  	[dreg:$0x2] =	wrdreg s24  }
0xb5: {  	[dreg:$0x3] =	wrdreg s16  }
0xb6: {  	[dreg:$0x4] =	wrdreg $0x9  }
0xb7: {  	_ =	task.clear_ibuf [dreg:s7], $0x5FFFF;
	_ =	strace $0x9000004F  }
0xb8: {  	s29 =	simm.s32 $0x9;
	_ =	strace $0x80000051  }
0xb9: {  	_ =	swait.ge [sflag:s29], $0x1  }
0xba: {  	[sflag:s29] =	ssyncadd.s32 $0xFFFFFFFF  }
0xbb: {  	_ =	strace $0x90000051  }
0xbc: {  	_ =	sfence  }
0xbd: {  	s30 =	sld [smem:$0x0];
	_ =	sdelay $0x2  }
0xbe: {  	s31 =	sshll.u32 s1, $0xD;
	s1 =	sshrl.u32 s1, $0x2  }
0xbf: {  	s3 =	sand.u32 $0x4000, s31;
	s1 =	sadd.s32 s1, s30  }
0xc0: {  	s0 =	sor.u32 s3, s0;
	s1 =	sshll.u32 s1, $0x11  }
0xc1: {  	s0 =	sor.u32 s1, s0  }
0xc2: {  	s0 =	sadd.s32 $0x8F2B, s0  }
0xc3: {  	[sflag:s0] =	ssyncadd.remote.s32 $0x1  }
0xc4: {  	_ =	sfence.sel $0xFFFF  }
0xc5: {  	[dreg:$0x0] =	wrdreg $0xFFFFFFFF;
	(pc) =	sbr.abs _section_cstart, $3  }
0xc6: {  	[dreg:$0x1] =	wrdreg $0xFFFFFFFF  }
0xc7: {  	_ =	task.clear_ibuf [dreg:s7], $0x2FFFF;
	_ =	strace $0x9FFFFFFF  }
0xc8: {  	(tm) =	ssettm $0x7FFFFFFF  }
0xc9: {  	_ =	shalt  }
tec
execute0_lowered:
.L_overlay_start_1:
0x0: {  	(tag) =	ssettag $0x1  }
0x1: {  	s0 =	rddreg [dreg:$0x0]  }
0x2: {  	s1 =	rddreg [dreg:$0x1];
	s2 =	simm.s32 $0x0;
	s3 =	srdreg.scid  }
0x3: {  	s5 =	stileid.u32;
	s16 =	simm.s32 $0x3;
	s18 =	simm.s32 $0xA00  }
0x4: {  	s19 =	simm.s32 $0x1200;
	s20 =	simm.s32 $0x1A00;
	s21 =	simm.s32 $0x2200  }
0x5: {  	s28 =	simm.s32 $0x5200;
	s29 =	simm.s32 $0x5A00;
	s30 =	simm.s32 $0x6200  }
0x6: {  	s31 =	simm.s32 $0x6A00;
	s11 =	simm.s32 $0x8200;
	s13 =	simm.s32 $0x8A00  }
0x7: {  	s14 =	simm.s32 $0x9200;
	s10 =	simm.s32 $0xA200;
	s12 =	simm.s32 $0xB200  }
0x8: {  	[smem:$0x7FF] =	sst s2;
	s4 =	sand.u32 $0x1, s3;
	s22 =	sshll.u32 s5, $0x1  }
0x9: {  	s3 =	sadd.s32 $0xE3C00, s0;
	s9 =	sadd.s32 $0x22600, s0;
	_ =	strace $0x80000050  }
0xa: {  	s5 =	sor.u32 s4, s22;
	s4 =	ssub.s32 $0x2, s4;
	s22 =	simm.s32 $0x2A00  }
0xb: {  	s6 =	smul.u32 $0x6000, s5;
	s7 =	sshrl.u32 s4, $0x1;
	s8 =	sshll.u32 s5, $0x6  }
0xc: {  	s5 =	smul.u32 $0x30000, s5;
	s4 =	ssub.s32 s4, s7;
	s1 =	sadd.s32 s1, s8  }
0xd: {  	s7 =	sadd.s32 $0xE3F00, s0;
	[dreg:$0x3] =	wrdreg s1;
	s6 =	sadd.s32 s9, s6  }
0xe: {  	s23 =	sshrl.u32 s5, $0x3;
	s5 =	sadd.s32 $0xE3D00, s0;
	s8 =	smax.u32 s4, $0x1  }
0xf: {  	s4 =	simm.s32 $0x2;
	[dreg:$0x7] =	wrdreg s6;
	s24 =	sadd.s32 $0x1800, s6  }
0x10: {  	s1 =	sadd.s32 s9, s23;
	s6 =	sadd.s32 $0xE3E00, s0;
	s23 =	simm.s32 $0x3200  }
0x11: {  	v2 =	vlaneseq.u32;
	[dreg:$0x4] =	wrdreg s24;
	s25 =	sadd.s32 $0x3000, s1;
	s26 =	sadd.s32 $0x4800, s1  }
0x12: {  	vm0 =	vmmov $0xffff;
	v1 =	vshrl.u32 v2, $0x3;
	s24 =	simm.s32 $0x3A00;
	s1 =	simm.s32 $0xC200;
	[dreg:$0x5] =	wrdreg s25  }
0x13: {  	v0 =	vand.u32 $0x7, v2;
	v2 =	vor.u32 $0x8, v2;
	v1 =	vmul.u32 $0x8, v1;
	[dreg:$0x6] =	wrdreg s26;
	s25 =	simm.s32 $0x4200;
	s26 =	simm.s32 $0x4A00  }
.LBB2_1:
0x14: {  	s17 =	rddreg [dreg:$0x3];
	s0 =	simm.s32 $0x4  }
0x15: {  	[tilespmem:s2], [sflag:$0x4] =	stream.linear.gather [hbm4b:s17+s2], $0x200, $0x38;
	[tilespmem:$0x18200] =	vst v63  }
0x16: {  	_ =	swait.ge [sflag:s0], $0x200  }
0x17: {  	[sflag:s0] =	ssyncset.done $0x0  }
0x18: {  	[sflag:s0] =	ssyncadd.s32 $0xFFFFFE00  }
0x19: {  	v3 =	vld [tilespmem:$0x0];
	_ =	sdelay $0x4  }
0x1a: {  	v4 =	vshll.u32 v3, $0x3  }
0x1b: {  	v3 =	vand.u32 $0x7, v3;
	v4 =	vand.u32 $0xFFFFFFC0, v4  }
0x1c: {  	v3 =	vor.u32 v3, v4  }
0x1d: {  	v4 =	vperm.xlane v3, v0;
	_ =	sdelay $0x1  }
0x1e: {  	v4 =	vadd.s32 v1, v4;
	_ =	sdelay $0x3  }
0x1f: {  	s17 =	simm.s32 $0x200  }
0x20: {  	[tilespmem:s17], [sflag:$0x1] =	stream.indirect_vreg.gather [hbm4b:s3+s2], $0x80, v4, vm0, $0xb8;
	[tilespmem:$0x18200] =	vst v63  }
0x21: {  	v3 =	vperm.xlane v3, v2  }
0x22: {  	[tilespmem:s18], [sflag:$0x1] =	stream.indirect_vreg.gather [hbm4b:s5+s2], $0x80, v4, vm0, $0xb8;
	[tilespmem:$0x18200] =	vst v63  }
0x23: {  	v3 =	vadd.s32 v1, v3  }
0x24: {  	[tilespmem:s19], [sflag:$0x1] =	stream.indirect_vreg.gather [hbm4b:s6+s2], $0x80, v4, vm0, $0xb8;
	[tilespmem:$0x18200] =	vst v63  }
0x25: {  	_ = 	snop  }
0x26: {  	[tilespmem:s20], [sflag:$0x1] =	stream.indirect_vreg.gather [hbm4b:s7+s2], $0x80, v4, vm0, $0xb8;
	[tilespmem:$0x18200] =	vst v63  }
0x27: {  	_ = 	snop  }
0x28: {  	[tilespmem:s21], [sflag:$0x1] =	stream.indirect_vreg.gather [hbm4b:s3+s2], $0x80, v3, vm0, $0xb8;
	[tilespmem:$0x18200] =	vst v63  }
0x29: {  	_ = 	snop  }
0x2a: {  	[tilespmem:s22], [sflag:$0x1] =	stream.indirect_vreg.gather [hbm4b:s5+s2], $0x80, v3, vm0, $0xb8;
	[tilespmem:$0x18200] =	vst v63  }
0x2b: {  	_ = 	snop  }
0x2c: {  	[tilespmem:s23], [sflag:$0x1] =	stream.indirect_vreg.gather [hbm4b:s6+s2], $0x80, v3, vm0, $0xb8;
	[tilespmem:$0x18200] =	vst v63  }
0x2d: {  	_ = 	snop  }
0x2e: {  	[tilespmem:s24], [sflag:$0x1] =	stream.indirect_vreg.gather [hbm4b:s7+s2], $0x80, v3, vm0, $0xb8;
	[tilespmem:$0x18200] =	vst v63  }
0x2f: {  	v3 =	vld [tilespmem:$0x10];
	_ =	sdelay $0x4  }
0x30: {  	v53 =	vshll.u32 v3, $0x3  }
0x31: {  	v3 =	vand.u32 $0x7, v3;
	v4 =	vand.u32 $0xFFFFFFC0, v53  }
0x32: {  	v3 =	vor.u32 v3, v4  }
0x33: {  	v4 =	vperm.xlane v3, v0;
	_ =	sdelay $0x1  }
0x34: {  	v4 =	vadd.s32 v1, v4;
	_ =	sdelay $0x4  }
0x35: {  	[tilespmem:s25], [sflag:$0x1] =	stream.indirect_vreg.gather [hbm4b:s3+s2], $0x80, v4, vm0, $0xb8;
	[tilespmem:$0x18200] =	vst v63  }
0x36: {  	v3 =	vperm.xlane v3, v2  }
0x37: {  	[tilespmem:s26], [sflag:$0x1] =	stream.indirect_vreg.gather [hbm4b:s5+s2], $0x80, v4, vm0, $0xb8;
	[tilespmem:$0x18200] =	vst v63  }
0x38: {  	v3 =	vadd.s32 v1, v3  }
0x39: {  	[tilespmem:s28], [sflag:$0x1] =	stream.indirect_vreg.gather [hbm4b:s6+s2], $0x80, v4, vm0, $0xb8;
	[tilespmem:$0x18200] =	vst v63  }
0x3a: {  	_ = 	snop  }
0x3b: {  	[tilespmem:s29], [sflag:$0x1] =	stream.indirect_vreg.gather [hbm4b:s7+s2], $0x80, v4, vm0, $0xb8;
	[tilespmem:$0x18200] =	vst v63  }
0x3c: {  	_ = 	snop  }
0x3d: {  	[tilespmem:s30], [sflag:$0x1] =	stream.indirect_vreg.gather [hbm4b:s3+s2], $0x80, v3, vm0, $0xb8;
	[tilespmem:$0x18200] =	vst v63  }
0x3e: {  	_ = 	snop  }
0x3f: {  	[tilespmem:s31], [sflag:$0x1] =	stream.indirect_vreg.gather [hbm4b:s5+s2], $0x80, v3, vm0, $0xb8;
	[tilespmem:$0x18200] =	vst v63  }
0x40: {  	s9 =	simm.s32 $0x7200  }
0x41: {  	[tilespmem:s9], [sflag:$0x1] =	stream.indirect_vreg.gather [hbm4b:s6+s2], $0x80, v3, vm0, $0xb8;
	[tilespmem:$0x18200] =	vst v63  }
0x42: {  	s15 =	simm.s32 $0x7A00  }
0x43: {  	[tilespmem:s15], [sflag:$0x1] =	stream.indirect_vreg.gather [hbm4b:s7+s2], $0x80, v3, vm0, $0xb8;
	[tilespmem:$0x18200] =	vst v63  }
0x44: {  	v3 =	vld [tilespmem:$0x20];
	_ =	sdelay $0x4  }
0x45: {  	v54 =	vshll.u32 v3, $0x3  }
0x46: {  	v3 =	vand.u32 $0x7, v3;
	v4 =	vand.u32 $0xFFFFFFC0, v54  }
0x47: {  	v3 =	vor.u32 v3, v4  }
0x48: {  	v4 =	vperm.xlane v3, v0;
	_ =	sdelay $0x1  }
0x49: {  	v4 =	vadd.s32 v1, v4;
	_ =	sdelay $0x4  }
0x4a: {  	[tilespmem:s11], [sflag:$0x1] =	stream.indirect_vreg.gather [hbm4b:s3+s2], $0x80, v4, vm0, $0xb8;
	[tilespmem:$0x18200] =	vst v63  }
0x4b: {  	v3 =	vperm.xlane v3, v2  }
0x4c: {  	[tilespmem:s13], [sflag:$0x1] =	stream.indirect_vreg.gather [hbm4b:s5+s2], $0x80, v4, vm0, $0xb8;
	[tilespmem:$0x18200] =	vst v63  }
0x4d: {  	v3 =	vadd.s32 v1, v3  }
0x4e: {  	[tilespmem:s14], [sflag:$0x1] =	stream.indirect_vreg.gather [hbm4b:s6+s2], $0x80, v4, vm0, $0xb8;
	[tilespmem:$0x18200] =	vst v63  }
0x4f: {  	s9 =	simm.s32 $0x9A00  }
0x50: {  	[tilespmem:s9], [sflag:$0x1] =	stream.indirect_vreg.gather [hbm4b:s7+s2], $0x80, v4, vm0, $0xb8;
	[tilespmem:$0x18200] =	vst v63  }
0x51: {  	_ = 	snop  }
0x52: {  	[tilespmem:s10], [sflag:$0x1] =	stream.indirect_vreg.gather [hbm4b:s3+s2], $0x80, v3, vm0, $0xb8;
	[tilespmem:$0x18200] =	vst v63  }
0x53: {  	s17 =	simm.s32 $0xAA00  }
0x54: {  	[tilespmem:s17], [sflag:$0x1] =	stream.indirect_vreg.gather [hbm4b:s5+s2], $0x80, v3, vm0, $0xb8;
	[tilespmem:$0x18200] =	vst v63  }
0x55: {  	_ = 	snop  }
0x56: {  	[tilespmem:s12], [sflag:$0x1] =	stream.indirect_vreg.gather [hbm4b:s6+s2], $0x80, v3, vm0, $0xb8;
	[tilespmem:$0x18200] =	vst v63  }
0x57: {  	s0 =	simm.s32 $0x1;
	s15 =	simm.s32 $0xBA00  }
0x58: {  	[tilespmem:s15], [sflag:$0x1] =	stream.indirect_vreg.gather [hbm4b:s7+s2], $0x80, v3, vm0, $0xb8;
	[tilespmem:$0x18200] =	vst v63  }
0x59: {  	_ =	swait.ge [sflag:s0], $0xC000  }
0x5a: {  	[sflag:s0] =	ssyncset.done $0x0  }
0x5b: {  	[sflag:s0] =	ssyncadd.s32 $0xFFFF4000  }
0x5c: {  	v3 =	vld [tilespmem:$0x80];
	_ =	sdelay $0x4  }
0x5d: {  	v55 =	vshll.u32 v3, $0x3  }
0x5e: {  	v3 =	vand.u32 $0x7, v3;
	v4 =	vand.u32 $0xFFFFFFC0, v55  }
0x5f: {  	v3 =	vor.u32 v3, v4  }
0x60: {  	v4 =	vperm.xlane v3, v0;
	_ =	sdelay $0x1  }
0x61: {  	v4 =	vadd.s32 v1, v4;
	_ =	sdelay $0x4  }
0x62: {  	[tilespmem:s1], [sflag:$0x2] =	stream.indirect_vreg.gather [hbm4b:s3+s2], $0x80, v4, vm0, $0xb8;
	[tilespmem:$0x18200] =	vst v63  }
0x63: {  	s15 =	simm.s32 $0xCA00;
	v3 =	vperm.xlane v3, v2  }
0x64: {  	[tilespmem:s15], [sflag:$0x2] =	stream.indirect_vreg.gather [hbm4b:s5+s2], $0x80, v4, vm0, $0xb8;
	[tilespmem:$0x18200] =	vst v63  }
0x65: {  	s17 =	simm.s32 $0xD200;
	v3 =	vadd.s32 v1, v3  }
0x66: {  	[tilespmem:s17], [sflag:$0x2] =	stream.indirect_vreg.gather [hbm4b:s6+s2], $0x80, v4, vm0, $0xb8;
	[tilespmem:$0x18200] =	vst v63  }
0x67: {  	s17 =	simm.s32 $0xDA00  }
0x68: {  	[tilespmem:s17], [sflag:$0x2] =	stream.indirect_vreg.gather [hbm4b:s7+s2], $0x80, v4, vm0, $0xb8;
	[tilespmem:$0x18200] =	vst v63  }
0x69: {  	s17 =	simm.s32 $0xE200  }
0x6a: {  	[tilespmem:s17], [sflag:$0x2] =	stream.indirect_vreg.gather [hbm4b:s3+s2], $0x80, v3, vm0, $0xb8;
	[tilespmem:$0x18200] =	vst v63  }
0x6b: {  	s17 =	simm.s32 $0xEA00  }
0x6c: {  	[tilespmem:s17], [sflag:$0x2] =	stream.indirect_vreg.gather [hbm4b:s5+s2], $0x80, v3, vm0, $0xb8;
	[tilespmem:$0x18200] =	vst v63  }
0x6d: {  	s17 =	simm.s32 $0xF200  }
0x6e: {  	[tilespmem:s17], [sflag:$0x2] =	stream.indirect_vreg.gather [hbm4b:s6+s2], $0x80, v3, vm0, $0xb8;
	[tilespmem:$0x18200] =	vst v63  }
0x6f: {  	s17 =	simm.s32 $0xFA00  }
0x70: {  	[tilespmem:s17], [sflag:$0x2] =	stream.indirect_vreg.gather [hbm4b:s7+s2], $0x80, v3, vm0, $0xb8;
	[tilespmem:$0x18200] =	vst v63  }
0x71: {  	v3 =	vld [tilespmem:$0x90];
	_ =	sdelay $0x4  }
0x72: {  	v56 =	vshll.u32 v3, $0x3  }
0x73: {  	v3 =	vand.u32 $0x7, v3;
	v4 =	vand.u32 $0xFFFFFFC0, v56  }
0x74: {  	v3 =	vor.u32 v3, v4  }
0x75: {  	v4 =	vperm.xlane v3, v0;
	_ =	sdelay $0x1  }
0x76: {  	v4 =	vadd.s32 v1, v4;
	_ =	sdelay $0x3  }
0x77: {  	s17 =	simm.s32 $0x10200  }
0x78: {  	[tilespmem:s17], [sflag:$0x2] =	stream.indirect_vreg.gather [hbm4b:s3+s2], $0x80, v4, vm0, $0xb8;
	[tilespmem:$0x18200] =	vst v63  }
0x79: {  	v3 =	vperm.xlane v3, v2;
	s17 =	simm.s32 $0x10A00  }
0x7a: {  	[tilespmem:s17], [sflag:$0x2] =	stream.indirect_vreg.gather [hbm4b:s5+s2], $0x80, v4, vm0, $0xb8;
	[tilespmem:$0x18200] =	vst v63  }
0x7b: {  	v3 =	vadd.s32 v1, v3;
	s17 =	simm.s32 $0x11200  }
0x7c: {  	[tilespmem:s17], [sflag:$0x2] =	stream.indirect_vreg.gather [hbm4b:s6+s2], $0x80, v4, vm0, $0xb8;
	[tilespmem:$0x18200] =	vst v63  }
0x7d: {  	s17 =	simm.s32 $0x11A00  }
0x7e: {  	[tilespmem:s17], [sflag:$0x2] =	stream.indirect_vreg.gather [hbm4b:s7+s2], $0x80, v4, vm0, $0xb8;
	[tilespmem:$0x18200] =	vst v63  }
0x7f: {  	s17 =	simm.s32 $0x12200  }
0x80: {  	[tilespmem:s17], [sflag:$0x2] =	stream.indirect_vreg.gather [hbm4b:s3+s2], $0x80, v3, vm0, $0xb8;
	[tilespmem:$0x18200] =	vst v63  }
0x81: {  	s17 =	simm.s32 $0x12A00  }
0x82: {  	[tilespmem:s17], [sflag:$0x2] =	stream.indirect_vreg.gather [hbm4b:s5+s2], $0x80, v3, vm0, $0xb8;
	[tilespmem:$0x18200] =	vst v63  }
0x83: {  	s17 =	simm.s32 $0x13200  }
0x84: {  	[tilespmem:s17], [sflag:$0x2] =	stream.indirect_vreg.gather [hbm4b:s6+s2], $0x80, v3, vm0, $0xb8;
	[tilespmem:$0x18200] =	vst v63  }
0x85: {  	s17 =	simm.s32 $0x13A00  }
0x86: {  	[tilespmem:s17], [sflag:$0x2] =	stream.indirect_vreg.gather [hbm4b:s7+s2], $0x80, v3, vm0, $0xb8;
	[tilespmem:$0x18200] =	vst v63  }
0x87: {  	v3 =	vld [tilespmem:$0xA0];
	_ =	sdelay $0x4  }
0x88: {  	v57 =	vshll.u32 v3, $0x3  }
0x89: {  	v3 =	vand.u32 $0x7, v3;
	v4 =	vand.u32 $0xFFFFFFC0, v57  }
0x8a: {  	v3 =	vor.u32 v3, v4  }
0x8b: {  	v4 =	vperm.xlane v3, v0;
	_ =	sdelay $0x1  }
0x8c: {  	v4 =	vadd.s32 v1, v4;
	_ =	sdelay $0x3  }
0x8d: {  	s17 =	simm.s32 $0x14200  }
0x8e: {  	[tilespmem:s17], [sflag:$0x2] =	stream.indirect_vreg.gather [hbm4b:s3+s2], $0x80, v4, vm0, $0xb8;
	[tilespmem:$0x18200] =	vst v63  }
0x8f: {  	v3 =	vperm.xlane v3, v2;
	s17 =	simm.s32 $0x14A00  }
0x90: {  	[tilespmem:s17], [sflag:$0x2] =	stream.indirect_vreg.gather [hbm4b:s5+s2], $0x80, v4, vm0, $0xb8;
	[tilespmem:$0x18200] =	vst v63  }
0x91: {  	v3 =	vadd.s32 v1, v3;
	s17 =	simm.s32 $0x15200  }
0x92: {  	[tilespmem:s17], [sflag:$0x2] =	stream.indirect_vreg.gather [hbm4b:s6+s2], $0x80, v4, vm0, $0xb8;
	[tilespmem:$0x18200] =	vst v63  }
0x93: {  	s17 =	simm.s32 $0x15A00  }
0x94: {  	[tilespmem:s17], [sflag:$0x2] =	stream.indirect_vreg.gather [hbm4b:s7+s2], $0x80, v4, vm0, $0xb8;
	[tilespmem:$0x18200] =	vst v63  }
0x95: {  	s17 =	simm.s32 $0x16200  }
0x96: {  	[tilespmem:s17], [sflag:$0x2] =	stream.indirect_vreg.gather [hbm4b:s3+s2], $0x80, v3, vm0, $0xb8;
	[tilespmem:$0x18200] =	vst v63  }
0x97: {  	s17 =	simm.s32 $0x16A00  }
0x98: {  	[tilespmem:s17], [sflag:$0x2] =	stream.indirect_vreg.gather [hbm4b:s5+s2], $0x80, v3, vm0, $0xb8;
	[tilespmem:$0x18200] =	vst v63  }
0x99: {  	s17 =	simm.s32 $0x17200  }
0x9a: {  	[tilespmem:s17], [sflag:$0x2] =	stream.indirect_vreg.gather [hbm4b:s6+s2], $0x80, v3, vm0, $0xb8;
	[tilespmem:$0x18200] =	vst v63  }
0x9b: {  	s17 =	simm.s32 $0x17A00  }
0x9c: {  	[tilespmem:s17], [sflag:$0x2] =	stream.indirect_vreg.gather [hbm4b:s7+s2], $0x80, v3, vm0, $0xb8;
	[tilespmem:$0x18200] =	vst v63  }
0x9d: {  	s15 =	simm.s32 $0x200;
	s17 =	rddreg [dreg:$0x7]  }
0x9e: {  	[hbm4b:s17+s2] =	stream.linear.scatter [tilespmem:s15], [sflag:$0x3], $0xC000, $0x38;
	[tilespmem:$0x18200] =	vst v63  }
0x9f: {  	_ =	swait.ge [sflag:s4], $0xC000  }
0xa0: {  	[sflag:s4] =	ssyncset.done $0x0  }
0xa1: {  	[sflag:s4] =	ssyncadd.s32 $0xFFFF4000  }
0xa2: {  	_ =	swait.ge [sflag:s16], $0xC000  }
0xa3: {  	[sflag:s16] =	ssyncset.done $0x0  }
0xa4: {  	[sflag:s16] =	ssyncadd.s32 $0xFFFF4000  }
0xa5: {  	v3 =	vld [tilespmem:$0x100];
	_ =	sdelay $0x4  }
0xa6: {  	v58 =	vshll.u32 v3, $0x3  }
0xa7: {  	v3 =	vand.u32 $0x7, v3;
	v4 =	vand.u32 $0xFFFFFFC0, v58  }
0xa8: {  	v3 =	vor.u32 v3, v4  }
0xa9: {  	v4 =	vperm.xlane v3, v0;
	_ =	sdelay $0x1  }
0xaa: {  	v4 =	vadd.s32 v1, v4;
	_ =	sdelay $0x4  }
0xab: {  	[tilespmem:s15], [sflag:$0x1] =	stream.indirect_vreg.gather [hbm4b:s3+s2], $0x80, v4, vm0, $0xb8;
	[tilespmem:$0x18200] =	vst v63  }
0xac: {  	v3 =	vperm.xlane v3, v2  }
0xad: {  	[tilespmem:s18], [sflag:$0x1] =	stream.indirect_vreg.gather [hbm4b:s5+s2], $0x80, v4, vm0, $0xb8;
	[tilespmem:$0x18200] =	vst v63  }
0xae: {  	v3 =	vadd.s32 v1, v3  }
0xaf: {  	[tilespmem:s19], [sflag:$0x1] =	stream.indirect_vreg.gather [hbm4b:s6+s2], $0x80, v4, vm0, $0xb8;
	[tilespmem:$0x18200] =	vst v63  }
0xb0: {  	_ = 	snop  }
0xb1: {  	[tilespmem:s20], [sflag:$0x1] =	stream.indirect_vreg.gather [hbm4b:s7+s2], $0x80, v4, vm0, $0xb8;
	[tilespmem:$0x18200] =	vst v63  }
0xb2: {  	_ = 	snop  }
0xb3: {  	[tilespmem:s21], [sflag:$0x1] =	stream.indirect_vreg.gather [hbm4b:s3+s2], $0x80, v3, vm0, $0xb8;
	[tilespmem:$0x18200] =	vst v63  }
0xb4: {  	_ = 	snop  }
0xb5: {  	[tilespmem:s22], [sflag:$0x1] =	stream.indirect_vreg.gather [hbm4b:s5+s2], $0x80, v3, vm0, $0xb8;
	[tilespmem:$0x18200] =	vst v63  }
0xb6: {  	_ = 	snop  }
0xb7: {  	[tilespmem:s23], [sflag:$0x1] =	stream.indirect_vreg.gather [hbm4b:s6+s2], $0x80, v3, vm0, $0xb8;
	[tilespmem:$0x18200] =	vst v63  }
0xb8: {  	_ = 	snop  }
0xb9: {  	[tilespmem:s24], [sflag:$0x1] =	stream.indirect_vreg.gather [hbm4b:s7+s2], $0x80, v3, vm0, $0xb8;
	[tilespmem:$0x18200] =	vst v63  }
0xba: {  	v3 =	vld [tilespmem:$0x110];
	_ =	sdelay $0x4  }
0xbb: {  	v59 =	vshll.u32 v3, $0x3  }
0xbc: {  	v3 =	vand.u32 $0x7, v3;
	v4 =	vand.u32 $0xFFFFFFC0, v59  }
0xbd: {  	v3 =	vor.u32 v3, v4  }
0xbe: {  	v4 =	vperm.xlane v3, v0;
	_ =	sdelay $0x1  }
0xbf: {  	v4 =	vadd.s32 v1, v4;
	_ =	sdelay $0x4  }
0xc0: {  	[tilespmem:s25], [sflag:$0x1] =	stream.indirect_vreg.gather [hbm4b:s3+s2], $0x80, v4, vm0, $0xb8;
	[tilespmem:$0x18200] =	vst v63  }
0xc1: {  	v3 =	vperm.xlane v3, v2  }
0xc2: {  	[tilespmem:s26], [sflag:$0x1] =	stream.indirect_vreg.gather [hbm4b:s5+s2], $0x80, v4, vm0, $0xb8;
	[tilespmem:$0x18200] =	vst v63  }
0xc3: {  	v3 =	vadd.s32 v1, v3  }
0xc4: {  	[tilespmem:s28], [sflag:$0x1] =	stream.indirect_vreg.gather [hbm4b:s6+s2], $0x80, v4, vm0, $0xb8;
	[tilespmem:$0x18200] =	vst v63  }
0xc5: {  	_ = 	snop  }
0xc6: {  	[tilespmem:s29], [sflag:$0x1] =	stream.indirect_vreg.gather [hbm4b:s7+s2], $0x80, v4, vm0, $0xb8;
	[tilespmem:$0x18200] =	vst v63  }
0xc7: {  	_ = 	snop  }
0xc8: {  	[tilespmem:s30], [sflag:$0x1] =	stream.indirect_vreg.gather [hbm4b:s3+s2], $0x80, v3, vm0, $0xb8;
	[tilespmem:$0x18200] =	vst v63  }
0xc9: {  	_ = 	snop  }
0xca: {  	[tilespmem:s31], [sflag:$0x1] =	stream.indirect_vreg.gather [hbm4b:s5+s2], $0x80, v3, vm0, $0xb8;
	[tilespmem:$0x18200] =	vst v63  }
0xcb: {  	s17 =	simm.s32 $0x7200  }
0xcc: {  	[tilespmem:s17], [sflag:$0x1] =	stream.indirect_vreg.gather [hbm4b:s6+s2], $0x80, v3, vm0, $0xb8;
	[tilespmem:$0x18200] =	vst v63  }
0xcd: {  	s17 =	simm.s32 $0x7A00  }
0xce: {  	[tilespmem:s17], [sflag:$0x1] =	stream.indirect_vreg.gather [hbm4b:s7+s2], $0x80, v3, vm0, $0xb8;
	[tilespmem:$0x18200] =	vst v63  }
0xcf: {  	v3 =	vld [tilespmem:$0x120];
	_ =	sdelay $0x4  }
0xd0: {  	v60 =	vshll.u32 v3, $0x3  }
0xd1: {  	v3 =	vand.u32 $0x7, v3;
	v4 =	vand.u32 $0xFFFFFFC0, v60  }
0xd2: {  	v3 =	vor.u32 v3, v4  }
0xd3: {  	v4 =	vperm.xlane v3, v0;
	_ =	sdelay $0x1  }
0xd4: {  	v4 =	vadd.s32 v1, v4;
	_ =	sdelay $0x4  }
0xd5: {  	[tilespmem:s11], [sflag:$0x1] =	stream.indirect_vreg.gather [hbm4b:s3+s2], $0x80, v4, vm0, $0xb8;
	[tilespmem:$0x18200] =	vst v63  }
0xd6: {  	v3 =	vperm.xlane v3, v2  }
0xd7: {  	[tilespmem:s13], [sflag:$0x1] =	stream.indirect_vreg.gather [hbm4b:s5+s2], $0x80, v4, vm0, $0xb8;
	[tilespmem:$0x18200] =	vst v63  }
0xd8: {  	v3 =	vadd.s32 v1, v3  }
0xd9: {  	[tilespmem:s14], [sflag:$0x1] =	stream.indirect_vreg.gather [hbm4b:s6+s2], $0x80, v4, vm0, $0xb8;
	[tilespmem:$0x18200] =	vst v63  }
0xda: {  	_ = 	snop  }
0xdb: {  	[tilespmem:s9], [sflag:$0x1] =	stream.indirect_vreg.gather [hbm4b:s7+s2], $0x80, v4, vm0, $0xb8;
	[tilespmem:$0x18200] =	vst v63  }
0xdc: {  	_ = 	snop  }
0xdd: {  	[tilespmem:s10], [sflag:$0x1] =	stream.indirect_vreg.gather [hbm4b:s3+s2], $0x80, v3, vm0, $0xb8;
	[tilespmem:$0x18200] =	vst v63  }
0xde: {  	s17 =	simm.s32 $0xAA00  }
0xdf: {  	[tilespmem:s17], [sflag:$0x1] =	stream.indirect_vreg.gather [hbm4b:s5+s2], $0x80, v3, vm0, $0xb8;
	[tilespmem:$0x18200] =	vst v63  }
0xe0: {  	_ = 	snop  }
0xe1: {  	[tilespmem:s12], [sflag:$0x1] =	stream.indirect_vreg.gather [hbm4b:s6+s2], $0x80, v3, vm0, $0xb8;
	[tilespmem:$0x18200] =	vst v63  }
0xe2: {  	s15 =	simm.s32 $0xBA00  }
0xe3: {  	[tilespmem:s15], [sflag:$0x1] =	stream.indirect_vreg.gather [hbm4b:s7+s2], $0x80, v3, vm0, $0xb8;
	[tilespmem:$0x18200] =	vst v63  }
0xe4: {  	s17 =	rddreg [dreg:$0x4]  }
0xe5: {  	[hbm4b:s17+s2] =	stream.linear.scatter [tilespmem:s1], [sflag:$0x3], $0xC000, $0x38;
	[tilespmem:$0x18200] =	vst v63  }
0xe6: {  	_ =	swait.ge [sflag:s0], $0xC000  }
0xe7: {  	[sflag:s0] =	ssyncset.done $0x0  }
0xe8: {  	[sflag:s0] =	ssyncadd.s32 $0xFFFF4000  }
0xe9: {  	_ =	swait.ge [sflag:s16], $0xC000  }
0xea: {  	[sflag:s16] =	ssyncset.done $0x0  }
0xeb: {  	[sflag:s16] =	ssyncadd.s32 $0xFFFF4000  }
0xec: {  	v3 =	vld [tilespmem:$0x180];
	_ =	sdelay $0x4  }
0xed: {  	v61 =	vshll.u32 v3, $0x3  }
0xee: {  	v3 =	vand.u32 $0x7, v3;
	v4 =	vand.u32 $0xFFFFFFC0, v61  }
0xef: {  	v3 =	vor.u32 v3, v4  }
0xf0: {  	v4 =	vperm.xlane v3, v0;
	_ =	sdelay $0x1  }
0xf1: {  	v4 =	vadd.s32 v1, v4;
	_ =	sdelay $0x4  }
0xf2: {  	[tilespmem:s1], [sflag:$0x2] =	stream.indirect_vreg.gather [hbm4b:s3+s2], $0x80, v4, vm0, $0xb8;
	[tilespmem:$0x18200] =	vst v63  }
0xf3: {  	s9 =	simm.s32 $0xCA00;
	v3 =	vperm.xlane v3, v2  }
0xf4: {  	[tilespmem:s9], [sflag:$0x2] =	stream.indirect_vreg.gather [hbm4b:s5+s2], $0x80, v4, vm0, $0xb8;
	[tilespmem:$0x18200] =	vst v63  }
0xf5: {  	s15 =	simm.s32 $0xD200;
	v3 =	vadd.s32 v1, v3  }
0xf6: {  	[tilespmem:s15], [sflag:$0x2] =	stream.indirect_vreg.gather [hbm4b:s6+s2], $0x80, v4, vm0, $0xb8;
	[tilespmem:$0x18200] =	vst v63  }
0xf7: {  	s17 =	simm.s32 $0xDA00  }
0xf8: {  	[tilespmem:s17], [sflag:$0x2] =	stream.indirect_vreg.gather [hbm4b:s7+s2], $0x80, v4, vm0, $0xb8;
	[tilespmem:$0x18200] =	vst v63  }
0xf9: {  	s9 =	simm.s32 $0xE200  }
0xfa: {  	[tilespmem:s9], [sflag:$0x2] =	stream.indirect_vreg.gather [hbm4b:s3+s2], $0x80, v3, vm0, $0xb8;
	[tilespmem:$0x18200] =	vst v63  }
0xfb: {  	s15 =	simm.s32 $0xEA00  }
0xfc: {  	[tilespmem:s15], [sflag:$0x2] =	stream.indirect_vreg.gather [hbm4b:s5+s2], $0x80, v3, vm0, $0xb8;
	[tilespmem:$0x18200] =	vst v63  }
0xfd: {  	s17 =	simm.s32 $0xF200  }
0xfe: {  	[tilespmem:s17], [sflag:$0x2] =	stream.indirect_vreg.gather [hbm4b:s6+s2], $0x80, v3, vm0, $0xb8;
	[tilespmem:$0x18200] =	vst v63  }
0xff: {  	s9 =	simm.s32 $0xFA00  }
0x100: {  	[tilespmem:s9], [sflag:$0x2] =	stream.indirect_vreg.gather [hbm4b:s7+s2], $0x80, v3, vm0, $0xb8;
	[tilespmem:$0x18200] =	vst v63  }
0x101: {  	v3 =	vld [tilespmem:$0x190];
	_ =	sdelay $0x4  }
0x102: {  	v62 =	vshll.u32 v3, $0x3  }
0x103: {  	v3 =	vand.u32 $0x7, v3;
	v4 =	vand.u32 $0xFFFFFFC0, v62  }
0x104: {  	v3 =	vor.u32 v3, v4  }
0x105: {  	v4 =	vperm.xlane v3, v0;
	_ =	sdelay $0x1  }
0x106: {  	v4 =	vadd.s32 v1, v4;
	_ =	sdelay $0x3  }
0x107: {  	s15 =	simm.s32 $0x10200  }
0x108: {  	[tilespmem:s15], [sflag:$0x2] =	stream.indirect_vreg.gather [hbm4b:s3+s2], $0x80, v4, vm0, $0xb8;
	[tilespmem:$0x18200] =	vst v63  }
0x109: {  	s17 =	simm.s32 $0x10A00;
	v3 =	vperm.xlane v3, v2  }
0x10a: {  	[tilespmem:s17], [sflag:$0x2] =	stream.indirect_vreg.gather [hbm4b:s5+s2], $0x80, v4, vm0, $0xb8;
	[tilespmem:$0x18200] =	vst v63  }
0x10b: {  	s9 =	simm.s32 $0x11200;
	v3 =	vadd.s32 v1, v3  }
0x10c: {  	[tilespmem:s9], [sflag:$0x2] =	stream.indirect_vreg.gather [hbm4b:s6+s2], $0x80, v4, vm0, $0xb8;
	[tilespmem:$0x18200] =	vst v63  }
0x10d: {  	s15 =	simm.s32 $0x11A00  }
0x10e: {  	[tilespmem:s15], [sflag:$0x2] =	stream.indirect_vreg.gather [hbm4b:s7+s2], $0x80, v4, vm0, $0xb8;
	[tilespmem:$0x18200] =	vst v63  }
0x10f: {  	s17 =	simm.s32 $0x12200  }
0x110: {  	[tilespmem:s17], [sflag:$0x2] =	stream.indirect_vreg.gather [hbm4b:s3+s2], $0x80, v3, vm0, $0xb8;
	[tilespmem:$0x18200] =	vst v63  }
0x111: {  	s9 =	simm.s32 $0x12A00  }
0x112: {  	[tilespmem:s9], [sflag:$0x2] =	stream.indirect_vreg.gather [hbm4b:s5+s2], $0x80, v3, vm0, $0xb8;
	[tilespmem:$0x18200] =	vst v63  }
0x113: {  	s15 =	simm.s32 $0x13200  }
0x114: {  	[tilespmem:s15], [sflag:$0x2] =	stream.indirect_vreg.gather [hbm4b:s6+s2], $0x80, v3, vm0, $0xb8;
	[tilespmem:$0x18200] =	vst v63  }
0x115: {  	s17 =	simm.s32 $0x13A00  }
0x116: {  	[tilespmem:s17], [sflag:$0x2] =	stream.indirect_vreg.gather [hbm4b:s7+s2], $0x80, v3, vm0, $0xb8;
	[tilespmem:$0x18200] =	vst v63  }
0x117: {  	v3 =	vld [tilespmem:$0x1A0];
	_ =	sdelay $0x4  }
0x118: {  	v63 =	vshll.u32 v3, $0x3  }
0x119: {  	v3 =	vand.u32 $0x7, v3;
	v4 =	vand.u32 $0xFFFFFFC0, v63  }
0x11a: {  	v3 =	vor.u32 v3, v4  }
0x11b: {  	v4 =	vperm.xlane v3, v0;
	_ =	sdelay $0x1  }
0x11c: {  	v4 =	vadd.s32 v1, v4;
	_ =	sdelay $0x3  }
0x11d: {  	s9 =	simm.s32 $0x14200  }
0x11e: {  	[tilespmem:s9], [sflag:$0x2] =	stream.indirect_vreg.gather [hbm4b:s3+s2], $0x80, v4, vm0, $0xb8;
	[tilespmem:$0x18200] =	vst v63  }
0x11f: {  	s15 =	simm.s32 $0x14A00;
	v3 =	vperm.xlane v3, v2  }
0x120: {  	[tilespmem:s15], [sflag:$0x2] =	stream.indirect_vreg.gather [hbm4b:s5+s2], $0x80, v4, vm0, $0xb8;
	[tilespmem:$0x18200] =	vst v63  }
0x121: {  	s17 =	simm.s32 $0x15200;
	v3 =	vadd.s32 v1, v3  }
0x122: {  	[tilespmem:s17], [sflag:$0x2] =	stream.indirect_vreg.gather [hbm4b:s6+s2], $0x80, v4, vm0, $0xb8;
	[tilespmem:$0x18200] =	vst v63  }
0x123: {  	s9 =	simm.s32 $0x15A00  }
0x124: {  	[tilespmem:s9], [sflag:$0x2] =	stream.indirect_vreg.gather [hbm4b:s7+s2], $0x80, v4, vm0, $0xb8;
	[tilespmem:$0x18200] =	vst v63  }
0x125: {  	s15 =	simm.s32 $0x16200  }
0x126: {  	[tilespmem:s15], [sflag:$0x2] =	stream.indirect_vreg.gather [hbm4b:s3+s2], $0x80, v3, vm0, $0xb8;
	[tilespmem:$0x18200] =	vst v63  }
0x127: {  	s17 =	simm.s32 $0x16A00  }
0x128: {  	[tilespmem:s17], [sflag:$0x2] =	stream.indirect_vreg.gather [hbm4b:s5+s2], $0x80, v3, vm0, $0xb8;
	[tilespmem:$0x18200] =	vst v63  }
0x129: {  	s9 =	simm.s32 $0x17200  }
0x12a: {  	[tilespmem:s9], [sflag:$0x2] =	stream.indirect_vreg.gather [hbm4b:s6+s2], $0x80, v3, vm0, $0xb8;
	[tilespmem:$0x18200] =	vst v63  }
0x12b: {  	s15 =	simm.s32 $0x17A00  }
0x12c: {  	[tilespmem:s15], [sflag:$0x2] =	stream.indirect_vreg.gather [hbm4b:s7+s2], $0x80, v3, vm0, $0xb8;
	[tilespmem:$0x18200] =	vst v63  }
0x12d: {  	s17 =	rddreg [dreg:$0x5];
	s9 =	simm.s32 $0x200  }
0x12e: {  	[hbm4b:s17+s2] =	stream.linear.scatter [tilespmem:s9], [sflag:$0x3], $0xC000, $0x38;
	[tilespmem:$0x18200] =	vst v63  }
0x12f: {  	_ =	swait.ge [sflag:s4], $0xC000  }
0x130: {  	[sflag:s4] =	ssyncset.done $0x0  }
0x131: {  	s15 =	rddreg [dreg:$0x6];
	[sflag:s4] =	ssyncadd.s32 $0xFFFF4000  }
0x132: {  	[hbm4b:s15+s2] =	stream.linear.scatter [tilespmem:s1], [sflag:$0x3], $0xC000, $0x38;
	[tilespmem:$0x18200] =	vst v63  }
0x133: {  	p0 =	sne.s32 s8, $0x1;
	_ =	swait.ge [sflag:s16], $0xC000  }
.Ltmp0:
0x134: {  	[sflag:s16] =	ssyncset.done $0x0;
	(pc) =	sbr.rel @p0 .LBB2_1-.Ltmp0, $4  }
0x135: {  	[sflag:s16] =	ssyncadd.s32 $0xFFFF4000  }
0x136: {  	_ =	swait.ge [sflag:s16], $0xC000  }
0x137: {  	[sflag:s16] =	ssyncset.done $0x0  }
0x138: {  	s8 =	sadd.s32 $0xFFFFFFFF, s8;
	[sflag:s16] =	ssyncadd.s32 $0xFFFF4000  }
0x139: {  	_ =	sfence.sel $0x180000  }
0x13a: {  	[bflag:$0x0] =	sbarrier.arrive $0xFFFF  }
0x13b: {  	_ =	strace $0x90000050  }
0x13c: {  	s0 =	stileid.u32;
	[bflag:$0x2] =	sbarrier.arrive $0xFFFF  }
0x13d: {  	p0 =	sne.s32 s0, $0x0;
	s0 =	rddreg [dreg:$0x2]  }
0x13e: {  	s0 =	sadd.s32 @!p0 $0x100000, s0  }
0x13f: {  	[sflag:s0] =	ssyncadd.tile.s32 @!p0 $0x1;
	_ =	shalt  }
.Lfunc_end2:
_tile_overlayer_lowered:
.L_overlay_start_2:
0x140: {  	(tag) =	ssettag $0x2  }
0x141: {  	s0 =	rddreg [dreg:$0x0];
	s2 =	stileid.u32  }
0x142: {  	s1 =	rddreg [dreg:$0x1];
	p0 =	sne.s32 s2, $0x0  }
0x143: {  	s3 =	rddreg [dreg:$0x2];
	[bflag:$0x3] =	sbarrier.arrive $0xFFFF;
	s2 =	simm.s32 @!p0 $0x1C04  }
0x144: {  	[timem:s3], [sflag:s2] =	dma.local @!p0 [hbm:s0], s1  }
0x145: {  	s0 =	simm.s32 @!p0 $0x4  }
0x146: {  	_ =	swait.ge @!p0 [sflag:s0], s1  }
0x147: {  	s1 =	ssub.s32 @!p0 $0x0, s1;
	[sflag:s0] =	ssyncset.done @!p0 $0x0  }
0x148: {  	[sflag:s0] =	ssyncadd.s32 @!p0 s1  }
0x149: {  	[bflag:$0x3] =	sbarrier.arrive $0xFFFF  }
0x14a: {  	_ =	shalt  }

// kernel: kernel.27.cloned.1.call-start
scs
__scs_entry_jumppad:
0x0: {  	(pc) =	sbr.rel $0x88, $3  }
0x1: {  	(tag) =	ssettag $0x0;
	lr =	simm.s32 $0x1  }
0x2: {  	[smem:$0x3F9A] =	sst lr;
	_ =	strace $0xD0000000  }
0x3: {  	_ = 	snop  }
0x4: {  	_ = 	snop  }
0x5: {  	_ = 	snop  }
0x6: {  	_ = 	snop  }
0x7: {  	_ = 	snop  }
__scs_overlays_trampoline_lowered:
0x8: {  	[smem:$0x3FA9] =	sst s0  }
0x9: {  	[smem:$0x3FAA] =	sst s1  }
0xa: {  	[smem:$0x3FAB] =	sst s2  }
0xb: {  	[smem:$0x3FAC] =	sst s3  }
0xc: {  	[smem:$0x3FAD] =	sst s4  }
0xd: {  	[smem:$0x3FAE] =	sst s5  }
0xe: {  	[smem:$0x3FAF] =	sst s6  }
0xf: {  	[smem:$0x3FB0] =	sst s7  }
0x10: {  	[smem:$0x3FB1] =	sst s8  }
0x11: {  	[smem:$0x3FB2] =	sst s9;
	s0 =	simm.s32 @!p0 $0x0  }
0x12: {  	s1 =	sld [smem:$0x3F98];
	s0 =	simm.s32 @p0 $0x1  }
0x13: {  	[smem:$0x3FB3] =	sst s0;
	s0 =	simm.s32 @!p1 $0x0  }
0x14: {  	s2 =	sld [smem:$0x3F97];
	s0 =	simm.s32 @p1 $0x1  }
0x15: {  	[smem:$0x3FB4] =	sst s0;
	s0 =	simm.s32 @!p2 $0x0  }
0x16: {  	s3 =	sld [smem:$0x3FDB];
	s0 =	simm.s32 @p2 $0x1  }
0x17: {  	s4 =	simm.s32 $0x1BF5;
	[smem:$0x3FB6] =	sst s0  }
0x18: {  	s0 =	sld [smem:$0x3F99];
	_ =	swait.ge [sflag:s4], $0x0  }
0x19: {  	s7 =	sld [smem:$0x3F9A]  }
0x1a: {  	s8 =	sadd.s32 $0xFFFFE003, lr  }
0x1b: {  	s9 =	sadd.s32 $0xFFFFFEF7, lr;
	s5 =	simm.s32 $0xFFFFFFFF;
	p2 =	slt.u32 s8, $0xFFFFF086  }
0x1c: {  	p1 =	slt.u32 s9, $0xF7A;
	s5 =	simm.s32 @!p2 $0x0  }
0x1d: {  	s5 =	simm.s32 @p1 $0x1;
	p0 =	seq.s32 s7, s2  }
0x1e: {  	s7 =	smul.u32 @!p0 $0xF7A, s2;
	p2 =	seq.s32 @!p0 s5, $0x0  }
0x1f: {  	s9 =	smul.u32 $0xF7A, s1;
	s8 =	simm.s32 @!p0 $0x1BF5;
	p2 =	por !p2, p0  }
0x20: {  	[sflag:s8] =	ssyncset.s32 @!p0 $0xFFFFF086;
	s6 =	sadd.s32 @!p0 s3, s7;
	s7 =	simm.s32 @!p0 $0x108  }
0x21: {  	s3 =	sadd.s32 s3, s9;
	s6 =	sadd.s32 @!p0 $0x88, s6;
	s7 =	simm.s32 @p2 $0x1082  }
0x22: {  	[simem:s7], [sflag:s8] =	dma.local @!p0 [hbm:s6], $0xF7A  }
0x23: {  	s9 =	sor.u32 $0xD0000000, s2;
	s6 =	simm.s32 $0x108;
	_ =	swait.ge @!p0 [sflag:s8], $0x0  }
0x24: {  	s3 =	sadd.s32 $0x88, s3;
	s6 =	simm.s32 @!p1 $0x1082;
	[sflag:s4] =	ssyncset.s32 $0xFFFFF086  }
0x25: {  	[simem:s6], [sflag:s4] =	dma.local [hbm:s3], $0xF7A  }
0x26: {  	[smem:$0x3F9A] =	sst s1;
	(tag) =	ssettag s2;
	_ =	strace s9  }
0x27: {  	s1 =	sld [smem:$0x3FAA]  }
0x28: {  	s2 =	sld [smem:$0x3FAB]  }
0x29: {  	s4 =	sld [smem:$0x3FAD]  }
0x2a: {  	p0 =	seq.s32 s5, $0x0;
	s5 =	sld [smem:$0x3FAE]  }
0x2b: {  	s6 =	sld [smem:$0x3FAF]  }
0x2c: {  	s7 =	sld [smem:$0x3FB0]  }
0x2d: {  	s3 =	simm.s32 $0x108;
	s8 =	sld [smem:$0x3FB1]  }
0x2e: {  	s3 =	simm.s32 @!p0 $0x1082;
	s9 =	sld [smem:$0x3FB2]  }
0x2f: {  	lr =	sadd.s32 s0, s3;
	s0 =	sld [smem:$0x3FA9]  }
0x30: {  	s3 =	sld [smem:$0x3FAC]  }
0x31: {  	[smem:$0x3FB5] =	sst s10  }
0x32: {  	s10 =	sld [smem:$0x3FB3];
	_ =	sdelay $0x3  }
0x33: {  	p0 =	seq.s32 s10, $0x1;
	s10 =	sld [smem:$0x3FB5];
	_ =	sdelay $0x3  }
0x34: {  	[smem:$0x3FB5] =	sst s10  }
0x35: {  	s10 =	sld [smem:$0x3FB4];
	_ =	sdelay $0x3  }
0x36: {  	p1 =	seq.s32 s10, $0x1;
	s10 =	sld [smem:$0x3FB5];
	_ =	sdelay $0x3  }
0x37: {  	[smem:$0x3FB5] =	sst s10  }
0x38: {  	s10 =	sld [smem:$0x3FB6]  }
0x39: {  	_ = 	snop;
	(pc) =	sbr.ind lr, $3  }
0x3a: {  	_ = 	snop  }
0x3b: {  	_ = 	snop  }
0x3c: {  	p2 =	seq.s32 s10, $0x1;
	s10 =	sld [smem:$0x3FB5]  }
0x3d: {  	_ =	shalt  }
0x3e: {  	_ =	shalt  }
0x3f: {  	_ =	shalt  }
0x40: {  	_ =	shalt  }
0x41: {  	_ =	shalt  }
0x42: {  	_ =	shalt  }
0x43: {  	_ =	shalt  }
0x44: {  	_ =	shalt  }
0x45: {  	_ =	shalt  }
0x46: {  	_ =	shalt  }
0x47: {  	_ =	shalt  }
0x48: {  	_ =	shalt  }
0x49: {  	_ =	shalt  }
0x4a: {  	_ =	shalt  }
0x4b: {  	_ =	shalt  }
0x4c: {  	_ =	shalt  }
0x4d: {  	_ =	shalt  }
0x4e: {  	_ =	shalt  }
0x4f: {  	_ =	shalt  }
0x50: {  	_ =	shalt  }
0x51: {  	_ =	shalt  }
0x52: {  	_ =	shalt  }
0x53: {  	_ =	shalt  }
0x54: {  	_ =	shalt  }
0x55: {  	_ =	shalt  }
0x56: {  	_ =	shalt  }
0x57: {  	_ =	shalt  }
0x58: {  	_ =	shalt  }
0x59: {  	_ =	shalt  }
0x5a: {  	_ =	shalt  }
0x5b: {  	_ =	shalt  }
0x5c: {  	_ =	shalt  }
0x5d: {  	_ =	shalt  }
0x5e: {  	_ =	shalt  }
0x5f: {  	_ =	shalt  }
0x60: {  	_ =	shalt  }
0x61: {  	_ =	shalt  }
0x62: {  	_ =	shalt  }
0x63: {  	_ =	shalt  }
0x64: {  	_ =	shalt  }
0x65: {  	_ =	shalt  }
0x66: {  	_ =	shalt  }
0x67: {  	_ =	shalt  }
0x68: {  	_ =	shalt  }
0x69: {  	_ =	shalt  }
0x6a: {  	_ =	shalt  }
0x6b: {  	_ =	shalt  }
0x6c: {  	_ =	shalt  }
0x6d: {  	_ =	shalt  }
0x6e: {  	_ =	shalt  }
0x6f: {  	_ =	shalt  }
0x70: {  	_ =	shalt  }
0x71: {  	_ =	shalt  }
0x72: {  	_ =	shalt  }
0x73: {  	_ =	shalt  }
0x74: {  	_ =	shalt  }
0x75: {  	_ =	shalt  }
0x76: {  	_ =	shalt  }
0x77: {  	_ =	shalt  }
0x78: {  	_ =	shalt  }
0x79: {  	_ =	shalt  }
0x7a: {  	_ =	shalt  }
0x7b: {  	_ =	shalt  }
0x7c: {  	_ =	shalt  }
0x7d: {  	_ =	shalt  }
0x7e: {  	_ =	shalt  }
0x7f: {  	_ =	shalt  }
0x80: {  	_ =	shalt  }
0x81: {  	_ =	shalt  }
0x82: {  	_ =	shalt  }
0x83: {  	_ =	shalt  }
0x84: {  	_ =	shalt  }
0x85: {  	_ =	shalt  }
0x86: {  	_ =	shalt  }
0x87: {  	_ =	shalt  }
.Lfunc_end0:
.L_simem_size_0:
called_computation.4_lowered:
.L_overlay_start_0:
0x88: {  	s2 =	sld [smem:$0x3FD9]  }
0x89: {  	s3 =	sld [smem:$0x3FFE];
	_ =	sdelay $0x1  }
0x8a: {  	s1 =	srdreg.scid  }
0x8b: {  	s0 =	sand.u32 $0x1, s1  }
0x8c: {  	s14 =	sshll.u32 s0, $0xA;
	s2 =	sadd.s32 s3, s2  }
0x8d: {  	s2 =	sadd.s32 s2, s14  }
0x8e: {  	[smem:$0x3FC1] =	sst s2  }
0x8f: {  	_ = 	snop  }
0x90: {  	s2 =	sld [smem:$0x3FD0];
	_ =	sdelay $0x2  }
0x91: {  	s15 =	simm.s32 $0xA;
	s4 =	simm.s32 $0x10  }
0x92: {  	[smem:s4], [sflag:s15] =	dma.local [hbm:s2], $0x1  }
0x93: {  	_ =	swait.eq [sflag:s15], $0x1  }
0x94: {  	[sflag:s15] =	ssyncset.done $0x0  }
0x95: {  	[sflag:s15] =	ssyncadd.s32 $0xFFFFFFFF  }
0x96: {  	s16 =	sld [smem:$0x10];
	(tm) =	ssettm $0x1  }
0x97: {  	s17 =	sld [smem:$0x3FFB];
	_ =	sdelay $0x3  }
0x98: {  	_ =	strace s17  }
0x99: {  	s3 =	sld [smem:$0x3FFC];
	_ =	sdelay $0x3  }
0x9a: {  	_ =	strace s3  }
0x9b: {  	s3 =	sld [smem:$0x3FFD];
	_ =	sdelay $0x3  }
0x9c: {  	_ =	strace s3  }
0x9d: {  	_ =	strace $0x8FFFFFFF  }
0x9e: {  	s18 =	sld [smem:$0x3FDB];
	_ =	sdelay $0x1  }
0x9f: {  	s19 =	simm.s32 $_scs_section_size  }
0xa0: {  	s5 =	simm.s32 $_size__tile_overlayer_lowered;
	s6 =	simm.s32 $_tile_overlayer_lowered  }
0xa1: {  	s22 =	simm.s32 $0x1BFF;
	s21 =	sshll.u32 s6, $0x1;
	s3 =	sadd.s32 s19, s18  }
0xa2: {  	s7 =	simm.s32 $0x0;
	s20 =	sshll.u32 s5, $0x1;
	s5 =	sadd.s32 s21, s3  }
0xa3: {  	[timem:s7], [sflag:s22] =	dma.local [hbm:s5], s20  }
0xa4: {  	_ =	swait.ge [sflag:s22], s20  }
0xa5: {  	s4 =	ssub.s32 $0x0, s20;
	[sflag:s22] =	ssyncset.done $0x0  }
0xa6: {  	[sflag:s22] =	ssyncadd.s32 s4;
	_ =	sdelay $0x1  }
0xa7: {  	s23 =	simm.s32 $0x1B8B  }
0xa8: {  	_ =	swait.ge [sflag:s23], $0x1  }
0xa9: {  	[sflag:s23] =	ssyncset.done $0x0  }
0xaa: {  	s25 =	simm.s32 $0x1B8E;
	s24 =	sld [smem:$0x3FFE];
	[sflag:s23] =	ssyncadd.s32 $0xFFFFFFFF  }
0xab: {  	s26 =	simm.s32 $execute0_lowered;
	[smem:$0x3FD2] =	sst s25  }
0xac: {  	s5 =	sshll.u32 s26, $0x1;
	_ =	strace $0x80000052;
	[dreg:$0x1] =	wrdreg $0xFFFFFFFF  }
0xad: {  	s28 =	simm.s32 $_size_execute0_lowered;
	s3 =	sadd.s32 s3, s5;
	[dreg:$0x0] =	wrdreg $0x0  }
0xae: {  	s5 =	sshll.u32 s28, $0x1;
	[dreg:$0x2] =	wrdreg s3  }
0xaf: {  	[dreg:$0x3] =	wrdreg s5  }
0xb0: {  	[dreg:$0x4] =	wrdreg $0xC0  }
0xb1: {  	_ =	task [dreg:s7], $0x5FFFF  }
0xb2: {  	[dreg:$0x1] =	wrdreg $0xFFFFFFFF  }
0xb3: {  	[dreg:$0x0] =	wrdreg $0x60  }
0xb4: {  	[dreg:$0x2] =	wrdreg s24  }
0xb5: {  	[dreg:$0x3] =	wrdreg s16  }
0xb6: {  	[dreg:$0x4] =	wrdreg $0x9  }
0xb7: {  	_ =	task.clear_ibuf [dreg:s7], $0x5FFFF;
	_ =	strace $0x90000052  }
0xb8: {  	s29 =	simm.s32 $0x9;
	_ =	strace $0x80000054  }
0xb9: {  	_ =	swait.ge [sflag:s29], $0x1  }
0xba: {  	[sflag:s29] =	ssyncadd.s32 $0xFFFFFFFF  }
0xbb: {  	_ =	strace $0x90000054  }
0xbc: {  	_ =	sfence  }
0xbd: {  	s30 =	sld [smem:$0x0];
	_ =	sdelay $0x2  }
0xbe: {  	s31 =	sshll.u32 s1, $0xD;
	s1 =	sshrl.u32 s1, $0x2  }
0xbf: {  	s3 =	sand.u32 $0x4000, s31;
	s1 =	sadd.s32 s1, s30  }
0xc0: {  	s0 =	sor.u32 s3, s0;
	s1 =	sshll.u32 s1, $0x11  }
0xc1: {  	s0 =	sor.u32 s1, s0  }
0xc2: {  	s0 =	sadd.s32 $0x8F2B, s0  }
0xc3: {  	[sflag:s0] =	ssyncadd.remote.s32 $0x1  }
0xc4: {  	_ =	sfence.sel $0xFFFF  }
0xc5: {  	[dreg:$0x0] =	wrdreg $0xFFFFFFFF;
	(pc) =	sbr.abs _section_cstart, $3  }
0xc6: {  	[dreg:$0x1] =	wrdreg $0xFFFFFFFF  }
0xc7: {  	_ =	task.clear_ibuf [dreg:s7], $0x2FFFF;
	_ =	strace $0x9FFFFFFF  }
0xc8: {  	(tm) =	ssettm $0x7FFFFFFF  }
0xc9: {  	_ =	shalt  }
tec
execute0_lowered:
.L_overlay_start_1:
0x0: {  	(tag) =	ssettag $0x1  }
0x1: {  	s0 =	rddreg [dreg:$0x0]  }
0x2: {  	s1 =	rddreg [dreg:$0x1]  }
0x3: {  	s3 =	srdreg.scid;
	s5 =	stileid.u32;
	s2 =	simm.s32 $0x0  }
0x4: {  	s21 =	simm.s32 $0x3;
	s28 =	simm.s32 $0x200;
	s29 =	simm.s32 $0x2200  }
0x5: {  	s30 =	simm.s32 $0x2A00;
	s31 =	simm.s32 $0x3200;
	s9 =	simm.s32 $0x3A00  }
0x6: {  	s11 =	simm.s32 $0x4A00;
	s12 =	simm.s32 $0x5200;
	s13 =	simm.s32 $0x5A00  }
0x7: {  	s14 =	simm.s32 $0x6200;
	s15 =	simm.s32 $0x6A00;
	s16 =	simm.s32 $0x7200  }
0x8: {  	s17 =	simm.s32 $0x7A00;
	s18 =	simm.s32 $0x8A00;
	s19 =	simm.s32 $0x9200  }
0x9: {  	s20 =	simm.s32 $0x9A00;
	s4 =	sand.u32 $0x1, s3;
	s22 =	sshll.u32 s5, $0x1  }
0xa: {  	[smem:$0x7FF] =	sst s2;
	s3 =	sadd.s32 $0xE3C00, s0;
	s5 =	sor.u32 s4, s22  }
0xb: {  	_ =	strace $0x80000053;
	s4 =	ssub.s32 $0x2, s4;
	s6 =	sshll.u32 s5, $0x6  }
0xc: {  	s5 =	sshll.u32 s5, $0xE;
	s7 =	sshrl.u32 s4, $0x1;
	s6 =	sadd.s32 s6, s0  }
0xd: {  	s8 =	sadd.s32 s1, s5;
	s23 =	ssub.s32 s4, s7;
	s5 =	sadd.s32 $0xE3D00, s0  }
0xe: {  	s7 =	sadd.s32 $0xE3F00, s0;
	s6 =	sadd.s32 $0xE2600, s6;
	[dreg:$0x7] =	wrdreg s8  }
0xf: {  	s4 =	simm.s32 $0x2;
	s24 =	sadd.s32 $0x1000, s8;
	[dreg:$0x3] =	wrdreg s6  }
0x10: {  	s1 =	simm.s32 $0x4200;
	s25 =	sadd.s32 $0x2000, s8;
	[dreg:$0x4] =	wrdreg s24  }
0x11: {  	v2 =	vlaneseq.u32;
	s26 =	sadd.s32 $0x3000, s8;
	s8 =	smax.u32 s23, $0x1;
	[dreg:$0x5] =	wrdreg s25  }
0x12: {  	vm0 =	vmmov $0xffff;
	v1 =	vshrl.u32 v2, $0x3;
	s23 =	simm.s32 $0xA00;
	s6 =	sadd.s32 $0xE3E00, s0;
	[dreg:$0x6] =	wrdreg s26  }
0x13: {  	v0 =	vand.u32 $0x7, v2;
	v2 =	vor.u32 $0x8, v2;
	v1 =	vmul.u32 $0x8, v1;
	s24 =	simm.s32 $0x1200;
	s25 =	simm.s32 $0x1A00;
	s26 =	simm.s32 $0x8200  }
.LBB2_1:
0x14: {  	s22 =	rddreg [dreg:$0x3];
	s0 =	simm.s32 $0x4  }
0x15: {  	[tilespmem:s2], [sflag:$0x4] =	stream.linear.gather [hbm4b:s22+s2], $0x200, $0x38;
	[tilespmem:$0x10200] =	vst v63  }
0x16: {  	_ =	swait.ge [sflag:s0], $0x200  }
0x17: {  	[sflag:s0] =	ssyncset.done $0x0  }
0x18: {  	[sflag:s0] =	ssyncadd.s32 $0xFFFFFE00  }
0x19: {  	v3 =	vld [tilespmem:$0x0];
	_ =	sdelay $0x4  }
0x1a: {  	v4 =	vshll.u32 v3, $0x3  }
0x1b: {  	v3 =	vand.u32 $0x7, v3;
	v4 =	vand.u32 $0xFFFFFFC0, v4  }
0x1c: {  	v3 =	vor.u32 v3, v4  }
0x1d: {  	v4 =	vperm.xlane v3, v0;
	_ =	sdelay $0x1  }
0x1e: {  	v4 =	vadd.s32 v1, v4;
	_ =	sdelay $0x4  }
0x1f: {  	[tilespmem:s28], [sflag:$0x1] =	stream.indirect_vreg.gather [hbm4b:s3+s2], $0x80, v4, vm0, $0xb8;
	[tilespmem:$0x10200] =	vst v63  }
0x20: {  	v3 =	vperm.xlane v3, v2  }
0x21: {  	[tilespmem:s23], [sflag:$0x1] =	stream.indirect_vreg.gather [hbm4b:s5+s2], $0x80, v4, vm0, $0xb8;
	[tilespmem:$0x10200] =	vst v63  }
0x22: {  	v3 =	vadd.s32 v1, v3  }
0x23: {  	[tilespmem:s24], [sflag:$0x1] =	stream.indirect_vreg.gather [hbm4b:s6+s2], $0x80, v4, vm0, $0xb8;
	[tilespmem:$0x10200] =	vst v63  }
0x24: {  	_ = 	snop  }
0x25: {  	[tilespmem:s25], [sflag:$0x1] =	stream.indirect_vreg.gather [hbm4b:s7+s2], $0x80, v4, vm0, $0xb8;
	[tilespmem:$0x10200] =	vst v63  }
0x26: {  	_ = 	snop  }
0x27: {  	[tilespmem:s29], [sflag:$0x1] =	stream.indirect_vreg.gather [hbm4b:s3+s2], $0x80, v3, vm0, $0xb8;
	[tilespmem:$0x10200] =	vst v63  }
0x28: {  	_ = 	snop  }
0x29: {  	[tilespmem:s30], [sflag:$0x1] =	stream.indirect_vreg.gather [hbm4b:s5+s2], $0x80, v3, vm0, $0xb8;
	[tilespmem:$0x10200] =	vst v63  }
0x2a: {  	_ = 	snop  }
0x2b: {  	[tilespmem:s31], [sflag:$0x1] =	stream.indirect_vreg.gather [hbm4b:s6+s2], $0x80, v3, vm0, $0xb8;
	[tilespmem:$0x10200] =	vst v63  }
0x2c: {  	_ = 	snop  }
0x2d: {  	[tilespmem:s9], [sflag:$0x1] =	stream.indirect_vreg.gather [hbm4b:s7+s2], $0x80, v3, vm0, $0xb8;
	[tilespmem:$0x10200] =	vst v63  }
0x2e: {  	v3 =	vld [tilespmem:$0x10];
	_ =	sdelay $0x4  }
0x2f: {  	v57 =	vshll.u32 v3, $0x3  }
0x30: {  	v3 =	vand.u32 $0x7, v3;
	v4 =	vand.u32 $0xFFFFFFC0, v57  }
0x31: {  	v3 =	vor.u32 v3, v4  }
0x32: {  	v4 =	vperm.xlane v3, v0;
	_ =	sdelay $0x1  }
0x33: {  	v4 =	vadd.s32 v1, v4;
	_ =	sdelay $0x4  }
0x34: {  	[tilespmem:s1], [sflag:$0x1] =	stream.indirect_vreg.gather [hbm4b:s3+s2], $0x80, v4, vm0, $0xb8;
	[tilespmem:$0x10200] =	vst v63  }
0x35: {  	v3 =	vperm.xlane v3, v2  }
0x36: {  	[tilespmem:s11], [sflag:$0x1] =	stream.indirect_vreg.gather [hbm4b:s5+s2], $0x80, v4, vm0, $0xb8;
	[tilespmem:$0x10200] =	vst v63  }
0x37: {  	v3 =	vadd.s32 v1, v3  }
0x38: {  	[tilespmem:s12], [sflag:$0x1] =	stream.indirect_vreg.gather [hbm4b:s6+s2], $0x80, v4, vm0, $0xb8;
	[tilespmem:$0x10200] =	vst v63  }
0x39: {  	_ = 	snop  }
0x3a: {  	[tilespmem:s13], [sflag:$0x1] =	stream.indirect_vreg.gather [hbm4b:s7+s2], $0x80, v4, vm0, $0xb8;
	[tilespmem:$0x10200] =	vst v63  }
0x3b: {  	_ = 	snop  }
0x3c: {  	[tilespmem:s14], [sflag:$0x1] =	stream.indirect_vreg.gather [hbm4b:s3+s2], $0x80, v3, vm0, $0xb8;
	[tilespmem:$0x10200] =	vst v63  }
0x3d: {  	_ = 	snop  }
0x3e: {  	[tilespmem:s15], [sflag:$0x1] =	stream.indirect_vreg.gather [hbm4b:s5+s2], $0x80, v3, vm0, $0xb8;
	[tilespmem:$0x10200] =	vst v63  }
0x3f: {  	_ = 	snop  }
0x40: {  	[tilespmem:s16], [sflag:$0x1] =	stream.indirect_vreg.gather [hbm4b:s6+s2], $0x80, v3, vm0, $0xb8;
	[tilespmem:$0x10200] =	vst v63  }
0x41: {  	s0 =	simm.s32 $0x1  }
0x42: {  	[tilespmem:s17], [sflag:$0x1] =	stream.indirect_vreg.gather [hbm4b:s7+s2], $0x80, v3, vm0, $0xb8;
	[tilespmem:$0x10200] =	vst v63  }
0x43: {  	_ =	swait.ge [sflag:s0], $0x8000  }
0x44: {  	[sflag:s0] =	ssyncset.done $0x0  }
0x45: {  	[sflag:s0] =	ssyncadd.s32 $0xFFFF8000  }
0x46: {  	v3 =	vld [tilespmem:$0x80];
	_ =	sdelay $0x4  }
0x47: {  	v58 =	vshll.u32 v3, $0x3  }
0x48: {  	v3 =	vand.u32 $0x7, v3;
	v4 =	vand.u32 $0xFFFFFFC0, v58  }
0x49: {  	v3 =	vor.u32 v3, v4  }
0x4a: {  	v4 =	vperm.xlane v3, v0;
	_ =	sdelay $0x1  }
0x4b: {  	v4 =	vadd.s32 v1, v4;
	_ =	sdelay $0x4  }
0x4c: {  	[tilespmem:s26], [sflag:$0x2] =	stream.indirect_vreg.gather [hbm4b:s3+s2], $0x80, v4, vm0, $0xb8;
	[tilespmem:$0x10200] =	vst v63  }
0x4d: {  	v3 =	vperm.xlane v3, v2  }
0x4e: {  	[tilespmem:s18], [sflag:$0x2] =	stream.indirect_vreg.gather [hbm4b:s5+s2], $0x80, v4, vm0, $0xb8;
	[tilespmem:$0x10200] =	vst v63  }
0x4f: {  	v3 =	vadd.s32 v1, v3  }
0x50: {  	[tilespmem:s19], [sflag:$0x2] =	stream.indirect_vreg.gather [hbm4b:s6+s2], $0x80, v4, vm0, $0xb8;
	[tilespmem:$0x10200] =	vst v63  }
0x51: {  	_ = 	snop  }
0x52: {  	[tilespmem:s20], [sflag:$0x2] =	stream.indirect_vreg.gather [hbm4b:s7+s2], $0x80, v4, vm0, $0xb8;
	[tilespmem:$0x10200] =	vst v63  }
0x53: {  	s10 =	simm.s32 $0xA200  }
0x54: {  	[tilespmem:s10], [sflag:$0x2] =	stream.indirect_vreg.gather [hbm4b:s3+s2], $0x80, v3, vm0, $0xb8;
	[tilespmem:$0x10200] =	vst v63  }
0x55: {  	s10 =	simm.s32 $0xAA00  }
0x56: {  	[tilespmem:s10], [sflag:$0x2] =	stream.indirect_vreg.gather [hbm4b:s5+s2], $0x80, v3, vm0, $0xb8;
	[tilespmem:$0x10200] =	vst v63  }
0x57: {  	s22 =	simm.s32 $0xB200  }
0x58: {  	[tilespmem:s22], [sflag:$0x2] =	stream.indirect_vreg.gather [hbm4b:s6+s2], $0x80, v3, vm0, $0xb8;
	[tilespmem:$0x10200] =	vst v63  }
0x59: {  	s22 =	simm.s32 $0xBA00  }
0x5a: {  	[tilespmem:s22], [sflag:$0x2] =	stream.indirect_vreg.gather [hbm4b:s7+s2], $0x80, v3, vm0, $0xb8;
	[tilespmem:$0x10200] =	vst v63  }
0x5b: {  	v3 =	vld [tilespmem:$0x90];
	_ =	sdelay $0x4  }
0x5c: {  	v59 =	vshll.u32 v3, $0x3  }
0x5d: {  	v3 =	vand.u32 $0x7, v3;
	v4 =	vand.u32 $0xFFFFFFC0, v59  }
0x5e: {  	v3 =	vor.u32 v3, v4  }
0x5f: {  	v4 =	vperm.xlane v3, v0;
	_ =	sdelay $0x1  }
0x60: {  	v4 =	vadd.s32 v1, v4;
	_ =	sdelay $0x3  }
0x61: {  	s22 =	simm.s32 $0xC200  }
0x62: {  	[tilespmem:s22], [sflag:$0x2] =	stream.indirect_vreg.gather [hbm4b:s3+s2], $0x80, v4, vm0, $0xb8;
	[tilespmem:$0x10200] =	vst v63  }
0x63: {  	v3 =	vperm.xlane v3, v2;
	s22 =	simm.s32 $0xCA00  }
0x64: {  	[tilespmem:s22], [sflag:$0x2] =	stream.indirect_vreg.gather [hbm4b:s5+s2], $0x80, v4, vm0, $0xb8;
	[tilespmem:$0x10200] =	vst v63  }
0x65: {  	v3 =	vadd.s32 v1, v3;
	s22 =	simm.s32 $0xD200  }
0x66: {  	[tilespmem:s22], [sflag:$0x2] =	stream.indirect_vreg.gather [hbm4b:s6+s2], $0x80, v4, vm0, $0xb8;
	[tilespmem:$0x10200] =	vst v63  }
0x67: {  	s22 =	simm.s32 $0xDA00  }
0x68: {  	[tilespmem:s22], [sflag:$0x2] =	stream.indirect_vreg.gather [hbm4b:s7+s2], $0x80, v4, vm0, $0xb8;
	[tilespmem:$0x10200] =	vst v63  }
0x69: {  	s22 =	simm.s32 $0xE200  }
0x6a: {  	[tilespmem:s22], [sflag:$0x2] =	stream.indirect_vreg.gather [hbm4b:s3+s2], $0x80, v3, vm0, $0xb8;
	[tilespmem:$0x10200] =	vst v63  }
0x6b: {  	s22 =	simm.s32 $0xEA00  }
0x6c: {  	[tilespmem:s22], [sflag:$0x2] =	stream.indirect_vreg.gather [hbm4b:s5+s2], $0x80, v3, vm0, $0xb8;
	[tilespmem:$0x10200] =	vst v63  }
0x6d: {  	s22 =	simm.s32 $0xF200  }
0x6e: {  	[tilespmem:s22], [sflag:$0x2] =	stream.indirect_vreg.gather [hbm4b:s6+s2], $0x80, v3, vm0, $0xb8;
	[tilespmem:$0x10200] =	vst v63  }
0x6f: {  	s22 =	simm.s32 $0xFA00  }
0x70: {  	[tilespmem:s22], [sflag:$0x2] =	stream.indirect_vreg.gather [hbm4b:s7+s2], $0x80, v3, vm0, $0xb8;
	[tilespmem:$0x10200] =	vst v63  }
0x71: {  	s22 =	rddreg [dreg:$0x7]  }
0x72: {  	[hbm4b:s22+s2] =	stream.linear.scatter [tilespmem:s28], [sflag:$0x3], $0x8000, $0x38;
	[tilespmem:$0x10200] =	vst v63  }
0x73: {  	_ =	swait.ge [sflag:s4], $0x8000  }
0x74: {  	[sflag:s4] =	ssyncset.done $0x0  }
0x75: {  	[sflag:s4] =	ssyncadd.s32 $0xFFFF8000  }
0x76: {  	_ =	swait.ge [sflag:s21], $0x8000  }
0x77: {  	[sflag:s21] =	ssyncset.done $0x0  }
0x78: {  	[sflag:s21] =	ssyncadd.s32 $0xFFFF8000  }
0x79: {  	v3 =	vld [tilespmem:$0x100];
	_ =	sdelay $0x4  }
0x7a: {  	v60 =	vshll.u32 v3, $0x3  }
0x7b: {  	v3 =	vand.u32 $0x7, v3;
	v4 =	vand.u32 $0xFFFFFFC0, v60  }
0x7c: {  	v3 =	vor.u32 v3, v4  }
0x7d: {  	v4 =	vperm.xlane v3, v0;
	_ =	sdelay $0x1  }
0x7e: {  	v4 =	vadd.s32 v1, v4;
	_ =	sdelay $0x4  }
0x7f: {  	[tilespmem:s28], [sflag:$0x1] =	stream.indirect_vreg.gather [hbm4b:s3+s2], $0x80, v4, vm0, $0xb8;
	[tilespmem:$0x10200] =	vst v63  }
0x80: {  	v3 =	vperm.xlane v3, v2  }
0x81: {  	[tilespmem:s23], [sflag:$0x1] =	stream.indirect_vreg.gather [hbm4b:s5+s2], $0x80, v4, vm0, $0xb8;
	[tilespmem:$0x10200] =	vst v63  }
0x82: {  	v3 =	vadd.s32 v1, v3  }
0x83: {  	[tilespmem:s24], [sflag:$0x1] =	stream.indirect_vreg.gather [hbm4b:s6+s2], $0x80, v4, vm0, $0xb8;
	[tilespmem:$0x10200] =	vst v63  }
0x84: {  	_ = 	snop  }
0x85: {  	[tilespmem:s25], [sflag:$0x1] =	stream.indirect_vreg.gather [hbm4b:s7+s2], $0x80, v4, vm0, $0xb8;
	[tilespmem:$0x10200] =	vst v63  }
0x86: {  	_ = 	snop  }
0x87: {  	[tilespmem:s29], [sflag:$0x1] =	stream.indirect_vreg.gather [hbm4b:s3+s2], $0x80, v3, vm0, $0xb8;
	[tilespmem:$0x10200] =	vst v63  }
0x88: {  	_ = 	snop  }
0x89: {  	[tilespmem:s30], [sflag:$0x1] =	stream.indirect_vreg.gather [hbm4b:s5+s2], $0x80, v3, vm0, $0xb8;
	[tilespmem:$0x10200] =	vst v63  }
0x8a: {  	_ = 	snop  }
0x8b: {  	[tilespmem:s31], [sflag:$0x1] =	stream.indirect_vreg.gather [hbm4b:s6+s2], $0x80, v3, vm0, $0xb8;
	[tilespmem:$0x10200] =	vst v63  }
0x8c: {  	_ = 	snop  }
0x8d: {  	[tilespmem:s9], [sflag:$0x1] =	stream.indirect_vreg.gather [hbm4b:s7+s2], $0x80, v3, vm0, $0xb8;
	[tilespmem:$0x10200] =	vst v63  }
0x8e: {  	v3 =	vld [tilespmem:$0x110];
	_ =	sdelay $0x4  }
0x8f: {  	v61 =	vshll.u32 v3, $0x3  }
0x90: {  	v3 =	vand.u32 $0x7, v3;
	v4 =	vand.u32 $0xFFFFFFC0, v61  }
0x91: {  	v3 =	vor.u32 v3, v4  }
0x92: {  	v4 =	vperm.xlane v3, v0;
	_ =	sdelay $0x1  }
0x93: {  	v4 =	vadd.s32 v1, v4;
	_ =	sdelay $0x4  }
0x94: {  	[tilespmem:s1], [sflag:$0x1] =	stream.indirect_vreg.gather [hbm4b:s3+s2], $0x80, v4, vm0, $0xb8;
	[tilespmem:$0x10200] =	vst v63  }
0x95: {  	v3 =	vperm.xlane v3, v2  }
0x96: {  	[tilespmem:s11], [sflag:$0x1] =	stream.indirect_vreg.gather [hbm4b:s5+s2], $0x80, v4, vm0, $0xb8;
	[tilespmem:$0x10200] =	vst v63  }
0x97: {  	v3 =	vadd.s32 v1, v3  }
0x98: {  	[tilespmem:s12], [sflag:$0x1] =	stream.indirect_vreg.gather [hbm4b:s6+s2], $0x80, v4, vm0, $0xb8;
	[tilespmem:$0x10200] =	vst v63  }
0x99: {  	_ = 	snop  }
0x9a: {  	[tilespmem:s13], [sflag:$0x1] =	stream.indirect_vreg.gather [hbm4b:s7+s2], $0x80, v4, vm0, $0xb8;
	[tilespmem:$0x10200] =	vst v63  }
0x9b: {  	_ = 	snop  }
0x9c: {  	[tilespmem:s14], [sflag:$0x1] =	stream.indirect_vreg.gather [hbm4b:s3+s2], $0x80, v3, vm0, $0xb8;
	[tilespmem:$0x10200] =	vst v63  }
0x9d: {  	_ = 	snop  }
0x9e: {  	[tilespmem:s15], [sflag:$0x1] =	stream.indirect_vreg.gather [hbm4b:s5+s2], $0x80, v3, vm0, $0xb8;
	[tilespmem:$0x10200] =	vst v63  }
0x9f: {  	_ = 	snop  }
0xa0: {  	[tilespmem:s16], [sflag:$0x1] =	stream.indirect_vreg.gather [hbm4b:s6+s2], $0x80, v3, vm0, $0xb8;
	[tilespmem:$0x10200] =	vst v63  }
0xa1: {  	_ = 	snop  }
0xa2: {  	[tilespmem:s17], [sflag:$0x1] =	stream.indirect_vreg.gather [hbm4b:s7+s2], $0x80, v3, vm0, $0xb8;
	[tilespmem:$0x10200] =	vst v63  }
0xa3: {  	s22 =	rddreg [dreg:$0x4]  }
0xa4: {  	[hbm4b:s22+s2] =	stream.linear.scatter [tilespmem:s26], [sflag:$0x3], $0x8000, $0x38;
	[tilespmem:$0x10200] =	vst v63  }
0xa5: {  	_ =	swait.ge [sflag:s0], $0x8000  }
0xa6: {  	[sflag:s0] =	ssyncset.done $0x0  }
0xa7: {  	[sflag:s0] =	ssyncadd.s32 $0xFFFF8000  }
0xa8: {  	_ =	swait.ge [sflag:s21], $0x8000  }
0xa9: {  	[sflag:s21] =	ssyncset.done $0x0  }
0xaa: {  	[sflag:s21] =	ssyncadd.s32 $0xFFFF8000  }
0xab: {  	v3 =	vld [tilespmem:$0x180];
	_ =	sdelay $0x4  }
0xac: {  	v62 =	vshll.u32 v3, $0x3  }
0xad: {  	v3 =	vand.u32 $0x7, v3;
	v4 =	vand.u32 $0xFFFFFFC0, v62  }
0xae: {  	v3 =	vor.u32 v3, v4  }
0xaf: {  	v4 =	vperm.xlane v3, v0;
	_ =	sdelay $0x1  }
0xb0: {  	v4 =	vadd.s32 v1, v4;
	_ =	sdelay $0x4  }
0xb1: {  	[tilespmem:s26], [sflag:$0x2] =	stream.indirect_vreg.gather [hbm4b:s3+s2], $0x80, v4, vm0, $0xb8;
	[tilespmem:$0x10200] =	vst v63  }
0xb2: {  	v3 =	vperm.xlane v3, v2  }
0xb3: {  	[tilespmem:s18], [sflag:$0x2] =	stream.indirect_vreg.gather [hbm4b:s5+s2], $0x80, v4, vm0, $0xb8;
	[tilespmem:$0x10200] =	vst v63  }
0xb4: {  	v3 =	vadd.s32 v1, v3  }
0xb5: {  	[tilespmem:s19], [sflag:$0x2] =	stream.indirect_vreg.gather [hbm4b:s6+s2], $0x80, v4, vm0, $0xb8;
	[tilespmem:$0x10200] =	vst v63  }
0xb6: {  	_ = 	snop  }
0xb7: {  	[tilespmem:s20], [sflag:$0x2] =	stream.indirect_vreg.gather [hbm4b:s7+s2], $0x80, v4, vm0, $0xb8;
	[tilespmem:$0x10200] =	vst v63  }
0xb8: {  	s22 =	simm.s32 $0xA200  }
0xb9: {  	[tilespmem:s22], [sflag:$0x2] =	stream.indirect_vreg.gather [hbm4b:s3+s2], $0x80, v3, vm0, $0xb8;
	[tilespmem:$0x10200] =	vst v63  }
0xba: {  	_ = 	snop  }
0xbb: {  	[tilespmem:s10], [sflag:$0x2] =	stream.indirect_vreg.gather [hbm4b:s5+s2], $0x80, v3, vm0, $0xb8;
	[tilespmem:$0x10200] =	vst v63  }
0xbc: {  	s22 =	simm.s32 $0xB200  }
0xbd: {  	[tilespmem:s22], [sflag:$0x2] =	stream.indirect_vreg.gather [hbm4b:s6+s2], $0x80, v3, vm0, $0xb8;
	[tilespmem:$0x10200] =	vst v63  }
0xbe: {  	s10 =	simm.s32 $0xBA00  }
0xbf: {  	[tilespmem:s10], [sflag:$0x2] =	stream.indirect_vreg.gather [hbm4b:s7+s2], $0x80, v3, vm0, $0xb8;
	[tilespmem:$0x10200] =	vst v63  }
0xc0: {  	v3 =	vld [tilespmem:$0x190];
	_ =	sdelay $0x4  }
0xc1: {  	v63 =	vshll.u32 v3, $0x3  }
0xc2: {  	v3 =	vand.u32 $0x7, v3;
	v4 =	vand.u32 $0xFFFFFFC0, v63  }
0xc3: {  	v3 =	vor.u32 v3, v4  }
0xc4: {  	v4 =	vperm.xlane v3, v0;
	_ =	sdelay $0x1  }
0xc5: {  	v4 =	vadd.s32 v1, v4;
	_ =	sdelay $0x3  }
0xc6: {  	s22 =	simm.s32 $0xC200  }
0xc7: {  	[tilespmem:s22], [sflag:$0x2] =	stream.indirect_vreg.gather [hbm4b:s3+s2], $0x80, v4, vm0, $0xb8;
	[tilespmem:$0x10200] =	vst v63  }
0xc8: {  	s10 =	simm.s32 $0xCA00;
	v3 =	vperm.xlane v3, v2  }
0xc9: {  	[tilespmem:s10], [sflag:$0x2] =	stream.indirect_vreg.gather [hbm4b:s5+s2], $0x80, v4, vm0, $0xb8;
	[tilespmem:$0x10200] =	vst v63  }
0xca: {  	v3 =	vadd.s32 v1, v3;
	s22 =	simm.s32 $0xD200  }
0xcb: {  	[tilespmem:s22], [sflag:$0x2] =	stream.indirect_vreg.gather [hbm4b:s6+s2], $0x80, v4, vm0, $0xb8;
	[tilespmem:$0x10200] =	vst v63  }
0xcc: {  	s10 =	simm.s32 $0xDA00  }
0xcd: {  	[tilespmem:s10], [sflag:$0x2] =	stream.indirect_vreg.gather [hbm4b:s7+s2], $0x80, v4, vm0, $0xb8;
	[tilespmem:$0x10200] =	vst v63  }
0xce: {  	s22 =	simm.s32 $0xE200  }
0xcf: {  	[tilespmem:s22], [sflag:$0x2] =	stream.indirect_vreg.gather [hbm4b:s3+s2], $0x80, v3, vm0, $0xb8;
	[tilespmem:$0x10200] =	vst v63  }
0xd0: {  	s10 =	simm.s32 $0xEA00  }
0xd1: {  	[tilespmem:s10], [sflag:$0x2] =	stream.indirect_vreg.gather [hbm4b:s5+s2], $0x80, v3, vm0, $0xb8;
	[tilespmem:$0x10200] =	vst v63  }
0xd2: {  	s22 =	simm.s32 $0xF200  }
0xd3: {  	[tilespmem:s22], [sflag:$0x2] =	stream.indirect_vreg.gather [hbm4b:s6+s2], $0x80, v3, vm0, $0xb8;
	[tilespmem:$0x10200] =	vst v63  }
0xd4: {  	s10 =	simm.s32 $0xFA00  }
0xd5: {  	[tilespmem:s10], [sflag:$0x2] =	stream.indirect_vreg.gather [hbm4b:s7+s2], $0x80, v3, vm0, $0xb8;
	[tilespmem:$0x10200] =	vst v63  }
0xd6: {  	s22 =	rddreg [dreg:$0x5]  }
0xd7: {  	[hbm4b:s22+s2] =	stream.linear.scatter [tilespmem:s28], [sflag:$0x3], $0x8000, $0x38;
	[tilespmem:$0x10200] =	vst v63  }
0xd8: {  	_ =	swait.ge [sflag:s4], $0x8000  }
0xd9: {  	[sflag:s4] =	ssyncset.done $0x0  }
0xda: {  	s10 =	rddreg [dreg:$0x6];
	[sflag:s4] =	ssyncadd.s32 $0xFFFF8000  }
0xdb: {  	[hbm4b:s10+s2] =	stream.linear.scatter [tilespmem:s26], [sflag:$0x3], $0x8000, $0x38;
	[tilespmem:$0x10200] =	vst v63  }
0xdc: {  	p0 =	sne.s32 s8, $0x1;
	_ =	swait.ge [sflag:s21], $0x8000  }
.Ltmp0:
0xdd: {  	[sflag:s21] =	ssyncset.done $0x0;
	(pc) =	sbr.rel @p0 .LBB2_1-.Ltmp0, $4  }
0xde: {  	[sflag:s21] =	ssyncadd.s32 $0xFFFF8000  }
0xdf: {  	_ =	swait.ge [sflag:s21], $0x8000  }
0xe0: {  	[sflag:s21] =	ssyncset.done $0x0  }
0xe1: {  	s8 =	sadd.s32 $0xFFFFFFFF, s8;
	[sflag:s21] =	ssyncadd.s32 $0xFFFF8000  }
0xe2: {  	_ =	sfence.sel $0x180000  }
0xe3: {  	[bflag:$0x0] =	sbarrier.arrive $0xFFFF  }
0xe4: {  	_ =	strace $0x90000053  }
0xe5: {  	s0 =	stileid.u32;
	[bflag:$0x2] =	sbarrier.arrive $0xFFFF  }
0xe6: {  	p0 =	sne.s32 s0, $0x0;
	s0 =	rddreg [dreg:$0x2]  }
0xe7: {  	s0 =	sadd.s32 @!p0 $0x100000, s0  }
0xe8: {  	[sflag:s0] =	ssyncadd.tile.s32 @!p0 $0x1;
	_ =	shalt  }
.Lfunc_end2:
_tile_overlayer_lowered:
.L_overlay_start_2:
0xe9: {  	(tag) =	ssettag $0x2  }
0xea: {  	s0 =	rddreg [dreg:$0x0];
	s2 =	stileid.u32  }
0xeb: {  	s1 =	rddreg [dreg:$0x1];
	p0 =	sne.s32 s2, $0x0  }
0xec: {  	s3 =	rddreg [dreg:$0x2];
	[bflag:$0x3] =	sbarrier.arrive $0xFFFF;
	s2 =	simm.s32 @!p0 $0x1C04  }
0xed: {  	[timem:s3], [sflag:s2] =	dma.local @!p0 [hbm:s0], s1  }
0xee: {  	s0 =	simm.s32 @!p0 $0x4  }
0xef: {  	_ =	swait.ge @!p0 [sflag:s0], s1  }
0xf0: {  	s1 =	ssub.s32 @!p0 $0x0, s1;
	[sflag:s0] =	ssyncset.done @!p0 $0x0  }
0xf1: {  	[sflag:s0] =	ssyncadd.s32 @!p0 s1  }
0xf2: {  	[bflag:$0x3] =	sbarrier.arrive $0xFFFF  }
0xf3: {  	_ =	shalt  }

</sc_bundles>
